<compile_context>
chip_gen: v7x
topology: tpu7x:2x2x1
jax: 0.10.2.dev20260603
libtpu: 0.0.44.dev20260713+nightly
codegen_flags: <defaults>
</compile_context>

<pallas_src>
import functools

import jax
import jax.numpy as jnp
from jax import lax
from jax.experimental import pallas as pl
from jax.experimental.pallas import tpu as pltpu
from jax.experimental.pallas import tpu_sc as plsc

N_NODES = 10000
N_EDGES = 320000
C = 128

NUM_CORES = 2
NUM_SUBCORES = 16
NW = NUM_CORES * NUM_SUBCORES
CHUNK = 80
NCHUNK = 128
EDGES_PER_W = CHUNK * NCHUNK
E_PAD = NW * EDGES_PER_W
NPIECE = 8
PCHUNK = NCHUNK // NPIECE
N_PAD = 10240
ROWS_PER_SUB = N_PAD // NUM_SUBCORES
ZROWS = 64


def _agg_body(h_hbm, src_hbm, dst_hbm, acc_out, src_v, dst_v, rows_v,
              stage_v, acc_sh, gsem0, gsem1):
    cid = lax.axis_index("c")
    sid = lax.axis_index("s")
    wid = cid * NUM_SUBCORES + sid

    zero16 = jnp.zeros((16,), jnp.float32)

    def zrow(i, _):
        for l in range(C // 16):
            stage_v[i, pl.ds(l * 16, 16)] = zero16
        return 0

    lax.fori_loop(0, ZROWS, zrow, 0)

    def zcopy(r, _):
        base = sid * ROWS_PER_SUB + r * ZROWS
        pltpu.sync_copy(stage_v, acc_sh.at[pl.ds(base, ZROWS)])
        return 0

    lax.fori_loop(0, ROWS_PER_SUB // ZROWS, zcopy, 0)

    plsc.subcore_barrier()

    def gstart(j, b, sem):
        pltpu.async_copy(h_hbm.at[src_v.at[j]], rows_v.at[b], sem)

    def gwait(j, b, sem):
        pltpu.make_async_copy(h_hbm.at[src_v.at[j]], rows_v.at[b],
                              sem).wait()

    def piece_body(p, _):
        pltpu.sync_copy(src_hbm.at[wid, p], src_v)
        pltpu.sync_copy(dst_hbm.at[wid, p], dst_v)

        gstart(0, 0, gsem0)

        def pair_body(i, _):
            gstart(2 * i + 1, 1, gsem1)
            gwait(2 * i, 0, gsem0)
            pltpu.sync_copy(rows_v.at[0], acc_sh.at[dst_v.at[2 * i]],
                            add=True)

            @pl.when(i < PCHUNK // 2 - 1)
            def _():
                gstart(2 * i + 2, 0, gsem0)

            gwait(2 * i + 1, 1, gsem1)
            pltpu.sync_copy(rows_v.at[1], acc_sh.at[dst_v.at[2 * i + 1]],
                            add=True)
            return 0

        lax.fori_loop(0, PCHUNK // 2, pair_body, 0)
        return 0

    lax.fori_loop(0, NPIECE, piece_body, 0)

    plsc.subcore_barrier()

    def out_copy(r, _):
        base = sid * ROWS_PER_SUB + r * ZROWS
        pltpu.sync_copy(acc_sh.at[pl.ds(base, ZROWS)], stage_v)
        pltpu.sync_copy(stage_v, acc_out.at[cid, pl.ds(base, ZROWS)])
        return 0

    lax.fori_loop(0, ROWS_PER_SUB // ZROWS, out_copy, 0)


_agg = pl.kernel(
    _agg_body,
    out_type=[jax.ShapeDtypeStruct((NUM_CORES, N_PAD, C), jnp.float32)],
    mesh=plsc.VectorSubcoreMesh(core_axis_name="c", subcore_axis_name="s"),
    scratch_types=[
        pltpu.VMEM((PCHUNK, CHUNK), jnp.int32),
        pltpu.VMEM((PCHUNK, CHUNK), jnp.int32),
        pltpu.VMEM((2, CHUNK, C), jnp.float32),
        pltpu.VMEM((ZROWS, C), jnp.float32),
        pltpu.VMEM_SHARED((N_PAD, C), jnp.float32),
        pltpu.SemaphoreType.DMA,
        pltpu.SemaphoreType.DMA,
    ],
)


BR = 1000


def _tc_body(with_relu, acc_ref, degp_ref, h_ref, wl_ref, bl_ref, wr_ref,
             *outs):
    agg = acc_ref[0] + acc_ref[1]
    deg = degp_ref[0][:, 0:1] + degp_ref[1][:, 0:1]
    mean = agg * (1.0 / jnp.maximum(deg, 1.0))
    out = (jnp.dot(mean, wl_ref[...], preferred_element_type=jnp.float32)
           + jnp.dot(h_ref[...], wr_ref[...], preferred_element_type=jnp.float32)
           + bl_ref[...])
    outs[0][...] = out
    if with_relu:
        outs[1][...] = jnp.maximum(out, 0.0)


def _tc_layer(with_relu, acc, degp, h, wl, bl, wr):
    grid = (N_NODES // BR,)
    out_shape = [jax.ShapeDtypeStruct((N_NODES, C), jnp.float32)]
    out_specs = [pl.BlockSpec((BR, C), lambda i: (i, 0))]
    if with_relu:
        out_shape.append(jax.ShapeDtypeStruct((N_NODES, C), jnp.float32))
        out_specs.append(pl.BlockSpec((BR, C), lambda i: (i, 0)))
    return pl.pallas_call(
        functools.partial(_tc_body, with_relu),
        grid=grid,
        in_specs=[
            pl.BlockSpec((NUM_CORES, BR, C), lambda i: (0, i, 0)),
            pl.BlockSpec((NUM_CORES, BR, C), lambda i: (0, i, 0)),
            pl.BlockSpec((BR, C), lambda i: (i, 0)),
            pl.BlockSpec((C, C), lambda i: (0, 0)),
            pl.BlockSpec((1, C), lambda i: (0, 0)),
            pl.BlockSpec((C, C), lambda i: (0, 0)),
        ],
        out_specs=out_specs,
        out_shape=out_shape,
    )(acc, degp, h, wl, bl, wr)


def kernel(x, edge_index, Wl0, bl0, Wr0, Wl1, bl1, Wr1, Wl2, bl2, Wr2):
    pad = E_PAD - N_EDGES
    src = jnp.concatenate(
        [edge_index[0].astype(jnp.int32), jnp.zeros((pad,), jnp.int32)])
    dst = jnp.concatenate(
        [edge_index[1].astype(jnp.int32),
         jnp.full((pad,), N_NODES, jnp.int32)])
    src = src.reshape(NW, NPIECE, PCHUNK, CHUNK)
    dst = dst.reshape(NW, NPIECE, PCHUNK, CHUNK)

    ones_table = jnp.ones((8, C), jnp.float32)
    zeros_idx = jnp.zeros((NW, NPIECE, PCHUNK, CHUNK), jnp.int32)
    (degp,) = _agg(ones_table, zeros_idx, dst)

    (acc0,) = _agg(x, src, dst)
    out0, h1 = _tc_layer(True, acc0, degp, x, Wl0, bl0.reshape(1, C), Wr0)

    (acc1,) = _agg(h1, src, dst)
    out1, h2 = _tc_layer(True, acc1, degp, h1, Wl1, bl1.reshape(1, C), Wr1)

    (acc2,) = _agg(h2, src, dst)
    (out2,) = _tc_layer(False, acc2, degp, h2, Wl2, bl2.reshape(1, C), Wr2)

    return jnp.stack([out0, out1, out2], axis=1)

# --- scband reference (transcript-rebuilt; emitter-appended) ---
"""Pipeline reference for scband-auto-link-l2-33998961116066 (READ-ONLY COPY).

The authoritative reference and input builder live on the scoring server;
editing this copy changes nothing except your own understanding.
"""

import jax, jax.numpy as jnp
import numpy as np

N_NODES = 10000
N_EDGES = 320000
IN_CH = 128
HID = 128
NUM_LAYERS = 3


def setup_inputs(seed: int = 0) -> dict:
    key = jax.random.key(seed)
    ks = jax.random.split(key, 2 + 3 * NUM_LAYERS)
    x = jax.random.normal(ks[0], (N_NODES, IN_CH), dtype=jnp.float32)
    edge_index = jax.random.randint(ks[1], (2, N_EDGES), 0, N_NODES, dtype=jnp.int64)
    params = {}
    for i in range(NUM_LAYERS):
        in_dim = IN_CH if i == 0 else HID
        scale_l = 1.0 / np.sqrt(in_dim)
        params[f"Wl{i}"] = jax.random.uniform(ks[2 + 3 * i], (in_dim, HID), dtype=jnp.float32, minval=-scale_l, maxval=scale_l)
        params[f"bl{i}"] = jax.random.uniform(ks[3 + 3 * i], (HID,), dtype=jnp.float32, minval=-scale_l, maxval=scale_l)
        params[f"Wr{i}"] = jax.random.uniform(ks[4 + 3 * i], (in_dim, HID), dtype=jnp.float32, minval=-scale_l, maxval=scale_l)
    out = {"x": x, "edge_index": edge_index}
    out.update(params)
    return out


def _sage_conv(x, src, dst, Wl, bl, Wr):
    # mean aggregation over incoming neighbors (src -> dst)
    msg = jnp.take(x, src, axis=0)
    agg = jax.ops.segment_sum(msg, dst, num_segments=N_NODES)
    deg = jax.ops.segment_sum(jnp.ones((src.shape[0],), dtype=x.dtype), dst, num_segments=N_NODES)
    mean = agg / jnp.clip(deg, 1.0, None)[:, None]
    # SAGEConv: lin_l(aggregated) + lin_r(root); bias on lin_l
    return mean @ Wl + bl + x @ Wr


def reference(x, edge_index, Wl0, bl0, Wr0, Wl1, bl1, Wr1, Wl2, bl2, Wr2):
    src = edge_index[0]
    dst = edge_index[1]
    Wls = [Wl0, Wl1, Wl2]
    bls = [bl0, bl1, bl2]
    Wrs = [Wr0, Wr1, Wr2]
    x_hidden = []
    h = x
    # all layers except last: conv -> store -> relu (dropout p=0.0 / eval mode)
    for i in range(NUM_LAYERS - 1):
        h = _sage_conv(h, src, dst, Wls[i], bls[i], Wrs[i])
        x_hidden.append(h)
        h = jax.nn.relu(h)
    h = _sage_conv(h, src, dst, Wls[-1], bls[-1], Wrs[-1])
    x_hidden.append(h)
    return jnp.stack(x_hidden, axis=1)  # [N, num_layers, hidden]

if __name__ == "__main__":
    import jax
    _d = setup_inputs()
    print(jax.jit(kernel)(*tuple(_d.values())))

</pallas_src>

<mosaic_0001>
#map = affine_map<(d0, d1) -> (0, 0)>
#map1 = affine_map<(d0, d1) -> (0, 0, 0, 0)>
#map2 = affine_map<(d0, d1) -> (0, 0, 0)>
module attributes {stable_mosaic.version = 14 : i64} {
  func.func @_agg_body(%arg0: i32, %arg1: i32, %arg2: memref<8x128xf32, #tpu.memory_space<hbm>>, %arg3: memref<32x8x16x80xi32, #tpu.memory_space<hbm>>, %arg4: memref<32x8x16x80xi32, #tpu.memory_space<hbm>>, %arg5: memref<2x10240x128xf32, #tpu.memory_space<hbm>>, %arg6: memref<16x80xi32, #tpu.memory_space<vmem>>, %arg7: memref<16x80xi32, #tpu.memory_space<vmem>>, %arg8: memref<2x80x128xf32, #tpu.memory_space<vmem>>, %arg9: memref<64x128xf32, #tpu.memory_space<vmem>>, %arg10: memref<10240x128xf32, #tpu.memory_space<vmem_shared>>, %arg11: memref<!tpu.dma_semaphore, #tpu.memory_space<semaphore_mem>>, %arg12: memref<!tpu.dma_semaphore, #tpu.memory_space<semaphore_mem>>) attributes {dimension_semantics = [#tpu.dimension_semantics<core_parallel>, #tpu.dimension_semantics<subcore_parallel>], iteration_bounds = array<i64: 2, 16>, scalar_prefetch = 0 : i64, scratch_operands = 7 : i64, tpu.core_type = #tpu.core_type<sc_vector_subcore>, window_params = [{transform_indices = #map}, {transform_indices = #map1}, {transform_indices = #map1}, {transform_indices = #map2}]} {
    %mul3A = arith.constant 16 : i32
    %mul3A_0 = arith.muli %arg0, %mul3A : i32
    %add3A = arith.addi %mul3A_0, %arg1 : i32
    %broadcast_in_dim3A = arith.constant 0.000000e+00 : f32
    %broadcast_in_dim3A_1 = vector.broadcast %broadcast_in_dim3A : f32 to vector<16xf32>
    %scan3A = arith.constant 0 : i32
    %scan3A_2 = arith.constant 0 : i32
    %scan3A_3 = arith.constant 64 : i32
    %scan3A_4 = arith.addi %scan3A_2, %scan3A_3 : i32
    %scan3A_5 = arith.constant 1 : i32
    %scan3A_6 = scf.for %scan3A_30 = %scan3A_2 to %scan3A_4 step %scan3A_5 iter_args(%scan3A_31 = %scan3A) -> (i32)  : i32 {
      %swap3A = arith.index_cast %scan3A_30 : i32 to index
      %swap3A_32 = arith.constant 0 : index
      %swap3A_33 = tpu.vector_load %arg9[%swap3A, %swap3A_32] {strides = array<i32>} : memref<64x128xf32, #tpu.memory_space<vmem>>, vector<1x16xf32>,
      %swap3A_34 = vector.shape_cast %swap3A_33 : vector<1x16xf32> to vector<16xf32>
      %swap3A_35 = vector.shape_cast %broadcast_in_dim3A_1 : vector<16xf32> to vector<1x16xf32>
      tpu.vector_store %arg9[%swap3A, %swap3A_32], %swap3A_35 {strides = array<i32>} : memref<64x128xf32, #tpu.memory_space<vmem>>, vector<1x16xf32>,
      %swap3A_36 = arith.index_cast %scan3A_30 : i32 to index
      %swap3A_37 = arith.constant 16 : index
      %swap3A_38 = tpu.vector_load %arg9[%swap3A_36, %swap3A_37] {strides = array<i32>} : memref<64x128xf32, #tpu.memory_space<vmem>>, vector<1x16xf32>,
      %swap3A_39 = vector.shape_cast %swap3A_38 : vector<1x16xf32> to vector<16xf32>
      %swap3A_40 = vector.shape_cast %broadcast_in_dim3A_1 : vector<16xf32> to vector<1x16xf32>
      tpu.vector_store %arg9[%swap3A_36, %swap3A_37], %swap3A_40 {strides = array<i32>} : memref<64x128xf32, #tpu.memory_space<vmem>>, vector<1x16xf32>,
      %swap3A_41 = arith.index_cast %scan3A_30 : i32 to index
      %swap3A_42 = arith.constant 32 : index
      %swap3A_43 = tpu.vector_load %arg9[%swap3A_41, %swap3A_42] {strides = array<i32>} : memref<64x128xf32, #tpu.memory_space<vmem>>, vector<1x16xf32>,
      %swap3A_44 = vector.shape_cast %swap3A_43 : vector<1x16xf32> to vector<16xf32>
      %swap3A_45 = vector.shape_cast %broadcast_in_dim3A_1 : vector<16xf32> to vector<1x16xf32>
      tpu.vector_store %arg9[%swap3A_41, %swap3A_42], %swap3A_45 {strides = array<i32>} : memref<64x128xf32, #tpu.memory_space<vmem>>, vector<1x16xf32>,
      %swap3A_46 = arith.index_cast %scan3A_30 : i32 to index
      %swap3A_47 = arith.constant 48 : index
      %swap3A_48 = tpu.vector_load %arg9[%swap3A_46, %swap3A_47] {strides = array<i32>} : memref<64x128xf32, #tpu.memory_space<vmem>>, vector<1x16xf32>,
      %swap3A_49 = vector.shape_cast %swap3A_48 : vector<1x16xf32> to vector<16xf32>
      %swap3A_50 = vector.shape_cast %broadcast_in_dim3A_1 : vector<16xf32> to vector<1x16xf32>
      tpu.vector_store %arg9[%swap3A_46, %swap3A_47], %swap3A_50 {strides = array<i32>} : memref<64x128xf32, #tpu.memory_space<vmem>>, vector<1x16xf32>,
      %swap3A_51 = arith.index_cast %scan3A_30 : i32 to index
      %swap3A_52 = arith.constant 64 : index
      %swap3A_53 = tpu.vector_load %arg9[%swap3A_51, %swap3A_52] {strides = array<i32>} : memref<64x128xf32, #tpu.memory_space<vmem>>, vector<1x16xf32>,
      %swap3A_54 = vector.shape_cast %swap3A_53 : vector<1x16xf32> to vector<16xf32>
      %swap3A_55 = vector.shape_cast %broadcast_in_dim3A_1 : vector<16xf32> to vector<1x16xf32>
      tpu.vector_store %arg9[%swap3A_51, %swap3A_52], %swap3A_55 {strides = array<i32>} : memref<64x128xf32, #tpu.memory_space<vmem>>, vector<1x16xf32>,
      %swap3A_56 = arith.index_cast %scan3A_30 : i32 to index
      %swap3A_57 = arith.constant 80 : index
      %swap3A_58 = tpu.vector_load %arg9[%swap3A_56, %swap3A_57] {strides = array<i32>} : memref<64x128xf32, #tpu.memory_space<vmem>>, vector<1x16xf32>,
      %swap3A_59 = vector.shape_cast %swap3A_58 : vector<1x16xf32> to vector<16xf32>
      %swap3A_60 = vector.shape_cast %broadcast_in_dim3A_1 : vector<16xf32> to vector<1x16xf32>
      tpu.vector_store %arg9[%swap3A_56, %swap3A_57], %swap3A_60 {strides = array<i32>} : memref<64x128xf32, #tpu.memory_space<vmem>>, vector<1x16xf32>,
      %swap3A_61 = arith.index_cast %scan3A_30 : i32 to index
      %swap3A_62 = arith.constant 96 : index
      %swap3A_63 = tpu.vector_load %arg9[%swap3A_61, %swap3A_62] {strides = array<i32>} : memref<64x128xf32, #tpu.memory_space<vmem>>, vector<1x16xf32>,
      %swap3A_64 = vector.shape_cast %swap3A_63 : vector<1x16xf32> to vector<16xf32>
      %swap3A_65 = vector.shape_cast %broadcast_in_dim3A_1 : vector<16xf32> to vector<1x16xf32>
      tpu.vector_store %arg9[%swap3A_61, %swap3A_62], %swap3A_65 {strides = array<i32>} : memref<64x128xf32, #tpu.memory_space<vmem>>, vector<1x16xf32>,
      %swap3A_66 = arith.index_cast %scan3A_30 : i32 to index
      %swap3A_67 = arith.constant 112 : index
      %swap3A_68 = tpu.vector_load %arg9[%swap3A_66, %swap3A_67] {strides = array<i32>} : memref<64x128xf32, #tpu.memory_space<vmem>>, vector<1x16xf32>,
      %swap3A_69 = vector.shape_cast %swap3A_68 : vector<1x16xf32> to vector<16xf32>
      %swap3A_70 = vector.shape_cast %broadcast_in_dim3A_1 : vector<16xf32> to vector<1x16xf32>
      tpu.vector_store %arg9[%swap3A_66, %swap3A_67], %swap3A_70 {strides = array<i32>} : memref<64x128xf32, #tpu.memory_space<vmem>>, vector<1x16xf32>,
      %scan3A_71 = arith.constant 0 : i32
      scf.yield %scan3A_71 : i32
    }
    %scan3A_7 = arith.constant 64 : i32
    %scan3A_8 = arith.constant 0 : i32
    %scan3A_9 = arith.constant 0 : i32
    %scan3A_10 = arith.constant 10 : i32
    %scan3A_11 = arith.addi %scan3A_9, %scan3A_10 : i32
    %scan3A_12 = arith.constant 1 : i32
    %scan3A_13 = scf.for %scan3A_30 = %scan3A_9 to %scan3A_11 step %scan3A_12 iter_args(%scan3A_31 = %scan3A_8) -> (i32)  : i32 {
      %mul3A_32 = arith.constant 640 : i32
      %mul3A_33 = arith.muli %arg1, %mul3A_32 : i32
      %mul3A_34 = arith.constant 64 : i32
      %mul3A_35 = arith.muli %scan3A_30, %mul3A_34 : i32
      %add3A_36 = arith.addi %mul3A_33, %mul3A_35 : i32
      "tpu.region"() ({
        %run_scoped3A = tpu.sem_alloc : memref<!tpu.dma_semaphore, #tpu.memory_space<semaphore_mem>>
        %dma_start3A = arith.constant 0 : i32
        %dma_start3A_38 = tpu.memref_slice %arg10[%add3A_36, %dma_start3A] : memref<10240x128xf32, #tpu.memory_space<vmem_shared>> -> memref<64x128xf32, #tpu.memory_space<vmem_shared>>
        %dma_start3A_39 = arith.constant 0 : i32
        %dma_start3A_40 = tpu.memref_slice %arg10[%add3A_36, %dma_start3A_39] : memref<10240x128xf32, #tpu.memory_space<vmem_shared>> -> memref<64x128xf32, #tpu.memory_space<vmem_shared>>
        tpu.enqueue_dma source(%arg9 : memref<64x128xf32, #tpu.memory_space<vmem>>) target(%dma_start3A_40 : memref<64x128xf32, #tpu.memory_space<vmem_shared>>) target_semaphore(%run_scoped3A : memref<!tpu.dma_semaphore, #tpu.memory_space<semaphore_mem>>)
        %dma_wait3A = arith.constant 0 : i32
        %dma_wait3A_41 = tpu.memref_slice %arg10[%add3A_36, %dma_wait3A] : memref<10240x128xf32, #tpu.memory_space<vmem_shared>> -> memref<64x128xf32, #tpu.memory_space<vmem_shared>>
        %dma_wait3A_42 = arith.constant 0 : i32
        %dma_wait3A_43 = tpu.memref_slice %arg10[%add3A_36, %dma_wait3A_42] : memref<10240x128xf32, #tpu.memory_space<vmem_shared>> -> memref<64x128xf32, #tpu.memory_space<vmem_shared>>
        tpu.wait_dma2 semaphore(%run_scoped3A : memref<!tpu.dma_semaphore, #tpu.memory_space<semaphore_mem>>) src(%arg9 : memref<64x128xf32, #tpu.memory_space<vmem>>) dst(%dma_wait3A_43 : memref<64x128xf32, #tpu.memory_space<vmem_shared>>)
        tpu.yield
      }) : () -> ()
      %scan3A_37 = arith.constant 0 : i32
      scf.yield %scan3A_37 : i32
    }
    %scan3A_14 = arith.constant 10 : i32
    %barrier3A = arith.constant 0 : index
    tpu.barrier barrier_id(%barrier3A)
    %scan3A_15 = arith.constant 0 : i32
    %scan3A_16 = arith.constant 0 : i32
    %scan3A_17 = arith.constant 8 : i32
    %scan3A_18 = arith.addi %scan3A_16, %scan3A_17 : i32
    %scan3A_19 = arith.constant 1 : i32
    %scan3A_20 = scf.for %scan3A_30 = %scan3A_16 to %scan3A_18 step %scan3A_19 iter_args(%scan3A_31 = %scan3A_15) -> (i32)  : i32 {
      "tpu.region"() ({
        %run_scoped3A = tpu.sem_alloc : memref<!tpu.dma_semaphore, #tpu.memory_space<semaphore_mem>>
        %dma_start3A_51 = arith.constant 0 : i32
        %dma_start3A_52 = arith.constant 0 : i32
        %dma_start3A_53 = tpu.memref_slice %arg3[%add3A, %scan3A_30, %dma_start3A_51, %dma_start3A_52] : memref<32x8x16x80xi32, #tpu.memory_space<hbm>> -> memref<1x1x16x80xi32, #tpu.memory_space<hbm>>
        %dma_start3A_54 = tpu.memref_squeeze %dma_start3A_53 : memref<1x1x16x80xi32, #tpu.memory_space<hbm>> -> memref<16x80xi32, #tpu.memory_space<hbm>>
        %dma_start3A_55 = arith.constant 0 : i32
        %dma_start3A_56 = arith.constant 0 : i32
        %dma_start3A_57 = tpu.memref_slice %arg3[%add3A, %scan3A_30, %dma_start3A_55, %dma_start3A_56] : memref<32x8x16x80xi32, #tpu.memory_space<hbm>> -> memref<1x1x16x80xi32, #tpu.memory_space<hbm>>
        %dma_start3A_58 = tpu.memref_squeeze %dma_start3A_57 : memref<1x1x16x80xi32, #tpu.memory_space<hbm>> -> memref<16x80xi32, #tpu.memory_space<hbm>>
        tpu.enqueue_dma source(%dma_start3A_58 : memref<16x80xi32, #tpu.memory_space<hbm>>) target(%arg6 : memref<16x80xi32, #tpu.memory_space<vmem>>) target_semaphore(%run_scoped3A : memref<!tpu.dma_semaphore, #tpu.memory_space<semaphore_mem>>)
        %dma_wait3A = arith.constant 0 : i32
        %dma_wait3A_59 = arith.constant 0 : i32
        %dma_wait3A_60 = tpu.memref_slice %arg3[%add3A, %scan3A_30, %dma_wait3A, %dma_wait3A_59] : memref<32x8x16x80xi32, #tpu.memory_space<hbm>> -> memref<1x1x16x80xi32, #tpu.memory_space<hbm>>
        %dma_wait3A_61 = tpu.memref_squeeze %dma_wait3A_60 : memref<1x1x16x80xi32, #tpu.memory_space<hbm>> -> memref<16x80xi32, #tpu.memory_space<hbm>>
        %dma_wait3A_62 = arith.constant 0 : i32
        %dma_wait3A_63 = arith.constant 0 : i32
        %dma_wait3A_64 = tpu.memref_slice %arg3[%add3A, %scan3A_30, %dma_wait3A_62, %dma_wait3A_63] : memref<32x8x16x80xi32, #tpu.memory_space<hbm>> -> memref<1x1x16x80xi32, #tpu.memory_space<hbm>>
        %dma_wait3A_65 = tpu.memref_squeeze %dma_wait3A_64 : memref<1x1x16x80xi32, #tpu.memory_space<hbm>> -> memref<16x80xi32, #tpu.memory_space<hbm>>
        tpu.wait_dma2 semaphore(%run_scoped3A : memref<!tpu.dma_semaphore, #tpu.memory_space<semaphore_mem>>) src(%dma_wait3A_65 : memref<16x80xi32, #tpu.memory_space<hbm>>) dst(%arg6 : memref<16x80xi32, #tpu.memory_space<vmem>>)
        tpu.yield
      }) : () -> ()
      "tpu.region"() ({
        %run_scoped3A = tpu.sem_alloc : memref<!tpu.dma_semaphore, #tpu.memory_space<semaphore_mem>>
        %dma_start3A_51 = arith.constant 0 : i32
        %dma_start3A_52 = arith.constant 0 : i32
        %dma_start3A_53 = tpu.memref_slice %arg4[%add3A, %scan3A_30, %dma_start3A_51, %dma_start3A_52] : memref<32x8x16x80xi32, #tpu.memory_space<hbm>> -> memref<1x1x16x80xi32, #tpu.memory_space<hbm>>
        %dma_start3A_54 = tpu.memref_squeeze %dma_start3A_53 : memref<1x1x16x80xi32, #tpu.memory_space<hbm>> -> memref<16x80xi32, #tpu.memory_space<hbm>>
        %dma_start3A_55 = arith.constant 0 : i32
        %dma_start3A_56 = arith.constant 0 : i32
        %dma_start3A_57 = tpu.memref_slice %arg4[%add3A, %scan3A_30, %dma_start3A_55, %dma_start3A_56] : memref<32x8x16x80xi32, #tpu.memory_space<hbm>> -> memref<1x1x16x80xi32, #tpu.memory_space<hbm>>
        %dma_start3A_58 = tpu.memref_squeeze %dma_start3A_57 : memref<1x1x16x80xi32, #tpu.memory_space<hbm>> -> memref<16x80xi32, #tpu.memory_space<hbm>>
        tpu.enqueue_dma source(%dma_start3A_58 : memref<16x80xi32, #tpu.memory_space<hbm>>) target(%arg7 : memref<16x80xi32, #tpu.memory_space<vmem>>) target_semaphore(%run_scoped3A : memref<!tpu.dma_semaphore, #tpu.memory_space<semaphore_mem>>)
        %dma_wait3A = arith.constant 0 : i32
        %dma_wait3A_59 = arith.constant 0 : i32
        %dma_wait3A_60 = tpu.memref_slice %arg4[%add3A, %scan3A_30, %dma_wait3A, %dma_wait3A_59] : memref<32x8x16x80xi32, #tpu.memory_space<hbm>> -> memref<1x1x16x80xi32, #tpu.memory_space<hbm>>
        %dma_wait3A_61 = tpu.memref_squeeze %dma_wait3A_60 : memref<1x1x16x80xi32, #tpu.memory_space<hbm>> -> memref<16x80xi32, #tpu.memory_space<hbm>>
        %dma_wait3A_62 = arith.constant 0 : i32
        %dma_wait3A_63 = arith.constant 0 : i32
        %dma_wait3A_64 = tpu.memref_slice %arg4[%add3A, %scan3A_30, %dma_wait3A_62, %dma_wait3A_63] : memref<32x8x16x80xi32, #tpu.memory_space<hbm>> -> memref<1x1x16x80xi32, #tpu.memory_space<hbm>>
        %dma_wait3A_65 = tpu.memref_squeeze %dma_wait3A_64 : memref<1x1x16x80xi32, #tpu.memory_space<hbm>> -> memref<16x80xi32, #tpu.memory_space<hbm>>
        tpu.wait_dma2 semaphore(%run_scoped3A : memref<!tpu.dma_semaphore, #tpu.memory_space<semaphore_mem>>) src(%dma_wait3A_65 : memref<16x80xi32, #tpu.memory_space<hbm>>) dst(%arg7 : memref<16x80xi32, #tpu.memory_space<vmem>>)
        tpu.yield
      }) : () -> ()
      %dma_start3A = arith.constant 0 : i32
      %dma_start3A_32 = arith.constant 0 : i32
      %dma_start3A_33 = arith.constant 0 : i32
      %dma_start3A_34 = arith.constant 0 : i32
      %dma_start3A_35 = tpu.memref_slice %arg8[%dma_start3A_32, %dma_start3A_33, %dma_start3A_34] : memref<2x80x128xf32, #tpu.memory_space<vmem>> -> memref<1x80x128xf32, #tpu.memory_space<vmem>>
      %dma_start3A_36 = tpu.memref_squeeze %dma_start3A_35 : memref<1x80x128xf32, #tpu.memory_space<vmem>> -> memref<80x128xf32, #tpu.memory_space<vmem>>
      %dma_start3A_37 = arith.constant 0 : i32
      %dma_start3A_38 = tpu.memref_slice %arg6[%dma_start3A, %dma_start3A_37] : memref<16x80xi32, #tpu.memory_space<vmem>> -> memref<1x80xi32, #tpu.memory_space<vmem>>
      %dma_start3A_39 = tpu.memref_squeeze %dma_start3A_38 : memref<1x80xi32, #tpu.memory_space<vmem>> -> memref<80xi32, #tpu.memory_space<vmem>>
      %dma_start3A_40 = arith.constant 0 : i32
      %dma_start3A_41 = arith.constant 0 : i32
      %dma_start3A_42 = tpu.memref_slice %arg2[%dma_start3A_40, %dma_start3A_41] : memref<8x128xf32, #tpu.memory_space<hbm>> -> memref<8x128xf32, #tpu.memory_space<hbm>>
      tpu.enqueue_indirect_dma source(%dma_start3A_42 : memref<8x128xf32, #tpu.memory_space<hbm>>) target(%dma_start3A_36 : memref<80x128xf32, #tpu.memory_space<vmem>>) offsets(%dma_start3A_39 : memref<80xi32, #tpu.memory_space<vmem>>) semaphore(%arg11 : memref<!tpu.dma_semaphore, #tpu.memory_space<semaphore_mem>>)
      %scan3A_43 = arith.constant 0 : i32
      %scan3A_44 = arith.constant 0 : i32
      %scan3A_45 = arith.constant 8 : i32
      %scan3A_46 = arith.addi %scan3A_44, %scan3A_45 : i32
      %scan3A_47 = arith.constant 1 : i32
      %scan3A_48 = scf.for %scan3A_51 = %scan3A_44 to %scan3A_46 step %scan3A_47 iter_args(%scan3A_52 = %scan3A_43) -> (i32)  : i32 {
        %mul3A_53 = arith.constant 2 : i32
        %mul3A_54 = arith.muli %mul3A_53, %scan3A_51 : i32
        %add3A_55 = arith.constant 1 : i32
        %add3A_56 = arith.addi %mul3A_54, %add3A_55 : i32
        %dma_start3A_57 = arith.constant 1 : i32
        %dma_start3A_58 = arith.constant 0 : i32
        %dma_start3A_59 = arith.constant 0 : i32
        %dma_start3A_60 = tpu.memref_slice %arg8[%dma_start3A_57, %dma_start3A_58, %dma_start3A_59] : memref<2x80x128xf32, #tpu.memory_space<vmem>> -> memref<1x80x128xf32, #tpu.memory_space<vmem>>
        %dma_start3A_61 = tpu.memref_squeeze %dma_start3A_60 : memref<1x80x128xf32, #tpu.memory_space<vmem>> -> memref<80x128xf32, #tpu.memory_space<vmem>>
        %dma_start3A_62 = arith.constant 0 : i32
        %dma_start3A_63 = tpu.memref_slice %arg6[%add3A_56, %dma_start3A_62] : memref<16x80xi32, #tpu.memory_space<vmem>> -> memref<1x80xi32, #tpu.memory_space<vmem>>
        %dma_start3A_64 = tpu.memref_squeeze %dma_start3A_63 : memref<1x80xi32, #tpu.memory_space<vmem>> -> memref<80xi32, #tpu.memory_space<vmem>>
        %dma_start3A_65 = arith.constant 0 : i32
        %dma_start3A_66 = arith.constant 0 : i32
        %dma_start3A_67 = tpu.memref_slice %arg2[%dma_start3A_65, %dma_start3A_66] : memref<8x128xf32, #tpu.memory_space<hbm>> -> memref<8x128xf32, #tpu.memory_space<hbm>>
        tpu.enqueue_indirect_dma source(%dma_start3A_67 : memref<8x128xf32, #tpu.memory_space<hbm>>) target(%dma_start3A_61 : memref<80x128xf32, #tpu.memory_space<vmem>>) offsets(%dma_start3A_64 : memref<80xi32, #tpu.memory_space<vmem>>) semaphore(%arg12 : memref<!tpu.dma_semaphore, #tpu.memory_space<semaphore_mem>>)
        %mul3A_68 = arith.constant 2 : i32
        %mul3A_69 = arith.muli %mul3A_68, %scan3A_51 : i32
        %dma_wait3A = arith.constant 0 : i32
        %dma_wait3A_70 = arith.constant 0 : i32
        %dma_wait3A_71 = arith.constant 0 : i32
        %dma_wait3A_72 = tpu.memref_slice %arg8[%dma_wait3A, %dma_wait3A_70, %dma_wait3A_71] : memref<2x80x128xf32, #tpu.memory_space<vmem>> -> memref<1x80x128xf32, #tpu.memory_space<vmem>>
        %dma_wait3A_73 = tpu.memref_squeeze %dma_wait3A_72 : memref<1x80x128xf32, #tpu.memory_space<vmem>> -> memref<80x128xf32, #tpu.memory_space<vmem>>
        %dma_wait3A_74 = arith.constant 0 : i32
        %dma_wait3A_75 = tpu.memref_slice %arg6[%mul3A_69, %dma_wait3A_74] : memref<16x80xi32, #tpu.memory_space<vmem>> -> memref<1x80xi32, #tpu.memory_space<vmem>>
        %dma_wait3A_76 = tpu.memref_squeeze %dma_wait3A_75 : memref<1x80xi32, #tpu.memory_space<vmem>> -> memref<80xi32, #tpu.memory_space<vmem>>
        %dma_wait3A_77 = arith.constant 0 : i32
        %dma_wait3A_78 = arith.constant 0 : i32
        %dma_wait3A_79 = tpu.memref_slice %arg2[%dma_wait3A_77, %dma_wait3A_78] : memref<8x128xf32, #tpu.memory_space<hbm>> -> memref<8x128xf32, #tpu.memory_space<hbm>>
        tpu.wait_indirect_dma semaphore(%arg11 : memref<!tpu.dma_semaphore, #tpu.memory_space<semaphore_mem>>) src(%dma_wait3A_79 : memref<8x128xf32, #tpu.memory_space<hbm>>) dst(%dma_wait3A_73 : memref<80x128xf32, #tpu.memory_space<vmem>>)
        %mul3A_80 = arith.constant 2 : i32
        %mul3A_81 = arith.muli %mul3A_80, %scan3A_51 : i32
        %run_scoped3A = arith.constant 0 : i32
        "tpu.region"() ({
          %run_scoped3A_105 = tpu.sem_alloc : memref<!tpu.dma_semaphore, #tpu.memory_space<semaphore_mem>>
          %dma_start3A_106 = arith.constant 0 : i32
          %dma_start3A_107 = arith.constant 0 : i32
          %dma_start3A_108 = tpu.memref_slice %arg8[%run_scoped3A, %dma_start3A_106, %dma_start3A_107] : memref<2x80x128xf32, #tpu.memory_space<vmem>> -> memref<1x80x128xf32, #tpu.memory_space<vmem>>
          %dma_start3A_109 = tpu.memref_squeeze %dma_start3A_108 : memref<1x80x128xf32, #tpu.memory_space<vmem>> -> memref<80x128xf32, #tpu.memory_space<vmem>>
          %dma_start3A_110 = arith.constant 0 : i32
          %dma_start3A_111 = tpu.memref_slice %arg7[%mul3A_81, %dma_start3A_110] : memref<16x80xi32, #tpu.memory_space<vmem>> -> memref<1x80xi32, #tpu.memory_space<vmem>>
          %dma_start3A_112 = tpu.memref_squeeze %dma_start3A_111 : memref<1x80xi32, #tpu.memory_space<vmem>> -> memref<80xi32, #tpu.memory_space<vmem>>
          %dma_start3A_113 = arith.constant 0 : i32
          %dma_start3A_114 = arith.constant 0 : i32
          %dma_start3A_115 = tpu.memref_slice %arg10[%dma_start3A_113, %dma_start3A_114] : memref<10240x128xf32, #tpu.memory_space<vmem_shared>> -> memref<10240x128xf32, #tpu.memory_space<vmem_shared>>
          tpu.enqueue_indirect_dma source(%dma_start3A_109 : memref<80x128xf32, #tpu.memory_space<vmem>>) target(%dma_start3A_115 : memref<10240x128xf32, #tpu.memory_space<vmem_shared>>) offsets(%dma_start3A_112 : memref<80xi32, #tpu.memory_space<vmem>>) semaphore(%run_scoped3A_105 : memref<!tpu.dma_semaphore, #tpu.memory_space<semaphore_mem>>) {add = true}
          %dma_wait3A_116 = arith.constant 0 : i32
          %dma_wait3A_117 = arith.constant 0 : i32
          %dma_wait3A_118 = tpu.memref_slice %arg8[%run_scoped3A, %dma_wait3A_116, %dma_wait3A_117] : memref<2x80x128xf32, #tpu.memory_space<vmem>> -> memref<1x80x128xf32, #tpu.memory_space<vmem>>
          %dma_wait3A_119 = tpu.memref_squeeze %dma_wait3A_118 : memref<1x80x128xf32, #tpu.memory_space<vmem>> -> memref<80x128xf32, #tpu.memory_space<vmem>>
          %dma_wait3A_120 = arith.constant 0 : i32
          %dma_wait3A_121 = tpu.memref_slice %arg7[%mul3A_81, %dma_wait3A_120] : memref<16x80xi32, #tpu.memory_space<vmem>> -> memref<1x80xi32, #tpu.memory_space<vmem>>
          %dma_wait3A_122 = tpu.memref_squeeze %dma_wait3A_121 : memref<1x80xi32, #tpu.memory_space<vmem>> -> memref<80xi32, #tpu.memory_space<vmem>>
          %dma_wait3A_123 = arith.constant 0 : i32
          %dma_wait3A_124 = arith.constant 0 : i32
          %dma_wait3A_125 = tpu.memref_slice %arg10[%dma_wait3A_123, %dma_wait3A_124] : memref<10240x128xf32, #tpu.memory_space<vmem_shared>> -> memref<10240x128xf32, #tpu.memory_space<vmem_shared>>
          tpu.wait_indirect_dma semaphore(%run_scoped3A_105 : memref<!tpu.dma_semaphore, #tpu.memory_space<semaphore_mem>>) src(%dma_wait3A_119 : memref<80x128xf32, #tpu.memory_space<vmem>>) dst(%dma_wait3A_125 : memref<10240x128xf32, #tpu.memory_space<vmem_shared>>)
          tpu.yield
        }) : () -> ()
        %lt3A = arith.constant 7 : i32
        %lt3A_82 = arith.cmpi slt, %scan3A_51, %lt3A : i32
        %convert_element_type3A = arith.extui %lt3A_82 : i1 to i32
        %cond3A = arith.constant 0 : i32
        %cond3A_83 = arith.cmpi ne, %convert_element_type3A, %cond3A : i32
        scf.if %cond3A_83 {
          %mul3A_105 = arith.constant 2 : i32
          %mul3A_106 = arith.muli %mul3A_105, %scan3A_51 : i32
          %add3A_107 = arith.constant 2 : i32
          %add3A_108 = arith.addi %mul3A_106, %add3A_107 : i32
          %dma_start3A_109 = arith.constant 0 : i32
          %dma_start3A_110 = arith.constant 0 : i32
          %dma_start3A_111 = arith.constant 0 : i32
          %dma_start3A_112 = tpu.memref_slice %arg8[%dma_start3A_109, %dma_start3A_110, %dma_start3A_111] : memref<2x80x128xf32, #tpu.memory_space<vmem>> -> memref<1x80x128xf32, #tpu.memory_space<vmem>>
          %dma_start3A_113 = tpu.memref_squeeze %dma_start3A_112 : memref<1x80x128xf32, #tpu.memory_space<vmem>> -> memref<80x128xf32, #tpu.memory_space<vmem>>
          %dma_start3A_114 = arith.constant 0 : i32
          %dma_start3A_115 = tpu.memref_slice %arg6[%add3A_108, %dma_start3A_114] : memref<16x80xi32, #tpu.memory_space<vmem>> -> memref<1x80xi32, #tpu.memory_space<vmem>>
          %dma_start3A_116 = tpu.memref_squeeze %dma_start3A_115 : memref<1x80xi32, #tpu.memory_space<vmem>> -> memref<80xi32, #tpu.memory_space<vmem>>
          %dma_start3A_117 = arith.constant 0 : i32
          %dma_start3A_118 = arith.constant 0 : i32
          %dma_start3A_119 = tpu.memref_slice %arg2[%dma_start3A_117, %dma_start3A_118] : memref<8x128xf32, #tpu.memory_space<hbm>> -> memref<8x128xf32, #tpu.memory_space<hbm>>
          tpu.enqueue_indirect_dma source(%dma_start3A_119 : memref<8x128xf32, #tpu.memory_space<hbm>>) target(%dma_start3A_113 : memref<80x128xf32, #tpu.memory_space<vmem>>) offsets(%dma_start3A_116 : memref<80xi32, #tpu.memory_space<vmem>>) semaphore(%arg11 : memref<!tpu.dma_semaphore, #tpu.memory_space<semaphore_mem>>)
        } else {
        }
        %mul3A_84 = arith.constant 2 : i32
        %mul3A_85 = arith.muli %mul3A_84, %scan3A_51 : i32
        %add3A_86 = arith.constant 1 : i32
        %add3A_87 = arith.addi %mul3A_85, %add3A_86 : i32
        %dma_wait3A_88 = arith.constant 1 : i32
        %dma_wait3A_89 = arith.constant 0 : i32
        %dma_wait3A_90 = arith.constant 0 : i32
        %dma_wait3A_91 = tpu.memref_slice %arg8[%dma_wait3A_88, %dma_wait3A_89, %dma_wait3A_90] : memref<2x80x128xf32, #tpu.memory_space<vmem>> -> memref<1x80x128xf32, #tpu.memory_space<vmem>>
        %dma_wait3A_92 = tpu.memref_squeeze %dma_wait3A_91 : memref<1x80x128xf32, #tpu.memory_space<vmem>> -> memref<80x128xf32, #tpu.memory_space<vmem>>
        %dma_wait3A_93 = arith.constant 0 : i32
        %dma_wait3A_94 = tpu.memref_slice %arg6[%add3A_87, %dma_wait3A_93] : memref<16x80xi32, #tpu.memory_space<vmem>> -> memref<1x80xi32, #tpu.memory_space<vmem>>
        %dma_wait3A_95 = tpu.memref_squeeze %dma_wait3A_94 : memref<1x80xi32, #tpu.memory_space<vmem>> -> memref<80xi32, #tpu.memory_space<vmem>>
        %dma_wait3A_96 = arith.constant 0 : i32
        %dma_wait3A_97 = arith.constant 0 : i32
        %dma_wait3A_98 = tpu.memref_slice %arg2[%dma_wait3A_96, %dma_wait3A_97] : memref<8x128xf32, #tpu.memory_space<hbm>> -> memref<8x128xf32, #tpu.memory_space<hbm>>
        tpu.wait_indirect_dma semaphore(%arg12 : memref<!tpu.dma_semaphore, #tpu.memory_space<semaphore_mem>>) src(%dma_wait3A_98 : memref<8x128xf32, #tpu.memory_space<hbm>>) dst(%dma_wait3A_92 : memref<80x128xf32, #tpu.memory_space<vmem>>)
        %mul3A_99 = arith.constant 2 : i32
        %mul3A_100 = arith.muli %mul3A_99, %scan3A_51 : i32
        %add3A_101 = arith.constant 1 : i32
        %add3A_102 = arith.addi %mul3A_100, %add3A_101 : i32
        %run_scoped3A_103 = arith.constant 1 : i32
        "tpu.region"() ({
          %run_scoped3A_105 = tpu.sem_alloc : memref<!tpu.dma_semaphore, #tpu.memory_space<semaphore_mem>>
          %dma_start3A_106 = arith.constant 0 : i32
          %dma_start3A_107 = arith.constant 0 : i32
          %dma_start3A_108 = tpu.memref_slice %arg8[%run_scoped3A_103, %dma_start3A_106, %dma_start3A_107] : memref<2x80x128xf32, #tpu.memory_space<vmem>> -> memref<1x80x128xf32, #tpu.memory_space<vmem>>
          %dma_start3A_109 = tpu.memref_squeeze %dma_start3A_108 : memref<1x80x128xf32, #tpu.memory_space<vmem>> -> memref<80x128xf32, #tpu.memory_space<vmem>>
          %dma_start3A_110 = arith.constant 0 : i32
          %dma_start3A_111 = tpu.memref_slice %arg7[%add3A_102, %dma_start3A_110] : memref<16x80xi32, #tpu.memory_space<vmem>> -> memref<1x80xi32, #tpu.memory_space<vmem>>
          %dma_start3A_112 = tpu.memref_squeeze %dma_start3A_111 : memref<1x80xi32, #tpu.memory_space<vmem>> -> memref<80xi32, #tpu.memory_space<vmem>>
          %dma_start3A_113 = arith.constant 0 : i32
          %dma_start3A_114 = arith.constant 0 : i32
          %dma_start3A_115 = tpu.memref_slice %arg10[%dma_start3A_113, %dma_start3A_114] : memref<10240x128xf32, #tpu.memory_space<vmem_shared>> -> memref<10240x128xf32, #tpu.memory_space<vmem_shared>>
          tpu.enqueue_indirect_dma source(%dma_start3A_109 : memref<80x128xf32, #tpu.memory_space<vmem>>) target(%dma_start3A_115 : memref<10240x128xf32, #tpu.memory_space<vmem_shared>>) offsets(%dma_start3A_112 : memref<80xi32, #tpu.memory_space<vmem>>) semaphore(%run_scoped3A_105 : memref<!tpu.dma_semaphore, #tpu.memory_space<semaphore_mem>>) {add = true}
          %dma_wait3A_116 = arith.constant 0 : i32
          %dma_wait3A_117 = arith.constant 0 : i32
          %dma_wait3A_118 = tpu.memref_slice %arg8[%run_scoped3A_103, %dma_wait3A_116, %dma_wait3A_117] : memref<2x80x128xf32, #tpu.memory_space<vmem>> -> memref<1x80x128xf32, #tpu.memory_space<vmem>>
          %dma_wait3A_119 = tpu.memref_squeeze %dma_wait3A_118 : memref<1x80x128xf32, #tpu.memory_space<vmem>> -> memref<80x128xf32, #tpu.memory_space<vmem>>
          %dma_wait3A_120 = arith.constant 0 : i32
          %dma_wait3A_121 = tpu.memref_slice %arg7[%add3A_102, %dma_wait3A_120] : memref<16x80xi32, #tpu.memory_space<vmem>> -> memref<1x80xi32, #tpu.memory_space<vmem>>
          %dma_wait3A_122 = tpu.memref_squeeze %dma_wait3A_121 : memref<1x80xi32, #tpu.memory_space<vmem>> -> memref<80xi32, #tpu.memory_space<vmem>>
          %dma_wait3A_123 = arith.constant 0 : i32
          %dma_wait3A_124 = arith.constant 0 : i32
          %dma_wait3A_125 = tpu.memref_slice %arg10[%dma_wait3A_123, %dma_wait3A_124] : memref<10240x128xf32, #tpu.memory_space<vmem_shared>> -> memref<10240x128xf32, #tpu.memory_space<vmem_shared>>
          tpu.wait_indirect_dma semaphore(%run_scoped3A_105 : memref<!tpu.dma_semaphore, #tpu.memory_space<semaphore_mem>>) src(%dma_wait3A_119 : memref<80x128xf32, #tpu.memory_space<vmem>>) dst(%dma_wait3A_125 : memref<10240x128xf32, #tpu.memory_space<vmem_shared>>)
          tpu.yield
        }) : () -> ()
        %scan3A_104 = arith.constant 0 : i32
        scf.yield %scan3A_104 : i32
      }
      %scan3A_49 = arith.constant 8 : i32
      %scan3A_50 = arith.constant 0 : i32
      scf.yield %scan3A_50 : i32
    }
    %scan3A_21 = arith.constant 8 : i32
    %barrier3A_22 = arith.constant 0 : index
    tpu.barrier barrier_id(%barrier3A_22)
    %scan3A_23 = arith.constant 0 : i32
    %scan3A_24 = arith.constant 0 : i32
    %scan3A_25 = arith.constant 10 : i32
    %scan3A_26 = arith.addi %scan3A_24, %scan3A_25 : i32
    %scan3A_27 = arith.constant 1 : i32
    %scan3A_28 = scf.for %scan3A_30 = %scan3A_24 to %scan3A_26 step %scan3A_27 iter_args(%scan3A_31 = %scan3A_23) -> (i32)  : i32 {
      %mul3A_32 = arith.constant 640 : i32
      %mul3A_33 = arith.muli %arg1, %mul3A_32 : i32
      %mul3A_34 = arith.constant 64 : i32
      %mul3A_35 = arith.muli %scan3A_30, %mul3A_34 : i32
      %add3A_36 = arith.addi %mul3A_33, %mul3A_35 : i32
      "tpu.region"() ({
        %run_scoped3A = tpu.sem_alloc : memref<!tpu.dma_semaphore, #tpu.memory_space<semaphore_mem>>
        %dma_start3A = arith.constant 0 : i32
        %dma_start3A_38 = tpu.memref_slice %arg10[%add3A_36, %dma_start3A] : memref<10240x128xf32, #tpu.memory_space<vmem_shared>> -> memref<64x128xf32, #tpu.memory_space<vmem_shared>>
        %dma_start3A_39 = arith.constant 0 : i32
        %dma_start3A_40 = tpu.memref_slice %arg10[%add3A_36, %dma_start3A_39] : memref<10240x128xf32, #tpu.memory_space<vmem_shared>> -> memref<64x128xf32, #tpu.memory_space<vmem_shared>>
        tpu.enqueue_dma source(%dma_start3A_40 : memref<64x128xf32, #tpu.memory_space<vmem_shared>>) target(%arg9 : memref<64x128xf32, #tpu.memory_space<vmem>>) target_semaphore(%run_scoped3A : memref<!tpu.dma_semaphore, #tpu.memory_space<semaphore_mem>>)
        %dma_wait3A = arith.constant 0 : i32
        %dma_wait3A_41 = tpu.memref_slice %arg10[%add3A_36, %dma_wait3A] : memref<10240x128xf32, #tpu.memory_space<vmem_shared>> -> memref<64x128xf32, #tpu.memory_space<vmem_shared>>
        %dma_wait3A_42 = arith.constant 0 : i32
        %dma_wait3A_43 = tpu.memref_slice %arg10[%add3A_36, %dma_wait3A_42] : memref<10240x128xf32, #tpu.memory_space<vmem_shared>> -> memref<64x128xf32, #tpu.memory_space<vmem_shared>>
        tpu.wait_dma2 semaphore(%run_scoped3A : memref<!tpu.dma_semaphore, #tpu.memory_space<semaphore_mem>>) src(%dma_wait3A_43 : memref<64x128xf32, #tpu.memory_space<vmem_shared>>) dst(%arg9 : memref<64x128xf32, #tpu.memory_space<vmem>>)
        tpu.yield
      }) : () -> ()
      "tpu.region"() ({
        %run_scoped3A = tpu.sem_alloc : memref<!tpu.dma_semaphore, #tpu.memory_space<semaphore_mem>>
        %dma_start3A = arith.constant 0 : i32
        %dma_start3A_38 = tpu.memref_slice %arg5[%arg0, %add3A_36, %dma_start3A] : memref<2x10240x128xf32, #tpu.memory_space<hbm>> -> memref<1x64x128xf32, #tpu.memory_space<hbm>>
        %dma_start3A_39 = tpu.memref_squeeze %dma_start3A_38 : memref<1x64x128xf32, #tpu.memory_space<hbm>> -> memref<64x128xf32, #tpu.memory_space<hbm>>
        %dma_start3A_40 = arith.constant 0 : i32
        %dma_start3A_41 = tpu.memref_slice %arg5[%arg0, %add3A_36, %dma_start3A_40] : memref<2x10240x128xf32, #tpu.memory_space<hbm>> -> memref<1x64x128xf32, #tpu.memory_space<hbm>>
        %dma_start3A_42 = tpu.memref_squeeze %dma_start3A_41 : memref<1x64x128xf32, #tpu.memory_space<hbm>> -> memref<64x128xf32, #tpu.memory_space<hbm>>
        tpu.enqueue_dma source(%arg9 : memref<64x128xf32, #tpu.memory_space<vmem>>) target(%dma_start3A_42 : memref<64x128xf32, #tpu.memory_space<hbm>>) target_semaphore(%run_scoped3A : memref<!tpu.dma_semaphore, #tpu.memory_space<semaphore_mem>>)
        %dma_wait3A = arith.constant 0 : i32
        %dma_wait3A_43 = tpu.memref_slice %arg5[%arg0, %add3A_36, %dma_wait3A] : memref<2x10240x128xf32, #tpu.memory_space<hbm>> -> memref<1x64x128xf32, #tpu.memory_space<hbm>>
        %dma_wait3A_44 = tpu.memref_squeeze %dma_wait3A_43 : memref<1x64x128xf32, #tpu.memory_space<hbm>> -> memref<64x128xf32, #tpu.memory_space<hbm>>
        %dma_wait3A_45 = arith.constant 0 : i32
        %dma_wait3A_46 = tpu.memref_slice %arg5[%arg0, %add3A_36, %dma_wait3A_45] : memref<2x10240x128xf32, #tpu.memory_space<hbm>> -> memref<1x64x128xf32, #tpu.memory_space<hbm>>
        %dma_wait3A_47 = tpu.memref_squeeze %dma_wait3A_46 : memref<1x64x128xf32, #tpu.memory_space<hbm>> -> memref<64x128xf32, #tpu.memory_space<hbm>>
        tpu.wait_dma2 semaphore(%run_scoped3A : memref<!tpu.dma_semaphore, #tpu.memory_space<semaphore_mem>>) src(%arg9 : memref<64x128xf32, #tpu.memory_space<vmem>>) dst(%dma_wait3A_47 : memref<64x128xf32, #tpu.memory_space<hbm>>)
        tpu.yield
      }) : () -> ()
      %scan3A_37 = arith.constant 0 : i32
      scf.yield %scan3A_37 : i32
    }
    %scan3A_29 = arith.constant 10 : i32
    return
  }
}

#map = affine_map<(d0, d1) -> (0, 0)>
#map1 = affine_map<(d0, d1) -> (0, 0, 0, 0)>
#map2 = affine_map<(d0, d1) -> (0, 0, 0)>
module attributes {stable_mosaic.version = 14 : i64} {
  func.func @_agg_body(%arg0: i32, %arg1: i32, %arg2: memref<10000x128xf32, #tpu.memory_space<hbm>>, %arg3: memref<32x8x16x80xi32, #tpu.memory_space<hbm>>, %arg4: memref<32x8x16x80xi32, #tpu.memory_space<hbm>>, %arg5: memref<2x10240x128xf32, #tpu.memory_space<hbm>>, %arg6: memref<16x80xi32, #tpu.memory_space<vmem>>, %arg7: memref<16x80xi32, #tpu.memory_space<vmem>>, %arg8: memref<2x80x128xf32, #tpu.memory_space<vmem>>, %arg9: memref<64x128xf32, #tpu.memory_space<vmem>>, %arg10: memref<10240x128xf32, #tpu.memory_space<vmem_shared>>, %arg11: memref<!tpu.dma_semaphore, #tpu.memory_space<semaphore_mem>>, %arg12: memref<!tpu.dma_semaphore, #tpu.memory_space<semaphore_mem>>) attributes {dimension_semantics = [#tpu.dimension_semantics<core_parallel>, #tpu.dimension_semantics<subcore_parallel>], iteration_bounds = array<i64: 2, 16>, scalar_prefetch = 0 : i64, scratch_operands = 7 : i64, tpu.core_type = #tpu.core_type<sc_vector_subcore>, window_params = [{transform_indices = #map}, {transform_indices = #map1}, {transform_indices = #map1}, {transform_indices = #map2}]} {
    %mul3A = arith.constant 16 : i32
    %mul3A_0 = arith.muli %arg0, %mul3A : i32
    %add3A = arith.addi %mul3A_0, %arg1 : i32
    %broadcast_in_dim3A = arith.constant 0.000000e+00 : f32
    %broadcast_in_dim3A_1 = vector.broadcast %broadcast_in_dim3A : f32 to vector<16xf32>
    %scan3A = arith.constant 0 : i32
    %scan3A_2 = arith.constant 0 : i32
    %scan3A_3 = arith.constant 64 : i32
    %scan3A_4 = arith.addi %scan3A_2, %scan3A_3 : i32
    %scan3A_5 = arith.constant 1 : i32
    %scan3A_6 = scf.for %scan3A_30 = %scan3A_2 to %scan3A_4 step %scan3A_5 iter_args(%scan3A_31 = %scan3A) -> (i32)  : i32 {
      %swap3A = arith.index_cast %scan3A_30 : i32 to index
      %swap3A_32 = arith.constant 0 : index
      %swap3A_33 = tpu.vector_load %arg9[%swap3A, %swap3A_32] {strides = array<i32>} : memref<64x128xf32, #tpu.memory_space<vmem>>, vector<1x16xf32>,
      %swap3A_34 = vector.shape_cast %swap3A_33 : vector<1x16xf32> to vector<16xf32>
      %swap3A_35 = vector.shape_cast %broadcast_in_dim3A_1 : vector<16xf32> to vector<1x16xf32>
      tpu.vector_store %arg9[%swap3A, %swap3A_32], %swap3A_35 {strides = array<i32>} : memref<64x128xf32, #tpu.memory_space<vmem>>, vector<1x16xf32>,
      %swap3A_36 = arith.index_cast %scan3A_30 : i32 to index
      %swap3A_37 = arith.constant 16 : index
      %swap3A_38 = tpu.vector_load %arg9[%swap3A_36, %swap3A_37] {strides = array<i32>} : memref<64x128xf32, #tpu.memory_space<vmem>>, vector<1x16xf32>,
      %swap3A_39 = vector.shape_cast %swap3A_38 : vector<1x16xf32> to vector<16xf32>
      %swap3A_40 = vector.shape_cast %broadcast_in_dim3A_1 : vector<16xf32> to vector<1x16xf32>
      tpu.vector_store %arg9[%swap3A_36, %swap3A_37], %swap3A_40 {strides = array<i32>} : memref<64x128xf32, #tpu.memory_space<vmem>>, vector<1x16xf32>,
      %swap3A_41 = arith.index_cast %scan3A_30 : i32 to index
      %swap3A_42 = arith.constant 32 : index
      %swap3A_43 = tpu.vector_load %arg9[%swap3A_41, %swap3A_42] {strides = array<i32>} : memref<64x128xf32, #tpu.memory_space<vmem>>, vector<1x16xf32>,
      %swap3A_44 = vector.shape_cast %swap3A_43 : vector<1x16xf32> to vector<16xf32>
      %swap3A_45 = vector.shape_cast %broadcast_in_dim3A_1 : vector<16xf32> to vector<1x16xf32>
      tpu.vector_store %arg9[%swap3A_41, %swap3A_42], %swap3A_45 {strides = array<i32>} : memref<64x128xf32, #tpu.memory_space<vmem>>, vector<1x16xf32>,
      %swap3A_46 = arith.index_cast %scan3A_30 : i32 to index
      %swap3A_47 = arith.constant 48 : index
      %swap3A_48 = tpu.vector_load %arg9[%swap3A_46, %swap3A_47] {strides = array<i32>} : memref<64x128xf32, #tpu.memory_space<vmem>>, vector<1x16xf32>,
      %swap3A_49 = vector.shape_cast %swap3A_48 : vector<1x16xf32> to vector<16xf32>
      %swap3A_50 = vector.shape_cast %broadcast_in_dim3A_1 : vector<16xf32> to vector<1x16xf32>
      tpu.vector_store %arg9[%swap3A_46, %swap3A_47], %swap3A_50 {strides = array<i32>} : memref<64x128xf32, #tpu.memory_space<vmem>>, vector<1x16xf32>,
      %swap3A_51 = arith.index_cast %scan3A_30 : i32 to index
      %swap3A_52 = arith.constant 64 : index
      %swap3A_53 = tpu.vector_load %arg9[%swap3A_51, %swap3A_52] {strides = array<i32>} : memref<64x128xf32, #tpu.memory_space<vmem>>, vector<1x16xf32>,
      %swap3A_54 = vector.shape_cast %swap3A_53 : vector<1x16xf32> to vector<16xf32>
      %swap3A_55 = vector.shape_cast %broadcast_in_dim3A_1 : vector<16xf32> to vector<1x16xf32>
      tpu.vector_store %arg9[%swap3A_51, %swap3A_52], %swap3A_55 {strides = array<i32>} : memref<64x128xf32, #tpu.memory_space<vmem>>, vector<1x16xf32>,
      %swap3A_56 = arith.index_cast %scan3A_30 : i32 to index
      %swap3A_57 = arith.constant 80 : index
      %swap3A_58 = tpu.vector_load %arg9[%swap3A_56, %swap3A_57] {strides = array<i32>} : memref<64x128xf32, #tpu.memory_space<vmem>>, vector<1x16xf32>,
      %swap3A_59 = vector.shape_cast %swap3A_58 : vector<1x16xf32> to vector<16xf32>
      %swap3A_60 = vector.shape_cast %broadcast_in_dim3A_1 : vector<16xf32> to vector<1x16xf32>
      tpu.vector_store %arg9[%swap3A_56, %swap3A_57], %swap3A_60 {strides = array<i32>} : memref<64x128xf32, #tpu.memory_space<vmem>>, vector<1x16xf32>,
      %swap3A_61 = arith.index_cast %scan3A_30 : i32 to index
      %swap3A_62 = arith.constant 96 : index
      %swap3A_63 = tpu.vector_load %arg9[%swap3A_61, %swap3A_62] {strides = array<i32>} : memref<64x128xf32, #tpu.memory_space<vmem>>, vector<1x16xf32>,
      %swap3A_64 = vector.shape_cast %swap3A_63 : vector<1x16xf32> to vector<16xf32>
      %swap3A_65 = vector.shape_cast %broadcast_in_dim3A_1 : vector<16xf32> to vector<1x16xf32>
      tpu.vector_store %arg9[%swap3A_61, %swap3A_62], %swap3A_65 {strides = array<i32>} : memref<64x128xf32, #tpu.memory_space<vmem>>, vector<1x16xf32>,
      %swap3A_66 = arith.index_cast %scan3A_30 : i32 to index
      %swap3A_67 = arith.constant 112 : index
      %swap3A_68 = tpu.vector_load %arg9[%swap3A_66, %swap3A_67] {strides = array<i32>} : memref<64x128xf32, #tpu.memory_space<vmem>>, vector<1x16xf32>,
      %swap3A_69 = vector.shape_cast %swap3A_68 : vector<1x16xf32> to vector<16xf32>
      %swap3A_70 = vector.shape_cast %broadcast_in_dim3A_1 : vector<16xf32> to vector<1x16xf32>
      tpu.vector_store %arg9[%swap3A_66, %swap3A_67], %swap3A_70 {strides = array<i32>} : memref<64x128xf32, #tpu.memory_space<vmem>>, vector<1x16xf32>,
      %scan3A_71 = arith.constant 0 : i32
      scf.yield %scan3A_71 : i32
    }
    %scan3A_7 = arith.constant 64 : i32
    %scan3A_8 = arith.constant 0 : i32
    %scan3A_9 = arith.constant 0 : i32
    %scan3A_10 = arith.constant 10 : i32
    %scan3A_11 = arith.addi %scan3A_9, %scan3A_10 : i32
    %scan3A_12 = arith.constant 1 : i32
    %scan3A_13 = scf.for %scan3A_30 = %scan3A_9 to %scan3A_11 step %scan3A_12 iter_args(%scan3A_31 = %scan3A_8) -> (i32)  : i32 {
      %mul3A_32 = arith.constant 640 : i32
      %mul3A_33 = arith.muli %arg1, %mul3A_32 : i32
      %mul3A_34 = arith.constant 64 : i32
      %mul3A_35 = arith.muli %scan3A_30, %mul3A_34 : i32
      %add3A_36 = arith.addi %mul3A_33, %mul3A_35 : i32
      "tpu.region"() ({
        %run_scoped3A = tpu.sem_alloc : memref<!tpu.dma_semaphore, #tpu.memory_space<semaphore_mem>>
        %dma_start3A = arith.constant 0 : i32
        %dma_start3A_38 = tpu.memref_slice %arg10[%add3A_36, %dma_start3A] : memref<10240x128xf32, #tpu.memory_space<vmem_shared>> -> memref<64x128xf32, #tpu.memory_space<vmem_shared>>
        %dma_start3A_39 = arith.constant 0 : i32
        %dma_start3A_40 = tpu.memref_slice %arg10[%add3A_36, %dma_start3A_39] : memref<10240x128xf32, #tpu.memory_space<vmem_shared>> -> memref<64x128xf32, #tpu.memory_space<vmem_shared>>
        tpu.enqueue_dma source(%arg9 : memref<64x128xf32, #tpu.memory_space<vmem>>) target(%dma_start3A_40 : memref<64x128xf32, #tpu.memory_space<vmem_shared>>) target_semaphore(%run_scoped3A : memref<!tpu.dma_semaphore, #tpu.memory_space<semaphore_mem>>)
        %dma_wait3A = arith.constant 0 : i32
        %dma_wait3A_41 = tpu.memref_slice %arg10[%add3A_36, %dma_wait3A] : memref<10240x128xf32, #tpu.memory_space<vmem_shared>> -> memref<64x128xf32, #tpu.memory_space<vmem_shared>>
        %dma_wait3A_42 = arith.constant 0 : i32
        %dma_wait3A_43 = tpu.memref_slice %arg10[%add3A_36, %dma_wait3A_42] : memref<10240x128xf32, #tpu.memory_space<vmem_shared>> -> memref<64x128xf32, #tpu.memory_space<vmem_shared>>
        tpu.wait_dma2 semaphore(%run_scoped3A : memref<!tpu.dma_semaphore, #tpu.memory_space<semaphore_mem>>) src(%arg9 : memref<64x128xf32, #tpu.memory_space<vmem>>) dst(%dma_wait3A_43 : memref<64x128xf32, #tpu.memory_space<vmem_shared>>)
        tpu.yield
      }) : () -> ()
      %scan3A_37 = arith.constant 0 : i32
      scf.yield %scan3A_37 : i32
    }
    %scan3A_14 = arith.constant 10 : i32
    %barrier3A = arith.constant 0 : index
    tpu.barrier barrier_id(%barrier3A)
    %scan3A_15 = arith.constant 0 : i32
    %scan3A_16 = arith.constant 0 : i32
    %scan3A_17 = arith.constant 8 : i32
    %scan3A_18 = arith.addi %scan3A_16, %scan3A_17 : i32
    %scan3A_19 = arith.constant 1 : i32
    %scan3A_20 = scf.for %scan3A_30 = %scan3A_16 to %scan3A_18 step %scan3A_19 iter_args(%scan3A_31 = %scan3A_15) -> (i32)  : i32 {
      "tpu.region"() ({
        %run_scoped3A = tpu.sem_alloc : memref<!tpu.dma_semaphore, #tpu.memory_space<semaphore_mem>>
        %dma_start3A_51 = arith.constant 0 : i32
        %dma_start3A_52 = arith.constant 0 : i32
        %dma_start3A_53 = tpu.memref_slice %arg3[%add3A, %scan3A_30, %dma_start3A_51, %dma_start3A_52] : memref<32x8x16x80xi32, #tpu.memory_space<hbm>> -> memref<1x1x16x80xi32, #tpu.memory_space<hbm>>
        %dma_start3A_54 = tpu.memref_squeeze %dma_start3A_53 : memref<1x1x16x80xi32, #tpu.memory_space<hbm>> -> memref<16x80xi32, #tpu.memory_space<hbm>>
        %dma_start3A_55 = arith.constant 0 : i32
        %dma_start3A_56 = arith.constant 0 : i32
        %dma_start3A_57 = tpu.memref_slice %arg3[%add3A, %scan3A_30, %dma_start3A_55, %dma_start3A_56] : memref<32x8x16x80xi32, #tpu.memory_space<hbm>> -> memref<1x1x16x80xi32, #tpu.memory_space<hbm>>
        %dma_start3A_58 = tpu.memref_squeeze %dma_start3A_57 : memref<1x1x16x80xi32, #tpu.memory_space<hbm>> -> memref<16x80xi32, #tpu.memory_space<hbm>>
        tpu.enqueue_dma source(%dma_start3A_58 : memref<16x80xi32, #tpu.memory_space<hbm>>) target(%arg6 : memref<16x80xi32, #tpu.memory_space<vmem>>) target_semaphore(%run_scoped3A : memref<!tpu.dma_semaphore, #tpu.memory_space<semaphore_mem>>)
        %dma_wait3A = arith.constant 0 : i32
        %dma_wait3A_59 = arith.constant 0 : i32
        %dma_wait3A_60 = tpu.memref_slice %arg3[%add3A, %scan3A_30, %dma_wait3A, %dma_wait3A_59] : memref<32x8x16x80xi32, #tpu.memory_space<hbm>> -> memref<1x1x16x80xi32, #tpu.memory_space<hbm>>
        %dma_wait3A_61 = tpu.memref_squeeze %dma_wait3A_60 : memref<1x1x16x80xi32, #tpu.memory_space<hbm>> -> memref<16x80xi32, #tpu.memory_space<hbm>>
        %dma_wait3A_62 = arith.constant 0 : i32
        %dma_wait3A_63 = arith.constant 0 : i32
        %dma_wait3A_64 = tpu.memref_slice %arg3[%add3A, %scan3A_30, %dma_wait3A_62, %dma_wait3A_63] : memref<32x8x16x80xi32, #tpu.memory_space<hbm>> -> memref<1x1x16x80xi32, #tpu.memory_space<hbm>>
        %dma_wait3A_65 = tpu.memref_squeeze %dma_wait3A_64 : memref<1x1x16x80xi32, #tpu.memory_space<hbm>> -> memref<16x80xi32, #tpu.memory_space<hbm>>
        tpu.wait_dma2 semaphore(%run_scoped3A : memref<!tpu.dma_semaphore, #tpu.memory_space<semaphore_mem>>) src(%dma_wait3A_65 : memref<16x80xi32, #tpu.memory_space<hbm>>) dst(%arg6 : memref<16x80xi32, #tpu.memory_space<vmem>>)
        tpu.yield
      }) : () -> ()
      "tpu.region"() ({
        %run_scoped3A = tpu.sem_alloc : memref<!tpu.dma_semaphore, #tpu.memory_space<semaphore_mem>>
        %dma_start3A_51 = arith.constant 0 : i32
        %dma_start3A_52 = arith.constant 0 : i32
        %dma_start3A_53 = tpu.memref_slice %arg4[%add3A, %scan3A_30, %dma_start3A_51, %dma_start3A_52] : memref<32x8x16x80xi32, #tpu.memory_space<hbm>> -> memref<1x1x16x80xi32, #tpu.memory_space<hbm>>
        %dma_start3A_54 = tpu.memref_squeeze %dma_start3A_53 : memref<1x1x16x80xi32, #tpu.memory_space<hbm>> -> memref<16x80xi32, #tpu.memory_space<hbm>>
        %dma_start3A_55 = arith.constant 0 : i32
        %dma_start3A_56 = arith.constant 0 : i32
        %dma_start3A_57 = tpu.memref_slice %arg4[%add3A, %scan3A_30, %dma_start3A_55, %dma_start3A_56] : memref<32x8x16x80xi32, #tpu.memory_space<hbm>> -> memref<1x1x16x80xi32, #tpu.memory_space<hbm>>
        %dma_start3A_58 = tpu.memref_squeeze %dma_start3A_57 : memref<1x1x16x80xi32, #tpu.memory_space<hbm>> -> memref<16x80xi32, #tpu.memory_space<hbm>>
        tpu.enqueue_dma source(%dma_start3A_58 : memref<16x80xi32, #tpu.memory_space<hbm>>) target(%arg7 : memref<16x80xi32, #tpu.memory_space<vmem>>) target_semaphore(%run_scoped3A : memref<!tpu.dma_semaphore, #tpu.memory_space<semaphore_mem>>)
        %dma_wait3A = arith.constant 0 : i32
        %dma_wait3A_59 = arith.constant 0 : i32
        %dma_wait3A_60 = tpu.memref_slice %arg4[%add3A, %scan3A_30, %dma_wait3A, %dma_wait3A_59] : memref<32x8x16x80xi32, #tpu.memory_space<hbm>> -> memref<1x1x16x80xi32, #tpu.memory_space<hbm>>
        %dma_wait3A_61 = tpu.memref_squeeze %dma_wait3A_60 : memref<1x1x16x80xi32, #tpu.memory_space<hbm>> -> memref<16x80xi32, #tpu.memory_space<hbm>>
        %dma_wait3A_62 = arith.constant 0 : i32
        %dma_wait3A_63 = arith.constant 0 : i32
        %dma_wait3A_64 = tpu.memref_slice %arg4[%add3A, %scan3A_30, %dma_wait3A_62, %dma_wait3A_63] : memref<32x8x16x80xi32, #tpu.memory_space<hbm>> -> memref<1x1x16x80xi32, #tpu.memory_space<hbm>>
        %dma_wait3A_65 = tpu.memref_squeeze %dma_wait3A_64 : memref<1x1x16x80xi32, #tpu.memory_space<hbm>> -> memref<16x80xi32, #tpu.memory_space<hbm>>
        tpu.wait_dma2 semaphore(%run_scoped3A : memref<!tpu.dma_semaphore, #tpu.memory_space<semaphore_mem>>) src(%dma_wait3A_65 : memref<16x80xi32, #tpu.memory_space<hbm>>) dst(%arg7 : memref<16x80xi32, #tpu.memory_space<vmem>>)
        tpu.yield
      }) : () -> ()
      %dma_start3A = arith.constant 0 : i32
      %dma_start3A_32 = arith.constant 0 : i32
      %dma_start3A_33 = arith.constant 0 : i32
      %dma_start3A_34 = arith.constant 0 : i32
      %dma_start3A_35 = tpu.memref_slice %arg8[%dma_start3A_32, %dma_start3A_33, %dma_start3A_34] : memref<2x80x128xf32, #tpu.memory_space<vmem>> -> memref<1x80x128xf32, #tpu.memory_space<vmem>>
      %dma_start3A_36 = tpu.memref_squeeze %dma_start3A_35 : memref<1x80x128xf32, #tpu.memory_space<vmem>> -> memref<80x128xf32, #tpu.memory_space<vmem>>
      %dma_start3A_37 = arith.constant 0 : i32
      %dma_start3A_38 = tpu.memref_slice %arg6[%dma_start3A, %dma_start3A_37] : memref<16x80xi32, #tpu.memory_space<vmem>> -> memref<1x80xi32, #tpu.memory_space<vmem>>
      %dma_start3A_39 = tpu.memref_squeeze %dma_start3A_38 : memref<1x80xi32, #tpu.memory_space<vmem>> -> memref<80xi32, #tpu.memory_space<vmem>>
      %dma_start3A_40 = arith.constant 0 : i32
      %dma_start3A_41 = arith.constant 0 : i32
      %dma_start3A_42 = tpu.memref_slice %arg2[%dma_start3A_40, %dma_start3A_41] : memref<10000x128xf32, #tpu.memory_space<hbm>> -> memref<10000x128xf32, #tpu.memory_space<hbm>>
      tpu.enqueue_indirect_dma source(%dma_start3A_42 : memref<10000x128xf32, #tpu.memory_space<hbm>>) target(%dma_start3A_36 : memref<80x128xf32, #tpu.memory_space<vmem>>) offsets(%dma_start3A_39 : memref<80xi32, #tpu.memory_space<vmem>>) semaphore(%arg11 : memref<!tpu.dma_semaphore, #tpu.memory_space<semaphore_mem>>)
      %scan3A_43 = arith.constant 0 : i32
      %scan3A_44 = arith.constant 0 : i32
      %scan3A_45 = arith.constant 8 : i32
      %scan3A_46 = arith.addi %scan3A_44, %scan3A_45 : i32
      %scan3A_47 = arith.constant 1 : i32
      %scan3A_48 = scf.for %scan3A_51 = %scan3A_44 to %scan3A_46 step %scan3A_47 iter_args(%scan3A_52 = %scan3A_43) -> (i32)  : i32 {
        %mul3A_53 = arith.constant 2 : i32
        %mul3A_54 = arith.muli %mul3A_53, %scan3A_51 : i32
        %add3A_55 = arith.constant 1 : i32
        %add3A_56 = arith.addi %mul3A_54, %add3A_55 : i32
        %dma_start3A_57 = arith.constant 1 : i32
        %dma_start3A_58 = arith.constant 0 : i32
        %dma_start3A_59 = arith.constant 0 : i32
        %dma_start3A_60 = tpu.memref_slice %arg8[%dma_start3A_57, %dma_start3A_58, %dma_start3A_59] : memref<2x80x128xf32, #tpu.memory_space<vmem>> -> memref<1x80x128xf32, #tpu.memory_space<vmem>>
        %dma_start3A_61 = tpu.memref_squeeze %dma_start3A_60 : memref<1x80x128xf32, #tpu.memory_space<vmem>> -> memref<80x128xf32, #tpu.memory_space<vmem>>
        %dma_start3A_62 = arith.constant 0 : i32
        %dma_start3A_63 = tpu.memref_slice %arg6[%add3A_56, %dma_start3A_62] : memref<16x80xi32, #tpu.memory_space<vmem>> -> memref<1x80xi32, #tpu.memory_space<vmem>>
        %dma_start3A_64 = tpu.memref_squeeze %dma_start3A_63 : memref<1x80xi32, #tpu.memory_space<vmem>> -> memref<80xi32, #tpu.memory_space<vmem>>
        %dma_start3A_65 = arith.constant 0 : i32
        %dma_start3A_66 = arith.constant 0 : i32
        %dma_start3A_67 = tpu.memref_slice %arg2[%dma_start3A_65, %dma_start3A_66] : memref<10000x128xf32, #tpu.memory_space<hbm>> -> memref<10000x128xf32, #tpu.memory_space<hbm>>
        tpu.enqueue_indirect_dma source(%dma_start3A_67 : memref<10000x128xf32, #tpu.memory_space<hbm>>) target(%dma_start3A_61 : memref<80x128xf32, #tpu.memory_space<vmem>>) offsets(%dma_start3A_64 : memref<80xi32, #tpu.memory_space<vmem>>) semaphore(%arg12 : memref<!tpu.dma_semaphore, #tpu.memory_space<semaphore_mem>>)
        %mul3A_68 = arith.constant 2 : i32
        %mul3A_69 = arith.muli %mul3A_68, %scan3A_51 : i32
        %dma_wait3A = arith.constant 0 : i32
        %dma_wait3A_70 = arith.constant 0 : i32
        %dma_wait3A_71 = arith.constant 0 : i32
        %dma_wait3A_72 = tpu.memref_slice %arg8[%dma_wait3A, %dma_wait3A_70, %dma_wait3A_71] : memref<2x80x128xf32, #tpu.memory_space<vmem>> -> memref<1x80x128xf32, #tpu.memory_space<vmem>>
        %dma_wait3A_73 = tpu.memref_squeeze %dma_wait3A_72 : memref<1x80x128xf32, #tpu.memory_space<vmem>> -> memref<80x128xf32, #tpu.memory_space<vmem>>
        %dma_wait3A_74 = arith.constant 0 : i32
        %dma_wait3A_75 = tpu.memref_slice %arg6[%mul3A_69, %dma_wait3A_74] : memref<16x80xi32, #tpu.memory_space<vmem>> -> memref<1x80xi32, #tpu.memory_space<vmem>>
        %dma_wait3A_76 = tpu.memref_squeeze %dma_wait3A_75 : memref<1x80xi32, #tpu.memory_space<vmem>> -> memref<80xi32, #tpu.memory_space<vmem>>
        %dma_wait3A_77 = arith.constant 0 : i32
        %dma_wait3A_78 = arith.constant 0 : i32
        %dma_wait3A_79 = tpu.memref_slice %arg2[%dma_wait3A_77, %dma_wait3A_78] : memref<10000x128xf32, #tpu.memory_space<hbm>> -> memref<10000x128xf32, #tpu.memory_space<hbm>>
        tpu.wait_indirect_dma semaphore(%arg11 : memref<!tpu.dma_semaphore, #tpu.memory_space<semaphore_mem>>) src(%dma_wait3A_79 : memref<10000x128xf32, #tpu.memory_space<hbm>>) dst(%dma_wait3A_73 : memref<80x128xf32, #tpu.memory_space<vmem>>)
        %mul3A_80 = arith.constant 2 : i32
        %mul3A_81 = arith.muli %mul3A_80, %scan3A_51 : i32
        %run_scoped3A = arith.constant 0 : i32
        "tpu.region"() ({
          %run_scoped3A_105 = tpu.sem_alloc : memref<!tpu.dma_semaphore, #tpu.memory_space<semaphore_mem>>
          %dma_start3A_106 = arith.constant 0 : i32
          %dma_start3A_107 = arith.constant 0 : i32
          %dma_start3A_108 = tpu.memref_slice %arg8[%run_scoped3A, %dma_start3A_106, %dma_start3A_107] : memref<2x80x128xf32, #tpu.memory_space<vmem>> -> memref<1x80x128xf32, #tpu.memory_space<vmem>>
          %dma_start3A_109 = tpu.memref_squeeze %dma_start3A_108 : memref<1x80x128xf32, #tpu.memory_space<vmem>> -> memref<80x128xf32, #tpu.memory_space<vmem>>
          %dma_start3A_110 = arith.constant 0 : i32
          %dma_start3A_111 = tpu.memref_slice %arg7[%mul3A_81, %dma_start3A_110] : memref<16x80xi32, #tpu.memory_space<vmem>> -> memref<1x80xi32, #tpu.memory_space<vmem>>
          %dma_start3A_112 = tpu.memref_squeeze %dma_start3A_111 : memref<1x80xi32, #tpu.memory_space<vmem>> -> memref<80xi32, #tpu.memory_space<vmem>>
          %dma_start3A_113 = arith.constant 0 : i32
          %dma_start3A_114 = arith.constant 0 : i32
          %dma_start3A_115 = tpu.memref_slice %arg10[%dma_start3A_113, %dma_start3A_114] : memref<10240x128xf32, #tpu.memory_space<vmem_shared>> -> memref<10240x128xf32, #tpu.memory_space<vmem_shared>>
          tpu.enqueue_indirect_dma source(%dma_start3A_109 : memref<80x128xf32, #tpu.memory_space<vmem>>) target(%dma_start3A_115 : memref<10240x128xf32, #tpu.memory_space<vmem_shared>>) offsets(%dma_start3A_112 : memref<80xi32, #tpu.memory_space<vmem>>) semaphore(%run_scoped3A_105 : memref<!tpu.dma_semaphore, #tpu.memory_space<semaphore_mem>>) {add = true}
          %dma_wait3A_116 = arith.constant 0 : i32
          %dma_wait3A_117 = arith.constant 0 : i32
          %dma_wait3A_118 = tpu.memref_slice %arg8[%run_scoped3A, %dma_wait3A_116, %dma_wait3A_117] : memref<2x80x128xf32, #tpu.memory_space<vmem>> -> memref<1x80x128xf32, #tpu.memory_space<vmem>>
          %dma_wait3A_119 = tpu.memref_squeeze %dma_wait3A_118 : memref<1x80x128xf32, #tpu.memory_space<vmem>> -> memref<80x128xf32, #tpu.memory_space<vmem>>
          %dma_wait3A_120 = arith.constant 0 : i32
          %dma_wait3A_121 = tpu.memref_slice %arg7[%mul3A_81, %dma_wait3A_120] : memref<16x80xi32, #tpu.memory_space<vmem>> -> memref<1x80xi32, #tpu.memory_space<vmem>>
          %dma_wait3A_122 = tpu.memref_squeeze %dma_wait3A_121 : memref<1x80xi32, #tpu.memory_space<vmem>> -> memref<80xi32, #tpu.memory_space<vmem>>
          %dma_wait3A_123 = arith.constant 0 : i32
          %dma_wait3A_124 = arith.constant 0 : i32
          %dma_wait3A_125 = tpu.memref_slice %arg10[%dma_wait3A_123, %dma_wait3A_124] : memref<10240x128xf32, #tpu.memory_space<vmem_shared>> -> memref<10240x128xf32, #tpu.memory_space<vmem_shared>>
          tpu.wait_indirect_dma semaphore(%run_scoped3A_105 : memref<!tpu.dma_semaphore, #tpu.memory_space<semaphore_mem>>) src(%dma_wait3A_119 : memref<80x128xf32, #tpu.memory_space<vmem>>) dst(%dma_wait3A_125 : memref<10240x128xf32, #tpu.memory_space<vmem_shared>>)
          tpu.yield
        }) : () -> ()
        %lt3A = arith.constant 7 : i32
        %lt3A_82 = arith.cmpi slt, %scan3A_51, %lt3A : i32
        %convert_element_type3A = arith.extui %lt3A_82 : i1 to i32
        %cond3A = arith.constant 0 : i32
        %cond3A_83 = arith.cmpi ne, %convert_element_type3A, %cond3A : i32
        scf.if %cond3A_83 {
          %mul3A_105 = arith.constant 2 : i32
          %mul3A_106 = arith.muli %mul3A_105, %scan3A_51 : i32
          %add3A_107 = arith.constant 2 : i32
          %add3A_108 = arith.addi %mul3A_106, %add3A_107 : i32
          %dma_start3A_109 = arith.constant 0 : i32
          %dma_start3A_110 = arith.constant 0 : i32
          %dma_start3A_111 = arith.constant 0 : i32
          %dma_start3A_112 = tpu.memref_slice %arg8[%dma_start3A_109, %dma_start3A_110, %dma_start3A_111] : memref<2x80x128xf32, #tpu.memory_space<vmem>> -> memref<1x80x128xf32, #tpu.memory_space<vmem>>
          %dma_start3A_113 = tpu.memref_squeeze %dma_start3A_112 : memref<1x80x128xf32, #tpu.memory_space<vmem>> -> memref<80x128xf32, #tpu.memory_space<vmem>>
          %dma_start3A_114 = arith.constant 0 : i32
          %dma_start3A_115 = tpu.memref_slice %arg6[%add3A_108, %dma_start3A_114] : memref<16x80xi32, #tpu.memory_space<vmem>> -> memref<1x80xi32, #tpu.memory_space<vmem>>
          %dma_start3A_116 = tpu.memref_squeeze %dma_start3A_115 : memref<1x80xi32, #tpu.memory_space<vmem>> -> memref<80xi32, #tpu.memory_space<vmem>>
          %dma_start3A_117 = arith.constant 0 : i32
          %dma_start3A_118 = arith.constant 0 : i32
          %dma_start3A_119 = tpu.memref_slice %arg2[%dma_start3A_117, %dma_start3A_118] : memref<10000x128xf32, #tpu.memory_space<hbm>> -> memref<10000x128xf32, #tpu.memory_space<hbm>>
          tpu.enqueue_indirect_dma source(%dma_start3A_119 : memref<10000x128xf32, #tpu.memory_space<hbm>>) target(%dma_start3A_113 : memref<80x128xf32, #tpu.memory_space<vmem>>) offsets(%dma_start3A_116 : memref<80xi32, #tpu.memory_space<vmem>>) semaphore(%arg11 : memref<!tpu.dma_semaphore, #tpu.memory_space<semaphore_mem>>)
        } else {
        }
        %mul3A_84 = arith.constant 2 : i32
        %mul3A_85 = arith.muli %mul3A_84, %scan3A_51 : i32
        %add3A_86 = arith.constant 1 : i32
        %add3A_87 = arith.addi %mul3A_85, %add3A_86 : i32
        %dma_wait3A_88 = arith.constant 1 : i32
        %dma_wait3A_89 = arith.constant 0 : i32
        %dma_wait3A_90 = arith.constant 0 : i32
        %dma_wait3A_91 = tpu.memref_slice %arg8[%dma_wait3A_88, %dma_wait3A_89, %dma_wait3A_90] : memref<2x80x128xf32, #tpu.memory_space<vmem>> -> memref<1x80x128xf32, #tpu.memory_space<vmem>>
        %dma_wait3A_92 = tpu.memref_squeeze %dma_wait3A_91 : memref<1x80x128xf32, #tpu.memory_space<vmem>> -> memref<80x128xf32, #tpu.memory_space<vmem>>
        %dma_wait3A_93 = arith.constant 0 : i32
        %dma_wait3A_94 = tpu.memref_slice %arg6[%add3A_87, %dma_wait3A_93] : memref<16x80xi32, #tpu.memory_space<vmem>> -> memref<1x80xi32, #tpu.memory_space<vmem>>
        %dma_wait3A_95 = tpu.memref_squeeze %dma_wait3A_94 : memref<1x80xi32, #tpu.memory_space<vmem>> -> memref<80xi32, #tpu.memory_space<vmem>>
        %dma_wait3A_96 = arith.constant 0 : i32
        %dma_wait3A_97 = arith.constant 0 : i32
        %dma_wait3A_98 = tpu.memref_slice %arg2[%dma_wait3A_96, %dma_wait3A_97] : memref<10000x128xf32, #tpu.memory_space<hbm>> -> memref<10000x128xf32, #tpu.memory_space<hbm>>
        tpu.wait_indirect_dma semaphore(%arg12 : memref<!tpu.dma_semaphore, #tpu.memory_space<semaphore_mem>>) src(%dma_wait3A_98 : memref<10000x128xf32, #tpu.memory_space<hbm>>) dst(%dma_wait3A_92 : memref<80x128xf32, #tpu.memory_space<vmem>>)
        %mul3A_99 = arith.constant 2 : i32
        %mul3A_100 = arith.muli %mul3A_99, %scan3A_51 : i32
        %add3A_101 = arith.constant 1 : i32
        %add3A_102 = arith.addi %mul3A_100, %add3A_101 : i32
        %run_scoped3A_103 = arith.constant 1 : i32
        "tpu.region"() ({
          %run_scoped3A_105 = tpu.sem_alloc : memref<!tpu.dma_semaphore, #tpu.memory_space<semaphore_mem>>
          %dma_start3A_106 = arith.constant 0 : i32
          %dma_start3A_107 = arith.constant 0 : i32
          %dma_start3A_108 = tpu.memref_slice %arg8[%run_scoped3A_103, %dma_start3A_106, %dma_start3A_107] : memref<2x80x128xf32, #tpu.memory_space<vmem>> -> memref<1x80x128xf32, #tpu.memory_space<vmem>>
          %dma_start3A_109 = tpu.memref_squeeze %dma_start3A_108 : memref<1x80x128xf32, #tpu.memory_space<vmem>> -> memref<80x128xf32, #tpu.memory_space<vmem>>
          %dma_start3A_110 = arith.constant 0 : i32
          %dma_start3A_111 = tpu.memref_slice %arg7[%add3A_102, %dma_start3A_110] : memref<16x80xi32, #tpu.memory_space<vmem>> -> memref<1x80xi32, #tpu.memory_space<vmem>>
          %dma_start3A_112 = tpu.memref_squeeze %dma_start3A_111 : memref<1x80xi32, #tpu.memory_space<vmem>> -> memref<80xi32, #tpu.memory_space<vmem>>
          %dma_start3A_113 = arith.constant 0 : i32
          %dma_start3A_114 = arith.constant 0 : i32
          %dma_start3A_115 = tpu.memref_slice %arg10[%dma_start3A_113, %dma_start3A_114] : memref<10240x128xf32, #tpu.memory_space<vmem_shared>> -> memref<10240x128xf32, #tpu.memory_space<vmem_shared>>
          tpu.enqueue_indirect_dma source(%dma_start3A_109 : memref<80x128xf32, #tpu.memory_space<vmem>>) target(%dma_start3A_115 : memref<10240x128xf32, #tpu.memory_space<vmem_shared>>) offsets(%dma_start3A_112 : memref<80xi32, #tpu.memory_space<vmem>>) semaphore(%run_scoped3A_105 : memref<!tpu.dma_semaphore, #tpu.memory_space<semaphore_mem>>) {add = true}
          %dma_wait3A_116 = arith.constant 0 : i32
          %dma_wait3A_117 = arith.constant 0 : i32
          %dma_wait3A_118 = tpu.memref_slice %arg8[%run_scoped3A_103, %dma_wait3A_116, %dma_wait3A_117] : memref<2x80x128xf32, #tpu.memory_space<vmem>> -> memref<1x80x128xf32, #tpu.memory_space<vmem>>
          %dma_wait3A_119 = tpu.memref_squeeze %dma_wait3A_118 : memref<1x80x128xf32, #tpu.memory_space<vmem>> -> memref<80x128xf32, #tpu.memory_space<vmem>>
          %dma_wait3A_120 = arith.constant 0 : i32
          %dma_wait3A_121 = tpu.memref_slice %arg7[%add3A_102, %dma_wait3A_120] : memref<16x80xi32, #tpu.memory_space<vmem>> -> memref<1x80xi32, #tpu.memory_space<vmem>>
          %dma_wait3A_122 = tpu.memref_squeeze %dma_wait3A_121 : memref<1x80xi32, #tpu.memory_space<vmem>> -> memref<80xi32, #tpu.memory_space<vmem>>
          %dma_wait3A_123 = arith.constant 0 : i32
          %dma_wait3A_124 = arith.constant 0 : i32
          %dma_wait3A_125 = tpu.memref_slice %arg10[%dma_wait3A_123, %dma_wait3A_124] : memref<10240x128xf32, #tpu.memory_space<vmem_shared>> -> memref<10240x128xf32, #tpu.memory_space<vmem_shared>>
          tpu.wait_indirect_dma semaphore(%run_scoped3A_105 : memref<!tpu.dma_semaphore, #tpu.memory_space<semaphore_mem>>) src(%dma_wait3A_119 : memref<80x128xf32, #tpu.memory_space<vmem>>) dst(%dma_wait3A_125 : memref<10240x128xf32, #tpu.memory_space<vmem_shared>>)
          tpu.yield
        }) : () -> ()
        %scan3A_104 = arith.constant 0 : i32
        scf.yield %scan3A_104 : i32
      }
      %scan3A_49 = arith.constant 8 : i32
      %scan3A_50 = arith.constant 0 : i32
      scf.yield %scan3A_50 : i32
    }
    %scan3A_21 = arith.constant 8 : i32
    %barrier3A_22 = arith.constant 0 : index
    tpu.barrier barrier_id(%barrier3A_22)
    %scan3A_23 = arith.constant 0 : i32
    %scan3A_24 = arith.constant 0 : i32
    %scan3A_25 = arith.constant 10 : i32
    %scan3A_26 = arith.addi %scan3A_24, %scan3A_25 : i32
    %scan3A_27 = arith.constant 1 : i32
    %scan3A_28 = scf.for %scan3A_30 = %scan3A_24 to %scan3A_26 step %scan3A_27 iter_args(%scan3A_31 = %scan3A_23) -> (i32)  : i32 {
      %mul3A_32 = arith.constant 640 : i32
      %mul3A_33 = arith.muli %arg1, %mul3A_32 : i32
      %mul3A_34 = arith.constant 64 : i32
      %mul3A_35 = arith.muli %scan3A_30, %mul3A_34 : i32
      %add3A_36 = arith.addi %mul3A_33, %mul3A_35 : i32
      "tpu.region"() ({
        %run_scoped3A = tpu.sem_alloc : memref<!tpu.dma_semaphore, #tpu.memory_space<semaphore_mem>>
        %dma_start3A = arith.constant 0 : i32
        %dma_start3A_38 = tpu.memref_slice %arg10[%add3A_36, %dma_start3A] : memref<10240x128xf32, #tpu.memory_space<vmem_shared>> -> memref<64x128xf32, #tpu.memory_space<vmem_shared>>
        %dma_start3A_39 = arith.constant 0 : i32
        %dma_start3A_40 = tpu.memref_slice %arg10[%add3A_36, %dma_start3A_39] : memref<10240x128xf32, #tpu.memory_space<vmem_shared>> -> memref<64x128xf32, #tpu.memory_space<vmem_shared>>
        tpu.enqueue_dma source(%dma_start3A_40 : memref<64x128xf32, #tpu.memory_space<vmem_shared>>) target(%arg9 : memref<64x128xf32, #tpu.memory_space<vmem>>) target_semaphore(%run_scoped3A : memref<!tpu.dma_semaphore, #tpu.memory_space<semaphore_mem>>)
        %dma_wait3A = arith.constant 0 : i32
        %dma_wait3A_41 = tpu.memref_slice %arg10[%add3A_36, %dma_wait3A] : memref<10240x128xf32, #tpu.memory_space<vmem_shared>> -> memref<64x128xf32, #tpu.memory_space<vmem_shared>>
        %dma_wait3A_42 = arith.constant 0 : i32
        %dma_wait3A_43 = tpu.memref_slice %arg10[%add3A_36, %dma_wait3A_42] : memref<10240x128xf32, #tpu.memory_space<vmem_shared>> -> memref<64x128xf32, #tpu.memory_space<vmem_shared>>
        tpu.wait_dma2 semaphore(%run_scoped3A : memref<!tpu.dma_semaphore, #tpu.memory_space<semaphore_mem>>) src(%dma_wait3A_43 : memref<64x128xf32, #tpu.memory_space<vmem_shared>>) dst(%arg9 : memref<64x128xf32, #tpu.memory_space<vmem>>)
        tpu.yield
      }) : () -> ()
      "tpu.region"() ({
        %run_scoped3A = tpu.sem_alloc : memref<!tpu.dma_semaphore, #tpu.memory_space<semaphore_mem>>
        %dma_start3A = arith.constant 0 : i32
        %dma_start3A_38 = tpu.memref_slice %arg5[%arg0, %add3A_36, %dma_start3A] : memref<2x10240x128xf32, #tpu.memory_space<hbm>> -> memref<1x64x128xf32, #tpu.memory_space<hbm>>
        %dma_start3A_39 = tpu.memref_squeeze %dma_start3A_38 : memref<1x64x128xf32, #tpu.memory_space<hbm>> -> memref<64x128xf32, #tpu.memory_space<hbm>>
        %dma_start3A_40 = arith.constant 0 : i32
        %dma_start3A_41 = tpu.memref_slice %arg5[%arg0, %add3A_36, %dma_start3A_40] : memref<2x10240x128xf32, #tpu.memory_space<hbm>> -> memref<1x64x128xf32, #tpu.memory_space<hbm>>
        %dma_start3A_42 = tpu.memref_squeeze %dma_start3A_41 : memref<1x64x128xf32, #tpu.memory_space<hbm>> -> memref<64x128xf32, #tpu.memory_space<hbm>>
        tpu.enqueue_dma source(%arg9 : memref<64x128xf32, #tpu.memory_space<vmem>>) target(%dma_start3A_42 : memref<64x128xf32, #tpu.memory_space<hbm>>) target_semaphore(%run_scoped3A : memref<!tpu.dma_semaphore, #tpu.memory_space<semaphore_mem>>)
        %dma_wait3A = arith.constant 0 : i32
        %dma_wait3A_43 = tpu.memref_slice %arg5[%arg0, %add3A_36, %dma_wait3A] : memref<2x10240x128xf32, #tpu.memory_space<hbm>> -> memref<1x64x128xf32, #tpu.memory_space<hbm>>
        %dma_wait3A_44 = tpu.memref_squeeze %dma_wait3A_43 : memref<1x64x128xf32, #tpu.memory_space<hbm>> -> memref<64x128xf32, #tpu.memory_space<hbm>>
        %dma_wait3A_45 = arith.constant 0 : i32
        %dma_wait3A_46 = tpu.memref_slice %arg5[%arg0, %add3A_36, %dma_wait3A_45] : memref<2x10240x128xf32, #tpu.memory_space<hbm>> -> memref<1x64x128xf32, #tpu.memory_space<hbm>>
        %dma_wait3A_47 = tpu.memref_squeeze %dma_wait3A_46 : memref<1x64x128xf32, #tpu.memory_space<hbm>> -> memref<64x128xf32, #tpu.memory_space<hbm>>
        tpu.wait_dma2 semaphore(%run_scoped3A : memref<!tpu.dma_semaphore, #tpu.memory_space<semaphore_mem>>) src(%arg9 : memref<64x128xf32, #tpu.memory_space<vmem>>) dst(%dma_wait3A_47 : memref<64x128xf32, #tpu.memory_space<hbm>>)
        tpu.yield
      }) : () -> ()
      %scan3A_37 = arith.constant 0 : i32
      scf.yield %scan3A_37 : i32
    }
    %scan3A_29 = arith.constant 10 : i32
    return
  }
}

#map = affine_map<(d0, d1) -> (0, 0)>
#map1 = affine_map<(d0, d1) -> (0, 0, 0, 0)>
#map2 = affine_map<(d0, d1) -> (0, 0, 0)>
module attributes {stable_mosaic.version = 14 : i64} {
  func.func @_agg_body(%arg0: i32, %arg1: i32, %arg2: memref<10000x128xf32, #tpu.memory_space<hbm>>, %arg3: memref<32x8x16x80xi32, #tpu.memory_space<hbm>>, %arg4: memref<32x8x16x80xi32, #tpu.memory_space<hbm>>, %arg5: memref<2x10240x128xf32, #tpu.memory_space<hbm>>, %arg6: memref<16x80xi32, #tpu.memory_space<vmem>>, %arg7: memref<16x80xi32, #tpu.memory_space<vmem>>, %arg8: memref<2x80x128xf32, #tpu.memory_space<vmem>>, %arg9: memref<64x128xf32, #tpu.memory_space<vmem>>, %arg10: memref<10240x128xf32, #tpu.memory_space<vmem_shared>>, %arg11: memref<!tpu.dma_semaphore, #tpu.memory_space<semaphore_mem>>, %arg12: memref<!tpu.dma_semaphore, #tpu.memory_space<semaphore_mem>>) attributes {dimension_semantics = [#tpu.dimension_semantics<core_parallel>, #tpu.dimension_semantics<subcore_parallel>], iteration_bounds = array<i64: 2, 16>, scalar_prefetch = 0 : i64, scratch_operands = 7 : i64, tpu.core_type = #tpu.core_type<sc_vector_subcore>, window_params = [{transform_indices = #map}, {transform_indices = #map1}, {transform_indices = #map1}, {transform_indices = #map2}]} {
    %mul3A = arith.constant 16 : i32
    %mul3A_0 = arith.muli %arg0, %mul3A : i32
    %add3A = arith.addi %mul3A_0, %arg1 : i32
    %broadcast_in_dim3A = arith.constant 0.000000e+00 : f32
    %broadcast_in_dim3A_1 = vector.broadcast %broadcast_in_dim3A : f32 to vector<16xf32>
    %scan3A = arith.constant 0 : i32
    %scan3A_2 = arith.constant 0 : i32
    %scan3A_3 = arith.constant 64 : i32
    %scan3A_4 = arith.addi %scan3A_2, %scan3A_3 : i32
    %scan3A_5 = arith.constant 1 : i32
    %scan3A_6 = scf.for %scan3A_30 = %scan3A_2 to %scan3A_4 step %scan3A_5 iter_args(%scan3A_31 = %scan3A) -> (i32)  : i32 {
      %swap3A = arith.index_cast %scan3A_30 : i32 to index
      %swap3A_32 = arith.constant 0 : index
      %swap3A_33 = tpu.vector_load %arg9[%swap3A, %swap3A_32] {strides = array<i32>} : memref<64x128xf32, #tpu.memory_space<vmem>>, vector<1x16xf32>,
      %swap3A_34 = vector.shape_cast %swap3A_33 : vector<1x16xf32> to vector<16xf32>
      %swap3A_35 = vector.shape_cast %broadcast_in_dim3A_1 : vector<16xf32> to vector<1x16xf32>
      tpu.vector_store %arg9[%swap3A, %swap3A_32], %swap3A_35 {strides = array<i32>} : memref<64x128xf32, #tpu.memory_space<vmem>>, vector<1x16xf32>,
      %swap3A_36 = arith.index_cast %scan3A_30 : i32 to index
      %swap3A_37 = arith.constant 16 : index
      %swap3A_38 = tpu.vector_load %arg9[%swap3A_36, %swap3A_37] {strides = array<i32>} : memref<64x128xf32, #tpu.memory_space<vmem>>, vector<1x16xf32>,
      %swap3A_39 = vector.shape_cast %swap3A_38 : vector<1x16xf32> to vector<16xf32>
      %swap3A_40 = vector.shape_cast %broadcast_in_dim3A_1 : vector<16xf32> to vector<1x16xf32>
      tpu.vector_store %arg9[%swap3A_36, %swap3A_37], %swap3A_40 {strides = array<i32>} : memref<64x128xf32, #tpu.memory_space<vmem>>, vector<1x16xf32>,
      %swap3A_41 = arith.index_cast %scan3A_30 : i32 to index
      %swap3A_42 = arith.constant 32 : index
      %swap3A_43 = tpu.vector_load %arg9[%swap3A_41, %swap3A_42] {strides = array<i32>} : memref<64x128xf32, #tpu.memory_space<vmem>>, vector<1x16xf32>,
      %swap3A_44 = vector.shape_cast %swap3A_43 : vector<1x16xf32> to vector<16xf32>
      %swap3A_45 = vector.shape_cast %broadcast_in_dim3A_1 : vector<16xf32> to vector<1x16xf32>
      tpu.vector_store %arg9[%swap3A_41, %swap3A_42], %swap3A_45 {strides = array<i32>} : memref<64x128xf32, #tpu.memory_space<vmem>>, vector<1x16xf32>,
      %swap3A_46 = arith.index_cast %scan3A_30 : i32 to index
      %swap3A_47 = arith.constant 48 : index
      %swap3A_48 = tpu.vector_load %arg9[%swap3A_46, %swap3A_47] {strides = array<i32>} : memref<64x128xf32, #tpu.memory_space<vmem>>, vector<1x16xf32>,
      %swap3A_49 = vector.shape_cast %swap3A_48 : vector<1x16xf32> to vector<16xf32>
      %swap3A_50 = vector.shape_cast %broadcast_in_dim3A_1 : vector<16xf32> to vector<1x16xf32>
      tpu.vector_store %arg9[%swap3A_46, %swap3A_47], %swap3A_50 {strides = array<i32>} : memref<64x128xf32, #tpu.memory_space<vmem>>, vector<1x16xf32>,
      %swap3A_51 = arith.index_cast %scan3A_30 : i32 to index
      %swap3A_52 = arith.constant 64 : index
      %swap3A_53 = tpu.vector_load %arg9[%swap3A_51, %swap3A_52] {strides = array<i32>} : memref<64x128xf32, #tpu.memory_space<vmem>>, vector<1x16xf32>,
      %swap3A_54 = vector.shape_cast %swap3A_53 : vector<1x16xf32> to vector<16xf32>
      %swap3A_55 = vector.shape_cast %broadcast_in_dim3A_1 : vector<16xf32> to vector<1x16xf32>
      tpu.vector_store %arg9[%swap3A_51, %swap3A_52], %swap3A_55 {strides = array<i32>} : memref<64x128xf32, #tpu.memory_space<vmem>>, vector<1x16xf32>,
      %swap3A_56 = arith.index_cast %scan3A_30 : i32 to index
      %swap3A_57 = arith.constant 80 : index
      %swap3A_58 = tpu.vector_load %arg9[%swap3A_56, %swap3A_57] {strides = array<i32>} : memref<64x128xf32, #tpu.memory_space<vmem>>, vector<1x16xf32>,
      %swap3A_59 = vector.shape_cast %swap3A_58 : vector<1x16xf32> to vector<16xf32>
      %swap3A_60 = vector.shape_cast %broadcast_in_dim3A_1 : vector<16xf32> to vector<1x16xf32>
      tpu.vector_store %arg9[%swap3A_56, %swap3A_57], %swap3A_60 {strides = array<i32>} : memref<64x128xf32, #tpu.memory_space<vmem>>, vector<1x16xf32>,
      %swap3A_61 = arith.index_cast %scan3A_30 : i32 to index
      %swap3A_62 = arith.constant 96 : index
      %swap3A_63 = tpu.vector_load %arg9[%swap3A_61, %swap3A_62] {strides = array<i32>} : memref<64x128xf32, #tpu.memory_space<vmem>>, vector<1x16xf32>,
      %swap3A_64 = vector.shape_cast %swap3A_63 : vector<1x16xf32> to vector<16xf32>
      %swap3A_65 = vector.shape_cast %broadcast_in_dim3A_1 : vector<16xf32> to vector<1x16xf32>
      tpu.vector_store %arg9[%swap3A_61, %swap3A_62], %swap3A_65 {strides = array<i32>} : memref<64x128xf32, #tpu.memory_space<vmem>>, vector<1x16xf32>,
      %swap3A_66 = arith.index_cast %scan3A_30 : i32 to index
      %swap3A_67 = arith.constant 112 : index
      %swap3A_68 = tpu.vector_load %arg9[%swap3A_66, %swap3A_67] {strides = array<i32>} : memref<64x128xf32, #tpu.memory_space<vmem>>, vector<1x16xf32>,
      %swap3A_69 = vector.shape_cast %swap3A_68 : vector<1x16xf32> to vector<16xf32>
      %swap3A_70 = vector.shape_cast %broadcast_in_dim3A_1 : vector<16xf32> to vector<1x16xf32>
      tpu.vector_store %arg9[%swap3A_66, %swap3A_67], %swap3A_70 {strides = array<i32>} : memref<64x128xf32, #tpu.memory_space<vmem>>, vector<1x16xf32>,
      %scan3A_71 = arith.constant 0 : i32
      scf.yield %scan3A_71 : i32
    }
    %scan3A_7 = arith.constant 64 : i32
    %scan3A_8 = arith.constant 0 : i32
    %scan3A_9 = arith.constant 0 : i32
    %scan3A_10 = arith.constant 10 : i32
    %scan3A_11 = arith.addi %scan3A_9, %scan3A_10 : i32
    %scan3A_12 = arith.constant 1 : i32
    %scan3A_13 = scf.for %scan3A_30 = %scan3A_9 to %scan3A_11 step %scan3A_12 iter_args(%scan3A_31 = %scan3A_8) -> (i32)  : i32 {
      %mul3A_32 = arith.constant 640 : i32
      %mul3A_33 = arith.muli %arg1, %mul3A_32 : i32
      %mul3A_34 = arith.constant 64 : i32
      %mul3A_35 = arith.muli %scan3A_30, %mul3A_34 : i32
      %add3A_36 = arith.addi %mul3A_33, %mul3A_35 : i32
      "tpu.region"() ({
        %run_scoped3A = tpu.sem_alloc : memref<!tpu.dma_semaphore, #tpu.memory_space<semaphore_mem>>
        %dma_start3A = arith.constant 0 : i32
        %dma_start3A_38 = tpu.memref_slice %arg10[%add3A_36, %dma_start3A] : memref<10240x128xf32, #tpu.memory_space<vmem_shared>> -> memref<64x128xf32, #tpu.memory_space<vmem_shared>>
        %dma_start3A_39 = arith.constant 0 : i32
        %dma_start3A_40 = tpu.memref_slice %arg10[%add3A_36, %dma_start3A_39] : memref<10240x128xf32, #tpu.memory_space<vmem_shared>> -> memref<64x128xf32, #tpu.memory_space<vmem_shared>>
        tpu.enqueue_dma source(%arg9 : memref<64x128xf32, #tpu.memory_space<vmem>>) target(%dma_start3A_40 : memref<64x128xf32, #tpu.memory_space<vmem_shared>>) target_semaphore(%run_scoped3A : memref<!tpu.dma_semaphore, #tpu.memory_space<semaphore_mem>>)
        %dma_wait3A = arith.constant 0 : i32
        %dma_wait3A_41 = tpu.memref_slice %arg10[%add3A_36, %dma_wait3A] : memref<10240x128xf32, #tpu.memory_space<vmem_shared>> -> memref<64x128xf32, #tpu.memory_space<vmem_shared>>
        %dma_wait3A_42 = arith.constant 0 : i32
        %dma_wait3A_43 = tpu.memref_slice %arg10[%add3A_36, %dma_wait3A_42] : memref<10240x128xf32, #tpu.memory_space<vmem_shared>> -> memref<64x128xf32, #tpu.memory_space<vmem_shared>>
        tpu.wait_dma2 semaphore(%run_scoped3A : memref<!tpu.dma_semaphore, #tpu.memory_space<semaphore_mem>>) src(%arg9 : memref<64x128xf32, #tpu.memory_space<vmem>>) dst(%dma_wait3A_43 : memref<64x128xf32, #tpu.memory_space<vmem_shared>>)
        tpu.yield
      }) : () -> ()
      %scan3A_37 = arith.constant 0 : i32
      scf.yield %scan3A_37 : i32
    }
    %scan3A_14 = arith.constant 10 : i32
    %barrier3A = arith.constant 0 : index
    tpu.barrier barrier_id(%barrier3A)
    %scan3A_15 = arith.constant 0 : i32
    %scan3A_16 = arith.constant 0 : i32
    %scan3A_17 = arith.constant 8 : i32
    %scan3A_18 = arith.addi %scan3A_16, %scan3A_17 : i32
    %scan3A_19 = arith.constant 1 : i32
    %scan3A_20 = scf.for %scan3A_30 = %scan3A_16 to %scan3A_18 step %scan3A_19 iter_args(%scan3A_31 = %scan3A_15) -> (i32)  : i32 {
      "tpu.region"() ({
        %run_scoped3A = tpu.sem_alloc : memref<!tpu.dma_semaphore, #tpu.memory_space<semaphore_mem>>
        %dma_start3A_51 = arith.constant 0 : i32
        %dma_start3A_52 = arith.constant 0 : i32
        %dma_start3A_53 = tpu.memref_slice %arg3[%add3A, %scan3A_30, %dma_start3A_51, %dma_start3A_52] : memref<32x8x16x80xi32, #tpu.memory_space<hbm>> -> memref<1x1x16x80xi32, #tpu.memory_space<hbm>>
        %dma_start3A_54 = tpu.memref_squeeze %dma_start3A_53 : memref<1x1x16x80xi32, #tpu.memory_space<hbm>> -> memref<16x80xi32, #tpu.memory_space<hbm>>
        %dma_start3A_55 = arith.constant 0 : i32
        %dma_start3A_56 = arith.constant 0 : i32
        %dma_start3A_57 = tpu.memref_slice %arg3[%add3A, %scan3A_30, %dma_start3A_55, %dma_start3A_56] : memref<32x8x16x80xi32, #tpu.memory_space<hbm>> -> memref<1x1x16x80xi32, #tpu.memory_space<hbm>>
        %dma_start3A_58 = tpu.memref_squeeze %dma_start3A_57 : memref<1x1x16x80xi32, #tpu.memory_space<hbm>> -> memref<16x80xi32, #tpu.memory_space<hbm>>
        tpu.enqueue_dma source(%dma_start3A_58 : memref<16x80xi32, #tpu.memory_space<hbm>>) target(%arg6 : memref<16x80xi32, #tpu.memory_space<vmem>>) target_semaphore(%run_scoped3A : memref<!tpu.dma_semaphore, #tpu.memory_space<semaphore_mem>>)
        %dma_wait3A = arith.constant 0 : i32
        %dma_wait3A_59 = arith.constant 0 : i32
        %dma_wait3A_60 = tpu.memref_slice %arg3[%add3A, %scan3A_30, %dma_wait3A, %dma_wait3A_59] : memref<32x8x16x80xi32, #tpu.memory_space<hbm>> -> memref<1x1x16x80xi32, #tpu.memory_space<hbm>>
        %dma_wait3A_61 = tpu.memref_squeeze %dma_wait3A_60 : memref<1x1x16x80xi32, #tpu.memory_space<hbm>> -> memref<16x80xi32, #tpu.memory_space<hbm>>
        %dma_wait3A_62 = arith.constant 0 : i32
        %dma_wait3A_63 = arith.constant 0 : i32
        %dma_wait3A_64 = tpu.memref_slice %arg3[%add3A, %scan3A_30, %dma_wait3A_62, %dma_wait3A_63] : memref<32x8x16x80xi32, #tpu.memory_space<hbm>> -> memref<1x1x16x80xi32, #tpu.memory_space<hbm>>
        %dma_wait3A_65 = tpu.memref_squeeze %dma_wait3A_64 : memref<1x1x16x80xi32, #tpu.memory_space<hbm>> -> memref<16x80xi32, #tpu.memory_space<hbm>>
        tpu.wait_dma2 semaphore(%run_scoped3A : memref<!tpu.dma_semaphore, #tpu.memory_space<semaphore_mem>>) src(%dma_wait3A_65 : memref<16x80xi32, #tpu.memory_space<hbm>>) dst(%arg6 : memref<16x80xi32, #tpu.memory_space<vmem>>)
        tpu.yield
      }) : () -> ()
      "tpu.region"() ({
        %run_scoped3A = tpu.sem_alloc : memref<!tpu.dma_semaphore, #tpu.memory_space<semaphore_mem>>
        %dma_start3A_51 = arith.constant 0 : i32
        %dma_start3A_52 = arith.constant 0 : i32
        %dma_start3A_53 = tpu.memref_slice %arg4[%add3A, %scan3A_30, %dma_start3A_51, %dma_start3A_52] : memref<32x8x16x80xi32, #tpu.memory_space<hbm>> -> memref<1x1x16x80xi32, #tpu.memory_space<hbm>>
        %dma_start3A_54 = tpu.memref_squeeze %dma_start3A_53 : memref<1x1x16x80xi32, #tpu.memory_space<hbm>> -> memref<16x80xi32, #tpu.memory_space<hbm>>
        %dma_start3A_55 = arith.constant 0 : i32
        %dma_start3A_56 = arith.constant 0 : i32
        %dma_start3A_57 = tpu.memref_slice %arg4[%add3A, %scan3A_30, %dma_start3A_55, %dma_start3A_56] : memref<32x8x16x80xi32, #tpu.memory_space<hbm>> -> memref<1x1x16x80xi32, #tpu.memory_space<hbm>>
        %dma_start3A_58 = tpu.memref_squeeze %dma_start3A_57 : memref<1x1x16x80xi32, #tpu.memory_space<hbm>> -> memref<16x80xi32, #tpu.memory_space<hbm>>
        tpu.enqueue_dma source(%dma_start3A_58 : memref<16x80xi32, #tpu.memory_space<hbm>>) target(%arg7 : memref<16x80xi32, #tpu.memory_space<vmem>>) target_semaphore(%run_scoped3A : memref<!tpu.dma_semaphore, #tpu.memory_space<semaphore_mem>>)
        %dma_wait3A = arith.constant 0 : i32
        %dma_wait3A_59 = arith.constant 0 : i32
        %dma_wait3A_60 = tpu.memref_slice %arg4[%add3A, %scan3A_30, %dma_wait3A, %dma_wait3A_59] : memref<32x8x16x80xi32, #tpu.memory_space<hbm>> -> memref<1x1x16x80xi32, #tpu.memory_space<hbm>>
        %dma_wait3A_61 = tpu.memref_squeeze %dma_wait3A_60 : memref<1x1x16x80xi32, #tpu.memory_space<hbm>> -> memref<16x80xi32, #tpu.memory_space<hbm>>
        %dma_wait3A_62 = arith.constant 0 : i32
        %dma_wait3A_63 = arith.constant 0 : i32
        %dma_wait3A_64 = tpu.memref_slice %arg4[%add3A, %scan3A_30, %dma_wait3A_62, %dma_wait3A_63] : memref<32x8x16x80xi32, #tpu.memory_space<hbm>> -> memref<1x1x16x80xi32, #tpu.memory_space<hbm>>
        %dma_wait3A_65 = tpu.memref_squeeze %dma_wait3A_64 : memref<1x1x16x80xi32, #tpu.memory_space<hbm>> -> memref<16x80xi32, #tpu.memory_space<hbm>>
        tpu.wait_dma2 semaphore(%run_scoped3A : memref<!tpu.dma_semaphore, #tpu.memory_space<semaphore_mem>>) src(%dma_wait3A_65 : memref<16x80xi32, #tpu.memory_space<hbm>>) dst(%arg7 : memref<16x80xi32, #tpu.memory_space<vmem>>)
        tpu.yield
      }) : () -> ()
      %dma_start3A = arith.constant 0 : i32
      %dma_start3A_32 = arith.constant 0 : i32
      %dma_start3A_33 = arith.constant 0 : i32
      %dma_start3A_34 = arith.constant 0 : i32
      %dma_start3A_35 = tpu.memref_slice %arg8[%dma_start3A_32, %dma_start3A_33, %dma_start3A_34] : memref<2x80x128xf32, #tpu.memory_space<vmem>> -> memref<1x80x128xf32, #tpu.memory_space<vmem>>
      %dma_start3A_36 = tpu.memref_squeeze %dma_start3A_35 : memref<1x80x128xf32, #tpu.memory_space<vmem>> -> memref<80x128xf32, #tpu.memory_space<vmem>>
      %dma_start3A_37 = arith.constant 0 : i32
      %dma_start3A_38 = tpu.memref_slice %arg6[%dma_start3A, %dma_start3A_37] : memref<16x80xi32, #tpu.memory_space<vmem>> -> memref<1x80xi32, #tpu.memory_space<vmem>>
      %dma_start3A_39 = tpu.memref_squeeze %dma_start3A_38 : memref<1x80xi32, #tpu.memory_space<vmem>> -> memref<80xi32, #tpu.memory_space<vmem>>
      %dma_start3A_40 = arith.constant 0 : i32
      %dma_start3A_41 = arith.constant 0 : i32
      %dma_start3A_42 = tpu.memref_slice %arg2[%dma_start3A_40, %dma_start3A_41] : memref<10000x128xf32, #tpu.memory_space<hbm>> -> memref<10000x128xf32, #tpu.memory_space<hbm>>
      tpu.enqueue_indirect_dma source(%dma_start3A_42 : memref<10000x128xf32, #tpu.memory_space<hbm>>) target(%dma_start3A_36 : memref<80x128xf32, #tpu.memory_space<vmem>>) offsets(%dma_start3A_39 : memref<80xi32, #tpu.memory_space<vmem>>) semaphore(%arg11 : memref<!tpu.dma_semaphore, #tpu.memory_space<semaphore_mem>>)
      %scan3A_43 = arith.constant 0 : i32
      %scan3A_44 = arith.constant 0 : i32
      %scan3A_45 = arith.constant 8 : i32
      %scan3A_46 = arith.addi %scan3A_44, %scan3A_45 : i32
      %scan3A_47 = arith.constant 1 : i32
      %scan3A_48 = scf.for %scan3A_51 = %scan3A_44 to %scan3A_46 step %scan3A_47 iter_args(%scan3A_52 = %scan3A_43) -> (i32)  : i32 {
        %mul3A_53 = arith.constant 2 : i32
        %mul3A_54 = arith.muli %mul3A_53, %scan3A_51 : i32
        %add3A_55 = arith.constant 1 : i32
        %add3A_56 = arith.addi %mul3A_54, %add3A_55 : i32
        %dma_start3A_57 = arith.constant 1 : i32
        %dma_start3A_58 = arith.constant 0 : i32
        %dma_start3A_59 = arith.constant 0 : i32
        %dma_start3A_60 = tpu.memref_slice %arg8[%dma_start3A_57, %dma_start3A_58, %dma_start3A_59] : memref<2x80x128xf32, #tpu.memory_space<vmem>> -> memref<1x80x128xf32, #tpu.memory_space<vmem>>
        %dma_start3A_61 = tpu.memref_squeeze %dma_start3A_60 : memref<1x80x128xf32, #tpu.memory_space<vmem>> -> memref<80x128xf32, #tpu.memory_space<vmem>>
        %dma_start3A_62 = arith.constant 0 : i32
        %dma_start3A_63 = tpu.memref_slice %arg6[%add3A_56, %dma_start3A_62] : memref<16x80xi32, #tpu.memory_space<vmem>> -> memref<1x80xi32, #tpu.memory_space<vmem>>
        %dma_start3A_64 = tpu.memref_squeeze %dma_start3A_63 : memref<1x80xi32, #tpu.memory_space<vmem>> -> memref<80xi32, #tpu.memory_space<vmem>>
        %dma_start3A_65 = arith.constant 0 : i32
        %dma_start3A_66 = arith.constant 0 : i32
        %dma_start3A_67 = tpu.memref_slice %arg2[%dma_start3A_65, %dma_start3A_66] : memref<10000x128xf32, #tpu.memory_space<hbm>> -> memref<10000x128xf32, #tpu.memory_space<hbm>>
        tpu.enqueue_indirect_dma source(%dma_start3A_67 : memref<10000x128xf32, #tpu.memory_space<hbm>>) target(%dma_start3A_61 : memref<80x128xf32, #tpu.memory_space<vmem>>) offsets(%dma_start3A_64 : memref<80xi32, #tpu.memory_space<vmem>>) semaphore(%arg12 : memref<!tpu.dma_semaphore, #tpu.memory_space<semaphore_mem>>)
        %mul3A_68 = arith.constant 2 : i32
        %mul3A_69 = arith.muli %mul3A_68, %scan3A_51 : i32
        %dma_wait3A = arith.constant 0 : i32
        %dma_wait3A_70 = arith.constant 0 : i32
        %dma_wait3A_71 = arith.constant 0 : i32
        %dma_wait3A_72 = tpu.memref_slice %arg8[%dma_wait3A, %dma_wait3A_70, %dma_wait3A_71] : memref<2x80x128xf32, #tpu.memory_space<vmem>> -> memref<1x80x128xf32, #tpu.memory_space<vmem>>
        %dma_wait3A_73 = tpu.memref_squeeze %dma_wait3A_72 : memref<1x80x128xf32, #tpu.memory_space<vmem>> -> memref<80x128xf32, #tpu.memory_space<vmem>>
        %dma_wait3A_74 = arith.constant 0 : i32
        %dma_wait3A_75 = tpu.memref_slice %arg6[%mul3A_69, %dma_wait3A_74] : memref<16x80xi32, #tpu.memory_space<vmem>> -> memref<1x80xi32, #tpu.memory_space<vmem>>
        %dma_wait3A_76 = tpu.memref_squeeze %dma_wait3A_75 : memref<1x80xi32, #tpu.memory_space<vmem>> -> memref<80xi32, #tpu.memory_space<vmem>>
        %dma_wait3A_77 = arith.constant 0 : i32
        %dma_wait3A_78 = arith.constant 0 : i32
        %dma_wait3A_79 = tpu.memref_slice %arg2[%dma_wait3A_77, %dma_wait3A_78] : memref<10000x128xf32, #tpu.memory_space<hbm>> -> memref<10000x128xf32, #tpu.memory_space<hbm>>
        tpu.wait_indirect_dma semaphore(%arg11 : memref<!tpu.dma_semaphore, #tpu.memory_space<semaphore_mem>>) src(%dma_wait3A_79 : memref<10000x128xf32, #tpu.memory_space<hbm>>) dst(%dma_wait3A_73 : memref<80x128xf32, #tpu.memory_space<vmem>>)
        %mul3A_80 = arith.constant 2 : i32
        %mul3A_81 = arith.muli %mul3A_80, %scan3A_51 : i32
        %run_scoped3A = arith.constant 0 : i32
        "tpu.region"() ({
          %run_scoped3A_105 = tpu.sem_alloc : memref<!tpu.dma_semaphore, #tpu.memory_space<semaphore_mem>>
          %dma_start3A_106 = arith.constant 0 : i32
          %dma_start3A_107 = arith.constant 0 : i32
          %dma_start3A_108 = tpu.memref_slice %arg8[%run_scoped3A, %dma_start3A_106, %dma_start3A_107] : memref<2x80x128xf32, #tpu.memory_space<vmem>> -> memref<1x80x128xf32, #tpu.memory_space<vmem>>
          %dma_start3A_109 = tpu.memref_squeeze %dma_start3A_108 : memref<1x80x128xf32, #tpu.memory_space<vmem>> -> memref<80x128xf32, #tpu.memory_space<vmem>>
          %dma_start3A_110 = arith.constant 0 : i32
          %dma_start3A_111 = tpu.memref_slice %arg7[%mul3A_81, %dma_start3A_110] : memref<16x80xi32, #tpu.memory_space<vmem>> -> memref<1x80xi32, #tpu.memory_space<vmem>>
          %dma_start3A_112 = tpu.memref_squeeze %dma_start3A_111 : memref<1x80xi32, #tpu.memory_space<vmem>> -> memref<80xi32, #tpu.memory_space<vmem>>
          %dma_start3A_113 = arith.constant 0 : i32
          %dma_start3A_114 = arith.constant 0 : i32
          %dma_start3A_115 = tpu.memref_slice %arg10[%dma_start3A_113, %dma_start3A_114] : memref<10240x128xf32, #tpu.memory_space<vmem_shared>> -> memref<10240x128xf32, #tpu.memory_space<vmem_shared>>
          tpu.enqueue_indirect_dma source(%dma_start3A_109 : memref<80x128xf32, #tpu.memory_space<vmem>>) target(%dma_start3A_115 : memref<10240x128xf32, #tpu.memory_space<vmem_shared>>) offsets(%dma_start3A_112 : memref<80xi32, #tpu.memory_space<vmem>>) semaphore(%run_scoped3A_105 : memref<!tpu.dma_semaphore, #tpu.memory_space<semaphore_mem>>) {add = true}
          %dma_wait3A_116 = arith.constant 0 : i32
          %dma_wait3A_117 = arith.constant 0 : i32
          %dma_wait3A_118 = tpu.memref_slice %arg8[%run_scoped3A, %dma_wait3A_116, %dma_wait3A_117] : memref<2x80x128xf32, #tpu.memory_space<vmem>> -> memref<1x80x128xf32, #tpu.memory_space<vmem>>
          %dma_wait3A_119 = tpu.memref_squeeze %dma_wait3A_118 : memref<1x80x128xf32, #tpu.memory_space<vmem>> -> memref<80x128xf32, #tpu.memory_space<vmem>>
          %dma_wait3A_120 = arith.constant 0 : i32
          %dma_wait3A_121 = tpu.memref_slice %arg7[%mul3A_81, %dma_wait3A_120] : memref<16x80xi32, #tpu.memory_space<vmem>> -> memref<1x80xi32, #tpu.memory_space<vmem>>
          %dma_wait3A_122 = tpu.memref_squeeze %dma_wait3A_121 : memref<1x80xi32, #tpu.memory_space<vmem>> -> memref<80xi32, #tpu.memory_space<vmem>>
          %dma_wait3A_123 = arith.constant 0 : i32
          %dma_wait3A_124 = arith.constant 0 : i32
          %dma_wait3A_125 = tpu.memref_slice %arg10[%dma_wait3A_123, %dma_wait3A_124] : memref<10240x128xf32, #tpu.memory_space<vmem_shared>> -> memref<10240x128xf32, #tpu.memory_space<vmem_shared>>
          tpu.wait_indirect_dma semaphore(%run_scoped3A_105 : memref<!tpu.dma_semaphore, #tpu.memory_space<semaphore_mem>>) src(%dma_wait3A_119 : memref<80x128xf32, #tpu.memory_space<vmem>>) dst(%dma_wait3A_125 : memref<10240x128xf32, #tpu.memory_space<vmem_shared>>)
          tpu.yield
        }) : () -> ()
        %lt3A = arith.constant 7 : i32
        %lt3A_82 = arith.cmpi slt, %scan3A_51, %lt3A : i32
        %convert_element_type3A = arith.extui %lt3A_82 : i1 to i32
        %cond3A = arith.constant 0 : i32
        %cond3A_83 = arith.cmpi ne, %convert_element_type3A, %cond3A : i32
        scf.if %cond3A_83 {
          %mul3A_105 = arith.constant 2 : i32
          %mul3A_106 = arith.muli %mul3A_105, %scan3A_51 : i32
          %add3A_107 = arith.constant 2 : i32
          %add3A_108 = arith.addi %mul3A_106, %add3A_107 : i32
          %dma_start3A_109 = arith.constant 0 : i32
          %dma_start3A_110 = arith.constant 0 : i32
          %dma_start3A_111 = arith.constant 0 : i32
          %dma_start3A_112 = tpu.memref_slice %arg8[%dma_start3A_109, %dma_start3A_110, %dma_start3A_111] : memref<2x80x128xf32, #tpu.memory_space<vmem>> -> memref<1x80x128xf32, #tpu.memory_space<vmem>>
          %dma_start3A_113 = tpu.memref_squeeze %dma_start3A_112 : memref<1x80x128xf32, #tpu.memory_space<vmem>> -> memref<80x128xf32, #tpu.memory_space<vmem>>
          %dma_start3A_114 = arith.constant 0 : i32
          %dma_start3A_115 = tpu.memref_slice %arg6[%add3A_108, %dma_start3A_114] : memref<16x80xi32, #tpu.memory_space<vmem>> -> memref<1x80xi32, #tpu.memory_space<vmem>>
          %dma_start3A_116 = tpu.memref_squeeze %dma_start3A_115 : memref<1x80xi32, #tpu.memory_space<vmem>> -> memref<80xi32, #tpu.memory_space<vmem>>
          %dma_start3A_117 = arith.constant 0 : i32
          %dma_start3A_118 = arith.constant 0 : i32
          %dma_start3A_119 = tpu.memref_slice %arg2[%dma_start3A_117, %dma_start3A_118] : memref<10000x128xf32, #tpu.memory_space<hbm>> -> memref<10000x128xf32, #tpu.memory_space<hbm>>
          tpu.enqueue_indirect_dma source(%dma_start3A_119 : memref<10000x128xf32, #tpu.memory_space<hbm>>) target(%dma_start3A_113 : memref<80x128xf32, #tpu.memory_space<vmem>>) offsets(%dma_start3A_116 : memref<80xi32, #tpu.memory_space<vmem>>) semaphore(%arg11 : memref<!tpu.dma_semaphore, #tpu.memory_space<semaphore_mem>>)
        } else {
        }
        %mul3A_84 = arith.constant 2 : i32
        %mul3A_85 = arith.muli %mul3A_84, %scan3A_51 : i32
        %add3A_86 = arith.constant 1 : i32
        %add3A_87 = arith.addi %mul3A_85, %add3A_86 : i32
        %dma_wait3A_88 = arith.constant 1 : i32
        %dma_wait3A_89 = arith.constant 0 : i32
        %dma_wait3A_90 = arith.constant 0 : i32
        %dma_wait3A_91 = tpu.memref_slice %arg8[%dma_wait3A_88, %dma_wait3A_89, %dma_wait3A_90] : memref<2x80x128xf32, #tpu.memory_space<vmem>> -> memref<1x80x128xf32, #tpu.memory_space<vmem>>
        %dma_wait3A_92 = tpu.memref_squeeze %dma_wait3A_91 : memref<1x80x128xf32, #tpu.memory_space<vmem>> -> memref<80x128xf32, #tpu.memory_space<vmem>>
        %dma_wait3A_93 = arith.constant 0 : i32
        %dma_wait3A_94 = tpu.memref_slice %arg6[%add3A_87, %dma_wait3A_93] : memref<16x80xi32, #tpu.memory_space<vmem>> -> memref<1x80xi32, #tpu.memory_space<vmem>>
        %dma_wait3A_95 = tpu.memref_squeeze %dma_wait3A_94 : memref<1x80xi32, #tpu.memory_space<vmem>> -> memref<80xi32, #tpu.memory_space<vmem>>
        %dma_wait3A_96 = arith.constant 0 : i32
        %dma_wait3A_97 = arith.constant 0 : i32
        %dma_wait3A_98 = tpu.memref_slice %arg2[%dma_wait3A_96, %dma_wait3A_97] : memref<10000x128xf32, #tpu.memory_space<hbm>> -> memref<10000x128xf32, #tpu.memory_space<hbm>>
        tpu.wait_indirect_dma semaphore(%arg12 : memref<!tpu.dma_semaphore, #tpu.memory_space<semaphore_mem>>) src(%dma_wait3A_98 : memref<10000x128xf32, #tpu.memory_space<hbm>>) dst(%dma_wait3A_92 : memref<80x128xf32, #tpu.memory_space<vmem>>)
        %mul3A_99 = arith.constant 2 : i32
        %mul3A_100 = arith.muli %mul3A_99, %scan3A_51 : i32
        %add3A_101 = arith.constant 1 : i32
        %add3A_102 = arith.addi %mul3A_100, %add3A_101 : i32
        %run_scoped3A_103 = arith.constant 1 : i32
        "tpu.region"() ({
          %run_scoped3A_105 = tpu.sem_alloc : memref<!tpu.dma_semaphore, #tpu.memory_space<semaphore_mem>>
          %dma_start3A_106 = arith.constant 0 : i32
          %dma_start3A_107 = arith.constant 0 : i32
          %dma_start3A_108 = tpu.memref_slice %arg8[%run_scoped3A_103, %dma_start3A_106, %dma_start3A_107] : memref<2x80x128xf32, #tpu.memory_space<vmem>> -> memref<1x80x128xf32, #tpu.memory_space<vmem>>
          %dma_start3A_109 = tpu.memref_squeeze %dma_start3A_108 : memref<1x80x128xf32, #tpu.memory_space<vmem>> -> memref<80x128xf32, #tpu.memory_space<vmem>>
          %dma_start3A_110 = arith.constant 0 : i32
          %dma_start3A_111 = tpu.memref_slice %arg7[%add3A_102, %dma_start3A_110] : memref<16x80xi32, #tpu.memory_space<vmem>> -> memref<1x80xi32, #tpu.memory_space<vmem>>
          %dma_start3A_112 = tpu.memref_squeeze %dma_start3A_111 : memref<1x80xi32, #tpu.memory_space<vmem>> -> memref<80xi32, #tpu.memory_space<vmem>>
          %dma_start3A_113 = arith.constant 0 : i32
          %dma_start3A_114 = arith.constant 0 : i32
          %dma_start3A_115 = tpu.memref_slice %arg10[%dma_start3A_113, %dma_start3A_114] : memref<10240x128xf32, #tpu.memory_space<vmem_shared>> -> memref<10240x128xf32, #tpu.memory_space<vmem_shared>>
          tpu.enqueue_indirect_dma source(%dma_start3A_109 : memref<80x128xf32, #tpu.memory_space<vmem>>) target(%dma_start3A_115 : memref<10240x128xf32, #tpu.memory_space<vmem_shared>>) offsets(%dma_start3A_112 : memref<80xi32, #tpu.memory_space<vmem>>) semaphore(%run_scoped3A_105 : memref<!tpu.dma_semaphore, #tpu.memory_space<semaphore_mem>>) {add = true}
          %dma_wait3A_116 = arith.constant 0 : i32
          %dma_wait3A_117 = arith.constant 0 : i32
          %dma_wait3A_118 = tpu.memref_slice %arg8[%run_scoped3A_103, %dma_wait3A_116, %dma_wait3A_117] : memref<2x80x128xf32, #tpu.memory_space<vmem>> -> memref<1x80x128xf32, #tpu.memory_space<vmem>>
          %dma_wait3A_119 = tpu.memref_squeeze %dma_wait3A_118 : memref<1x80x128xf32, #tpu.memory_space<vmem>> -> memref<80x128xf32, #tpu.memory_space<vmem>>
          %dma_wait3A_120 = arith.constant 0 : i32
          %dma_wait3A_121 = tpu.memref_slice %arg7[%add3A_102, %dma_wait3A_120] : memref<16x80xi32, #tpu.memory_space<vmem>> -> memref<1x80xi32, #tpu.memory_space<vmem>>
          %dma_wait3A_122 = tpu.memref_squeeze %dma_wait3A_121 : memref<1x80xi32, #tpu.memory_space<vmem>> -> memref<80xi32, #tpu.memory_space<vmem>>
          %dma_wait3A_123 = arith.constant 0 : i32
          %dma_wait3A_124 = arith.constant 0 : i32
          %dma_wait3A_125 = tpu.memref_slice %arg10[%dma_wait3A_123, %dma_wait3A_124] : memref<10240x128xf32, #tpu.memory_space<vmem_shared>> -> memref<10240x128xf32, #tpu.memory_space<vmem_shared>>
          tpu.wait_indirect_dma semaphore(%run_scoped3A_105 : memref<!tpu.dma_semaphore, #tpu.memory_space<semaphore_mem>>) src(%dma_wait3A_119 : memref<80x128xf32, #tpu.memory_space<vmem>>) dst(%dma_wait3A_125 : memref<10240x128xf32, #tpu.memory_space<vmem_shared>>)
          tpu.yield
        }) : () -> ()
        %scan3A_104 = arith.constant 0 : i32
        scf.yield %scan3A_104 : i32
      }
      %scan3A_49 = arith.constant 8 : i32
      %scan3A_50 = arith.constant 0 : i32
      scf.yield %scan3A_50 : i32
    }
    %scan3A_21 = arith.constant 8 : i32
    %barrier3A_22 = arith.constant 0 : index
    tpu.barrier barrier_id(%barrier3A_22)
    %scan3A_23 = arith.constant 0 : i32
    %scan3A_24 = arith.constant 0 : i32
    %scan3A_25 = arith.constant 10 : i32
    %scan3A_26 = arith.addi %scan3A_24, %scan3A_25 : i32
    %scan3A_27 = arith.constant 1 : i32
    %scan3A_28 = scf.for %scan3A_30 = %scan3A_24 to %scan3A_26 step %scan3A_27 iter_args(%scan3A_31 = %scan3A_23) -> (i32)  : i32 {
      %mul3A_32 = arith.constant 640 : i32
      %mul3A_33 = arith.muli %arg1, %mul3A_32 : i32
      %mul3A_34 = arith.constant 64 : i32
      %mul3A_35 = arith.muli %scan3A_30, %mul3A_34 : i32
      %add3A_36 = arith.addi %mul3A_33, %mul3A_35 : i32
      "tpu.region"() ({
        %run_scoped3A = tpu.sem_alloc : memref<!tpu.dma_semaphore, #tpu.memory_space<semaphore_mem>>
        %dma_start3A = arith.constant 0 : i32
        %dma_start3A_38 = tpu.memref_slice %arg10[%add3A_36, %dma_start3A] : memref<10240x128xf32, #tpu.memory_space<vmem_shared>> -> memref<64x128xf32, #tpu.memory_space<vmem_shared>>
        %dma_start3A_39 = arith.constant 0 : i32
        %dma_start3A_40 = tpu.memref_slice %arg10[%add3A_36, %dma_start3A_39] : memref<10240x128xf32, #tpu.memory_space<vmem_shared>> -> memref<64x128xf32, #tpu.memory_space<vmem_shared>>
        tpu.enqueue_dma source(%dma_start3A_40 : memref<64x128xf32, #tpu.memory_space<vmem_shared>>) target(%arg9 : memref<64x128xf32, #tpu.memory_space<vmem>>) target_semaphore(%run_scoped3A : memref<!tpu.dma_semaphore, #tpu.memory_space<semaphore_mem>>)
        %dma_wait3A = arith.constant 0 : i32
        %dma_wait3A_41 = tpu.memref_slice %arg10[%add3A_36, %dma_wait3A] : memref<10240x128xf32, #tpu.memory_space<vmem_shared>> -> memref<64x128xf32, #tpu.memory_space<vmem_shared>>
        %dma_wait3A_42 = arith.constant 0 : i32
        %dma_wait3A_43 = tpu.memref_slice %arg10[%add3A_36, %dma_wait3A_42] : memref<10240x128xf32, #tpu.memory_space<vmem_shared>> -> memref<64x128xf32, #tpu.memory_space<vmem_shared>>
        tpu.wait_dma2 semaphore(%run_scoped3A : memref<!tpu.dma_semaphore, #tpu.memory_space<semaphore_mem>>) src(%dma_wait3A_43 : memref<64x128xf32, #tpu.memory_space<vmem_shared>>) dst(%arg9 : memref<64x128xf32, #tpu.memory_space<vmem>>)
        tpu.yield
      }) : () -> ()
      "tpu.region"() ({
        %run_scoped3A = tpu.sem_alloc : memref<!tpu.dma_semaphore, #tpu.memory_space<semaphore_mem>>
        %dma_start3A = arith.constant 0 : i32
        %dma_start3A_38 = tpu.memref_slice %arg5[%arg0, %add3A_36, %dma_start3A] : memref<2x10240x128xf32, #tpu.memory_space<hbm>> -> memref<1x64x128xf32, #tpu.memory_space<hbm>>
        %dma_start3A_39 = tpu.memref_squeeze %dma_start3A_38 : memref<1x64x128xf32, #tpu.memory_space<hbm>> -> memref<64x128xf32, #tpu.memory_space<hbm>>
        %dma_start3A_40 = arith.constant 0 : i32
        %dma_start3A_41 = tpu.memref_slice %arg5[%arg0, %add3A_36, %dma_start3A_40] : memref<2x10240x128xf32, #tpu.memory_space<hbm>> -> memref<1x64x128xf32, #tpu.memory_space<hbm>>
        %dma_start3A_42 = tpu.memref_squeeze %dma_start3A_41 : memref<1x64x128xf32, #tpu.memory_space<hbm>> -> memref<64x128xf32, #tpu.memory_space<hbm>>
        tpu.enqueue_dma source(%arg9 : memref<64x128xf32, #tpu.memory_space<vmem>>) target(%dma_start3A_42 : memref<64x128xf32, #tpu.memory_space<hbm>>) target_semaphore(%run_scoped3A : memref<!tpu.dma_semaphore, #tpu.memory_space<semaphore_mem>>)
        %dma_wait3A = arith.constant 0 : i32
        %dma_wait3A_43 = tpu.memref_slice %arg5[%arg0, %add3A_36, %dma_wait3A] : memref<2x10240x128xf32, #tpu.memory_space<hbm>> -> memref<1x64x128xf32, #tpu.memory_space<hbm>>
        %dma_wait3A_44 = tpu.memref_squeeze %dma_wait3A_43 : memref<1x64x128xf32, #tpu.memory_space<hbm>> -> memref<64x128xf32, #tpu.memory_space<hbm>>
        %dma_wait3A_45 = arith.constant 0 : i32
        %dma_wait3A_46 = tpu.memref_slice %arg5[%arg0, %add3A_36, %dma_wait3A_45] : memref<2x10240x128xf32, #tpu.memory_space<hbm>> -> memref<1x64x128xf32, #tpu.memory_space<hbm>>
        %dma_wait3A_47 = tpu.memref_squeeze %dma_wait3A_46 : memref<1x64x128xf32, #tpu.memory_space<hbm>> -> memref<64x128xf32, #tpu.memory_space<hbm>>
        tpu.wait_dma2 semaphore(%run_scoped3A : memref<!tpu.dma_semaphore, #tpu.memory_space<semaphore_mem>>) src(%arg9 : memref<64x128xf32, #tpu.memory_space<vmem>>) dst(%dma_wait3A_47 : memref<64x128xf32, #tpu.memory_space<hbm>>)
        tpu.yield
      }) : () -> ()
      %scan3A_37 = arith.constant 0 : i32
      scf.yield %scan3A_37 : i32
    }
    %scan3A_29 = arith.constant 10 : i32
    return
  }
}

#map = affine_map<(d0, d1) -> (0, 0)>
#map1 = affine_map<(d0, d1) -> (0, 0, 0, 0)>
#map2 = affine_map<(d0, d1) -> (0, 0, 0)>
module attributes {stable_mosaic.version = 14 : i64} {
  func.func @_agg_body(%arg0: i32, %arg1: i32, %arg2: memref<10000x128xf32, #tpu.memory_space<hbm>>, %arg3: memref<32x8x16x80xi32, #tpu.memory_space<hbm>>, %arg4: memref<32x8x16x80xi32, #tpu.memory_space<hbm>>, %arg5: memref<2x10240x128xf32, #tpu.memory_space<hbm>>, %arg6: memref<16x80xi32, #tpu.memory_space<vmem>>, %arg7: memref<16x80xi32, #tpu.memory_space<vmem>>, %arg8: memref<2x80x128xf32, #tpu.memory_space<vmem>>, %arg9: memref<64x128xf32, #tpu.memory_space<vmem>>, %arg10: memref<10240x128xf32, #tpu.memory_space<vmem_shared>>, %arg11: memref<!tpu.dma_semaphore, #tpu.memory_space<semaphore_mem>>, %arg12: memref<!tpu.dma_semaphore, #tpu.memory_space<semaphore_mem>>) attributes {dimension_semantics = [#tpu.dimension_semantics<core_parallel>, #tpu.dimension_semantics<subcore_parallel>], iteration_bounds = array<i64: 2, 16>, scalar_prefetch = 0 : i64, scratch_operands = 7 : i64, tpu.core_type = #tpu.core_type<sc_vector_subcore>, window_params = [{transform_indices = #map}, {transform_indices = #map1}, {transform_indices = #map1}, {transform_indices = #map2}]} {
    %mul3A = arith.constant 16 : i32
    %mul3A_0 = arith.muli %arg0, %mul3A : i32
    %add3A = arith.addi %mul3A_0, %arg1 : i32
    %broadcast_in_dim3A = arith.constant 0.000000e+00 : f32
    %broadcast_in_dim3A_1 = vector.broadcast %broadcast_in_dim3A : f32 to vector<16xf32>
    %scan3A = arith.constant 0 : i32
    %scan3A_2 = arith.constant 0 : i32
    %scan3A_3 = arith.constant 64 : i32
    %scan3A_4 = arith.addi %scan3A_2, %scan3A_3 : i32
    %scan3A_5 = arith.constant 1 : i32
    %scan3A_6 = scf.for %scan3A_30 = %scan3A_2 to %scan3A_4 step %scan3A_5 iter_args(%scan3A_31 = %scan3A) -> (i32)  : i32 {
      %swap3A = arith.index_cast %scan3A_30 : i32 to index
      %swap3A_32 = arith.constant 0 : index
      %swap3A_33 = tpu.vector_load %arg9[%swap3A, %swap3A_32] {strides = array<i32>} : memref<64x128xf32, #tpu.memory_space<vmem>>, vector<1x16xf32>,
      %swap3A_34 = vector.shape_cast %swap3A_33 : vector<1x16xf32> to vector<16xf32>
      %swap3A_35 = vector.shape_cast %broadcast_in_dim3A_1 : vector<16xf32> to vector<1x16xf32>
      tpu.vector_store %arg9[%swap3A, %swap3A_32], %swap3A_35 {strides = array<i32>} : memref<64x128xf32, #tpu.memory_space<vmem>>, vector<1x16xf32>,
      %swap3A_36 = arith.index_cast %scan3A_30 : i32 to index
      %swap3A_37 = arith.constant 16 : index
      %swap3A_38 = tpu.vector_load %arg9[%swap3A_36, %swap3A_37] {strides = array<i32>} : memref<64x128xf32, #tpu.memory_space<vmem>>, vector<1x16xf32>,
      %swap3A_39 = vector.shape_cast %swap3A_38 : vector<1x16xf32> to vector<16xf32>
      %swap3A_40 = vector.shape_cast %broadcast_in_dim3A_1 : vector<16xf32> to vector<1x16xf32>
      tpu.vector_store %arg9[%swap3A_36, %swap3A_37], %swap3A_40 {strides = array<i32>} : memref<64x128xf32, #tpu.memory_space<vmem>>, vector<1x16xf32>,
      %swap3A_41 = arith.index_cast %scan3A_30 : i32 to index
      %swap3A_42 = arith.constant 32 : index
      %swap3A_43 = tpu.vector_load %arg9[%swap3A_41, %swap3A_42] {strides = array<i32>} : memref<64x128xf32, #tpu.memory_space<vmem>>, vector<1x16xf32>,
      %swap3A_44 = vector.shape_cast %swap3A_43 : vector<1x16xf32> to vector<16xf32>
      %swap3A_45 = vector.shape_cast %broadcast_in_dim3A_1 : vector<16xf32> to vector<1x16xf32>
      tpu.vector_store %arg9[%swap3A_41, %swap3A_42], %swap3A_45 {strides = array<i32>} : memref<64x128xf32, #tpu.memory_space<vmem>>, vector<1x16xf32>,
      %swap3A_46 = arith.index_cast %scan3A_30 : i32 to index
      %swap3A_47 = arith.constant 48 : index
      %swap3A_48 = tpu.vector_load %arg9[%swap3A_46, %swap3A_47] {strides = array<i32>} : memref<64x128xf32, #tpu.memory_space<vmem>>, vector<1x16xf32>,
      %swap3A_49 = vector.shape_cast %swap3A_48 : vector<1x16xf32> to vector<16xf32>
      %swap3A_50 = vector.shape_cast %broadcast_in_dim3A_1 : vector<16xf32> to vector<1x16xf32>
      tpu.vector_store %arg9[%swap3A_46, %swap3A_47], %swap3A_50 {strides = array<i32>} : memref<64x128xf32, #tpu.memory_space<vmem>>, vector<1x16xf32>,
      %swap3A_51 = arith.index_cast %scan3A_30 : i32 to index
      %swap3A_52 = arith.constant 64 : index
      %swap3A_53 = tpu.vector_load %arg9[%swap3A_51, %swap3A_52] {strides = array<i32>} : memref<64x128xf32, #tpu.memory_space<vmem>>, vector<1x16xf32>,
      %swap3A_54 = vector.shape_cast %swap3A_53 : vector<1x16xf32> to vector<16xf32>
      %swap3A_55 = vector.shape_cast %broadcast_in_dim3A_1 : vector<16xf32> to vector<1x16xf32>
      tpu.vector_store %arg9[%swap3A_51, %swap3A_52], %swap3A_55 {strides = array<i32>} : memref<64x128xf32, #tpu.memory_space<vmem>>, vector<1x16xf32>,
      %swap3A_56 = arith.index_cast %scan3A_30 : i32 to index
      %swap3A_57 = arith.constant 80 : index
      %swap3A_58 = tpu.vector_load %arg9[%swap3A_56, %swap3A_57] {strides = array<i32>} : memref<64x128xf32, #tpu.memory_space<vmem>>, vector<1x16xf32>,
      %swap3A_59 = vector.shape_cast %swap3A_58 : vector<1x16xf32> to vector<16xf32>
      %swap3A_60 = vector.shape_cast %broadcast_in_dim3A_1 : vector<16xf32> to vector<1x16xf32>
      tpu.vector_store %arg9[%swap3A_56, %swap3A_57], %swap3A_60 {strides = array<i32>} : memref<64x128xf32, #tpu.memory_space<vmem>>, vector<1x16xf32>,
      %swap3A_61 = arith.index_cast %scan3A_30 : i32 to index
      %swap3A_62 = arith.constant 96 : index
      %swap3A_63 = tpu.vector_load %arg9[%swap3A_61, %swap3A_62] {strides = array<i32>} : memref<64x128xf32, #tpu.memory_space<vmem>>, vector<1x16xf32>,
      %swap3A_64 = vector.shape_cast %swap3A_63 : vector<1x16xf32> to vector<16xf32>
      %swap3A_65 = vector.shape_cast %broadcast_in_dim3A_1 : vector<16xf32> to vector<1x16xf32>
      tpu.vector_store %arg9[%swap3A_61, %swap3A_62], %swap3A_65 {strides = array<i32>} : memref<64x128xf32, #tpu.memory_space<vmem>>, vector<1x16xf32>,
      %swap3A_66 = arith.index_cast %scan3A_30 : i32 to index
      %swap3A_67 = arith.constant 112 : index
      %swap3A_68 = tpu.vector_load %arg9[%swap3A_66, %swap3A_67] {strides = array<i32>} : memref<64x128xf32, #tpu.memory_space<vmem>>, vector<1x16xf32>,
      %swap3A_69 = vector.shape_cast %swap3A_68 : vector<1x16xf32> to vector<16xf32>
      %swap3A_70 = vector.shape_cast %broadcast_in_dim3A_1 : vector<16xf32> to vector<1x16xf32>
      tpu.vector_store %arg9[%swap3A_66, %swap3A_67], %swap3A_70 {strides = array<i32>} : memref<64x128xf32, #tpu.memory_space<vmem>>, vector<1x16xf32>,
      %scan3A_71 = arith.constant 0 : i32
      scf.yield %scan3A_71 : i32
    }
    %scan3A_7 = arith.constant 64 : i32
    %scan3A_8 = arith.constant 0 : i32
    %scan3A_9 = arith.constant 0 : i32
    %scan3A_10 = arith.constant 10 : i32
    %scan3A_11 = arith.addi %scan3A_9, %scan3A_10 : i32
    %scan3A_12 = arith.constant 1 : i32
    %scan3A_13 = scf.for %scan3A_30 = %scan3A_9 to %scan3A_11 step %scan3A_12 iter_args(%scan3A_31 = %scan3A_8) -> (i32)  : i32 {
      %mul3A_32 = arith.constant 640 : i32
      %mul3A_33 = arith.muli %arg1, %mul3A_32 : i32
      %mul3A_34 = arith.constant 64 : i32
      %mul3A_35 = arith.muli %scan3A_30, %mul3A_34 : i32
      %add3A_36 = arith.addi %mul3A_33, %mul3A_35 : i32
      "tpu.region"() ({
        %run_scoped3A = tpu.sem_alloc : memref<!tpu.dma_semaphore, #tpu.memory_space<semaphore_mem>>
        %dma_start3A = arith.constant 0 : i32
        %dma_start3A_38 = tpu.memref_slice %arg10[%add3A_36, %dma_start3A] : memref<10240x128xf32, #tpu.memory_space<vmem_shared>> -> memref<64x128xf32, #tpu.memory_space<vmem_shared>>
        %dma_start3A_39 = arith.constant 0 : i32
        %dma_start3A_40 = tpu.memref_slice %arg10[%add3A_36, %dma_start3A_39] : memref<10240x128xf32, #tpu.memory_space<vmem_shared>> -> memref<64x128xf32, #tpu.memory_space<vmem_shared>>
        tpu.enqueue_dma source(%arg9 : memref<64x128xf32, #tpu.memory_space<vmem>>) target(%dma_start3A_40 : memref<64x128xf32, #tpu.memory_space<vmem_shared>>) target_semaphore(%run_scoped3A : memref<!tpu.dma_semaphore, #tpu.memory_space<semaphore_mem>>)
        %dma_wait3A = arith.constant 0 : i32
        %dma_wait3A_41 = tpu.memref_slice %arg10[%add3A_36, %dma_wait3A] : memref<10240x128xf32, #tpu.memory_space<vmem_shared>> -> memref<64x128xf32, #tpu.memory_space<vmem_shared>>
        %dma_wait3A_42 = arith.constant 0 : i32
        %dma_wait3A_43 = tpu.memref_slice %arg10[%add3A_36, %dma_wait3A_42] : memref<10240x128xf32, #tpu.memory_space<vmem_shared>> -> memref<64x128xf32, #tpu.memory_space<vmem_shared>>
        tpu.wait_dma2 semaphore(%run_scoped3A : memref<!tpu.dma_semaphore, #tpu.memory_space<semaphore_mem>>) src(%arg9 : memref<64x128xf32, #tpu.memory_space<vmem>>) dst(%dma_wait3A_43 : memref<64x128xf32, #tpu.memory_space<vmem_shared>>)
        tpu.yield
      }) : () -> ()
      %scan3A_37 = arith.constant 0 : i32
      scf.yield %scan3A_37 : i32
    }
    %scan3A_14 = arith.constant 10 : i32
    %barrier3A = arith.constant 0 : index
    tpu.barrier barrier_id(%barrier3A)
    %scan3A_15 = arith.constant 0 : i32
    %scan3A_16 = arith.constant 0 : i32
    %scan3A_17 = arith.constant 8 : i32
    %scan3A_18 = arith.addi %scan3A_16, %scan3A_17 : i32
    %scan3A_19 = arith.constant 1 : i32
    %scan3A_20 = scf.for %scan3A_30 = %scan3A_16 to %scan3A_18 step %scan3A_19 iter_args(%scan3A_31 = %scan3A_15) -> (i32)  : i32 {
      "tpu.region"() ({
        %run_scoped3A = tpu.sem_alloc : memref<!tpu.dma_semaphore, #tpu.memory_space<semaphore_mem>>
        %dma_start3A_51 = arith.constant 0 : i32
        %dma_start3A_52 = arith.constant 0 : i32
        %dma_start3A_53 = tpu.memref_slice %arg3[%add3A, %scan3A_30, %dma_start3A_51, %dma_start3A_52] : memref<32x8x16x80xi32, #tpu.memory_space<hbm>> -> memref<1x1x16x80xi32, #tpu.memory_space<hbm>>
        %dma_start3A_54 = tpu.memref_squeeze %dma_start3A_53 : memref<1x1x16x80xi32, #tpu.memory_space<hbm>> -> memref<16x80xi32, #tpu.memory_space<hbm>>
        %dma_start3A_55 = arith.constant 0 : i32
        %dma_start3A_56 = arith.constant 0 : i32
        %dma_start3A_57 = tpu.memref_slice %arg3[%add3A, %scan3A_30, %dma_start3A_55, %dma_start3A_56] : memref<32x8x16x80xi32, #tpu.memory_space<hbm>> -> memref<1x1x16x80xi32, #tpu.memory_space<hbm>>
        %dma_start3A_58 = tpu.memref_squeeze %dma_start3A_57 : memref<1x1x16x80xi32, #tpu.memory_space<hbm>> -> memref<16x80xi32, #tpu.memory_space<hbm>>
        tpu.enqueue_dma source(%dma_start3A_58 : memref<16x80xi32, #tpu.memory_space<hbm>>) target(%arg6 : memref<16x80xi32, #tpu.memory_space<vmem>>) target_semaphore(%run_scoped3A : memref<!tpu.dma_semaphore, #tpu.memory_space<semaphore_mem>>)
        %dma_wait3A = arith.constant 0 : i32
        %dma_wait3A_59 = arith.constant 0 : i32
        %dma_wait3A_60 = tpu.memref_slice %arg3[%add3A, %scan3A_30, %dma_wait3A, %dma_wait3A_59] : memref<32x8x16x80xi32, #tpu.memory_space<hbm>> -> memref<1x1x16x80xi32, #tpu.memory_space<hbm>>
        %dma_wait3A_61 = tpu.memref_squeeze %dma_wait3A_60 : memref<1x1x16x80xi32, #tpu.memory_space<hbm>> -> memref<16x80xi32, #tpu.memory_space<hbm>>
        %dma_wait3A_62 = arith.constant 0 : i32
        %dma_wait3A_63 = arith.constant 0 : i32
        %dma_wait3A_64 = tpu.memref_slice %arg3[%add3A, %scan3A_30, %dma_wait3A_62, %dma_wait3A_63] : memref<32x8x16x80xi32, #tpu.memory_space<hbm>> -> memref<1x1x16x80xi32, #tpu.memory_space<hbm>>
        %dma_wait3A_65 = tpu.memref_squeeze %dma_wait3A_64 : memref<1x1x16x80xi32, #tpu.memory_space<hbm>> -> memref<16x80xi32, #tpu.memory_space<hbm>>
        tpu.wait_dma2 semaphore(%run_scoped3A : memref<!tpu.dma_semaphore, #tpu.memory_space<semaphore_mem>>) src(%dma_wait3A_65 : memref<16x80xi32, #tpu.memory_space<hbm>>) dst(%arg6 : memref<16x80xi32, #tpu.memory_space<vmem>>)
        tpu.yield
      }) : () -> ()
      "tpu.region"() ({
        %run_scoped3A = tpu.sem_alloc : memref<!tpu.dma_semaphore, #tpu.memory_space<semaphore_mem>>
        %dma_start3A_51 = arith.constant 0 : i32
        %dma_start3A_52 = arith.constant 0 : i32
        %dma_start3A_53 = tpu.memref_slice %arg4[%add3A, %scan3A_30, %dma_start3A_51, %dma_start3A_52] : memref<32x8x16x80xi32, #tpu.memory_space<hbm>> -> memref<1x1x16x80xi32, #tpu.memory_space<hbm>>
        %dma_start3A_54 = tpu.memref_squeeze %dma_start3A_53 : memref<1x1x16x80xi32, #tpu.memory_space<hbm>> -> memref<16x80xi32, #tpu.memory_space<hbm>>
        %dma_start3A_55 = arith.constant 0 : i32
        %dma_start3A_56 = arith.constant 0 : i32
        %dma_start3A_57 = tpu.memref_slice %arg4[%add3A, %scan3A_30, %dma_start3A_55, %dma_start3A_56] : memref<32x8x16x80xi32, #tpu.memory_space<hbm>> -> memref<1x1x16x80xi32, #tpu.memory_space<hbm>>
        %dma_start3A_58 = tpu.memref_squeeze %dma_start3A_57 : memref<1x1x16x80xi32, #tpu.memory_space<hbm>> -> memref<16x80xi32, #tpu.memory_space<hbm>>
        tpu.enqueue_dma source(%dma_start3A_58 : memref<16x80xi32, #tpu.memory_space<hbm>>) target(%arg7 : memref<16x80xi32, #tpu.memory_space<vmem>>) target_semaphore(%run_scoped3A : memref<!tpu.dma_semaphore, #tpu.memory_space<semaphore_mem>>)
        %dma_wait3A = arith.constant 0 : i32
        %dma_wait3A_59 = arith.constant 0 : i32
        %dma_wait3A_60 = tpu.memref_slice %arg4[%add3A, %scan3A_30, %dma_wait3A, %dma_wait3A_59] : memref<32x8x16x80xi32, #tpu.memory_space<hbm>> -> memref<1x1x16x80xi32, #tpu.memory_space<hbm>>
        %dma_wait3A_61 = tpu.memref_squeeze %dma_wait3A_60 : memref<1x1x16x80xi32, #tpu.memory_space<hbm>> -> memref<16x80xi32, #tpu.memory_space<hbm>>
        %dma_wait3A_62 = arith.constant 0 : i32
        %dma_wait3A_63 = arith.constant 0 : i32
        %dma_wait3A_64 = tpu.memref_slice %arg4[%add3A, %scan3A_30, %dma_wait3A_62, %dma_wait3A_63] : memref<32x8x16x80xi32, #tpu.memory_space<hbm>> -> memref<1x1x16x80xi32, #tpu.memory_space<hbm>>
        %dma_wait3A_65 = tpu.memref_squeeze %dma_wait3A_64 : memref<1x1x16x80xi32, #tpu.memory_space<hbm>> -> memref<16x80xi32, #tpu.memory_space<hbm>>
        tpu.wait_dma2 semaphore(%run_scoped3A : memref<!tpu.dma_semaphore, #tpu.memory_space<semaphore_mem>>) src(%dma_wait3A_65 : memref<16x80xi32, #tpu.memory_space<hbm>>) dst(%arg7 : memref<16x80xi32, #tpu.memory_space<vmem>>)
        tpu.yield
      }) : () -> ()
      %dma_start3A = arith.constant 0 : i32
      %dma_start3A_32 = arith.constant 0 : i32
      %dma_start3A_33 = arith.constant 0 : i32
      %dma_start3A_34 = arith.constant 0 : i32
      %dma_start3A_35 = tpu.memref_slice %arg8[%dma_start3A_32, %dma_start3A_33, %dma_start3A_34] : memref<2x80x128xf32, #tpu.memory_space<vmem>> -> memref<1x80x128xf32, #tpu.memory_space<vmem>>
      %dma_start3A_36 = tpu.memref_squeeze %dma_start3A_35 : memref<1x80x128xf32, #tpu.memory_space<vmem>> -> memref<80x128xf32, #tpu.memory_space<vmem>>
      %dma_start3A_37 = arith.constant 0 : i32
      %dma_start3A_38 = tpu.memref_slice %arg6[%dma_start3A, %dma_start3A_37] : memref<16x80xi32, #tpu.memory_space<vmem>> -> memref<1x80xi32, #tpu.memory_space<vmem>>
      %dma_start3A_39 = tpu.memref_squeeze %dma_start3A_38 : memref<1x80xi32, #tpu.memory_space<vmem>> -> memref<80xi32, #tpu.memory_space<vmem>>
      %dma_start3A_40 = arith.constant 0 : i32
      %dma_start3A_41 = arith.constant 0 : i32
      %dma_start3A_42 = tpu.memref_slice %arg2[%dma_start3A_40, %dma_start3A_41] : memref<10000x128xf32, #tpu.memory_space<hbm>> -> memref<10000x128xf32, #tpu.memory_space<hbm>>
      tpu.enqueue_indirect_dma source(%dma_start3A_42 : memref<10000x128xf32, #tpu.memory_space<hbm>>) target(%dma_start3A_36 : memref<80x128xf32, #tpu.memory_space<vmem>>) offsets(%dma_start3A_39 : memref<80xi32, #tpu.memory_space<vmem>>) semaphore(%arg11 : memref<!tpu.dma_semaphore, #tpu.memory_space<semaphore_mem>>)
      %scan3A_43 = arith.constant 0 : i32
      %scan3A_44 = arith.constant 0 : i32
      %scan3A_45 = arith.constant 8 : i32
      %scan3A_46 = arith.addi %scan3A_44, %scan3A_45 : i32
      %scan3A_47 = arith.constant 1 : i32
      %scan3A_48 = scf.for %scan3A_51 = %scan3A_44 to %scan3A_46 step %scan3A_47 iter_args(%scan3A_52 = %scan3A_43) -> (i32)  : i32 {
        %mul3A_53 = arith.constant 2 : i32
        %mul3A_54 = arith.muli %mul3A_53, %scan3A_51 : i32
        %add3A_55 = arith.constant 1 : i32
        %add3A_56 = arith.addi %mul3A_54, %add3A_55 : i32
        %dma_start3A_57 = arith.constant 1 : i32
        %dma_start3A_58 = arith.constant 0 : i32
        %dma_start3A_59 = arith.constant 0 : i32
        %dma_start3A_60 = tpu.memref_slice %arg8[%dma_start3A_57, %dma_start3A_58, %dma_start3A_59] : memref<2x80x128xf32, #tpu.memory_space<vmem>> -> memref<1x80x128xf32, #tpu.memory_space<vmem>>
        %dma_start3A_61 = tpu.memref_squeeze %dma_start3A_60 : memref<1x80x128xf32, #tpu.memory_space<vmem>> -> memref<80x128xf32, #tpu.memory_space<vmem>>
        %dma_start3A_62 = arith.constant 0 : i32
        %dma_start3A_63 = tpu.memref_slice %arg6[%add3A_56, %dma_start3A_62] : memref<16x80xi32, #tpu.memory_space<vmem>> -> memref<1x80xi32, #tpu.memory_space<vmem>>
        %dma_start3A_64 = tpu.memref_squeeze %dma_start3A_63 : memref<1x80xi32, #tpu.memory_space<vmem>> -> memref<80xi32, #tpu.memory_space<vmem>>
        %dma_start3A_65 = arith.constant 0 : i32
        %dma_start3A_66 = arith.constant 0 : i32
        %dma_start3A_67 = tpu.memref_slice %arg2[%dma_start3A_65, %dma_start3A_66] : memref<10000x128xf32, #tpu.memory_space<hbm>> -> memref<10000x128xf32, #tpu.memory_space<hbm>>
        tpu.enqueue_indirect_dma source(%dma_start3A_67 : memref<10000x128xf32, #tpu.memory_space<hbm>>) target(%dma_start3A_61 : memref<80x128xf32, #tpu.memory_space<vmem>>) offsets(%dma_start3A_64 : memref<80xi32, #tpu.memory_space<vmem>>) semaphore(%arg12 : memref<!tpu.dma_semaphore, #tpu.memory_space<semaphore_mem>>)
        %mul3A_68 = arith.constant 2 : i32
        %mul3A_69 = arith.muli %mul3A_68, %scan3A_51 : i32
        %dma_wait3A = arith.constant 0 : i32
        %dma_wait3A_70 = arith.constant 0 : i32
        %dma_wait3A_71 = arith.constant 0 : i32
        %dma_wait3A_72 = tpu.memref_slice %arg8[%dma_wait3A, %dma_wait3A_70, %dma_wait3A_71] : memref<2x80x128xf32, #tpu.memory_space<vmem>> -> memref<1x80x128xf32, #tpu.memory_space<vmem>>
        %dma_wait3A_73 = tpu.memref_squeeze %dma_wait3A_72 : memref<1x80x128xf32, #tpu.memory_space<vmem>> -> memref<80x128xf32, #tpu.memory_space<vmem>>
        %dma_wait3A_74 = arith.constant 0 : i32
        %dma_wait3A_75 = tpu.memref_slice %arg6[%mul3A_69, %dma_wait3A_74] : memref<16x80xi32, #tpu.memory_space<vmem>> -> memref<1x80xi32, #tpu.memory_space<vmem>>
        %dma_wait3A_76 = tpu.memref_squeeze %dma_wait3A_75 : memref<1x80xi32, #tpu.memory_space<vmem>> -> memref<80xi32, #tpu.memory_space<vmem>>
        %dma_wait3A_77 = arith.constant 0 : i32
        %dma_wait3A_78 = arith.constant 0 : i32
        %dma_wait3A_79 = tpu.memref_slice %arg2[%dma_wait3A_77, %dma_wait3A_78] : memref<10000x128xf32, #tpu.memory_space<hbm>> -> memref<10000x128xf32, #tpu.memory_space<hbm>>
        tpu.wait_indirect_dma semaphore(%arg11 : memref<!tpu.dma_semaphore, #tpu.memory_space<semaphore_mem>>) src(%dma_wait3A_79 : memref<10000x128xf32, #tpu.memory_space<hbm>>) dst(%dma_wait3A_73 : memref<80x128xf32, #tpu.memory_space<vmem>>)
        %mul3A_80 = arith.constant 2 : i32
        %mul3A_81 = arith.muli %mul3A_80, %scan3A_51 : i32
        %run_scoped3A = arith.constant 0 : i32
        "tpu.region"() ({
          %run_scoped3A_105 = tpu.sem_alloc : memref<!tpu.dma_semaphore, #tpu.memory_space<semaphore_mem>>
          %dma_start3A_106 = arith.constant 0 : i32
          %dma_start3A_107 = arith.constant 0 : i32
          %dma_start3A_108 = tpu.memref_slice %arg8[%run_scoped3A, %dma_start3A_106, %dma_start3A_107] : memref<2x80x128xf32, #tpu.memory_space<vmem>> -> memref<1x80x128xf32, #tpu.memory_space<vmem>>
          %dma_start3A_109 = tpu.memref_squeeze %dma_start3A_108 : memref<1x80x128xf32, #tpu.memory_space<vmem>> -> memref<80x128xf32, #tpu.memory_space<vmem>>
          %dma_start3A_110 = arith.constant 0 : i32
          %dma_start3A_111 = tpu.memref_slice %arg7[%mul3A_81, %dma_start3A_110] : memref<16x80xi32, #tpu.memory_space<vmem>> -> memref<1x80xi32, #tpu.memory_space<vmem>>
          %dma_start3A_112 = tpu.memref_squeeze %dma_start3A_111 : memref<1x80xi32, #tpu.memory_space<vmem>> -> memref<80xi32, #tpu.memory_space<vmem>>
          %dma_start3A_113 = arith.constant 0 : i32
          %dma_start3A_114 = arith.constant 0 : i32
          %dma_start3A_115 = tpu.memref_slice %arg10[%dma_start3A_113, %dma_start3A_114] : memref<10240x128xf32, #tpu.memory_space<vmem_shared>> -> memref<10240x128xf32, #tpu.memory_space<vmem_shared>>
          tpu.enqueue_indirect_dma source(%dma_start3A_109 : memref<80x128xf32, #tpu.memory_space<vmem>>) target(%dma_start3A_115 : memref<10240x128xf32, #tpu.memory_space<vmem_shared>>) offsets(%dma_start3A_112 : memref<80xi32, #tpu.memory_space<vmem>>) semaphore(%run_scoped3A_105 : memref<!tpu.dma_semaphore, #tpu.memory_space<semaphore_mem>>) {add = true}
          %dma_wait3A_116 = arith.constant 0 : i32
          %dma_wait3A_117 = arith.constant 0 : i32
          %dma_wait3A_118 = tpu.memref_slice %arg8[%run_scoped3A, %dma_wait3A_116, %dma_wait3A_117] : memref<2x80x128xf32, #tpu.memory_space<vmem>> -> memref<1x80x128xf32, #tpu.memory_space<vmem>>
          %dma_wait3A_119 = tpu.memref_squeeze %dma_wait3A_118 : memref<1x80x128xf32, #tpu.memory_space<vmem>> -> memref<80x128xf32, #tpu.memory_space<vmem>>
          %dma_wait3A_120 = arith.constant 0 : i32
          %dma_wait3A_121 = tpu.memref_slice %arg7[%mul3A_81, %dma_wait3A_120] : memref<16x80xi32, #tpu.memory_space<vmem>> -> memref<1x80xi32, #tpu.memory_space<vmem>>
          %dma_wait3A_122 = tpu.memref_squeeze %dma_wait3A_121 : memref<1x80xi32, #tpu.memory_space<vmem>> -> memref<80xi32, #tpu.memory_space<vmem>>
          %dma_wait3A_123 = arith.constant 0 : i32
          %dma_wait3A_124 = arith.constant 0 : i32
          %dma_wait3A_125 = tpu.memref_slice %arg10[%dma_wait3A_123, %dma_wait3A_124] : memref<10240x128xf32, #tpu.memory_space<vmem_shared>> -> memref<10240x128xf32, #tpu.memory_space<vmem_shared>>
          tpu.wait_indirect_dma semaphore(%run_scoped3A_105 : memref<!tpu.dma_semaphore, #tpu.memory_space<semaphore_mem>>) src(%dma_wait3A_119 : memref<80x128xf32, #tpu.memory_space<vmem>>) dst(%dma_wait3A_125 : memref<10240x128xf32, #tpu.memory_space<vmem_shared>>)
          tpu.yield
        }) : () -> ()
        %lt3A = arith.constant 7 : i32
        %lt3A_82 = arith.cmpi slt, %scan3A_51, %lt3A : i32
        %convert_element_type3A = arith.extui %lt3A_82 : i1 to i32
        %cond3A = arith.constant 0 : i32
        %cond3A_83 = arith.cmpi ne, %convert_element_type3A, %cond3A : i32
        scf.if %cond3A_83 {
          %mul3A_105 = arith.constant 2 : i32
          %mul3A_106 = arith.muli %mul3A_105, %scan3A_51 : i32
          %add3A_107 = arith.constant 2 : i32
          %add3A_108 = arith.addi %mul3A_106, %add3A_107 : i32
          %dma_start3A_109 = arith.constant 0 : i32
          %dma_start3A_110 = arith.constant 0 : i32
          %dma_start3A_111 = arith.constant 0 : i32
          %dma_start3A_112 = tpu.memref_slice %arg8[%dma_start3A_109, %dma_start3A_110, %dma_start3A_111] : memref<2x80x128xf32, #tpu.memory_space<vmem>> -> memref<1x80x128xf32, #tpu.memory_space<vmem>>
          %dma_start3A_113 = tpu.memref_squeeze %dma_start3A_112 : memref<1x80x128xf32, #tpu.memory_space<vmem>> -> memref<80x128xf32, #tpu.memory_space<vmem>>
          %dma_start3A_114 = arith.constant 0 : i32
          %dma_start3A_115 = tpu.memref_slice %arg6[%add3A_108, %dma_start3A_114] : memref<16x80xi32, #tpu.memory_space<vmem>> -> memref<1x80xi32, #tpu.memory_space<vmem>>
          %dma_start3A_116 = tpu.memref_squeeze %dma_start3A_115 : memref<1x80xi32, #tpu.memory_space<vmem>> -> memref<80xi32, #tpu.memory_space<vmem>>
          %dma_start3A_117 = arith.constant 0 : i32
          %dma_start3A_118 = arith.constant 0 : i32
          %dma_start3A_119 = tpu.memref_slice %arg2[%dma_start3A_117, %dma_start3A_118] : memref<10000x128xf32, #tpu.memory_space<hbm>> -> memref<10000x128xf32, #tpu.memory_space<hbm>>
          tpu.enqueue_indirect_dma source(%dma_start3A_119 : memref<10000x128xf32, #tpu.memory_space<hbm>>) target(%dma_start3A_113 : memref<80x128xf32, #tpu.memory_space<vmem>>) offsets(%dma_start3A_116 : memref<80xi32, #tpu.memory_space<vmem>>) semaphore(%arg11 : memref<!tpu.dma_semaphore, #tpu.memory_space<semaphore_mem>>)
        } else {
        }
        %mul3A_84 = arith.constant 2 : i32
        %mul3A_85 = arith.muli %mul3A_84, %scan3A_51 : i32
        %add3A_86 = arith.constant 1 : i32
        %add3A_87 = arith.addi %mul3A_85, %add3A_86 : i32
        %dma_wait3A_88 = arith.constant 1 : i32
        %dma_wait3A_89 = arith.constant 0 : i32
        %dma_wait3A_90 = arith.constant 0 : i32
        %dma_wait3A_91 = tpu.memref_slice %arg8[%dma_wait3A_88, %dma_wait3A_89, %dma_wait3A_90] : memref<2x80x128xf32, #tpu.memory_space<vmem>> -> memref<1x80x128xf32, #tpu.memory_space<vmem>>
        %dma_wait3A_92 = tpu.memref_squeeze %dma_wait3A_91 : memref<1x80x128xf32, #tpu.memory_space<vmem>> -> memref<80x128xf32, #tpu.memory_space<vmem>>
        %dma_wait3A_93 = arith.constant 0 : i32
        %dma_wait3A_94 = tpu.memref_slice %arg6[%add3A_87, %dma_wait3A_93] : memref<16x80xi32, #tpu.memory_space<vmem>> -> memref<1x80xi32, #tpu.memory_space<vmem>>
        %dma_wait3A_95 = tpu.memref_squeeze %dma_wait3A_94 : memref<1x80xi32, #tpu.memory_space<vmem>> -> memref<80xi32, #tpu.memory_space<vmem>>
        %dma_wait3A_96 = arith.constant 0 : i32
        %dma_wait3A_97 = arith.constant 0 : i32
        %dma_wait3A_98 = tpu.memref_slice %arg2[%dma_wait3A_96, %dma_wait3A_97] : memref<10000x128xf32, #tpu.memory_space<hbm>> -> memref<10000x128xf32, #tpu.memory_space<hbm>>
        tpu.wait_indirect_dma semaphore(%arg12 : memref<!tpu.dma_semaphore, #tpu.memory_space<semaphore_mem>>) src(%dma_wait3A_98 : memref<10000x128xf32, #tpu.memory_space<hbm>>) dst(%dma_wait3A_92 : memref<80x128xf32, #tpu.memory_space<vmem>>)
        %mul3A_99 = arith.constant 2 : i32
        %mul3A_100 = arith.muli %mul3A_99, %scan3A_51 : i32
        %add3A_101 = arith.constant 1 : i32
        %add3A_102 = arith.addi %mul3A_100, %add3A_101 : i32
        %run_scoped3A_103 = arith.constant 1 : i32
        "tpu.region"() ({
          %run_scoped3A_105 = tpu.sem_alloc : memref<!tpu.dma_semaphore, #tpu.memory_space<semaphore_mem>>
          %dma_start3A_106 = arith.constant 0 : i32
          %dma_start3A_107 = arith.constant 0 : i32
          %dma_start3A_108 = tpu.memref_slice %arg8[%run_scoped3A_103, %dma_start3A_106, %dma_start3A_107] : memref<2x80x128xf32, #tpu.memory_space<vmem>> -> memref<1x80x128xf32, #tpu.memory_space<vmem>>
          %dma_start3A_109 = tpu.memref_squeeze %dma_start3A_108 : memref<1x80x128xf32, #tpu.memory_space<vmem>> -> memref<80x128xf32, #tpu.memory_space<vmem>>
          %dma_start3A_110 = arith.constant 0 : i32
          %dma_start3A_111 = tpu.memref_slice %arg7[%add3A_102, %dma_start3A_110] : memref<16x80xi32, #tpu.memory_space<vmem>> -> memref<1x80xi32, #tpu.memory_space<vmem>>
          %dma_start3A_112 = tpu.memref_squeeze %dma_start3A_111 : memref<1x80xi32, #tpu.memory_space<vmem>> -> memref<80xi32, #tpu.memory_space<vmem>>
          %dma_start3A_113 = arith.constant 0 : i32
          %dma_start3A_114 = arith.constant 0 : i32
          %dma_start3A_115 = tpu.memref_slice %arg10[%dma_start3A_113, %dma_start3A_114] : memref<10240x128xf32, #tpu.memory_space<vmem_shared>> -> memref<10240x128xf32, #tpu.memory_space<vmem_shared>>
          tpu.enqueue_indirect_dma source(%dma_start3A_109 : memref<80x128xf32, #tpu.memory_space<vmem>>) target(%dma_start3A_115 : memref<10240x128xf32, #tpu.memory_space<vmem_shared>>) offsets(%dma_start3A_112 : memref<80xi32, #tpu.memory_space<vmem>>) semaphore(%run_scoped3A_105 : memref<!tpu.dma_semaphore, #tpu.memory_space<semaphore_mem>>) {add = true}
          %dma_wait3A_116 = arith.constant 0 : i32
          %dma_wait3A_117 = arith.constant 0 : i32
          %dma_wait3A_118 = tpu.memref_slice %arg8[%run_scoped3A_103, %dma_wait3A_116, %dma_wait3A_117] : memref<2x80x128xf32, #tpu.memory_space<vmem>> -> memref<1x80x128xf32, #tpu.memory_space<vmem>>
          %dma_wait3A_119 = tpu.memref_squeeze %dma_wait3A_118 : memref<1x80x128xf32, #tpu.memory_space<vmem>> -> memref<80x128xf32, #tpu.memory_space<vmem>>
          %dma_wait3A_120 = arith.constant 0 : i32
          %dma_wait3A_121 = tpu.memref_slice %arg7[%add3A_102, %dma_wait3A_120] : memref<16x80xi32, #tpu.memory_space<vmem>> -> memref<1x80xi32, #tpu.memory_space<vmem>>
          %dma_wait3A_122 = tpu.memref_squeeze %dma_wait3A_121 : memref<1x80xi32, #tpu.memory_space<vmem>> -> memref<80xi32, #tpu.memory_space<vmem>>
          %dma_wait3A_123 = arith.constant 0 : i32
          %dma_wait3A_124 = arith.constant 0 : i32
          %dma_wait3A_125 = tpu.memref_slice %arg10[%dma_wait3A_123, %dma_wait3A_124] : memref<10240x128xf32, #tpu.memory_space<vmem_shared>> -> memref<10240x128xf32, #tpu.memory_space<vmem_shared>>
          tpu.wait_indirect_dma semaphore(%run_scoped3A_105 : memref<!tpu.dma_semaphore, #tpu.memory_space<semaphore_mem>>) src(%dma_wait3A_119 : memref<80x128xf32, #tpu.memory_space<vmem>>) dst(%dma_wait3A_125 : memref<10240x128xf32, #tpu.memory_space<vmem_shared>>)
          tpu.yield
        }) : () -> ()
        %scan3A_104 = arith.constant 0 : i32
        scf.yield %scan3A_104 : i32
      }
      %scan3A_49 = arith.constant 8 : i32
      %scan3A_50 = arith.constant 0 : i32
      scf.yield %scan3A_50 : i32
    }
    %scan3A_21 = arith.constant 8 : i32
    %barrier3A_22 = arith.constant 0 : index
    tpu.barrier barrier_id(%barrier3A_22)
    %scan3A_23 = arith.constant 0 : i32
    %scan3A_24 = arith.constant 0 : i32
    %scan3A_25 = arith.constant 10 : i32
    %scan3A_26 = arith.addi %scan3A_24, %scan3A_25 : i32
    %scan3A_27 = arith.constant 1 : i32
    %scan3A_28 = scf.for %scan3A_30 = %scan3A_24 to %scan3A_26 step %scan3A_27 iter_args(%scan3A_31 = %scan3A_23) -> (i32)  : i32 {
      %mul3A_32 = arith.constant 640 : i32
      %mul3A_33 = arith.muli %arg1, %mul3A_32 : i32
      %mul3A_34 = arith.constant 64 : i32
      %mul3A_35 = arith.muli %scan3A_30, %mul3A_34 : i32
      %add3A_36 = arith.addi %mul3A_33, %mul3A_35 : i32
      "tpu.region"() ({
        %run_scoped3A = tpu.sem_alloc : memref<!tpu.dma_semaphore, #tpu.memory_space<semaphore_mem>>
        %dma_start3A = arith.constant 0 : i32
        %dma_start3A_38 = tpu.memref_slice %arg10[%add3A_36, %dma_start3A] : memref<10240x128xf32, #tpu.memory_space<vmem_shared>> -> memref<64x128xf32, #tpu.memory_space<vmem_shared>>
        %dma_start3A_39 = arith.constant 0 : i32
        %dma_start3A_40 = tpu.memref_slice %arg10[%add3A_36, %dma_start3A_39] : memref<10240x128xf32, #tpu.memory_space<vmem_shared>> -> memref<64x128xf32, #tpu.memory_space<vmem_shared>>
        tpu.enqueue_dma source(%dma_start3A_40 : memref<64x128xf32, #tpu.memory_space<vmem_shared>>) target(%arg9 : memref<64x128xf32, #tpu.memory_space<vmem>>) target_semaphore(%run_scoped3A : memref<!tpu.dma_semaphore, #tpu.memory_space<semaphore_mem>>)
        %dma_wait3A = arith.constant 0 : i32
        %dma_wait3A_41 = tpu.memref_slice %arg10[%add3A_36, %dma_wait3A] : memref<10240x128xf32, #tpu.memory_space<vmem_shared>> -> memref<64x128xf32, #tpu.memory_space<vmem_shared>>
        %dma_wait3A_42 = arith.constant 0 : i32
        %dma_wait3A_43 = tpu.memref_slice %arg10[%add3A_36, %dma_wait3A_42] : memref<10240x128xf32, #tpu.memory_space<vmem_shared>> -> memref<64x128xf32, #tpu.memory_space<vmem_shared>>
        tpu.wait_dma2 semaphore(%run_scoped3A : memref<!tpu.dma_semaphore, #tpu.memory_space<semaphore_mem>>) src(%dma_wait3A_43 : memref<64x128xf32, #tpu.memory_space<vmem_shared>>) dst(%arg9 : memref<64x128xf32, #tpu.memory_space<vmem>>)
        tpu.yield
      }) : () -> ()
      "tpu.region"() ({
        %run_scoped3A = tpu.sem_alloc : memref<!tpu.dma_semaphore, #tpu.memory_space<semaphore_mem>>
        %dma_start3A = arith.constant 0 : i32
        %dma_start3A_38 = tpu.memref_slice %arg5[%arg0, %add3A_36, %dma_start3A] : memref<2x10240x128xf32, #tpu.memory_space<hbm>> -> memref<1x64x128xf32, #tpu.memory_space<hbm>>
        %dma_start3A_39 = tpu.memref_squeeze %dma_start3A_38 : memref<1x64x128xf32, #tpu.memory_space<hbm>> -> memref<64x128xf32, #tpu.memory_space<hbm>>
        %dma_start3A_40 = arith.constant 0 : i32
        %dma_start3A_41 = tpu.memref_slice %arg5[%arg0, %add3A_36, %dma_start3A_40] : memref<2x10240x128xf32, #tpu.memory_space<hbm>> -> memref<1x64x128xf32, #tpu.memory_space<hbm>>
        %dma_start3A_42 = tpu.memref_squeeze %dma_start3A_41 : memref<1x64x128xf32, #tpu.memory_space<hbm>> -> memref<64x128xf32, #tpu.memory_space<hbm>>
        tpu.enqueue_dma source(%arg9 : memref<64x128xf32, #tpu.memory_space<vmem>>) target(%dma_start3A_42 : memref<64x128xf32, #tpu.memory_space<hbm>>) target_semaphore(%run_scoped3A : memref<!tpu.dma_semaphore, #tpu.memory_space<semaphore_mem>>)
        %dma_wait3A = arith.constant 0 : i32
        %dma_wait3A_43 = tpu.memref_slice %arg5[%arg0, %add3A_36, %dma_wait3A] : memref<2x10240x128xf32, #tpu.memory_space<hbm>> -> memref<1x64x128xf32, #tpu.memory_space<hbm>>
        %dma_wait3A_44 = tpu.memref_squeeze %dma_wait3A_43 : memref<1x64x128xf32, #tpu.memory_space<hbm>> -> memref<64x128xf32, #tpu.memory_space<hbm>>
        %dma_wait3A_45 = arith.constant 0 : i32
        %dma_wait3A_46 = tpu.memref_slice %arg5[%arg0, %add3A_36, %dma_wait3A_45] : memref<2x10240x128xf32, #tpu.memory_space<hbm>> -> memref<1x64x128xf32, #tpu.memory_space<hbm>>
        %dma_wait3A_47 = tpu.memref_squeeze %dma_wait3A_46 : memref<1x64x128xf32, #tpu.memory_space<hbm>> -> memref<64x128xf32, #tpu.memory_space<hbm>>
        tpu.wait_dma2 semaphore(%run_scoped3A : memref<!tpu.dma_semaphore, #tpu.memory_space<semaphore_mem>>) src(%arg9 : memref<64x128xf32, #tpu.memory_space<vmem>>) dst(%dma_wait3A_47 : memref<64x128xf32, #tpu.memory_space<hbm>>)
        tpu.yield
      }) : () -> ()
      %scan3A_37 = arith.constant 0 : i32
      scf.yield %scan3A_37 : i32
    }
    %scan3A_29 = arith.constant 10 : i32
    return
  }
}

module attributes {stable_mosaic.version = 14 : i64} {
  func.func @_tc_body(%arg0: i32, %arg1: memref<2x1000x128xf32, #tpu.memory_space<vmem>>, %arg2: memref<2x1000x128xf32, #tpu.memory_space<vmem>>, %arg3: memref<1000x128xf32, #tpu.memory_space<vmem>>, %arg4: memref<128x128xf32, #tpu.memory_space<vmem>>, %arg5: memref<1x128xf32, #tpu.memory_space<vmem>>, %arg6: memref<128x128xf32, #tpu.memory_space<vmem>>, %arg7: memref<1000x128xf32, #tpu.memory_space<vmem>>, %arg8: memref<1000x128xf32, #tpu.memory_space<vmem>>) attributes {dimension_semantics = [#tpu.dimension_semantics<arbitrary>], iteration_bounds = array<i64: 10>, scalar_prefetch = 0 : i64, scratch_operands = 0 : i64, tpu.core_type = #tpu.core_type<tc>, window_params = [{transform_indices = @transform_0, window_bounds = array<i64: 2, 1000, 128>}, {transform_indices = @transform_1, window_bounds = array<i64: 2, 1000, 128>}, {transform_indices = @transform_2, window_bounds = array<i64: 1000, 128>}, {pipeline_mode = #tpu.pipeline_mode<synchronous>, transform_indices = @transform_3, window_bounds = array<i64: 128, 128>}, {pipeline_mode = #tpu.pipeline_mode<synchronous>, transform_indices = @transform_4, window_bounds = array<i64: 1, 128>}, {pipeline_mode = #tpu.pipeline_mode<synchronous>, transform_indices = @transform_5, window_bounds = array<i64: 128, 128>}, {transform_indices = @transform_6, window_bounds = array<i64: 1000, 128>}, {transform_indices = @transform_7, window_bounds = array<i64: 1000, 128>}]} {
    %get3A = arith.constant 0 : index
    %get3A_0 = arith.constant 0 : index
    %get3A_1 = arith.constant 0 : index
    %get3A_2 = vector.load %arg1[%get3A, %get3A_0, %get3A_1] : memref<2x1000x128xf32, #tpu.memory_space<vmem>>, vector<1x1000x128xf32>
    %get3A_3 = vector.shape_cast %get3A_2 : vector<1x1000x128xf32> to vector<1000x128xf32>
    %get3A_4 = arith.constant 1 : index
    %get3A_5 = arith.constant 0 : index
    %get3A_6 = arith.constant 0 : index
    %get3A_7 = vector.load %arg1[%get3A_4, %get3A_5, %get3A_6] : memref<2x1000x128xf32, #tpu.memory_space<vmem>>, vector<1x1000x128xf32>
    %get3A_8 = vector.shape_cast %get3A_7 : vector<1x1000x128xf32> to vector<1000x128xf32>
    %add3A = arith.addf %get3A_3, %get3A_8 : vector<1000x128xf32>
    %get3A_9 = arith.constant 0 : index
    %get3A_10 = arith.constant 0 : index
    %get3A_11 = arith.constant 0 : index
    %get3A_12 = vector.load %arg2[%get3A_9, %get3A_10, %get3A_11] : memref<2x1000x128xf32, #tpu.memory_space<vmem>>, vector<1x1000x128xf32>
    %get3A_13 = vector.shape_cast %get3A_12 : vector<1x1000x128xf32> to vector<1000x128xf32>
    %slice3A = vector.extract_strided_slice %get3A_13 {offsets = [0, 0], sizes = [1000, 1], strides = [1, 1]} : vector<1000x128xf32> to vector<1000x1xf32>
    %get3A_14 = arith.constant 1 : index
    %get3A_15 = arith.constant 0 : index
    %get3A_16 = arith.constant 0 : index
    %get3A_17 = vector.load %arg2[%get3A_14, %get3A_15, %get3A_16] : memref<2x1000x128xf32, #tpu.memory_space<vmem>>, vector<1x1000x128xf32>
    %get3A_18 = vector.shape_cast %get3A_17 : vector<1x1000x128xf32> to vector<1000x128xf32>
    %slice3A_19 = vector.extract_strided_slice %get3A_18 {offsets = [0, 0], sizes = [1000, 1], strides = [1, 1]} : vector<1000x128xf32> to vector<1000x1xf32>
    %add3A_20 = arith.addf %slice3A, %slice3A_19 : vector<1000x1xf32>
    %max3A = arith.constant 1.000000e+00 : f32
    %max3A_21 = vector.broadcast %max3A : f32 to vector<1000x1xf32>
    %max3A_22 = arith.maximumf %add3A_20, %max3A_21 : vector<1000x1xf32>
    %div3A = arith.constant 1.000000e+00 : f32
    %div3A_23 = vector.broadcast %div3A : f32 to vector<1000x1xf32>
    %div3A_24 = arith.divf %div3A_23, %max3A_22 : vector<1000x1xf32>
    %mul3A = vector.broadcast %div3A_24 : vector<1000x1xf32> to vector<1000x128xf32>
    %mul3A_25 = arith.mulf %add3A, %mul3A : vector<1000x128xf32>
    %get3A_26 = arith.constant 0 : index
    %get3A_27 = arith.constant 0 : index
    %get3A_28 = vector.load %arg4[%get3A_26, %get3A_27] : memref<128x128xf32, #tpu.memory_space<vmem>>, vector<128x128xf32>
    %dot_general3A = arith.constant dense<0.000000e+00> : vector<1000x128xf32>
    %dot_general3A_29 = tpu.matmul %mul3A_25, %get3A_28, %dot_general3A {dimension_numbers = #tpu.dot_dimension_numbers<[1], [0], [0], [1], [0, 0, 1, 1], [], []>, transpose_lhs_hint = false} : vector<1000x128xf32>, vector<128x128xf32>, vector<1000x128xf32> -> vector<1000x128xf32>
    %get3A_30 = arith.constant 0 : index
    %get3A_31 = arith.constant 0 : index
    %get3A_32 = vector.load %arg3[%get3A_30, %get3A_31] : memref<1000x128xf32, #tpu.memory_space<vmem>>, vector<1000x128xf32>
    %get3A_33 = arith.constant 0 : index
    %get3A_34 = arith.constant 0 : index
    %get3A_35 = vector.load %arg6[%get3A_33, %get3A_34] : memref<128x128xf32, #tpu.memory_space<vmem>>, vector<128x128xf32>
    %dot_general3A_36 = arith.constant dense<0.000000e+00> : vector<1000x128xf32>
    %dot_general3A_37 = tpu.matmul %get3A_32, %get3A_35, %dot_general3A_36 {dimension_numbers = #tpu.dot_dimension_numbers<[1], [0], [0], [1], [0, 0, 1, 1], [], []>, transpose_lhs_hint = false} : vector<1000x128xf32>, vector<128x128xf32>, vector<1000x128xf32> -> vector<1000x128xf32>
    %add3A_38 = arith.addf %dot_general3A_29, %dot_general3A_37 : vector<1000x128xf32>
    %get3A_39 = arith.constant 0 : index
    %get3A_40 = arith.constant 0 : index
    %get3A_41 = vector.load %arg5[%get3A_39, %get3A_40] : memref<1x128xf32, #tpu.memory_space<vmem>>, vector<1x128xf32>
    %add3A_42 = vector.broadcast %get3A_41 : vector<1x128xf32> to vector<1000x128xf32>
    %add3A_43 = arith.addf %add3A_38, %add3A_42 : vector<1000x128xf32>
    %swap3A = arith.constant 0 : index
    %swap3A_44 = arith.constant 0 : index
    %swap3A_45 = vector.load %arg7[%swap3A, %swap3A_44] : memref<1000x128xf32, #tpu.memory_space<vmem>>, vector<1000x128xf32>
    tpu.vector_store %arg7[%swap3A, %swap3A_44], %add3A_43 {strides = array<i32>} : memref<1000x128xf32, #tpu.memory_space<vmem>>, vector<1000x128xf32>,
    %max3A_46 = arith.constant 0.000000e+00 : f32
    %max3A_47 = vector.broadcast %max3A_46 : f32 to vector<1000x128xf32>
    %max3A_48 = arith.maximumf %add3A_43, %max3A_47 : vector<1000x128xf32>
    %swap3A_49 = arith.constant 0 : index
    %swap3A_50 = arith.constant 0 : index
    %swap3A_51 = vector.load %arg8[%swap3A_49, %swap3A_50] : memref<1000x128xf32, #tpu.memory_space<vmem>>, vector<1000x128xf32>
    tpu.vector_store %arg8[%swap3A_49, %swap3A_50], %max3A_48 {strides = array<i32>} : memref<1000x128xf32, #tpu.memory_space<vmem>>, vector<1000x128xf32>,
    return
  }
  func.func @transform_0(%arg0: i32) -> (i32, i32, i32) {
    %c0_i32 = arith.constant 0 : i32
    %c0_i32_0 = arith.constant 0 : i32
    %c0_i32_1 = arith.constant 0 : i32
    return %c0_i32, %arg0, %c0_i32_0 : i32, i32, i32
  }
  func.func @transform_1(%arg0: i32) -> (i32, i32, i32) {
    %c0_i32 = arith.constant 0 : i32
    %c0_i32_0 = arith.constant 0 : i32
    %c0_i32_1 = arith.constant 0 : i32
    return %c0_i32, %arg0, %c0_i32_0 : i32, i32, i32
  }
  func.func @transform_2(%arg0: i32) -> (i32, i32) {
    %c0_i32 = arith.constant 0 : i32
    %c0_i32_0 = arith.constant 0 : i32
    return %arg0, %c0_i32 : i32, i32
  }
  func.func @transform_3(%arg0: i32) -> (i32, i32) {
    %c0_i32 = arith.constant 0 : i32
    %c0_i32_0 = arith.constant 0 : i32
    %c0_i32_1 = arith.constant 0 : i32
    return %c0_i32, %c0_i32_0 : i32, i32
  }
  func.func @transform_4(%arg0: i32) -> (i32, i32) {
    %c0_i32 = arith.constant 0 : i32
    %c0_i32_0 = arith.constant 0 : i32
    %c0_i32_1 = arith.constant 0 : i32
    return %c0_i32, %c0_i32_0 : i32, i32
  }
  func.func @transform_5(%arg0: i32) -> (i32, i32) {
    %c0_i32 = arith.constant 0 : i32
    %c0_i32_0 = arith.constant 0 : i32
    %c0_i32_1 = arith.constant 0 : i32
    return %c0_i32, %c0_i32_0 : i32, i32
  }
  func.func @transform_6(%arg0: i32) -> (i32, i32) {
    %c0_i32 = arith.constant 0 : i32
    %c0_i32_0 = arith.constant 0 : i32
    return %arg0, %c0_i32 : i32, i32
  }
  func.func @transform_7(%arg0: i32) -> (i32, i32) {
    %c0_i32 = arith.constant 0 : i32
    %c0_i32_0 = arith.constant 0 : i32
    return %arg0, %c0_i32 : i32, i32
  }
}

module attributes {stable_mosaic.version = 14 : i64} {
  func.func @_tc_body(%arg0: i32, %arg1: memref<2x1000x128xf32, #tpu.memory_space<vmem>>, %arg2: memref<2x1000x128xf32, #tpu.memory_space<vmem>>, %arg3: memref<1000x128xf32, #tpu.memory_space<vmem>>, %arg4: memref<128x128xf32, #tpu.memory_space<vmem>>, %arg5: memref<1x128xf32, #tpu.memory_space<vmem>>, %arg6: memref<128x128xf32, #tpu.memory_space<vmem>>, %arg7: memref<1000x128xf32, #tpu.memory_space<vmem>>) attributes {dimension_semantics = [#tpu.dimension_semantics<arbitrary>], iteration_bounds = array<i64: 10>, scalar_prefetch = 0 : i64, scratch_operands = 0 : i64, tpu.core_type = #tpu.core_type<tc>, window_params = [{transform_indices = @transform_0, window_bounds = array<i64: 2, 1000, 128>}, {transform_indices = @transform_1, window_bounds = array<i64: 2, 1000, 128>}, {transform_indices = @transform_2, window_bounds = array<i64: 1000, 128>}, {pipeline_mode = #tpu.pipeline_mode<synchronous>, transform_indices = @transform_3, window_bounds = array<i64: 128, 128>}, {pipeline_mode = #tpu.pipeline_mode<synchronous>, transform_indices = @transform_4, window_bounds = array<i64: 1, 128>}, {pipeline_mode = #tpu.pipeline_mode<synchronous>, transform_indices = @transform_5, window_bounds = array<i64: 128, 128>}, {transform_indices = @transform_6, window_bounds = array<i64: 1000, 128>}]} {
    %get3A = arith.constant 0 : index
    %get3A_0 = arith.constant 0 : index
    %get3A_1 = arith.constant 0 : index
    %get3A_2 = vector.load %arg1[%get3A, %get3A_0, %get3A_1] : memref<2x1000x128xf32, #tpu.memory_space<vmem>>, vector<1x1000x128xf32>
    %get3A_3 = vector.shape_cast %get3A_2 : vector<1x1000x128xf32> to vector<1000x128xf32>
    %get3A_4 = arith.constant 1 : index
    %get3A_5 = arith.constant 0 : index
    %get3A_6 = arith.constant 0 : index
    %get3A_7 = vector.load %arg1[%get3A_4, %get3A_5, %get3A_6] : memref<2x1000x128xf32, #tpu.memory_space<vmem>>, vector<1x1000x128xf32>
    %get3A_8 = vector.shape_cast %get3A_7 : vector<1x1000x128xf32> to vector<1000x128xf32>
    %add3A = arith.addf %get3A_3, %get3A_8 : vector<1000x128xf32>
    %get3A_9 = arith.constant 0 : index
    %get3A_10 = arith.constant 0 : index
    %get3A_11 = arith.constant 0 : index
    %get3A_12 = vector.load %arg2[%get3A_9, %get3A_10, %get3A_11] : memref<2x1000x128xf32, #tpu.memory_space<vmem>>, vector<1x1000x128xf32>
    %get3A_13 = vector.shape_cast %get3A_12 : vector<1x1000x128xf32> to vector<1000x128xf32>
    %slice3A = vector.extract_strided_slice %get3A_13 {offsets = [0, 0], sizes = [1000, 1], strides = [1, 1]} : vector<1000x128xf32> to vector<1000x1xf32>
    %get3A_14 = arith.constant 1 : index
    %get3A_15 = arith.constant 0 : index
    %get3A_16 = arith.constant 0 : index
    %get3A_17 = vector.load %arg2[%get3A_14, %get3A_15, %get3A_16] : memref<2x1000x128xf32, #tpu.memory_space<vmem>>, vector<1x1000x128xf32>
    %get3A_18 = vector.shape_cast %get3A_17 : vector<1x1000x128xf32> to vector<1000x128xf32>
    %slice3A_19 = vector.extract_strided_slice %get3A_18 {offsets = [0, 0], sizes = [1000, 1], strides = [1, 1]} : vector<1000x128xf32> to vector<1000x1xf32>
    %add3A_20 = arith.addf %slice3A, %slice3A_19 : vector<1000x1xf32>
    %max3A = arith.constant 1.000000e+00 : f32
    %max3A_21 = vector.broadcast %max3A : f32 to vector<1000x1xf32>
    %max3A_22 = arith.maximumf %add3A_20, %max3A_21 : vector<1000x1xf32>
    %div3A = arith.constant 1.000000e+00 : f32
    %div3A_23 = vector.broadcast %div3A : f32 to vector<1000x1xf32>
    %div3A_24 = arith.divf %div3A_23, %max3A_22 : vector<1000x1xf32>
    %mul3A = vector.broadcast %div3A_24 : vector<1000x1xf32> to vector<1000x128xf32>
    %mul3A_25 = arith.mulf %add3A, %mul3A : vector<1000x128xf32>
    %get3A_26 = arith.constant 0 : index
    %get3A_27 = arith.constant 0 : index
    %get3A_28 = vector.load %arg4[%get3A_26, %get3A_27] : memref<128x128xf32, #tpu.memory_space<vmem>>, vector<128x128xf32>
    %dot_general3A = arith.constant dense<0.000000e+00> : vector<1000x128xf32>
    %dot_general3A_29 = tpu.matmul %mul3A_25, %get3A_28, %dot_general3A {dimension_numbers = #tpu.dot_dimension_numbers<[1], [0], [0], [1], [0, 0, 1, 1], [], []>, transpose_lhs_hint = false} : vector<1000x128xf32>, vector<128x128xf32>, vector<1000x128xf32> -> vector<1000x128xf32>
    %get3A_30 = arith.constant 0 : index
    %get3A_31 = arith.constant 0 : index
    %get3A_32 = vector.load %arg3[%get3A_30, %get3A_31] : memref<1000x128xf32, #tpu.memory_space<vmem>>, vector<1000x128xf32>
    %get3A_33 = arith.constant 0 : index
    %get3A_34 = arith.constant 0 : index
    %get3A_35 = vector.load %arg6[%get3A_33, %get3A_34] : memref<128x128xf32, #tpu.memory_space<vmem>>, vector<128x128xf32>
    %dot_general3A_36 = arith.constant dense<0.000000e+00> : vector<1000x128xf32>
    %dot_general3A_37 = tpu.matmul %get3A_32, %get3A_35, %dot_general3A_36 {dimension_numbers = #tpu.dot_dimension_numbers<[1], [0], [0], [1], [0, 0, 1, 1], [], []>, transpose_lhs_hint = false} : vector<1000x128xf32>, vector<128x128xf32>, vector<1000x128xf32> -> vector<1000x128xf32>
    %add3A_38 = arith.addf %dot_general3A_29, %dot_general3A_37 : vector<1000x128xf32>
    %get3A_39 = arith.constant 0 : index
    %get3A_40 = arith.constant 0 : index
    %get3A_41 = vector.load %arg5[%get3A_39, %get3A_40] : memref<1x128xf32, #tpu.memory_space<vmem>>, vector<1x128xf32>
    %add3A_42 = vector.broadcast %get3A_41 : vector<1x128xf32> to vector<1000x128xf32>
    %add3A_43 = arith.addf %add3A_38, %add3A_42 : vector<1000x128xf32>
    %swap3A = arith.constant 0 : index
    %swap3A_44 = arith.constant 0 : index
    %swap3A_45 = vector.load %arg7[%swap3A, %swap3A_44] : memref<1000x128xf32, #tpu.memory_space<vmem>>, vector<1000x128xf32>
    tpu.vector_store %arg7[%swap3A, %swap3A_44], %add3A_43 {strides = array<i32>} : memref<1000x128xf32, #tpu.memory_space<vmem>>, vector<1000x128xf32>,
    return
  }
  func.func @transform_0(%arg0: i32) -> (i32, i32, i32) {
    %c0_i32 = arith.constant 0 : i32
    %c0_i32_0 = arith.constant 0 : i32
    %c0_i32_1 = arith.constant 0 : i32
    return %c0_i32, %arg0, %c0_i32_0 : i32, i32, i32
  }
  func.func @transform_1(%arg0: i32) -> (i32, i32, i32) {
    %c0_i32 = arith.constant 0 : i32
    %c0_i32_0 = arith.constant 0 : i32
    %c0_i32_1 = arith.constant 0 : i32
    return %c0_i32, %arg0, %c0_i32_0 : i32, i32, i32
  }
  func.func @transform_2(%arg0: i32) -> (i32, i32) {
    %c0_i32 = arith.constant 0 : i32
    %c0_i32_0 = arith.constant 0 : i32
    return %arg0, %c0_i32 : i32, i32
  }
  func.func @transform_3(%arg0: i32) -> (i32, i32) {
    %c0_i32 = arith.constant 0 : i32
    %c0_i32_0 = arith.constant 0 : i32
    %c0_i32_1 = arith.constant 0 : i32
    return %c0_i32, %c0_i32_0 : i32, i32
  }
  func.func @transform_4(%arg0: i32) -> (i32, i32) {
    %c0_i32 = arith.constant 0 : i32
    %c0_i32_0 = arith.constant 0 : i32
    %c0_i32_1 = arith.constant 0 : i32
    return %c0_i32, %c0_i32_0 : i32, i32
  }
  func.func @transform_5(%arg0: i32) -> (i32, i32) {
    %c0_i32 = arith.constant 0 : i32
    %c0_i32_0 = arith.constant 0 : i32
    %c0_i32_1 = arith.constant 0 : i32
    return %c0_i32, %c0_i32_0 : i32, i32
  }
  func.func @transform_6(%arg0: i32) -> (i32, i32) {
    %c0_i32 = arith.constant 0 : i32
    %c0_i32_0 = arith.constant 0 : i32
    return %arg0, %c0_i32 : i32, i32
  }
}

</mosaic_0001>

<sc_bundles>
// kernel: kernel.12.cloned.1.call-start
scs
__scs_entry_jumppad:
0x0: {  	(pc) =	sbr.rel $0x88, $3  }
0x1: {  	(tag) =	ssettag $0x0;
	lr =	simm.s32 $0x1  }
0x2: {  	[smem:$0x3F96] =	sst lr;
	_ =	strace $0xD0000000  }
0x3: {  	_ = 	snop  }
0x4: {  	_ = 	snop  }
0x5: {  	_ = 	snop  }
0x6: {  	_ = 	snop  }
0x7: {  	_ = 	snop  }
__scs_overlays_trampoline_lowered:
0x8: {  	[smem:$0x3FA5] =	sst s0  }
0x9: {  	[smem:$0x3FA6] =	sst s1  }
0xa: {  	[smem:$0x3FA7] =	sst s2  }
0xb: {  	[smem:$0x3FA8] =	sst s3  }
0xc: {  	[smem:$0x3FA9] =	sst s4  }
0xd: {  	[smem:$0x3FAA] =	sst s5  }
0xe: {  	[smem:$0x3FAB] =	sst s6  }
0xf: {  	[smem:$0x3FAC] =	sst s7  }
0x10: {  	[smem:$0x3FAD] =	sst s8  }
0x11: {  	[smem:$0x3FAE] =	sst s9;
	s0 =	simm.s32 @!p0 $0x0  }
0x12: {  	s1 =	sld [smem:$0x3F94];
	s0 =	simm.s32 @p0 $0x1  }
0x13: {  	[smem:$0x3FAF] =	sst s0;
	s0 =	simm.s32 @!p1 $0x0  }
0x14: {  	s2 =	sld [smem:$0x3F93];
	s0 =	simm.s32 @p1 $0x1  }
0x15: {  	[smem:$0x3FB0] =	sst s0;
	s0 =	simm.s32 @!p2 $0x0  }
0x16: {  	s3 =	sld [smem:$0x3FDB];
	s0 =	simm.s32 @p2 $0x1  }
0x17: {  	s4 =	simm.s32 $0x1BF5;
	[smem:$0x3FB2] =	sst s0  }
0x18: {  	s0 =	sld [smem:$0x3F95];
	_ =	swait.ge [sflag:s4], $0x0  }
0x19: {  	s7 =	sld [smem:$0x3F96]  }
0x1a: {  	s8 =	sadd.s32 $0xFFFFE003, lr  }
0x1b: {  	s9 =	sadd.s32 $0xFFFFFEF7, lr;
	s5 =	simm.s32 $0xFFFFFFFF;
	p2 =	slt.u32 s8, $0xFFFFF086  }
0x1c: {  	p1 =	slt.u32 s9, $0xF7A;
	s5 =	simm.s32 @!p2 $0x0  }
0x1d: {  	s5 =	simm.s32 @p1 $0x1;
	p0 =	seq.s32 s7, s2  }
0x1e: {  	s7 =	smul.u32 @!p0 $0xF7A, s2;
	p2 =	seq.s32 @!p0 s5, $0x0  }
0x1f: {  	s9 =	smul.u32 $0xF7A, s1;
	s8 =	simm.s32 @!p0 $0x1BF5;
	p2 =	por !p2, p0  }
0x20: {  	[sflag:s8] =	ssyncset.s32 @!p0 $0xFFFFF086;
	s6 =	sadd.s32 @!p0 s3, s7;
	s7 =	simm.s32 @!p0 $0x108  }
0x21: {  	s3 =	sadd.s32 s3, s9;
	s6 =	sadd.s32 @!p0 $0x88, s6;
	s7 =	simm.s32 @p2 $0x1082  }
0x22: {  	[simem:s7], [sflag:s8] =	dma.local @!p0 [hbm:s6], $0xF7A  }
0x23: {  	s9 =	sor.u32 $0xD0000000, s2;
	s6 =	simm.s32 $0x108;
	_ =	swait.ge @!p0 [sflag:s8], $0x0  }
0x24: {  	s3 =	sadd.s32 $0x88, s3;
	s6 =	simm.s32 @!p1 $0x1082;
	[sflag:s4] =	ssyncset.s32 $0xFFFFF086  }
0x25: {  	[simem:s6], [sflag:s4] =	dma.local [hbm:s3], $0xF7A  }
0x26: {  	[smem:$0x3F96] =	sst s1;
	(tag) =	ssettag s2;
	_ =	strace s9  }
0x27: {  	s1 =	sld [smem:$0x3FA6]  }
0x28: {  	s2 =	sld [smem:$0x3FA7]  }
0x29: {  	s4 =	sld [smem:$0x3FA9]  }
0x2a: {  	p0 =	seq.s32 s5, $0x0;
	s5 =	sld [smem:$0x3FAA]  }
0x2b: {  	s6 =	sld [smem:$0x3FAB]  }
0x2c: {  	s7 =	sld [smem:$0x3FAC]  }
0x2d: {  	s3 =	simm.s32 $0x108;
	s8 =	sld [smem:$0x3FAD]  }
0x2e: {  	s3 =	simm.s32 @!p0 $0x1082;
	s9 =	sld [smem:$0x3FAE]  }
0x2f: {  	lr =	sadd.s32 s0, s3;
	s0 =	sld [smem:$0x3FA5]  }
0x30: {  	s3 =	sld [smem:$0x3FA8]  }
0x31: {  	[smem:$0x3FB1] =	sst s10  }
0x32: {  	s10 =	sld [smem:$0x3FAF];
	_ =	sdelay $0x3  }
0x33: {  	p0 =	seq.s32 s10, $0x1;
	s10 =	sld [smem:$0x3FB1];
	_ =	sdelay $0x3  }
0x34: {  	[smem:$0x3FB1] =	sst s10  }
0x35: {  	s10 =	sld [smem:$0x3FB0];
	_ =	sdelay $0x3  }
0x36: {  	p1 =	seq.s32 s10, $0x1;
	s10 =	sld [smem:$0x3FB1];
	_ =	sdelay $0x3  }
0x37: {  	[smem:$0x3FB1] =	sst s10  }
0x38: {  	s10 =	sld [smem:$0x3FB2]  }
0x39: {  	_ = 	snop;
	(pc) =	sbr.ind lr, $3  }
0x3a: {  	_ = 	snop  }
0x3b: {  	_ = 	snop  }
0x3c: {  	p2 =	seq.s32 s10, $0x1;
	s10 =	sld [smem:$0x3FB1]  }
0x3d: {  	_ =	shalt  }
0x3e: {  	_ =	shalt  }
0x3f: {  	_ =	shalt  }
0x40: {  	_ =	shalt  }
0x41: {  	_ =	shalt  }
0x42: {  	_ =	shalt  }
0x43: {  	_ =	shalt  }
0x44: {  	_ =	shalt  }
0x45: {  	_ =	shalt  }
0x46: {  	_ =	shalt  }
0x47: {  	_ =	shalt  }
0x48: {  	_ =	shalt  }
0x49: {  	_ =	shalt  }
0x4a: {  	_ =	shalt  }
0x4b: {  	_ =	shalt  }
0x4c: {  	_ =	shalt  }
0x4d: {  	_ =	shalt  }
0x4e: {  	_ =	shalt  }
0x4f: {  	_ =	shalt  }
0x50: {  	_ =	shalt  }
0x51: {  	_ =	shalt  }
0x52: {  	_ =	shalt  }
0x53: {  	_ =	shalt  }
0x54: {  	_ =	shalt  }
0x55: {  	_ =	shalt  }
0x56: {  	_ =	shalt  }
0x57: {  	_ =	shalt  }
0x58: {  	_ =	shalt  }
0x59: {  	_ =	shalt  }
0x5a: {  	_ =	shalt  }
0x5b: {  	_ =	shalt  }
0x5c: {  	_ =	shalt  }
0x5d: {  	_ =	shalt  }
0x5e: {  	_ =	shalt  }
0x5f: {  	_ =	shalt  }
0x60: {  	_ =	shalt  }
0x61: {  	_ =	shalt  }
0x62: {  	_ =	shalt  }
0x63: {  	_ =	shalt  }
0x64: {  	_ =	shalt  }
0x65: {  	_ =	shalt  }
0x66: {  	_ =	shalt  }
0x67: {  	_ =	shalt  }
0x68: {  	_ =	shalt  }
0x69: {  	_ =	shalt  }
0x6a: {  	_ =	shalt  }
0x6b: {  	_ =	shalt  }
0x6c: {  	_ =	shalt  }
0x6d: {  	_ =	shalt  }
0x6e: {  	_ =	shalt  }
0x6f: {  	_ =	shalt  }
0x70: {  	_ =	shalt  }
0x71: {  	_ =	shalt  }
0x72: {  	_ =	shalt  }
0x73: {  	_ =	shalt  }
0x74: {  	_ =	shalt  }
0x75: {  	_ =	shalt  }
0x76: {  	_ =	shalt  }
0x77: {  	_ =	shalt  }
0x78: {  	_ =	shalt  }
0x79: {  	_ =	shalt  }
0x7a: {  	_ =	shalt  }
0x7b: {  	_ =	shalt  }
0x7c: {  	_ =	shalt  }
0x7d: {  	_ =	shalt  }
0x7e: {  	_ =	shalt  }
0x7f: {  	_ =	shalt  }
0x80: {  	_ =	shalt  }
0x81: {  	_ =	shalt  }
0x82: {  	_ =	shalt  }
0x83: {  	_ =	shalt  }
0x84: {  	_ =	shalt  }
0x85: {  	_ =	shalt  }
0x86: {  	_ =	shalt  }
0x87: {  	_ =	shalt  }
.Lfunc_end0:
.L_simem_size_0:
called_computation.1_lowered:
.L_overlay_start_0:
0x88: {  	s2 =	sld [smem:$0x3FD9]  }
0x89: {  	s3 =	sld [smem:$0x3FFE];
	_ =	sdelay $0x1  }
0x8a: {  	s1 =	srdreg.scid  }
0x8b: {  	s0 =	sand.u32 $0x1, s1  }
0x8c: {  	s17 =	sshll.u32 s0, $0xA;
	s2 =	sadd.s32 s3, s2  }
0x8d: {  	s2 =	sadd.s32 s2, s17  }
0x8e: {  	[smem:$0x3FBD] =	sst s2  }
0x8f: {  	_ = 	snop  }
0x90: {  	s2 =	sld [smem:$0x3FC9]  }
0x91: {  	s18 =	sld [smem:$0x3FD0];
	(tm) =	ssettm $0x1  }
0x92: {  	s4 =	sld [smem:$0x3FFB];
	_ =	sdelay $0x3  }
0x93: {  	_ =	strace s4  }
0x94: {  	s4 =	sld [smem:$0x3FFC];
	_ =	sdelay $0x3  }
0x95: {  	_ =	strace s4  }
0x96: {  	s4 =	sld [smem:$0x3FFD];
	_ =	sdelay $0x3  }
0x97: {  	_ =	strace s4  }
0x98: {  	_ =	strace $0x8FFFFFFF  }
0x99: {  	s19 =	sld [smem:$0x3FDB];
	_ =	sdelay $0x1  }
0x9a: {  	s5 =	simm.s32 $_scs_section_size  }
0x9b: {  	s6 =	simm.s32 $_size__tile_overlayer_lowered;
	s7 =	simm.s32 $_tile_overlayer_lowered  }
0x9c: {  	s22 =	simm.s32 $0x1BFF;
	s21 =	sshll.u32 s7, $0x1;
	s4 =	sadd.s32 s5, s19  }
0x9d: {  	s8 =	simm.s32 $0x0;
	s20 =	sshll.u32 s6, $0x1;
	s6 =	sadd.s32 s21, s4  }
0x9e: {  	[timem:s8], [sflag:s22] =	dma.local [hbm:s6], s20  }
0x9f: {  	_ =	swait.ge [sflag:s22], s20  }
0xa0: {  	s5 =	ssub.s32 $0x0, s20;
	[sflag:s22] =	ssyncset.done $0x0  }
0xa1: {  	[sflag:s22] =	ssyncadd.s32 s5;
	_ =	sdelay $0x1  }
0xa2: {  	s23 =	simm.s32 $0x1B8B  }
0xa3: {  	_ =	swait.ge [sflag:s23], $0x1  }
0xa4: {  	[sflag:s23] =	ssyncset.done $0x0  }
0xa5: {  	s25 =	simm.s32 $0x1B8E;
	s24 =	sld [smem:$0x3FFE];
	[sflag:s23] =	ssyncadd.s32 $0xFFFFFFFF  }
0xa6: {  	s26 =	simm.s32 $execute0_lowered;
	[smem:$0x3FD2] =	sst s25  }
0xa7: {  	s6 =	sshll.u32 s26, $0x1;
	_ =	strace $0x80000046;
	[dreg:$0x1] =	wrdreg $0xFFFFFFFF  }
0xa8: {  	s28 =	simm.s32 $_size_execute0_lowered;
	s4 =	sadd.s32 s4, s6;
	[dreg:$0x0] =	wrdreg $0x0  }
0xa9: {  	s6 =	sshll.u32 s28, $0x1;
	[dreg:$0x2] =	wrdreg s4  }
0xaa: {  	[dreg:$0x3] =	wrdreg s6  }
0xab: {  	[dreg:$0x4] =	wrdreg $0xC0  }
0xac: {  	_ =	task [dreg:s8], $0x5FFFF  }
0xad: {  	[dreg:$0x1] =	wrdreg $0xFFFFFFFF  }
0xae: {  	[dreg:$0x0] =	wrdreg $0x60  }
0xaf: {  	[dreg:$0x2] =	wrdreg s2  }
0xb0: {  	[dreg:$0x3] =	wrdreg s24  }
0xb1: {  	[dreg:$0x4] =	wrdreg s18  }
0xb2: {  	[dreg:$0x5] =	wrdreg $0x80000  }
0xb3: {  	[dreg:$0x6] =	wrdreg $0xA  }
0xb4: {  	_ =	task.clear_ibuf [dreg:s8], $0x7FFFF;
	_ =	strace $0x90000046  }
0xb5: {  	s29 =	simm.s32 $0xA;
	_ =	strace $0x80000048  }
0xb6: {  	_ =	swait.ge [sflag:s29], $0x1  }
0xb7: {  	[sflag:s29] =	ssyncadd.s32 $0xFFFFFFFF  }
0xb8: {  	_ =	strace $0x90000048  }
0xb9: {  	_ =	sfence  }
0xba: {  	s30 =	sld [smem:$0x0];
	_ =	sdelay $0x2  }
0xbb: {  	s31 =	sshll.u32 s1, $0xD;
	s1 =	sshrl.u32 s1, $0x2  }
0xbc: {  	s3 =	sand.u32 $0x4000, s31;
	s1 =	sadd.s32 s1, s30  }
0xbd: {  	s0 =	sor.u32 s3, s0;
	s1 =	sshll.u32 s1, $0x11  }
0xbe: {  	s0 =	sor.u32 s1, s0  }
0xbf: {  	s0 =	sadd.s32 $0x8F2B, s0  }
0xc0: {  	[sflag:s0] =	ssyncadd.remote.s32 $0x1  }
0xc1: {  	_ =	sfence.sel $0xFFFF  }
0xc2: {  	[dreg:$0x0] =	wrdreg $0xFFFFFFFF;
	(pc) =	sbr.abs _section_cstart, $3  }
0xc3: {  	[dreg:$0x1] =	wrdreg $0xFFFFFFFF  }
0xc4: {  	_ =	task.clear_ibuf [dreg:s8], $0x2FFFF;
	_ =	strace $0x9FFFFFFF  }
0xc5: {  	(tm) =	ssettm $0x7FFFFFFF  }
tec
execute0_lowered:
.L_overlay_start_1:
0x0: {  	(tag) =	ssettag $0x1  }
0x1: {  	s1 =	rddreg [dreg:$0x0]  }
0x2: {  	s5 =	rddreg [dreg:$0x1]  }
0x3: {  	s0 =	rddreg [dreg:$0x2]  }
0x4: {  	s2 =	rddreg [dreg:$0x3]  }
0x5: {  	s4 =	simm.s32 $0x0;
	s3 =	srdreg.scid;
	s12 =	stileid.u32  }
0x6: {  	s22 =	simm.s32 $0x80;
	s23 =	simm.s32 $0x100;
	s24 =	simm.s32 $0x880  }
0x7: {  	s25 =	simm.s32 $0x180;
	[smem:$0x7FF] =	sst s4;
	s6 =	sand.u32 $0x1, s3  }
0x8: {  	s8 =	smul.u32 $0x14000, s12;
	_ =	strace $0x80000047;
	[dreg:$0x7] =	wrdreg s22  }
0x9: {  	s10 =	smul.u32 $0x50000, s12;
	s12 =	sshll.u32 s12, $0xB;
	[dreg:$0x8] =	wrdreg s23  }
0xa: {  	s3 =	smul.u32 $0x140000, s6;
	s7 =	ssub.s32 $0x2, s6;
	[dreg:$0x9] =	wrdreg s24  }
0xb: {  	s6 =	sshll.u32 s6, $0xF;
	[dreg:$0xa] =	wrdreg s25;
	s23 =	simm.s32 $0x380  }
0xc: {  	s9 =	sshrl.u32 s7, $0x1;
	s11 =	sadd.s32 s6, s5;
	s6 =	sshrl.u32 s10, $0x2  }
0xd: {  	s10 =	sadd.s32 $0x6000, s8;
	s22 =	sadd.s32 $0xE000, s8;
	[dreg:$0x12] =	wrdreg s23  }
0xe: {  	s24 =	sadd.s32 $0x10000, s8;
	s5 =	ssub.s32 s7, s9;
	s11 =	sadd.s32 s12, s11  }
0xf: {  	s14 =	sadd.s32 s3, s8;
	s7 =	sor.u32 $0x2000, s8;
	s20 =	sadd.s32 $0x3000, s11  }
0x10: {  	s15 =	sshrl.u32 s14, $0x3;
	s11 =	sadd.s32 $0x13000, s11;
	[dreg:$0x5] =	wrdreg s20  }
0x11: {  	s16 =	sadd.s32 s3, s7;
	s5 =	smax.u32 s5, $0x1;
	[dreg:$0x6] =	wrdreg s11  }
0x12: {  	s14 =	sadd.s32 s3, s10;
	s9 =	sadd.s32 s0, s15;
	[dreg:$0x1f] =	wrdreg s5  }
0x13: {  	s13 =	sshrl.u32 s16, $0x3;
	s15 =	simm.s32 $0x900;
	[dreg:$0x14] =	wrdreg s9  }
0x14: {  	s14 =	sshrl.u32 s14, $0x3;
	s16 =	simm.s32 $0x200;
	[dreg:$0xb] =	wrdreg s15  }
0x15: {  	s20 =	simm.s32 $0x300;
	s9 =	sadd.s32 $0x4000, s8;
	[dreg:$0xc] =	wrdreg s16  }
0x16: {  	s13 =	sadd.s32 s0, s13;
	s19 =	sadd.s32 s0, s14;
	[dreg:$0x10] =	wrdreg s20  }
0x17: {  	s16 =	sadd.s32 s3, s22;
	[dreg:$0x15] =	wrdreg s13;
	s17 =	sadd.s32 s3, s9  }
0x18: {  	[dreg:$0x17] =	wrdreg s19;
	s19 =	simm.s32 $0xA00;
	s16 =	sshrl.u32 s16, $0x3  }
0x19: {  	s13 =	sshrl.u32 s17, $0x3;
	s17 =	simm.s32 $0x980;
	[dreg:$0xf] =	wrdreg s19  }
0x1a: {  	s16 =	sadd.s32 s0, s16;
	s18 =	sadd.s32 s0, s13;
	[dreg:$0xd] =	wrdreg s17  }
0x1b: {  	s13 =	sadd.s32 $0x8000, s8;
	s17 =	sadd.s32 s3, s24;
	[dreg:$0x1b] =	wrdreg s16  }
0x1c: {  	[dreg:$0x16] =	wrdreg s18;
	s21 =	sadd.s32 s3, s13;
	s18 =	simm.s32 $0x280  }
0x1d: {  	s25 =	sshrl.u32 s17, $0x3;
	s17 =	sadd.s32 s24, s2;
	[dreg:$0xe] =	wrdreg s18  }
0x1e: {  	s12 =	sshrl.u32 s21, $0x3;
	s21 =	simm.s32 $0xA80;
	[smem:$0x7F3] =	sst s17  }
0x1f: {  	s12 =	sadd.s32 s0, s12;
	[dreg:$0x11] =	wrdreg s21  }
0x20: {  	s16 =	sadd.s32 s0, s25;
	[dreg:$0x18] =	wrdreg s12;
	s12 =	sadd.s32 $0xA000, s8  }
0x21: {  	[dreg:$0x1c] =	wrdreg s16;
	s16 =	sadd.s32 s22, s2;
	s26 =	sadd.s32 s3, s12  }
0x22: {  	[smem:$0x7F2] =	sst s16;
	s14 =	sshrl.u32 s26, $0x3;
	s26 =	simm.s32 $0xB00  }
0x23: {  	s14 =	sadd.s32 s0, s14;
	[dreg:$0x13] =	wrdreg s26  }
0x24: {  	[dreg:$0x19] =	wrdreg s14;
	s14 =	sadd.s32 $0xC000, s8;
	s8 =	sadd.s32 $0x12000, s8  }
0x25: {  	s15 =	sadd.s32 s3, s14;
	s3 =	sadd.s32 s3, s8;
	s14 =	sadd.s32 s14, s2  }
0x26: {  	s18 =	sadd.s32 s8, s2;
	s15 =	sshrl.u32 s15, $0x3;
	[smem:$0x7F1] =	sst s14  }
0x27: {  	s3 =	sshrl.u32 s3, $0x3;
	[smem:$0x7F4] =	sst s18;
	s15 =	sadd.s32 s0, s15  }
0x28: {  	s0 =	sadd.s32 s0, s3;
	[dreg:$0x1a] =	wrdreg s15  }
0x29: {  	[dreg:$0x1d] =	wrdreg s0;
	s0 =	sadd.s32 s6, s2;
	s6 =	sadd.s32 s7, s2  }
0x2a: {  	s28 =	simm.s32 $0xE00;
	s7 =	sadd.s32 s9, s2;
	[smem:$0x7EC] =	sst s6  }
0x2b: {  	s29 =	simm.s32 $0x700;
	s9 =	sadd.s32 s10, s2;
	[smem:$0x7ED] =	sst s7  }
0x2c: {  	s30 =	simm.s32 $0xE80;
	s10 =	sadd.s32 s13, s2;
	[smem:$0x7EE] =	sst s9  }
0x2d: {  	s31 =	simm.s32 $0x780;
	s13 =	sadd.s32 s12, s2;
	[smem:$0x7EF] =	sst s10  }
0x2e: {  	s11 =	simm.s32 $0x1000;
	s17 =	simm.s32 $0xB80;
	[smem:$0x7F0] =	sst s13  }
0x2f: {  	s16 =	simm.s32 $0x400;
	s19 =	sadd.s32 $0x2000, s0;
	[dreg:$0x1e] =	wrdreg s0  }
0x30: {  	s8 =	simm.s32 $0x3;
	s20 =	sadd.s32 $0x4000, s0;
	[smem:$0x7F5] =	sst s19  }
0x31: {  	s14 =	simm.s32 $0x2;
	s21 =	sadd.s32 $0x6000, s0;
	[smem:$0x7F6] =	sst s20  }
0x32: {  	s18 =	simm.s32 $0x480;
	s22 =	sadd.s32 $0x8000, s0;
	[smem:$0x7F7] =	sst s21  }
0x33: {  	s3 =	simm.s32 $0xF80;
	s23 =	sadd.s32 $0xA000, s0;
	[smem:$0x7F8] =	sst s22  }
0x34: {  	s12 =	simm.s32 $0x3800;
	s24 =	sadd.s32 $0xC000, s0;
	[smem:$0x7F9] =	sst s23  }
0x35: {  	s25 =	sadd.s32 $0xE000, s0;
	s26 =	sadd.s32 $0x10000, s0;
	[smem:$0x7FA] =	sst s24  }
0x36: {  	s0 =	sadd.s32 $0x12000, s0;
	s7 =	simm.s32 $0x6000;
	[smem:$0x7FB] =	sst s25  }
0x37: {  	s9 =	simm.s32 $0x800;
	s10 =	simm.s32 $0x50;
	[smem:$0x7FC] =	sst s26  }
0x38: {  	s13 =	simm.s32 $0x1;
	s6 =	simm.s32 $0x0;
	[smem:$0x7FD] =	sst s0  }
0x39: {  	s19 =	simm.s32 $0xC00;
	s20 =	simm.s32 $0x500;
	s21 =	simm.s32 $0xC80  }
0x3a: {  	s22 =	simm.s32 $0x580;
	s23 =	simm.s32 $0xD00;
	s24 =	simm.s32 $0x600  }
0x3b: {  	v0 =	vimm.f32 $0.0e+00;
	s25 =	simm.s32 $0xD80;
	s26 =	simm.s32 $0x680;
	s0 =	simm.s32 $0xF00  }
.LBB2_1:
0x3c: {  	[smem:$0x7EB] =	sst s6;
	s6 =	simm.s32 $0x0;
	s15 =	simm.s32 $0x200  }
.LBB2_2:
0x3d: {  	p0 =	sne.s32 s15, $0x7E00;
	[tilespmem:s6+$0x6070] =	vst v0  }
0x3e: {  	[tilespmem:s6+$0x6000] =	vst v0  }
0x3f: {  	[tilespmem:s6+$0x6010] =	vst v0  }
.Ltmp0:
0x40: {  	[tilespmem:s6+$0x6020] =	vst v0;
	(pc) =	sbr.rel @p0 .LBB2_2-.Ltmp0, $4  }
0x41: {  	[tilespmem:s6+$0x6030] =	vst v0  }
0x42: {  	[tilespmem:s6+$0x6040] =	vst v0  }
0x43: {  	[tilespmem:s6+$0x6050] =	vst v0  }
0x44: {  	[tilespmem:s6+$0x6060] =	vst v0;
	s6 =	sshra.s32 s15, $0x2;
	s15 =	sadd.s32 $0x200, s15  }
0x45: {  	[tilespmem:s6+$0x6070] =	vst v0  }
0x46: {  	[tilespmem:s6+$0x6000] =	vst v0  }
0x47: {  	[tilespmem:s6+$0x6010] =	vst v0  }
0x48: {  	[tilespmem:s6+$0x6020] =	vst v0  }
0x49: {  	[tilespmem:s6+$0x6030] =	vst v0  }
0x4a: {  	[tilespmem:s6+$0x6040] =	vst v0  }
0x4b: {  	[tilespmem:s6+$0x6050] =	vst v0  }
0x4c: {  	[tilespmem:s6+$0x6060] =	vst v0;
	s5 =	rddreg [dreg:$0x1e]  }
0x4d: {  	[spmem:s5] =	stream.linear.scatter [tilespmem:s7], [sflag:$0x3], $0x2000, $0x38;
	[tilespmem:$0x1C000] =	vst v63  }
0x4e: {  	_ =	swait.ge [sflag:s8], $0x2000  }
0x4f: {  	s15 =	sld [smem:$0x7F5]  }
0x50: {  	[sflag:s8] =	ssyncset.done $0x0  }
0x51: {  	[sflag:s8] =	ssyncadd.s32 $0xFFFFE000  }
0x52: {  	[spmem:s15] =	stream.linear.scatter [tilespmem:s7], [sflag:$0x3], $0x2000, $0x38;
	[tilespmem:$0x1C000] =	vst v63  }
0x53: {  	_ =	swait.ge [sflag:s8], $0x2000  }
0x54: {  	s6 =	sld [smem:$0x7F6]  }
0x55: {  	[sflag:s8] =	ssyncset.done $0x0  }
0x56: {  	[sflag:s8] =	ssyncadd.s32 $0xFFFFE000  }
0x57: {  	[spmem:s6] =	stream.linear.scatter [tilespmem:s7], [sflag:$0x3], $0x2000, $0x38;
	[tilespmem:$0x1C000] =	vst v63  }
0x58: {  	_ =	swait.ge [sflag:s8], $0x2000  }
0x59: {  	s15 =	sld [smem:$0x7F7]  }
0x5a: {  	[sflag:s8] =	ssyncset.done $0x0  }
0x5b: {  	[sflag:s8] =	ssyncadd.s32 $0xFFFFE000  }
0x5c: {  	[spmem:s15] =	stream.linear.scatter [tilespmem:s7], [sflag:$0x3], $0x2000, $0x38;
	[tilespmem:$0x1C000] =	vst v63  }
0x5d: {  	_ =	swait.ge [sflag:s8], $0x2000  }
0x5e: {  	s6 =	sld [smem:$0x7F8]  }
0x5f: {  	[sflag:s8] =	ssyncset.done $0x0  }
0x60: {  	[sflag:s8] =	ssyncadd.s32 $0xFFFFE000  }
0x61: {  	[spmem:s6] =	stream.linear.scatter [tilespmem:s7], [sflag:$0x3], $0x2000, $0x38;
	[tilespmem:$0x1C000] =	vst v63  }
0x62: {  	_ =	swait.ge [sflag:s8], $0x2000  }
0x63: {  	s15 =	sld [smem:$0x7F9]  }
0x64: {  	[sflag:s8] =	ssyncset.done $0x0  }
0x65: {  	[sflag:s8] =	ssyncadd.s32 $0xFFFFE000  }
0x66: {  	[spmem:s15] =	stream.linear.scatter [tilespmem:s7], [sflag:$0x3], $0x2000, $0x38;
	[tilespmem:$0x1C000] =	vst v63  }
0x67: {  	_ =	swait.ge [sflag:s8], $0x2000  }
0x68: {  	s6 =	sld [smem:$0x7FA]  }
0x69: {  	[sflag:s8] =	ssyncset.done $0x0  }
0x6a: {  	[sflag:s8] =	ssyncadd.s32 $0xFFFFE000  }
0x6b: {  	[spmem:s6] =	stream.linear.scatter [tilespmem:s7], [sflag:$0x3], $0x2000, $0x38;
	[tilespmem:$0x1C000] =	vst v63  }
0x6c: {  	_ =	swait.ge [sflag:s8], $0x2000  }
0x6d: {  	s15 =	sld [smem:$0x7FB]  }
0x6e: {  	[sflag:s8] =	ssyncset.done $0x0  }
0x6f: {  	[sflag:s8] =	ssyncadd.s32 $0xFFFFE000  }
0x70: {  	[spmem:s15] =	stream.linear.scatter [tilespmem:s7], [sflag:$0x3], $0x2000, $0x38;
	[tilespmem:$0x1C000] =	vst v63  }
0x71: {  	_ =	swait.ge [sflag:s8], $0x2000  }
0x72: {  	s6 =	sld [smem:$0x7FC]  }
0x73: {  	[sflag:s8] =	ssyncset.done $0x0  }
0x74: {  	[sflag:s8] =	ssyncadd.s32 $0xFFFFE000  }
0x75: {  	[spmem:s6] =	stream.linear.scatter [tilespmem:s7], [sflag:$0x3], $0x2000, $0x38;
	[tilespmem:$0x1C000] =	vst v63  }
0x76: {  	_ =	swait.ge [sflag:s8], $0x2000  }
0x77: {  	s15 =	sld [smem:$0x7FD]  }
0x78: {  	[sflag:s8] =	ssyncset.done $0x0  }
0x79: {  	[sflag:s8] =	ssyncadd.s32 $0xFFFFE000  }
0x7a: {  	[spmem:s15] =	stream.linear.scatter [tilespmem:s7], [sflag:$0x3], $0x2000, $0x38;
	[tilespmem:$0x1C000] =	vst v63  }
0x7b: {  	_ =	swait.ge [sflag:s8], $0x2000  }
0x7c: {  	[sflag:s8] =	ssyncset.done $0x0  }
0x7d: {  	[sflag:s8] =	ssyncadd.s32 $0xFFFFE000  }
0x7e: {  	[bflag:$0x0] =	sbarrier.arrive $0xFFFF  }
0x7f: {  	s6 =	rddreg [dreg:$0x6]  }
0x80: {  	s5 =	sadd.s32 $0x0, s6  }
0x81: {  	[tilespmem:s4], [sflag:$0x3] =	stream.linear.gather [hbm4b:s5+s4], $0x800, $0x38;
	[tilespmem:$0x1C000] =	vst v63  }
0x82: {  	_ =	swait.ge [sflag:s8], $0x800  }
0x83: {  	s7 =	rddreg [dreg:$0x5];
	[sflag:s8] =	ssyncset.done $0x0  }
0x84: {  	[sflag:s8] =	ssyncadd.s32 $0xFFFFF800;
	s5 =	sadd.s32 $0x0, s7  }
0x85: {  	[tilespmem:s9], [sflag:$0x3] =	stream.linear.gather [hbm4b:s5+s4], $0x800, $0x38;
	[tilespmem:$0x1C000] =	vst v63  }
0x86: {  	_ =	swait.ge [sflag:s8], $0x800  }
0x87: {  	[sflag:s8] =	ssyncset.done $0x0  }
0x88: {  	[sflag:s8] =	ssyncadd.s32 $0xFFFFF800  }
0x89: {  	[tilespmem:s11], [sflag:$0x1] =	stream.indirect.gather [hbm4b:s1+s10], $0x80, s4, s10, $0xb8;
	[tilespmem:$0x1C000] =	vst v63  }
0x8a: {  	s15 =	rddreg [dreg:$0x7]  }
0x8b: {  	[tilespmem:s12], [sflag:$0x2] =	stream.indirect.gather [hbm4b:s1+s10], $0x80, s15, s10, $0xb8;
	[tilespmem:$0x1C000] =	vst v63  }
0x8c: {  	_ =	swait.ge [sflag:s13], $0x2800  }
0x8d: {  	[sflag:s13] =	ssyncset.done $0x0  }
0x8e: {  	[sflag:s13] =	ssyncadd.s32 $0xFFFFD800  }
0x8f: {  	[spmem:s2] =	stream.indirect.scatter.add.f32 [tilespmem:s11], [sflag:$0x3], $0x80, s9, s10, $0xb8;
	[tilespmem:$0x1C000] =	vst v63  }
0x90: {  	_ =	swait.ge [sflag:s8], $0x2800  }
0x91: {  	[sflag:s8] =	ssyncset.done $0x0  }
0x92: {  	s6 =	rddreg [dreg:$0x8];
	[sflag:s8] =	ssyncadd.s32 $0xFFFFD800  }
0x93: {  	[tilespmem:s11], [sflag:$0x1] =	stream.indirect.gather [hbm4b:s1+s10], $0x80, s6, s10, $0xb8;
	[tilespmem:$0x1C000] =	vst v63  }
0x94: {  	_ =	swait.ge [sflag:s14], $0x2800  }
0x95: {  	[sflag:s14] =	ssyncset.done $0x0  }
0x96: {  	s7 =	rddreg [dreg:$0x9];
	[sflag:s14] =	ssyncadd.s32 $0xFFFFD800  }
0x97: {  	[spmem:s2] =	stream.indirect.scatter.add.f32 [tilespmem:s12], [sflag:$0x3], $0x80, s7, s10, $0xb8;
	[tilespmem:$0x1C000] =	vst v63  }
0x98: {  	_ =	swait.ge [sflag:s8], $0x2800  }
0x99: {  	[sflag:s8] =	ssyncset.done $0x0  }
0x9a: {  	s15 =	rddreg [dreg:$0xa];
	[sflag:s8] =	ssyncadd.s32 $0xFFFFD800  }
0x9b: {  	[tilespmem:s12], [sflag:$0x2] =	stream.indirect.gather [hbm4b:s1+s10], $0x80, s15, s10, $0xb8;
	[tilespmem:$0x1C000] =	vst v63  }
0x9c: {  	_ =	swait.ge [sflag:s13], $0x2800  }
0x9d: {  	[sflag:s13] =	ssyncset.done $0x0  }
0x9e: {  	s6 =	rddreg [dreg:$0xb];
	[sflag:s13] =	ssyncadd.s32 $0xFFFFD800  }
0x9f: {  	[spmem:s2] =	stream.indirect.scatter.add.f32 [tilespmem:s11], [sflag:$0x3], $0x80, s6, s10, $0xb8;
	[tilespmem:$0x1C000] =	vst v63  }
0xa0: {  	_ =	swait.ge [sflag:s8], $0x2800  }
0xa1: {  	[sflag:s8] =	ssyncset.done $0x0  }
0xa2: {  	s7 =	rddreg [dreg:$0xc];
	[sflag:s8] =	ssyncadd.s32 $0xFFFFD800  }
0xa3: {  	[tilespmem:s11], [sflag:$0x1] =	stream.indirect.gather [hbm4b:s1+s10], $0x80, s7, s10, $0xb8;
	[tilespmem:$0x1C000] =	vst v63  }
0xa4: {  	_ =	swait.ge [sflag:s14], $0x2800  }
0xa5: {  	[sflag:s14] =	ssyncset.done $0x0  }
0xa6: {  	s15 =	rddreg [dreg:$0xd];
	[sflag:s14] =	ssyncadd.s32 $0xFFFFD800  }
0xa7: {  	[spmem:s2] =	stream.indirect.scatter.add.f32 [tilespmem:s12], [sflag:$0x3], $0x80, s15, s10, $0xb8;
	[tilespmem:$0x1C000] =	vst v63  }
0xa8: {  	_ =	swait.ge [sflag:s8], $0x2800  }
0xa9: {  	[sflag:s8] =	ssyncset.done $0x0  }
0xaa: {  	s6 =	rddreg [dreg:$0xe];
	[sflag:s8] =	ssyncadd.s32 $0xFFFFD800  }
0xab: {  	[tilespmem:s12], [sflag:$0x2] =	stream.indirect.gather [hbm4b:s1+s10], $0x80, s6, s10, $0xb8;
	[tilespmem:$0x1C000] =	vst v63  }
0xac: {  	_ =	swait.ge [sflag:s13], $0x2800  }
0xad: {  	[sflag:s13] =	ssyncset.done $0x0  }
0xae: {  	s7 =	rddreg [dreg:$0xf];
	[sflag:s13] =	ssyncadd.s32 $0xFFFFD800  }
0xaf: {  	[spmem:s2] =	stream.indirect.scatter.add.f32 [tilespmem:s11], [sflag:$0x3], $0x80, s7, s10, $0xb8;
	[tilespmem:$0x1C000] =	vst v63  }
0xb0: {  	_ =	swait.ge [sflag:s8], $0x2800  }
0xb1: {  	[sflag:s8] =	ssyncset.done $0x0  }
0xb2: {  	s15 =	rddreg [dreg:$0x10];
	[sflag:s8] =	ssyncadd.s32 $0xFFFFD800  }
0xb3: {  	[tilespmem:s11], [sflag:$0x1] =	stream.indirect.gather [hbm4b:s1+s10], $0x80, s15, s10, $0xb8;
	[tilespmem:$0x1C000] =	vst v63  }
0xb4: {  	_ =	swait.ge [sflag:s14], $0x2800  }
0xb5: {  	[sflag:s14] =	ssyncset.done $0x0  }
0xb6: {  	s6 =	rddreg [dreg:$0x11];
	[sflag:s14] =	ssyncadd.s32 $0xFFFFD800  }
0xb7: {  	[spmem:s2] =	stream.indirect.scatter.add.f32 [tilespmem:s12], [sflag:$0x3], $0x80, s6, s10, $0xb8;
	[tilespmem:$0x1C000] =	vst v63  }
0xb8: {  	_ =	swait.ge [sflag:s8], $0x2800  }
0xb9: {  	[sflag:s8] =	ssyncset.done $0x0  }
0xba: {  	s7 =	rddreg [dreg:$0x12];
	[sflag:s8] =	ssyncadd.s32 $0xFFFFD800  }
0xbb: {  	[tilespmem:s12], [sflag:$0x2] =	stream.indirect.gather [hbm4b:s1+s10], $0x80, s7, s10, $0xb8;
	[tilespmem:$0x1C000] =	vst v63  }
0xbc: {  	_ =	swait.ge [sflag:s13], $0x2800  }
0xbd: {  	[sflag:s13] =	ssyncset.done $0x0  }
0xbe: {  	s15 =	rddreg [dreg:$0x13];
	[sflag:s13] =	ssyncadd.s32 $0xFFFFD800  }
0xbf: {  	[spmem:s2] =	stream.indirect.scatter.add.f32 [tilespmem:s11], [sflag:$0x3], $0x80, s15, s10, $0xb8;
	[tilespmem:$0x1C000] =	vst v63  }
0xc0: {  	_ =	swait.ge [sflag:s8], $0x2800  }
0xc1: {  	[sflag:s8] =	ssyncset.done $0x0  }
0xc2: {  	[sflag:s8] =	ssyncadd.s32 $0xFFFFD800  }
0xc3: {  	[tilespmem:s11], [sflag:$0x1] =	stream.indirect.gather [hbm4b:s1+s10], $0x80, s16, s10, $0xb8;
	[tilespmem:$0x1C000] =	vst v63  }
0xc4: {  	_ =	swait.ge [sflag:s14], $0x2800  }
0xc5: {  	[sflag:s14] =	ssyncset.done $0x0  }
0xc6: {  	[sflag:s14] =	ssyncadd.s32 $0xFFFFD800  }
0xc7: {  	[spmem:s2] =	stream.indirect.scatter.add.f32 [tilespmem:s12], [sflag:$0x3], $0x80, s17, s10, $0xb8;
	[tilespmem:$0x1C000] =	vst v63  }
0xc8: {  	_ =	swait.ge [sflag:s8], $0x2800  }
0xc9: {  	[sflag:s8] =	ssyncset.done $0x0  }
0xca: {  	[sflag:s8] =	ssyncadd.s32 $0xFFFFD800  }
0xcb: {  	[tilespmem:s12], [sflag:$0x2] =	stream.indirect.gather [hbm4b:s1+s10], $0x80, s18, s10, $0xb8;
	[tilespmem:$0x1C000] =	vst v63  }
0xcc: {  	_ =	swait.ge [sflag:s13], $0x2800  }
0xcd: {  	[sflag:s13] =	ssyncset.done $0x0  }
0xce: {  	[sflag:s13] =	ssyncadd.s32 $0xFFFFD800  }
0xcf: {  	[spmem:s2] =	stream.indirect.scatter.add.f32 [tilespmem:s11], [sflag:$0x3], $0x80, s19, s10, $0xb8;
	[tilespmem:$0x1C000] =	vst v63  }
0xd0: {  	_ =	swait.ge [sflag:s8], $0x2800  }
0xd1: {  	[sflag:s8] =	ssyncset.done $0x0  }
0xd2: {  	[sflag:s8] =	ssyncadd.s32 $0xFFFFD800  }
0xd3: {  	[tilespmem:s11], [sflag:$0x1] =	stream.indirect.gather [hbm4b:s1+s10], $0x80, s20, s10, $0xb8;
	[tilespmem:$0x1C000] =	vst v63  }
0xd4: {  	_ =	swait.ge [sflag:s14], $0x2800  }
0xd5: {  	[sflag:s14] =	ssyncset.done $0x0  }
0xd6: {  	[sflag:s14] =	ssyncadd.s32 $0xFFFFD800  }
0xd7: {  	[spmem:s2] =	stream.indirect.scatter.add.f32 [tilespmem:s12], [sflag:$0x3], $0x80, s21, s10, $0xb8;
	[tilespmem:$0x1C000] =	vst v63  }
0xd8: {  	_ =	swait.ge [sflag:s8], $0x2800  }
0xd9: {  	[sflag:s8] =	ssyncset.done $0x0  }
0xda: {  	[sflag:s8] =	ssyncadd.s32 $0xFFFFD800  }
0xdb: {  	[tilespmem:s12], [sflag:$0x2] =	stream.indirect.gather [hbm4b:s1+s10], $0x80, s22, s10, $0xb8;
	[tilespmem:$0x1C000] =	vst v63  }
0xdc: {  	_ =	swait.ge [sflag:s13], $0x2800  }
0xdd: {  	[sflag:s13] =	ssyncset.done $0x0  }
0xde: {  	[sflag:s13] =	ssyncadd.s32 $0xFFFFD800  }
0xdf: {  	[spmem:s2] =	stream.indirect.scatter.add.f32 [tilespmem:s11], [sflag:$0x3], $0x80, s23, s10, $0xb8;
	[tilespmem:$0x1C000] =	vst v63  }
0xe0: {  	_ =	swait.ge [sflag:s8], $0x2800  }
0xe1: {  	[sflag:s8] =	ssyncset.done $0x0  }
0xe2: {  	[sflag:s8] =	ssyncadd.s32 $0xFFFFD800  }
0xe3: {  	[tilespmem:s11], [sflag:$0x1] =	stream.indirect.gather [hbm4b:s1+s10], $0x80, s24, s10, $0xb8;
	[tilespmem:$0x1C000] =	vst v63  }
0xe4: {  	_ =	swait.ge [sflag:s14], $0x2800  }
0xe5: {  	[sflag:s14] =	ssyncset.done $0x0  }
0xe6: {  	[sflag:s14] =	ssyncadd.s32 $0xFFFFD800  }
0xe7: {  	[spmem:s2] =	stream.indirect.scatter.add.f32 [tilespmem:s12], [sflag:$0x3], $0x80, s25, s10, $0xb8;
	[tilespmem:$0x1C000] =	vst v63  }
0xe8: {  	_ =	swait.ge [sflag:s8], $0x2800  }
0xe9: {  	[sflag:s8] =	ssyncset.done $0x0  }
0xea: {  	[sflag:s8] =	ssyncadd.s32 $0xFFFFD800  }
0xeb: {  	[tilespmem:s12], [sflag:$0x2] =	stream.indirect.gather [hbm4b:s1+s10], $0x80, s26, s10, $0xb8;
	[tilespmem:$0x1C000] =	vst v63  }
0xec: {  	_ =	swait.ge [sflag:s13], $0x2800  }
0xed: {  	[sflag:s13] =	ssyncset.done $0x0  }
0xee: {  	[sflag:s13] =	ssyncadd.s32 $0xFFFFD800  }
0xef: {  	[spmem:s2] =	stream.indirect.scatter.add.f32 [tilespmem:s11], [sflag:$0x3], $0x80, s28, s10, $0xb8;
	[tilespmem:$0x1C000] =	vst v63  }
0xf0: {  	_ =	swait.ge [sflag:s8], $0x2800  }
0xf1: {  	[sflag:s8] =	ssyncset.done $0x0  }
0xf2: {  	[sflag:s8] =	ssyncadd.s32 $0xFFFFD800  }
0xf3: {  	[tilespmem:s11], [sflag:$0x1] =	stream.indirect.gather [hbm4b:s1+s10], $0x80, s29, s10, $0xb8;
	[tilespmem:$0x1C000] =	vst v63  }
0xf4: {  	_ =	swait.ge [sflag:s14], $0x2800  }
0xf5: {  	[sflag:s14] =	ssyncset.done $0x0  }
0xf6: {  	[sflag:s14] =	ssyncadd.s32 $0xFFFFD800  }
0xf7: {  	[spmem:s2] =	stream.indirect.scatter.add.f32 [tilespmem:s12], [sflag:$0x3], $0x80, s30, s10, $0xb8;
	[tilespmem:$0x1C000] =	vst v63  }
0xf8: {  	_ =	swait.ge [sflag:s8], $0x2800  }
0xf9: {  	[sflag:s8] =	ssyncset.done $0x0  }
0xfa: {  	[sflag:s8] =	ssyncadd.s32 $0xFFFFD800  }
0xfb: {  	[tilespmem:s12], [sflag:$0x2] =	stream.indirect.gather [hbm4b:s1+s10], $0x80, s31, s10, $0xb8;
	[tilespmem:$0x1C000] =	vst v63  }
0xfc: {  	_ =	swait.ge [sflag:s13], $0x2800  }
0xfd: {  	[sflag:s13] =	ssyncset.done $0x0  }
0xfe: {  	[sflag:s13] =	ssyncadd.s32 $0xFFFFD800  }
0xff: {  	[spmem:s2] =	stream.indirect.scatter.add.f32 [tilespmem:s11], [sflag:$0x3], $0x80, s0, s10, $0xb8;
	[tilespmem:$0x1C000] =	vst v63  }
0x100: {  	_ =	swait.ge [sflag:s8], $0x2800  }
0x101: {  	[sflag:s8] =	ssyncset.done $0x0  }
0x102: {  	[sflag:s8] =	ssyncadd.s32 $0xFFFFD800  }
0x103: {  	_ =	swait.ge [sflag:s14], $0x2800  }
0x104: {  	[sflag:s14] =	ssyncset.done $0x0  }
0x105: {  	[sflag:s14] =	ssyncadd.s32 $0xFFFFD800  }
0x106: {  	[spmem:s2] =	stream.indirect.scatter.add.f32 [tilespmem:s12], [sflag:$0x3], $0x80, s3, s10, $0xb8;
	[tilespmem:$0x1C000] =	vst v63  }
0x107: {  	s6 =	simm.s32 $0x100;
	_ =	swait.ge [sflag:s8], $0x2800  }
0x108: {  	s15 =	simm.s32 $0x200;
	s5 =	rddreg [dreg:$0x6];
	[sflag:s8] =	ssyncset.done $0x0  }
.LBB2_4:
0x109: {  	[sflag:s8] =	ssyncadd.s32 $0xFFFFD800;
	s5 =	sadd.s32 s6, s5  }
0x10a: {  	[tilespmem:s4], [sflag:$0x3] =	stream.linear.gather [hbm4b:s5+s4], $0x800, $0x38;
	[tilespmem:$0x1C000] =	vst v63  }
0x10b: {  	_ =	swait.ge [sflag:s8], $0x800  }
0x10c: {  	s5 =	rddreg [dreg:$0x5];
	[sflag:s8] =	ssyncset.done $0x0  }
0x10d: {  	[sflag:s8] =	ssyncadd.s32 $0xFFFFF800;
	s5 =	sadd.s32 s6, s5  }
0x10e: {  	[tilespmem:s9], [sflag:$0x3] =	stream.linear.gather [hbm4b:s5+s4], $0x800, $0x38;
	[tilespmem:$0x1C000] =	vst v63  }
0x10f: {  	_ =	swait.ge [sflag:s8], $0x800  }
0x110: {  	[sflag:s8] =	ssyncset.done $0x0  }
0x111: {  	s7 =	smov.u32 s15;
	[sflag:s8] =	ssyncadd.s32 $0xFFFFF800  }
0x112: {  	[tilespmem:s11], [sflag:$0x1] =	stream.indirect.gather [hbm4b:s1+s10], $0x80, s4, s10, $0xb8;
	[tilespmem:$0x1C000] =	vst v63  }
0x113: {  	s6 =	smov.u32 s7;
	s7 =	rddreg [dreg:$0x7]  }
0x114: {  	[tilespmem:s12], [sflag:$0x2] =	stream.indirect.gather [hbm4b:s1+s10], $0x80, s7, s10, $0xb8;
	[tilespmem:$0x1C000] =	vst v63  }
0x115: {  	_ =	swait.ge [sflag:s13], $0x2800  }
0x116: {  	[sflag:s13] =	ssyncset.done $0x0  }
0x117: {  	[sflag:s13] =	ssyncadd.s32 $0xFFFFD800  }
0x118: {  	[spmem:s2] =	stream.indirect.scatter.add.f32 [tilespmem:s11], [sflag:$0x3], $0x80, s9, s10, $0xb8;
	[tilespmem:$0x1C000] =	vst v63  }
0x119: {  	_ =	swait.ge [sflag:s8], $0x2800  }
0x11a: {  	[sflag:s8] =	ssyncset.done $0x0  }
0x11b: {  	s7 =	rddreg [dreg:$0x8];
	[sflag:s8] =	ssyncadd.s32 $0xFFFFD800  }
0x11c: {  	[tilespmem:s11], [sflag:$0x1] =	stream.indirect.gather [hbm4b:s1+s10], $0x80, s7, s10, $0xb8;
	[tilespmem:$0x1C000] =	vst v63  }
0x11d: {  	_ =	swait.ge [sflag:s14], $0x2800  }
0x11e: {  	[sflag:s14] =	ssyncset.done $0x0  }
0x11f: {  	s7 =	rddreg [dreg:$0x9];
	[sflag:s14] =	ssyncadd.s32 $0xFFFFD800  }
0x120: {  	[spmem:s2] =	stream.indirect.scatter.add.f32 [tilespmem:s12], [sflag:$0x3], $0x80, s7, s10, $0xb8;
	[tilespmem:$0x1C000] =	vst v63  }
0x121: {  	_ =	swait.ge [sflag:s8], $0x2800  }
0x122: {  	[sflag:s8] =	ssyncset.done $0x0  }
0x123: {  	s7 =	rddreg [dreg:$0xa];
	[sflag:s8] =	ssyncadd.s32 $0xFFFFD800  }
0x124: {  	[tilespmem:s12], [sflag:$0x2] =	stream.indirect.gather [hbm4b:s1+s10], $0x80, s7, s10, $0xb8;
	[tilespmem:$0x1C000] =	vst v63  }
0x125: {  	_ =	swait.ge [sflag:s13], $0x2800  }
0x126: {  	[sflag:s13] =	ssyncset.done $0x0  }
0x127: {  	s7 =	rddreg [dreg:$0xb];
	[sflag:s13] =	ssyncadd.s32 $0xFFFFD800  }
0x128: {  	[spmem:s2] =	stream.indirect.scatter.add.f32 [tilespmem:s11], [sflag:$0x3], $0x80, s7, s10, $0xb8;
	[tilespmem:$0x1C000] =	vst v63  }
0x129: {  	_ =	swait.ge [sflag:s8], $0x2800  }
0x12a: {  	[sflag:s8] =	ssyncset.done $0x0  }
0x12b: {  	s7 =	rddreg [dreg:$0xc];
	[sflag:s8] =	ssyncadd.s32 $0xFFFFD800  }
0x12c: {  	[tilespmem:s11], [sflag:$0x1] =	stream.indirect.gather [hbm4b:s1+s10], $0x80, s7, s10, $0xb8;
	[tilespmem:$0x1C000] =	vst v63  }
0x12d: {  	_ =	swait.ge [sflag:s14], $0x2800  }
0x12e: {  	[sflag:s14] =	ssyncset.done $0x0  }
0x12f: {  	s7 =	rddreg [dreg:$0xd];
	[sflag:s14] =	ssyncadd.s32 $0xFFFFD800  }
0x130: {  	[spmem:s2] =	stream.indirect.scatter.add.f32 [tilespmem:s12], [sflag:$0x3], $0x80, s7, s10, $0xb8;
	[tilespmem:$0x1C000] =	vst v63  }
0x131: {  	_ =	swait.ge [sflag:s8], $0x2800  }
0x132: {  	[sflag:s8] =	ssyncset.done $0x0  }
0x133: {  	s7 =	rddreg [dreg:$0xe];
	[sflag:s8] =	ssyncadd.s32 $0xFFFFD800  }
0x134: {  	[tilespmem:s12], [sflag:$0x2] =	stream.indirect.gather [hbm4b:s1+s10], $0x80, s7, s10, $0xb8;
	[tilespmem:$0x1C000] =	vst v63  }
0x135: {  	_ =	swait.ge [sflag:s13], $0x2800  }
0x136: {  	[sflag:s13] =	ssyncset.done $0x0  }
0x137: {  	s7 =	rddreg [dreg:$0xf];
	[sflag:s13] =	ssyncadd.s32 $0xFFFFD800  }
0x138: {  	[spmem:s2] =	stream.indirect.scatter.add.f32 [tilespmem:s11], [sflag:$0x3], $0x80, s7, s10, $0xb8;
	[tilespmem:$0x1C000] =	vst v63  }
0x139: {  	_ =	swait.ge [sflag:s8], $0x2800  }
0x13a: {  	[sflag:s8] =	ssyncset.done $0x0  }
0x13b: {  	s7 =	rddreg [dreg:$0x10];
	[sflag:s8] =	ssyncadd.s32 $0xFFFFD800  }
0x13c: {  	[tilespmem:s11], [sflag:$0x1] =	stream.indirect.gather [hbm4b:s1+s10], $0x80, s7, s10, $0xb8;
	[tilespmem:$0x1C000] =	vst v63  }
0x13d: {  	_ =	swait.ge [sflag:s14], $0x2800  }
0x13e: {  	[sflag:s14] =	ssyncset.done $0x0  }
0x13f: {  	s7 =	rddreg [dreg:$0x11];
	[sflag:s14] =	ssyncadd.s32 $0xFFFFD800  }
0x140: {  	[spmem:s2] =	stream.indirect.scatter.add.f32 [tilespmem:s12], [sflag:$0x3], $0x80, s7, s10, $0xb8;
	[tilespmem:$0x1C000] =	vst v63  }
0x141: {  	_ =	swait.ge [sflag:s8], $0x2800  }
0x142: {  	[sflag:s8] =	ssyncset.done $0x0  }
0x143: {  	s7 =	rddreg [dreg:$0x12];
	[sflag:s8] =	ssyncadd.s32 $0xFFFFD800  }
0x144: {  	[tilespmem:s12], [sflag:$0x2] =	stream.indirect.gather [hbm4b:s1+s10], $0x80, s7, s10, $0xb8;
	[tilespmem:$0x1C000] =	vst v63  }
0x145: {  	_ =	swait.ge [sflag:s13], $0x2800  }
0x146: {  	[sflag:s13] =	ssyncset.done $0x0  }
0x147: {  	s7 =	rddreg [dreg:$0x13];
	[sflag:s13] =	ssyncadd.s32 $0xFFFFD800  }
0x148: {  	[spmem:s2] =	stream.indirect.scatter.add.f32 [tilespmem:s11], [sflag:$0x3], $0x80, s7, s10, $0xb8;
	[tilespmem:$0x1C000] =	vst v63  }
0x149: {  	_ =	swait.ge [sflag:s8], $0x2800  }
0x14a: {  	[sflag:s8] =	ssyncset.done $0x0  }
0x14b: {  	[sflag:s8] =	ssyncadd.s32 $0xFFFFD800  }
0x14c: {  	[tilespmem:s11], [sflag:$0x1] =	stream.indirect.gather [hbm4b:s1+s10], $0x80, s16, s10, $0xb8;
	[tilespmem:$0x1C000] =	vst v63  }
0x14d: {  	_ =	swait.ge [sflag:s14], $0x2800  }
0x14e: {  	[sflag:s14] =	ssyncset.done $0x0  }
0x14f: {  	[sflag:s14] =	ssyncadd.s32 $0xFFFFD800  }
0x150: {  	[spmem:s2] =	stream.indirect.scatter.add.f32 [tilespmem:s12], [sflag:$0x3], $0x80, s17, s10, $0xb8;
	[tilespmem:$0x1C000] =	vst v63  }
0x151: {  	_ =	swait.ge [sflag:s8], $0x2800  }
0x152: {  	[sflag:s8] =	ssyncset.done $0x0  }
0x153: {  	[sflag:s8] =	ssyncadd.s32 $0xFFFFD800  }
0x154: {  	[tilespmem:s12], [sflag:$0x2] =	stream.indirect.gather [hbm4b:s1+s10], $0x80, s18, s10, $0xb8;
	[tilespmem:$0x1C000] =	vst v63  }
0x155: {  	_ =	swait.ge [sflag:s13], $0x2800  }
0x156: {  	[sflag:s13] =	ssyncset.done $0x0  }
0x157: {  	[sflag:s13] =	ssyncadd.s32 $0xFFFFD800  }
0x158: {  	[spmem:s2] =	stream.indirect.scatter.add.f32 [tilespmem:s11], [sflag:$0x3], $0x80, s19, s10, $0xb8;
	[tilespmem:$0x1C000] =	vst v63  }
0x159: {  	_ =	swait.ge [sflag:s8], $0x2800  }
0x15a: {  	[sflag:s8] =	ssyncset.done $0x0  }
0x15b: {  	[sflag:s8] =	ssyncadd.s32 $0xFFFFD800  }
0x15c: {  	[tilespmem:s11], [sflag:$0x1] =	stream.indirect.gather [hbm4b:s1+s10], $0x80, s20, s10, $0xb8;
	[tilespmem:$0x1C000] =	vst v63  }
0x15d: {  	_ =	swait.ge [sflag:s14], $0x2800  }
0x15e: {  	[sflag:s14] =	ssyncset.done $0x0  }
0x15f: {  	[sflag:s14] =	ssyncadd.s32 $0xFFFFD800  }
0x160: {  	[spmem:s2] =	stream.indirect.scatter.add.f32 [tilespmem:s12], [sflag:$0x3], $0x80, s21, s10, $0xb8;
	[tilespmem:$0x1C000] =	vst v63  }
0x161: {  	_ =	swait.ge [sflag:s8], $0x2800  }
0x162: {  	[sflag:s8] =	ssyncset.done $0x0  }
0x163: {  	[sflag:s8] =	ssyncadd.s32 $0xFFFFD800  }
0x164: {  	[tilespmem:s12], [sflag:$0x2] =	stream.indirect.gather [hbm4b:s1+s10], $0x80, s22, s10, $0xb8;
	[tilespmem:$0x1C000] =	vst v63  }
0x165: {  	_ =	swait.ge [sflag:s13], $0x2800  }
0x166: {  	[sflag:s13] =	ssyncset.done $0x0  }
0x167: {  	[sflag:s13] =	ssyncadd.s32 $0xFFFFD800  }
0x168: {  	[spmem:s2] =	stream.indirect.scatter.add.f32 [tilespmem:s11], [sflag:$0x3], $0x80, s23, s10, $0xb8;
	[tilespmem:$0x1C000] =	vst v63  }
0x169: {  	_ =	swait.ge [sflag:s8], $0x2800  }
0x16a: {  	[sflag:s8] =	ssyncset.done $0x0  }
0x16b: {  	[sflag:s8] =	ssyncadd.s32 $0xFFFFD800  }
0x16c: {  	[tilespmem:s11], [sflag:$0x1] =	stream.indirect.gather [hbm4b:s1+s10], $0x80, s24, s10, $0xb8;
	[tilespmem:$0x1C000] =	vst v63  }
0x16d: {  	_ =	swait.ge [sflag:s14], $0x2800  }
0x16e: {  	[sflag:s14] =	ssyncset.done $0x0  }
0x16f: {  	[sflag:s14] =	ssyncadd.s32 $0xFFFFD800  }
0x170: {  	[spmem:s2] =	stream.indirect.scatter.add.f32 [tilespmem:s12], [sflag:$0x3], $0x80, s25, s10, $0xb8;
	[tilespmem:$0x1C000] =	vst v63  }
0x171: {  	_ =	swait.ge [sflag:s8], $0x2800  }
0x172: {  	[sflag:s8] =	ssyncset.done $0x0  }
0x173: {  	[sflag:s8] =	ssyncadd.s32 $0xFFFFD800  }
0x174: {  	[tilespmem:s12], [sflag:$0x2] =	stream.indirect.gather [hbm4b:s1+s10], $0x80, s26, s10, $0xb8;
	[tilespmem:$0x1C000] =	vst v63  }
0x175: {  	_ =	swait.ge [sflag:s13], $0x2800  }
0x176: {  	[sflag:s13] =	ssyncset.done $0x0  }
0x177: {  	[sflag:s13] =	ssyncadd.s32 $0xFFFFD800  }
0x178: {  	[spmem:s2] =	stream.indirect.scatter.add.f32 [tilespmem:s11], [sflag:$0x3], $0x80, s28, s10, $0xb8;
	[tilespmem:$0x1C000] =	vst v63  }
0x179: {  	_ =	swait.ge [sflag:s8], $0x2800  }
0x17a: {  	[sflag:s8] =	ssyncset.done $0x0  }
0x17b: {  	[sflag:s8] =	ssyncadd.s32 $0xFFFFD800  }
0x17c: {  	[tilespmem:s11], [sflag:$0x1] =	stream.indirect.gather [hbm4b:s1+s10], $0x80, s29, s10, $0xb8;
	[tilespmem:$0x1C000] =	vst v63  }
0x17d: {  	_ =	swait.ge [sflag:s14], $0x2800  }
0x17e: {  	[sflag:s14] =	ssyncset.done $0x0  }
0x17f: {  	[sflag:s14] =	ssyncadd.s32 $0xFFFFD800  }
0x180: {  	[spmem:s2] =	stream.indirect.scatter.add.f32 [tilespmem:s12], [sflag:$0x3], $0x80, s30, s10, $0xb8;
	[tilespmem:$0x1C000] =	vst v63  }
0x181: {  	_ =	swait.ge [sflag:s8], $0x2800  }
0x182: {  	[sflag:s8] =	ssyncset.done $0x0  }
0x183: {  	[sflag:s8] =	ssyncadd.s32 $0xFFFFD800  }
0x184: {  	[tilespmem:s12], [sflag:$0x2] =	stream.indirect.gather [hbm4b:s1+s10], $0x80, s31, s10, $0xb8;
	[tilespmem:$0x1C000] =	vst v63  }
0x185: {  	_ =	swait.ge [sflag:s13], $0x2800  }
0x186: {  	[sflag:s13] =	ssyncset.done $0x0  }
0x187: {  	[sflag:s13] =	ssyncadd.s32 $0xFFFFD800  }
0x188: {  	[spmem:s2] =	stream.indirect.scatter.add.f32 [tilespmem:s11], [sflag:$0x3], $0x80, s0, s10, $0xb8;
	[tilespmem:$0x1C000] =	vst v63  }
0x189: {  	_ =	swait.ge [sflag:s8], $0x2800  }
0x18a: {  	[sflag:s8] =	ssyncset.done $0x0  }
0x18b: {  	[sflag:s8] =	ssyncadd.s32 $0xFFFFD800  }
0x18c: {  	p0 =	sne.s32 s15, $0x700;
	_ =	swait.ge [sflag:s14], $0x2800  }
.Ltmp1:
0x18d: {  	[sflag:s14] =	ssyncset.done $0x0;
	(pc) =	sbr.rel @p0 .LBB2_4-.Ltmp1, $4  }
0x18e: {  	[sflag:s14] =	ssyncadd.s32 $0xFFFFD800  }
0x18f: {  	[spmem:s2] =	stream.indirect.scatter.add.f32 [tilespmem:s12], [sflag:$0x3], $0x80, s3, s10, $0xb8;
	[tilespmem:$0x1C000] =	vst v63  }
0x190: {  	_ =	swait.ge [sflag:s8], $0x2800  }
0x191: {  	s15 =	sadd.s32 $0x100, s15;
	s5 =	rddreg [dreg:$0x6];
	[sflag:s8] =	ssyncset.done $0x0  }
0x192: {  	[sflag:s8] =	ssyncadd.s32 $0xFFFFD800;
	s5 =	sadd.s32 s6, s5  }
0x193: {  	[tilespmem:s4], [sflag:$0x3] =	stream.linear.gather [hbm4b:s5+s4], $0x800, $0x38;
	[tilespmem:$0x1C000] =	vst v63  }
0x194: {  	_ =	swait.ge [sflag:s8], $0x800  }
0x195: {  	s7 =	rddreg [dreg:$0x5];
	[sflag:s8] =	ssyncset.done $0x0  }
0x196: {  	s5 =	sadd.s32 s6, s7;
	[sflag:s8] =	ssyncadd.s32 $0xFFFFF800  }
0x197: {  	[tilespmem:s9], [sflag:$0x3] =	stream.linear.gather [hbm4b:s5+s4], $0x800, $0x38;
	[tilespmem:$0x1C000] =	vst v63  }
0x198: {  	_ =	swait.ge [sflag:s8], $0x800  }
0x199: {  	[sflag:s8] =	ssyncset.done $0x0  }
0x19a: {  	[sflag:s8] =	ssyncadd.s32 $0xFFFFF800  }
0x19b: {  	[tilespmem:s11], [sflag:$0x1] =	stream.indirect.gather [hbm4b:s1+s10], $0x80, s4, s10, $0xb8;
	[tilespmem:$0x1C000] =	vst v63  }
0x19c: {  	s15 =	rddreg [dreg:$0x7]  }
0x19d: {  	[tilespmem:s12], [sflag:$0x2] =	stream.indirect.gather [hbm4b:s1+s10], $0x80, s15, s10, $0xb8;
	[tilespmem:$0x1C000] =	vst v63  }
0x19e: {  	_ =	swait.ge [sflag:s13], $0x2800  }
0x19f: {  	[sflag:s13] =	ssyncset.done $0x0  }
0x1a0: {  	[sflag:s13] =	ssyncadd.s32 $0xFFFFD800  }
0x1a1: {  	[spmem:s2] =	stream.indirect.scatter.add.f32 [tilespmem:s11], [sflag:$0x3], $0x80, s9, s10, $0xb8;
	[tilespmem:$0x1C000] =	vst v63  }
0x1a2: {  	_ =	swait.ge [sflag:s8], $0x2800  }
0x1a3: {  	[sflag:s8] =	ssyncset.done $0x0  }
0x1a4: {  	s6 =	rddreg [dreg:$0x8];
	[sflag:s8] =	ssyncadd.s32 $0xFFFFD800  }
0x1a5: {  	[tilespmem:s11], [sflag:$0x1] =	stream.indirect.gather [hbm4b:s1+s10], $0x80, s6, s10, $0xb8;
	[tilespmem:$0x1C000] =	vst v63  }
0x1a6: {  	_ =	swait.ge [sflag:s14], $0x2800  }
0x1a7: {  	[sflag:s14] =	ssyncset.done $0x0  }
0x1a8: {  	s7 =	rddreg [dreg:$0x9];
	[sflag:s14] =	ssyncadd.s32 $0xFFFFD800  }
0x1a9: {  	[spmem:s2] =	stream.indirect.scatter.add.f32 [tilespmem:s12], [sflag:$0x3], $0x80, s7, s10, $0xb8;
	[tilespmem:$0x1C000] =	vst v63  }
0x1aa: {  	_ =	swait.ge [sflag:s8], $0x2800  }
0x1ab: {  	[sflag:s8] =	ssyncset.done $0x0  }
0x1ac: {  	s15 =	rddreg [dreg:$0xa];
	[sflag:s8] =	ssyncadd.s32 $0xFFFFD800  }
0x1ad: {  	[tilespmem:s12], [sflag:$0x2] =	stream.indirect.gather [hbm4b:s1+s10], $0x80, s15, s10, $0xb8;
	[tilespmem:$0x1C000] =	vst v63  }
0x1ae: {  	_ =	swait.ge [sflag:s13], $0x2800  }
0x1af: {  	[sflag:s13] =	ssyncset.done $0x0  }
0x1b0: {  	s6 =	rddreg [dreg:$0xb];
	[sflag:s13] =	ssyncadd.s32 $0xFFFFD800  }
0x1b1: {  	[spmem:s2] =	stream.indirect.scatter.add.f32 [tilespmem:s11], [sflag:$0x3], $0x80, s6, s10, $0xb8;
	[tilespmem:$0x1C000] =	vst v63  }
0x1b2: {  	_ =	swait.ge [sflag:s8], $0x2800  }
0x1b3: {  	[sflag:s8] =	ssyncset.done $0x0  }
0x1b4: {  	s7 =	rddreg [dreg:$0xc];
	[sflag:s8] =	ssyncadd.s32 $0xFFFFD800  }
0x1b5: {  	[tilespmem:s11], [sflag:$0x1] =	stream.indirect.gather [hbm4b:s1+s10], $0x80, s7, s10, $0xb8;
	[tilespmem:$0x1C000] =	vst v63  }
0x1b6: {  	_ =	swait.ge [sflag:s14], $0x2800  }
0x1b7: {  	[sflag:s14] =	ssyncset.done $0x0  }
0x1b8: {  	s15 =	rddreg [dreg:$0xd];
	[sflag:s14] =	ssyncadd.s32 $0xFFFFD800  }
0x1b9: {  	[spmem:s2] =	stream.indirect.scatter.add.f32 [tilespmem:s12], [sflag:$0x3], $0x80, s15, s10, $0xb8;
	[tilespmem:$0x1C000] =	vst v63  }
0x1ba: {  	_ =	swait.ge [sflag:s8], $0x2800  }
0x1bb: {  	[sflag:s8] =	ssyncset.done $0x0  }
0x1bc: {  	s6 =	rddreg [dreg:$0xe];
	[sflag:s8] =	ssyncadd.s32 $0xFFFFD800  }
0x1bd: {  	[tilespmem:s12], [sflag:$0x2] =	stream.indirect.gather [hbm4b:s1+s10], $0x80, s6, s10, $0xb8;
	[tilespmem:$0x1C000] =	vst v63  }
0x1be: {  	_ =	swait.ge [sflag:s13], $0x2800  }
0x1bf: {  	[sflag:s13] =	ssyncset.done $0x0  }
0x1c0: {  	s7 =	rddreg [dreg:$0xf];
	[sflag:s13] =	ssyncadd.s32 $0xFFFFD800  }
0x1c1: {  	[spmem:s2] =	stream.indirect.scatter.add.f32 [tilespmem:s11], [sflag:$0x3], $0x80, s7, s10, $0xb8;
	[tilespmem:$0x1C000] =	vst v63  }
0x1c2: {  	_ =	swait.ge [sflag:s8], $0x2800  }
0x1c3: {  	[sflag:s8] =	ssyncset.done $0x0  }
0x1c4: {  	s15 =	rddreg [dreg:$0x10];
	[sflag:s8] =	ssyncadd.s32 $0xFFFFD800  }
0x1c5: {  	[tilespmem:s11], [sflag:$0x1] =	stream.indirect.gather [hbm4b:s1+s10], $0x80, s15, s10, $0xb8;
	[tilespmem:$0x1C000] =	vst v63  }
0x1c6: {  	_ =	swait.ge [sflag:s14], $0x2800  }
0x1c7: {  	[sflag:s14] =	ssyncset.done $0x0  }
0x1c8: {  	s6 =	rddreg [dreg:$0x11];
	[sflag:s14] =	ssyncadd.s32 $0xFFFFD800  }
0x1c9: {  	[spmem:s2] =	stream.indirect.scatter.add.f32 [tilespmem:s12], [sflag:$0x3], $0x80, s6, s10, $0xb8;
	[tilespmem:$0x1C000] =	vst v63  }
0x1ca: {  	_ =	swait.ge [sflag:s8], $0x2800  }
0x1cb: {  	[sflag:s8] =	ssyncset.done $0x0  }
0x1cc: {  	s7 =	rddreg [dreg:$0x12];
	[sflag:s8] =	ssyncadd.s32 $0xFFFFD800  }
0x1cd: {  	[tilespmem:s12], [sflag:$0x2] =	stream.indirect.gather [hbm4b:s1+s10], $0x80, s7, s10, $0xb8;
	[tilespmem:$0x1C000] =	vst v63  }
0x1ce: {  	_ =	swait.ge [sflag:s13], $0x2800  }
0x1cf: {  	[sflag:s13] =	ssyncset.done $0x0  }
0x1d0: {  	s15 =	rddreg [dreg:$0x13];
	[sflag:s13] =	ssyncadd.s32 $0xFFFFD800  }
0x1d1: {  	[spmem:s2] =	stream.indirect.scatter.add.f32 [tilespmem:s11], [sflag:$0x3], $0x80, s15, s10, $0xb8;
	[tilespmem:$0x1C000] =	vst v63  }
0x1d2: {  	_ =	swait.ge [sflag:s8], $0x2800  }
0x1d3: {  	[sflag:s8] =	ssyncset.done $0x0  }
0x1d4: {  	[sflag:s8] =	ssyncadd.s32 $0xFFFFD800  }
0x1d5: {  	[tilespmem:s11], [sflag:$0x1] =	stream.indirect.gather [hbm4b:s1+s10], $0x80, s16, s10, $0xb8;
	[tilespmem:$0x1C000] =	vst v63  }
0x1d6: {  	_ =	swait.ge [sflag:s14], $0x2800  }
0x1d7: {  	[sflag:s14] =	ssyncset.done $0x0  }
0x1d8: {  	[sflag:s14] =	ssyncadd.s32 $0xFFFFD800  }
0x1d9: {  	[spmem:s2] =	stream.indirect.scatter.add.f32 [tilespmem:s12], [sflag:$0x3], $0x80, s17, s10, $0xb8;
	[tilespmem:$0x1C000] =	vst v63  }
0x1da: {  	_ =	swait.ge [sflag:s8], $0x2800  }
0x1db: {  	[sflag:s8] =	ssyncset.done $0x0  }
0x1dc: {  	[sflag:s8] =	ssyncadd.s32 $0xFFFFD800  }
0x1dd: {  	[tilespmem:s12], [sflag:$0x2] =	stream.indirect.gather [hbm4b:s1+s10], $0x80, s18, s10, $0xb8;
	[tilespmem:$0x1C000] =	vst v63  }
0x1de: {  	_ =	swait.ge [sflag:s13], $0x2800  }
0x1df: {  	[sflag:s13] =	ssyncset.done $0x0  }
0x1e0: {  	[sflag:s13] =	ssyncadd.s32 $0xFFFFD800  }
0x1e1: {  	[spmem:s2] =	stream.indirect.scatter.add.f32 [tilespmem:s11], [sflag:$0x3], $0x80, s19, s10, $0xb8;
	[tilespmem:$0x1C000] =	vst v63  }
0x1e2: {  	_ =	swait.ge [sflag:s8], $0x2800  }
0x1e3: {  	[sflag:s8] =	ssyncset.done $0x0  }
0x1e4: {  	[sflag:s8] =	ssyncadd.s32 $0xFFFFD800  }
0x1e5: {  	[tilespmem:s11], [sflag:$0x1] =	stream.indirect.gather [hbm4b:s1+s10], $0x80, s20, s10, $0xb8;
	[tilespmem:$0x1C000] =	vst v63  }
0x1e6: {  	_ =	swait.ge [sflag:s14], $0x2800  }
0x1e7: {  	[sflag:s14] =	ssyncset.done $0x0  }
0x1e8: {  	[sflag:s14] =	ssyncadd.s32 $0xFFFFD800  }
0x1e9: {  	[spmem:s2] =	stream.indirect.scatter.add.f32 [tilespmem:s12], [sflag:$0x3], $0x80, s21, s10, $0xb8;
	[tilespmem:$0x1C000] =	vst v63  }
0x1ea: {  	_ =	swait.ge [sflag:s8], $0x2800  }
0x1eb: {  	[sflag:s8] =	ssyncset.done $0x0  }
0x1ec: {  	[sflag:s8] =	ssyncadd.s32 $0xFFFFD800  }
0x1ed: {  	[tilespmem:s12], [sflag:$0x2] =	stream.indirect.gather [hbm4b:s1+s10], $0x80, s22, s10, $0xb8;
	[tilespmem:$0x1C000] =	vst v63  }
0x1ee: {  	_ =	swait.ge [sflag:s13], $0x2800  }
0x1ef: {  	[sflag:s13] =	ssyncset.done $0x0  }
0x1f0: {  	[sflag:s13] =	ssyncadd.s32 $0xFFFFD800  }
0x1f1: {  	[spmem:s2] =	stream.indirect.scatter.add.f32 [tilespmem:s11], [sflag:$0x3], $0x80, s23, s10, $0xb8;
	[tilespmem:$0x1C000] =	vst v63  }
0x1f2: {  	_ =	swait.ge [sflag:s8], $0x2800  }
0x1f3: {  	[sflag:s8] =	ssyncset.done $0x0  }
0x1f4: {  	[sflag:s8] =	ssyncadd.s32 $0xFFFFD800  }
0x1f5: {  	[tilespmem:s11], [sflag:$0x1] =	stream.indirect.gather [hbm4b:s1+s10], $0x80, s24, s10, $0xb8;
	[tilespmem:$0x1C000] =	vst v63  }
0x1f6: {  	_ =	swait.ge [sflag:s14], $0x2800  }
0x1f7: {  	[sflag:s14] =	ssyncset.done $0x0  }
0x1f8: {  	[sflag:s14] =	ssyncadd.s32 $0xFFFFD800  }
0x1f9: {  	[spmem:s2] =	stream.indirect.scatter.add.f32 [tilespmem:s12], [sflag:$0x3], $0x80, s25, s10, $0xb8;
	[tilespmem:$0x1C000] =	vst v63  }
0x1fa: {  	_ =	swait.ge [sflag:s8], $0x2800  }
0x1fb: {  	[sflag:s8] =	ssyncset.done $0x0  }
0x1fc: {  	[sflag:s8] =	ssyncadd.s32 $0xFFFFD800  }
0x1fd: {  	[tilespmem:s12], [sflag:$0x2] =	stream.indirect.gather [hbm4b:s1+s10], $0x80, s26, s10, $0xb8;
	[tilespmem:$0x1C000] =	vst v63  }
0x1fe: {  	_ =	swait.ge [sflag:s13], $0x2800  }
0x1ff: {  	[sflag:s13] =	ssyncset.done $0x0  }
0x200: {  	[sflag:s13] =	ssyncadd.s32 $0xFFFFD800  }
0x201: {  	[spmem:s2] =	stream.indirect.scatter.add.f32 [tilespmem:s11], [sflag:$0x3], $0x80, s28, s10, $0xb8;
	[tilespmem:$0x1C000] =	vst v63  }
0x202: {  	_ =	swait.ge [sflag:s8], $0x2800  }
0x203: {  	[sflag:s8] =	ssyncset.done $0x0  }
0x204: {  	[sflag:s8] =	ssyncadd.s32 $0xFFFFD800  }
0x205: {  	[tilespmem:s11], [sflag:$0x1] =	stream.indirect.gather [hbm4b:s1+s10], $0x80, s29, s10, $0xb8;
	[tilespmem:$0x1C000] =	vst v63  }
0x206: {  	_ =	swait.ge [sflag:s14], $0x2800  }
0x207: {  	[sflag:s14] =	ssyncset.done $0x0  }
0x208: {  	[sflag:s14] =	ssyncadd.s32 $0xFFFFD800  }
0x209: {  	[spmem:s2] =	stream.indirect.scatter.add.f32 [tilespmem:s12], [sflag:$0x3], $0x80, s30, s10, $0xb8;
	[tilespmem:$0x1C000] =	vst v63  }
0x20a: {  	_ =	swait.ge [sflag:s8], $0x2800  }
0x20b: {  	[sflag:s8] =	ssyncset.done $0x0  }
0x20c: {  	[sflag:s8] =	ssyncadd.s32 $0xFFFFD800  }
0x20d: {  	[tilespmem:s12], [sflag:$0x2] =	stream.indirect.gather [hbm4b:s1+s10], $0x80, s31, s10, $0xb8;
	[tilespmem:$0x1C000] =	vst v63  }
0x20e: {  	_ =	swait.ge [sflag:s13], $0x2800  }
0x20f: {  	[sflag:s13] =	ssyncset.done $0x0  }
0x210: {  	[sflag:s13] =	ssyncadd.s32 $0xFFFFD800  }
0x211: {  	[spmem:s2] =	stream.indirect.scatter.add.f32 [tilespmem:s11], [sflag:$0x3], $0x80, s0, s10, $0xb8;
	[tilespmem:$0x1C000] =	vst v63  }
0x212: {  	_ =	swait.ge [sflag:s8], $0x2800  }
0x213: {  	[sflag:s8] =	ssyncset.done $0x0  }
0x214: {  	[sflag:s8] =	ssyncadd.s32 $0xFFFFD800  }
0x215: {  	_ =	swait.ge [sflag:s14], $0x2800  }
0x216: {  	[sflag:s14] =	ssyncset.done $0x0  }
0x217: {  	[sflag:s14] =	ssyncadd.s32 $0xFFFFD800  }
0x218: {  	[spmem:s2] =	stream.indirect.scatter.add.f32 [tilespmem:s12], [sflag:$0x3], $0x80, s3, s10, $0xb8;
	[tilespmem:$0x1C000] =	vst v63  }
0x219: {  	_ =	swait.ge [sflag:s8], $0x2800  }
0x21a: {  	[sflag:s8] =	ssyncset.done $0x0  }
0x21b: {  	[sflag:s8] =	ssyncadd.s32 $0xFFFFD800  }
0x21c: {  	[bflag:$0x0] =	sbarrier.arrive $0xFFFF  }
0x21d: {  	s7 =	simm.s32 $0x6000;
	s6 =	rddreg [dreg:$0x1e]  }
0x21e: {  	[tilespmem:s7], [sflag:$0x3] =	stream.linear.gather [spmem:s6], $0x2000, $0x38;
	[tilespmem:$0x1C000] =	vst v63  }
0x21f: {  	_ =	swait.ge [sflag:s8], $0x2000  }
0x220: {  	[sflag:s8] =	ssyncset.done $0x0  }
0x221: {  	s15 =	rddreg [dreg:$0x14];
	[sflag:s8] =	ssyncadd.s32 $0xFFFFE000  }
0x222: {  	[hbm4b:s15+s4] =	stream.linear.scatter [tilespmem:s7], [sflag:$0x3], $0x2000, $0x38;
	[tilespmem:$0x1C000] =	vst v63  }
0x223: {  	_ =	swait.ge [sflag:s8], $0x2000  }
0x224: {  	s6 =	sld [smem:$0x7EC]  }
0x225: {  	[sflag:s8] =	ssyncset.done $0x0  }
0x226: {  	[sflag:s8] =	ssyncadd.s32 $0xFFFFE000  }
0x227: {  	[tilespmem:s7], [sflag:$0x3] =	stream.linear.gather [spmem:s6], $0x2000, $0x38;
	[tilespmem:$0x1C000] =	vst v63  }
0x228: {  	_ =	swait.ge [sflag:s8], $0x2000  }
0x229: {  	[sflag:s8] =	ssyncset.done $0x0  }
0x22a: {  	s15 =	rddreg [dreg:$0x15];
	[sflag:s8] =	ssyncadd.s32 $0xFFFFE000  }
0x22b: {  	[hbm4b:s15+s4] =	stream.linear.scatter [tilespmem:s7], [sflag:$0x3], $0x2000, $0x38;
	[tilespmem:$0x1C000] =	vst v63  }
0x22c: {  	_ =	swait.ge [sflag:s8], $0x2000  }
0x22d: {  	s6 =	sld [smem:$0x7ED]  }
0x22e: {  	[sflag:s8] =	ssyncset.done $0x0  }
0x22f: {  	[sflag:s8] =	ssyncadd.s32 $0xFFFFE000  }
0x230: {  	[tilespmem:s7], [sflag:$0x3] =	stream.linear.gather [spmem:s6], $0x2000, $0x38;
	[tilespmem:$0x1C000] =	vst v63  }
0x231: {  	_ =	swait.ge [sflag:s8], $0x2000  }
0x232: {  	[sflag:s8] =	ssyncset.done $0x0  }
0x233: {  	s15 =	rddreg [dreg:$0x16];
	[sflag:s8] =	ssyncadd.s32 $0xFFFFE000  }
0x234: {  	[hbm4b:s15+s4] =	stream.linear.scatter [tilespmem:s7], [sflag:$0x3], $0x2000, $0x38;
	[tilespmem:$0x1C000] =	vst v63  }
0x235: {  	_ =	swait.ge [sflag:s8], $0x2000  }
0x236: {  	s6 =	sld [smem:$0x7EE]  }
0x237: {  	[sflag:s8] =	ssyncset.done $0x0  }
0x238: {  	[sflag:s8] =	ssyncadd.s32 $0xFFFFE000  }
0x239: {  	[tilespmem:s7], [sflag:$0x3] =	stream.linear.gather [spmem:s6], $0x2000, $0x38;
	[tilespmem:$0x1C000] =	vst v63  }
0x23a: {  	_ =	swait.ge [sflag:s8], $0x2000  }
0x23b: {  	[sflag:s8] =	ssyncset.done $0x0  }
0x23c: {  	s15 =	rddreg [dreg:$0x17];
	[sflag:s8] =	ssyncadd.s32 $0xFFFFE000  }
0x23d: {  	[hbm4b:s15+s4] =	stream.linear.scatter [tilespmem:s7], [sflag:$0x3], $0x2000, $0x38;
	[tilespmem:$0x1C000] =	vst v63  }
0x23e: {  	_ =	swait.ge [sflag:s8], $0x2000  }
0x23f: {  	s6 =	sld [smem:$0x7EF]  }
0x240: {  	[sflag:s8] =	ssyncset.done $0x0  }
0x241: {  	[sflag:s8] =	ssyncadd.s32 $0xFFFFE000  }
0x242: {  	[tilespmem:s7], [sflag:$0x3] =	stream.linear.gather [spmem:s6], $0x2000, $0x38;
	[tilespmem:$0x1C000] =	vst v63  }
0x243: {  	_ =	swait.ge [sflag:s8], $0x2000  }
0x244: {  	[sflag:s8] =	ssyncset.done $0x0  }
0x245: {  	s15 =	rddreg [dreg:$0x18];
	[sflag:s8] =	ssyncadd.s32 $0xFFFFE000  }
0x246: {  	[hbm4b:s15+s4] =	stream.linear.scatter [tilespmem:s7], [sflag:$0x3], $0x2000, $0x38;
	[tilespmem:$0x1C000] =	vst v63  }
0x247: {  	_ =	swait.ge [sflag:s8], $0x2000  }
0x248: {  	s6 =	sld [smem:$0x7F0]  }
0x249: {  	[sflag:s8] =	ssyncset.done $0x0  }
0x24a: {  	[sflag:s8] =	ssyncadd.s32 $0xFFFFE000  }
0x24b: {  	[tilespmem:s7], [sflag:$0x3] =	stream.linear.gather [spmem:s6], $0x2000, $0x38;
	[tilespmem:$0x1C000] =	vst v63  }
0x24c: {  	_ =	swait.ge [sflag:s8], $0x2000  }
0x24d: {  	[sflag:s8] =	ssyncset.done $0x0  }
0x24e: {  	s15 =	rddreg [dreg:$0x19];
	[sflag:s8] =	ssyncadd.s32 $0xFFFFE000  }
0x24f: {  	[hbm4b:s15+s4] =	stream.linear.scatter [tilespmem:s7], [sflag:$0x3], $0x2000, $0x38;
	[tilespmem:$0x1C000] =	vst v63  }
0x250: {  	_ =	swait.ge [sflag:s8], $0x2000  }
0x251: {  	s6 =	sld [smem:$0x7F1]  }
0x252: {  	[sflag:s8] =	ssyncset.done $0x0  }
0x253: {  	[sflag:s8] =	ssyncadd.s32 $0xFFFFE000  }
0x254: {  	[tilespmem:s7], [sflag:$0x3] =	stream.linear.gather [spmem:s6], $0x2000, $0x38;
	[tilespmem:$0x1C000] =	vst v63  }
0x255: {  	_ =	swait.ge [sflag:s8], $0x2000  }
0x256: {  	[sflag:s8] =	ssyncset.done $0x0  }
0x257: {  	s15 =	rddreg [dreg:$0x1a];
	[sflag:s8] =	ssyncadd.s32 $0xFFFFE000  }
0x258: {  	[hbm4b:s15+s4] =	stream.linear.scatter [tilespmem:s7], [sflag:$0x3], $0x2000, $0x38;
	[tilespmem:$0x1C000] =	vst v63  }
0x259: {  	_ =	swait.ge [sflag:s8], $0x2000  }
0x25a: {  	s6 =	sld [smem:$0x7F2]  }
0x25b: {  	[sflag:s8] =	ssyncset.done $0x0  }
0x25c: {  	[sflag:s8] =	ssyncadd.s32 $0xFFFFE000  }
0x25d: {  	[tilespmem:s7], [sflag:$0x3] =	stream.linear.gather [spmem:s6], $0x2000, $0x38;
	[tilespmem:$0x1C000] =	vst v63  }
0x25e: {  	_ =	swait.ge [sflag:s8], $0x2000  }
0x25f: {  	[sflag:s8] =	ssyncset.done $0x0  }
0x260: {  	s15 =	rddreg [dreg:$0x1b];
	[sflag:s8] =	ssyncadd.s32 $0xFFFFE000  }
0x261: {  	[hbm4b:s15+s4] =	stream.linear.scatter [tilespmem:s7], [sflag:$0x3], $0x2000, $0x38;
	[tilespmem:$0x1C000] =	vst v63  }
0x262: {  	_ =	swait.ge [sflag:s8], $0x2000  }
0x263: {  	s6 =	sld [smem:$0x7F3]  }
0x264: {  	[sflag:s8] =	ssyncset.done $0x0  }
0x265: {  	[sflag:s8] =	ssyncadd.s32 $0xFFFFE000  }
0x266: {  	[tilespmem:s7], [sflag:$0x3] =	stream.linear.gather [spmem:s6], $0x2000, $0x38;
	[tilespmem:$0x1C000] =	vst v63  }
0x267: {  	_ =	swait.ge [sflag:s8], $0x2000  }
0x268: {  	[sflag:s8] =	ssyncset.done $0x0  }
0x269: {  	s15 =	rddreg [dreg:$0x1c];
	[sflag:s8] =	ssyncadd.s32 $0xFFFFE000  }
0x26a: {  	[hbm4b:s15+s4] =	stream.linear.scatter [tilespmem:s7], [sflag:$0x3], $0x2000, $0x38;
	[tilespmem:$0x1C000] =	vst v63  }
0x26b: {  	_ =	swait.ge [sflag:s8], $0x2000  }
0x26c: {  	s6 =	sld [smem:$0x7F4]  }
0x26d: {  	[sflag:s8] =	ssyncset.done $0x0  }
0x26e: {  	[sflag:s8] =	ssyncadd.s32 $0xFFFFE000  }
0x26f: {  	[tilespmem:s7], [sflag:$0x3] =	stream.linear.gather [spmem:s6], $0x2000, $0x38;
	[tilespmem:$0x1C000] =	vst v63  }
0x270: {  	_ =	swait.ge [sflag:s8], $0x2000  }
0x271: {  	[sflag:s8] =	ssyncset.done $0x0  }
0x272: {  	s15 =	rddreg [dreg:$0x1d];
	[sflag:s8] =	ssyncadd.s32 $0xFFFFE000  }
0x273: {  	[hbm4b:s15+s4] =	stream.linear.scatter [tilespmem:s7], [sflag:$0x3], $0x2000, $0x38;
	[tilespmem:$0x1C000] =	vst v63  }
0x274: {  	_ =	swait.ge [sflag:s8], $0x2000  }
0x275: {  	s5 =	sld [smem:$0x7EB];
	_ =	sdelay $0x2  }
0x276: {  	s15 =	rddreg [dreg:$0x1f];
	s6 =	sadd.s32 $0x1, s5  }
0x277: {  	p0 =	sne.s32 s6, s15  }
.Ltmp2:
0x278: {  	_ = 	snop;
	(pc) =	sbr.rel @p0 .LBB2_1-.Ltmp2, $3  }
0x279: {  	_ =	sdelay $0x1  }
0x27a: {  	[sflag:s8] =	ssyncset.done $0x0  }
0x27b: {  	[sflag:s8] =	ssyncadd.s32 $0xFFFFE000  }
0x27c: {  	_ =	sfence.sel $0x180000  }
0x27d: {  	[bflag:$0x0] =	sbarrier.arrive $0xFFFF  }
0x27e: {  	_ =	strace $0x90000047  }
0x27f: {  	s0 =	stileid.u32;
	[bflag:$0x2] =	sbarrier.arrive $0xFFFF  }
0x280: {  	p0 =	sne.s32 s0, $0x0;
	s0 =	rddreg [dreg:$0x4]  }
0x281: {  	s0 =	sadd.s32 @!p0 $0x100000, s0  }
0x282: {  	[sflag:s0] =	ssyncadd.tile.s32 @!p0 $0x1;
	_ =	shalt  }
.Lfunc_end2:
_tile_overlayer_lowered:
.L_overlay_start_2:
0x283: {  	(tag) =	ssettag $0x2  }
0x284: {  	s0 =	rddreg [dreg:$0x0];
	s2 =	stileid.u32  }
0x285: {  	s1 =	rddreg [dreg:$0x1];
	p0 =	sne.s32 s2, $0x0  }
0x286: {  	s3 =	rddreg [dreg:$0x2];
	[bflag:$0x3] =	sbarrier.arrive $0xFFFF;
	s2 =	simm.s32 @!p0 $0x1C03  }
0x287: {  	[timem:s3], [sflag:s2] =	dma.local @!p0 [hbm:s0], s1  }
0x288: {  	s0 =	simm.s32 @!p0 $0x3  }
0x289: {  	_ =	swait.ge @!p0 [sflag:s0], s1  }
0x28a: {  	s1 =	ssub.s32 @!p0 $0x0, s1;
	[sflag:s0] =	ssyncset.done @!p0 $0x0  }
0x28b: {  	[sflag:s0] =	ssyncadd.s32 @!p0 s1  }
0x28c: {  	[bflag:$0x3] =	sbarrier.arrive $0xFFFF  }
0x28d: {  	_ =	shalt  }

// kernel: kernel.15.cloned.1.call-start
scs
__scs_entry_jumppad:
0x0: {  	(pc) =	sbr.rel $0x88, $3  }
0x1: {  	(tag) =	ssettag $0x0;
	lr =	simm.s32 $0x1  }
0x2: {  	[smem:$0x3F96] =	sst lr;
	_ =	strace $0xD0000000  }
0x3: {  	_ = 	snop  }
0x4: {  	_ = 	snop  }
0x5: {  	_ = 	snop  }
0x6: {  	_ = 	snop  }
0x7: {  	_ = 	snop  }
__scs_overlays_trampoline_lowered:
0x8: {  	[smem:$0x3FA5] =	sst s0  }
0x9: {  	[smem:$0x3FA6] =	sst s1  }
0xa: {  	[smem:$0x3FA7] =	sst s2  }
0xb: {  	[smem:$0x3FA8] =	sst s3  }
0xc: {  	[smem:$0x3FA9] =	sst s4  }
0xd: {  	[smem:$0x3FAA] =	sst s5  }
0xe: {  	[smem:$0x3FAB] =	sst s6  }
0xf: {  	[smem:$0x3FAC] =	sst s7  }
0x10: {  	[smem:$0x3FAD] =	sst s8  }
0x11: {  	[smem:$0x3FAE] =	sst s9;
	s0 =	simm.s32 @!p0 $0x0  }
0x12: {  	s1 =	sld [smem:$0x3F94];
	s0 =	simm.s32 @p0 $0x1  }
0x13: {  	[smem:$0x3FAF] =	sst s0;
	s0 =	simm.s32 @!p1 $0x0  }
0x14: {  	s2 =	sld [smem:$0x3F93];
	s0 =	simm.s32 @p1 $0x1  }
0x15: {  	[smem:$0x3FB0] =	sst s0;
	s0 =	simm.s32 @!p2 $0x0  }
0x16: {  	s3 =	sld [smem:$0x3FDB];
	s0 =	simm.s32 @p2 $0x1  }
0x17: {  	s4 =	simm.s32 $0x1BF5;
	[smem:$0x3FB2] =	sst s0  }
0x18: {  	s0 =	sld [smem:$0x3F95];
	_ =	swait.ge [sflag:s4], $0x0  }
0x19: {  	s7 =	sld [smem:$0x3F96]  }
0x1a: {  	s8 =	sadd.s32 $0xFFFFE003, lr  }
0x1b: {  	s9 =	sadd.s32 $0xFFFFFEF7, lr;
	s5 =	simm.s32 $0xFFFFFFFF;
	p2 =	slt.u32 s8, $0xFFFFF086  }
0x1c: {  	p1 =	slt.u32 s9, $0xF7A;
	s5 =	simm.s32 @!p2 $0x0  }
0x1d: {  	s5 =	simm.s32 @p1 $0x1;
	p0 =	seq.s32 s7, s2  }
0x1e: {  	s7 =	smul.u32 @!p0 $0xF7A, s2;
	p2 =	seq.s32 @!p0 s5, $0x0  }
0x1f: {  	s9 =	smul.u32 $0xF7A, s1;
	s8 =	simm.s32 @!p0 $0x1BF5;
	p2 =	por !p2, p0  }
0x20: {  	[sflag:s8] =	ssyncset.s32 @!p0 $0xFFFFF086;
	s6 =	sadd.s32 @!p0 s3, s7;
	s7 =	simm.s32 @!p0 $0x108  }
0x21: {  	s3 =	sadd.s32 s3, s9;
	s6 =	sadd.s32 @!p0 $0x88, s6;
	s7 =	simm.s32 @p2 $0x1082  }
0x22: {  	[simem:s7], [sflag:s8] =	dma.local @!p0 [hbm:s6], $0xF7A  }
0x23: {  	s9 =	sor.u32 $0xD0000000, s2;
	s6 =	simm.s32 $0x108;
	_ =	swait.ge @!p0 [sflag:s8], $0x0  }
0x24: {  	s3 =	sadd.s32 $0x88, s3;
	s6 =	simm.s32 @!p1 $0x1082;
	[sflag:s4] =	ssyncset.s32 $0xFFFFF086  }
0x25: {  	[simem:s6], [sflag:s4] =	dma.local [hbm:s3], $0xF7A  }
0x26: {  	[smem:$0x3F96] =	sst s1;
	(tag) =	ssettag s2;
	_ =	strace s9  }
0x27: {  	s1 =	sld [smem:$0x3FA6]  }
0x28: {  	s2 =	sld [smem:$0x3FA7]  }
0x29: {  	s4 =	sld [smem:$0x3FA9]  }
0x2a: {  	p0 =	seq.s32 s5, $0x0;
	s5 =	sld [smem:$0x3FAA]  }
0x2b: {  	s6 =	sld [smem:$0x3FAB]  }
0x2c: {  	s7 =	sld [smem:$0x3FAC]  }
0x2d: {  	s3 =	simm.s32 $0x108;
	s8 =	sld [smem:$0x3FAD]  }
0x2e: {  	s3 =	simm.s32 @!p0 $0x1082;
	s9 =	sld [smem:$0x3FAE]  }
0x2f: {  	lr =	sadd.s32 s0, s3;
	s0 =	sld [smem:$0x3FA5]  }
0x30: {  	s3 =	sld [smem:$0x3FA8]  }
0x31: {  	[smem:$0x3FB1] =	sst s10  }
0x32: {  	s10 =	sld [smem:$0x3FAF];
	_ =	sdelay $0x3  }
0x33: {  	p0 =	seq.s32 s10, $0x1;
	s10 =	sld [smem:$0x3FB1];
	_ =	sdelay $0x3  }
0x34: {  	[smem:$0x3FB1] =	sst s10  }
0x35: {  	s10 =	sld [smem:$0x3FB0];
	_ =	sdelay $0x3  }
0x36: {  	p1 =	seq.s32 s10, $0x1;
	s10 =	sld [smem:$0x3FB1];
	_ =	sdelay $0x3  }
0x37: {  	[smem:$0x3FB1] =	sst s10  }
0x38: {  	s10 =	sld [smem:$0x3FB2]  }
0x39: {  	_ = 	snop;
	(pc) =	sbr.ind lr, $3  }
0x3a: {  	_ = 	snop  }
0x3b: {  	_ = 	snop  }
0x3c: {  	p2 =	seq.s32 s10, $0x1;
	s10 =	sld [smem:$0x3FB1]  }
0x3d: {  	_ =	shalt  }
0x3e: {  	_ =	shalt  }
0x3f: {  	_ =	shalt  }
0x40: {  	_ =	shalt  }
0x41: {  	_ =	shalt  }
0x42: {  	_ =	shalt  }
0x43: {  	_ =	shalt  }
0x44: {  	_ =	shalt  }
0x45: {  	_ =	shalt  }
0x46: {  	_ =	shalt  }
0x47: {  	_ =	shalt  }
0x48: {  	_ =	shalt  }
0x49: {  	_ =	shalt  }
0x4a: {  	_ =	shalt  }
0x4b: {  	_ =	shalt  }
0x4c: {  	_ =	shalt  }
0x4d: {  	_ =	shalt  }
0x4e: {  	_ =	shalt  }
0x4f: {  	_ =	shalt  }
0x50: {  	_ =	shalt  }
0x51: {  	_ =	shalt  }
0x52: {  	_ =	shalt  }
0x53: {  	_ =	shalt  }
0x54: {  	_ =	shalt  }
0x55: {  	_ =	shalt  }
0x56: {  	_ =	shalt  }
0x57: {  	_ =	shalt  }
0x58: {  	_ =	shalt  }
0x59: {  	_ =	shalt  }
0x5a: {  	_ =	shalt  }
0x5b: {  	_ =	shalt  }
0x5c: {  	_ =	shalt  }
0x5d: {  	_ =	shalt  }
0x5e: {  	_ =	shalt  }
0x5f: {  	_ =	shalt  }
0x60: {  	_ =	shalt  }
0x61: {  	_ =	shalt  }
0x62: {  	_ =	shalt  }
0x63: {  	_ =	shalt  }
0x64: {  	_ =	shalt  }
0x65: {  	_ =	shalt  }
0x66: {  	_ =	shalt  }
0x67: {  	_ =	shalt  }
0x68: {  	_ =	shalt  }
0x69: {  	_ =	shalt  }
0x6a: {  	_ =	shalt  }
0x6b: {  	_ =	shalt  }
0x6c: {  	_ =	shalt  }
0x6d: {  	_ =	shalt  }
0x6e: {  	_ =	shalt  }
0x6f: {  	_ =	shalt  }
0x70: {  	_ =	shalt  }
0x71: {  	_ =	shalt  }
0x72: {  	_ =	shalt  }
0x73: {  	_ =	shalt  }
0x74: {  	_ =	shalt  }
0x75: {  	_ =	shalt  }
0x76: {  	_ =	shalt  }
0x77: {  	_ =	shalt  }
0x78: {  	_ =	shalt  }
0x79: {  	_ =	shalt  }
0x7a: {  	_ =	shalt  }
0x7b: {  	_ =	shalt  }
0x7c: {  	_ =	shalt  }
0x7d: {  	_ =	shalt  }
0x7e: {  	_ =	shalt  }
0x7f: {  	_ =	shalt  }
0x80: {  	_ =	shalt  }
0x81: {  	_ =	shalt  }
0x82: {  	_ =	shalt  }
0x83: {  	_ =	shalt  }
0x84: {  	_ =	shalt  }
0x85: {  	_ =	shalt  }
0x86: {  	_ =	shalt  }
0x87: {  	_ =	shalt  }
.Lfunc_end0:
.L_simem_size_0:
called_computation.2_lowered:
.L_overlay_start_0:
0x88: {  	s2 =	sld [smem:$0x3FD9]  }
0x89: {  	s3 =	sld [smem:$0x3FFE];
	_ =	sdelay $0x1  }
0x8a: {  	s1 =	srdreg.scid  }
0x8b: {  	s0 =	sand.u32 $0x1, s1  }
0x8c: {  	s17 =	sshll.u32 s0, $0xA;
	s2 =	sadd.s32 s3, s2  }
0x8d: {  	s2 =	sadd.s32 s2, s17  }
0x8e: {  	[smem:$0x3FBD] =	sst s2  }
0x8f: {  	_ = 	snop  }
0x90: {  	s2 =	sld [smem:$0x3FD0];
	(tm) =	ssettm $0x1  }
0x91: {  	s18 =	sld [smem:$0x3FFB];
	_ =	sdelay $0x3  }
0x92: {  	_ =	strace s18  }
0x93: {  	s3 =	sld [smem:$0x3FFC];
	_ =	sdelay $0x3  }
0x94: {  	_ =	strace s3  }
0x95: {  	s3 =	sld [smem:$0x3FFD];
	_ =	sdelay $0x3  }
0x96: {  	_ =	strace s3  }
0x97: {  	_ =	strace $0x8FFFFFFF  }
0x98: {  	s19 =	sld [smem:$0x3FDB];
	_ =	sdelay $0x1  }
0x99: {  	s4 =	simm.s32 $_scs_section_size  }
0x9a: {  	s5 =	simm.s32 $_size__tile_overlayer_lowered;
	s6 =	simm.s32 $_tile_overlayer_lowered  }
0x9b: {  	s22 =	simm.s32 $0x1BFF;
	s21 =	sshll.u32 s6, $0x1;
	s3 =	sadd.s32 s4, s19  }
0x9c: {  	s7 =	simm.s32 $0x0;
	s20 =	sshll.u32 s5, $0x1;
	s5 =	sadd.s32 s21, s3  }
0x9d: {  	[timem:s7], [sflag:s22] =	dma.local [hbm:s5], s20  }
0x9e: {  	_ =	swait.ge [sflag:s22], s20  }
0x9f: {  	s4 =	ssub.s32 $0x0, s20;
	[sflag:s22] =	ssyncset.done $0x0  }
0xa0: {  	[sflag:s22] =	ssyncadd.s32 s4;
	_ =	sdelay $0x1  }
0xa1: {  	s23 =	simm.s32 $0x1B8B  }
0xa2: {  	_ =	swait.ge [sflag:s23], $0x1  }
0xa3: {  	[sflag:s23] =	ssyncset.done $0x0  }
0xa4: {  	s25 =	simm.s32 $0x1B8E;
	s24 =	sld [smem:$0x3FFE];
	[sflag:s23] =	ssyncadd.s32 $0xFFFFFFFF  }
0xa5: {  	s26 =	simm.s32 $execute0_lowered;
	[smem:$0x3FD2] =	sst s25  }
0xa6: {  	s5 =	sshll.u32 s26, $0x1;
	_ =	strace $0x8000004C;
	[dreg:$0x1] =	wrdreg $0xFFFFFFFF  }
0xa7: {  	s28 =	simm.s32 $_size_execute0_lowered;
	s3 =	sadd.s32 s3, s5;
	[dreg:$0x0] =	wrdreg $0x0  }
0xa8: {  	s5 =	sshll.u32 s28, $0x1;
	[dreg:$0x2] =	wrdreg s3  }
0xa9: {  	[dreg:$0x3] =	wrdreg s5  }
0xaa: {  	[dreg:$0x4] =	wrdreg $0xC0  }
0xab: {  	_ =	task [dreg:s7], $0x5FFFF  }
0xac: {  	[dreg:$0x1] =	wrdreg $0xFFFFFFFF  }
0xad: {  	[dreg:$0x0] =	wrdreg $0x60  }
0xae: {  	[dreg:$0x2] =	wrdreg s24  }
0xaf: {  	[dreg:$0x3] =	wrdreg s2  }
0xb0: {  	[dreg:$0x4] =	wrdreg $0x80000  }
0xb1: {  	[dreg:$0x5] =	wrdreg $0x9  }
0xb2: {  	_ =	task.clear_ibuf [dreg:s7], $0x6FFFF;
	_ =	strace $0x9000004C  }
0xb3: {  	s29 =	simm.s32 $0x9;
	_ =	strace $0x8000004E  }
0xb4: {  	_ =	swait.ge [sflag:s29], $0x1  }
0xb5: {  	[sflag:s29] =	ssyncadd.s32 $0xFFFFFFFF  }
0xb6: {  	_ =	strace $0x9000004E  }
0xb7: {  	_ =	sfence  }
0xb8: {  	s30 =	sld [smem:$0x0];
	_ =	sdelay $0x2  }
0xb9: {  	s31 =	sshll.u32 s1, $0xD;
	s1 =	sshrl.u32 s1, $0x2  }
0xba: {  	s3 =	sand.u32 $0x4000, s31;
	s1 =	sadd.s32 s1, s30  }
0xbb: {  	s0 =	sor.u32 s3, s0;
	s1 =	sshll.u32 s1, $0x11  }
0xbc: {  	s0 =	sor.u32 s1, s0  }
0xbd: {  	s0 =	sadd.s32 $0x8F2B, s0  }
0xbe: {  	[sflag:s0] =	ssyncadd.remote.s32 $0x1  }
0xbf: {  	_ =	sfence.sel $0xFFFF  }
0xc0: {  	[dreg:$0x0] =	wrdreg $0xFFFFFFFF;
	(pc) =	sbr.abs _section_cstart, $3  }
0xc1: {  	[dreg:$0x1] =	wrdreg $0xFFFFFFFF  }
0xc2: {  	_ =	task.clear_ibuf [dreg:s7], $0x2FFFF;
	_ =	strace $0x9FFFFFFF  }
0xc3: {  	(tm) =	ssettm $0x7FFFFFFF  }
tec
execute0_lowered:
.L_overlay_start_1:
0x0: {  	(tag) =	ssettag $0x1  }
0x1: {  	s0 =	rddreg [dreg:$0x0]  }
0x2: {  	s2 =	rddreg [dreg:$0x1]  }
0x3: {  	s1 =	rddreg [dreg:$0x2];
	s3 =	simm.s32 $0x0  }
0x4: {  	s4 =	srdreg.scid;
	s17 =	stileid.u32;
	s19 =	simm.s32 $0x80  }
0x5: {  	s21 =	simm.s32 $0x100;
	s22 =	simm.s32 $0x880;
	s23 =	simm.s32 $0x180  }
0x6: {  	s24 =	simm.s32 $0x900;
	s26 =	simm.s32 $0x200;
	[smem:$0x7FF] =	sst s3  }
0x7: {  	s28 =	simm.s32 $0xE00;
	_ =	strace $0x8000004D;
	[dreg:$0x6] =	wrdreg s19  }
0x8: {  	s29 =	simm.s32 $0x700;
	s30 =	simm.s32 $0xE80;
	[dreg:$0x7] =	wrdreg s21  }
0x9: {  	s31 =	simm.s32 $0x780;
	s4 =	sand.u32 $0x1, s4;
	[dreg:$0x8] =	wrdreg s22  }
0xa: {  	s10 =	smul.u32 $0x14000, s17;
	s12 =	sshll.u32 s17, $0xB;
	[dreg:$0x9] =	wrdreg s23  }
0xb: {  	s5 =	ssub.s32 $0x2, s4;
	s7 =	smul.u32 $0x140000, s4;
	[dreg:$0xa] =	wrdreg s24  }
0xc: {  	s4 =	sshll.u32 s4, $0xF;
	[dreg:$0xb] =	wrdreg s26;
	s19 =	simm.s32 $0x300  }
0xd: {  	s22 =	smul.u32 $0x50000, s17;
	s23 =	simm.s32 $0xA80;
	[dreg:$0xf] =	wrdreg s19  }
0xe: {  	s24 =	simm.s32 $0x380;
	s26 =	simm.s32 $0xB00;
	[dreg:$0x10] =	wrdreg s23  }
0xf: {  	s6 =	sshrl.u32 s5, $0x1;
	s11 =	sadd.s32 s4, s0;
	[dreg:$0x11] =	wrdreg s24  }
0x10: {  	[dreg:$0x12] =	wrdreg s26;
	s4 =	ssub.s32 s5, s6;
	s11 =	sadd.s32 s12, s11  }
0x11: {  	s9 =	sadd.s32 s7, s10;
	s5 =	sor.u32 $0x2000, s10;
	s18 =	sadd.s32 $0x3000, s11  }
0x12: {  	s6 =	sadd.s32 $0x4000, s10;
	s11 =	sadd.s32 $0x13000, s11;
	[dreg:$0x4] =	wrdreg s18  }
0x13: {  	s8 =	sshrl.u32 s9, $0x3;
	s4 =	smax.u32 s4, $0x1;
	[dreg:$0x5] =	wrdreg s11  }
0x14: {  	s9 =	sadd.s32 s7, s5;
	s5 =	sadd.s32 s5, s1;
	[dreg:$0x1e] =	wrdreg s4  }
0x15: {  	s14 =	sadd.s32 s7, s6;
	s8 =	sadd.s32 s2, s8;
	[dreg:$0x1f] =	wrdreg s5  }
0x16: {  	s13 =	sshrl.u32 s9, $0x3;
	s18 =	simm.s32 $0xA00;
	[dreg:$0x13] =	wrdreg s8  }
0x17: {  	s9 =	sshrl.u32 s14, $0x3;
	s8 =	sadd.s32 s2, s13;
	[dreg:$0xe] =	wrdreg s18  }
0x18: {  	s9 =	sadd.s32 s2, s9;
	[dreg:$0x14] =	wrdreg s8;
	s8 =	sadd.s32 $0x6000, s10  }
0x19: {  	[dreg:$0x15] =	wrdreg s9;
	s9 =	sadd.s32 $0x8000, s10;
	s13 =	sadd.s32 s7, s8  }
0x1a: {  	s14 =	sadd.s32 s7, s9;
	s8 =	sadd.s32 s8, s1;
	s13 =	sshrl.u32 s13, $0x3  }
0x1b: {  	s16 =	sshrl.u32 s14, $0x3;
	[smem:$0x7EE] =	sst s8;
	s15 =	sadd.s32 s2, s13  }
0x1c: {  	s5 =	simm.s32 $0x0;
	s12 =	sadd.s32 s2, s16;
	[dreg:$0x16] =	wrdreg s15  }
0x1d: {  	s16 =	simm.s32 $0x280;
	[dreg:$0x17] =	wrdreg s12;
	s12 =	sadd.s32 $0xA000, s10  }
0x1e: {  	s15 =	simm.s32 $0x980;
	[dreg:$0xd] =	wrdreg s16;
	s16 =	sadd.s32 $0x10000, s10  }
0x1f: {  	s20 =	sadd.s32 s7, s12;
	[dreg:$0xc] =	wrdreg s15;
	s15 =	sadd.s32 $0xE000, s10  }
0x20: {  	s21 =	sadd.s32 s7, s16;
	s12 =	sadd.s32 s12, s1;
	s17 =	sadd.s32 s16, s1  }
0x21: {  	s13 =	sshrl.u32 s20, $0x3;
	s20 =	sadd.s32 s7, s15;
	[smem:$0x7F0] =	sst s12  }
0x22: {  	s11 =	sshrl.u32 s21, $0x3;
	s15 =	sadd.s32 s15, s1;
	[smem:$0x7F3] =	sst s17  }
0x23: {  	s13 =	sadd.s32 s2, s13;
	s11 =	sadd.s32 s2, s11;
	[smem:$0x7F2] =	sst s15  }
0x24: {  	[dreg:$0x18] =	wrdreg s13;
	s13 =	sadd.s32 $0xC000, s10;
	s10 =	sadd.s32 $0x12000, s10  }
0x25: {  	[dreg:$0x1b] =	wrdreg s11;
	s11 =	sadd.s32 s9, s1;
	s25 =	sadd.s32 s7, s13  }
0x26: {  	[smem:$0x7EF] =	sst s11;
	s13 =	sadd.s32 s13, s1;
	s14 =	sshrl.u32 s25, $0x3  }
0x27: {  	s7 =	sadd.s32 s7, s10;
	[smem:$0x7F1] =	sst s13;
	s14 =	sadd.s32 s2, s14  }
0x28: {  	s18 =	sadd.s32 s10, s1;
	[dreg:$0x19] =	wrdreg s14;
	s14 =	sshrl.u32 s20, $0x3  }
0x29: {  	s7 =	sshrl.u32 s7, $0x3;
	[smem:$0x7F4] =	sst s18;
	s14 =	sadd.s32 s2, s14  }
0x2a: {  	s8 =	simm.s32 $0x800;
	s2 =	sadd.s32 s2, s7;
	[dreg:$0x1a] =	wrdreg s14  }
0x2b: {  	s25 =	sshrl.u32 s22, $0x2;
	s7 =	sadd.s32 s6, s1;
	[dreg:$0x1c] =	wrdreg s2  }
0x2c: {  	s14 =	sadd.s32 $0x83200, s0;
	s0 =	sadd.s32 s25, s1;
	[smem:$0x7ED] =	sst s7  }
0x2d: {  	s16 =	simm.s32 $0x400;
	s19 =	sadd.s32 $0x2000, s0;
	[dreg:$0x1d] =	wrdreg s0  }
0x2e: {  	s12 =	simm.s32 $0x1;
	s20 =	sadd.s32 $0x4000, s0;
	[smem:$0x7F5] =	sst s19  }
0x2f: {  	s17 =	simm.s32 $0xB80;
	s21 =	sadd.s32 $0x6000, s0;
	[smem:$0x7F6] =	sst s20  }
0x30: {  	s9 =	simm.s32 $0x50;
	s22 =	sadd.s32 $0x8000, s0;
	[smem:$0x7F7] =	sst s21  }
0x31: {  	s10 =	simm.s32 $0x1000;
	s23 =	sadd.s32 $0xA000, s0;
	[smem:$0x7F8] =	sst s22  }
0x32: {  	s11 =	simm.s32 $0x3800;
	s24 =	sadd.s32 $0xC000, s0;
	[smem:$0x7F9] =	sst s23  }
0x33: {  	s13 =	simm.s32 $0x2;
	s25 =	sadd.s32 $0xE000, s0;
	[smem:$0x7FA] =	sst s24  }
0x34: {  	s18 =	simm.s32 $0x480;
	s26 =	sadd.s32 $0x10000, s0;
	[smem:$0x7FB] =	sst s25  }
0x35: {  	s6 =	simm.s32 $0x6000;
	s0 =	sadd.s32 $0x12000, s0;
	[smem:$0x7FC] =	sst s26  }
0x36: {  	s7 =	simm.s32 $0x3;
	s2 =	simm.s32 $0xF80;
	[smem:$0x7FD] =	sst s0  }
0x37: {  	s19 =	simm.s32 $0xC00;
	s20 =	simm.s32 $0x500;
	s21 =	simm.s32 $0xC80  }
0x38: {  	s22 =	simm.s32 $0x580;
	s23 =	simm.s32 $0xD00;
	s24 =	simm.s32 $0x600  }
0x39: {  	v0 =	vimm.f32 $0.0e+00;
	s25 =	simm.s32 $0xD80;
	s26 =	simm.s32 $0x680;
	s0 =	simm.s32 $0xF00  }
.LBB2_1:
0x3a: {  	[smem:$0x7EC] =	sst s5;
	s5 =	simm.s32 $0x0;
	s15 =	simm.s32 $0x200  }
.LBB2_2:
0x3b: {  	p0 =	sne.s32 s15, $0x7E00;
	[tilespmem:s5+$0x6070] =	vst v0  }
0x3c: {  	[tilespmem:s5+$0x6000] =	vst v0  }
0x3d: {  	[tilespmem:s5+$0x6010] =	vst v0  }
.Ltmp0:
0x3e: {  	[tilespmem:s5+$0x6020] =	vst v0;
	(pc) =	sbr.rel @p0 .LBB2_2-.Ltmp0, $4  }
0x3f: {  	[tilespmem:s5+$0x6030] =	vst v0  }
0x40: {  	[tilespmem:s5+$0x6040] =	vst v0  }
0x41: {  	[tilespmem:s5+$0x6050] =	vst v0  }
0x42: {  	[tilespmem:s5+$0x6060] =	vst v0;
	s5 =	sshra.s32 s15, $0x2;
	s15 =	sadd.s32 $0x200, s15  }
0x43: {  	[tilespmem:s5+$0x6070] =	vst v0  }
0x44: {  	[tilespmem:s5+$0x6000] =	vst v0  }
0x45: {  	[tilespmem:s5+$0x6010] =	vst v0  }
0x46: {  	[tilespmem:s5+$0x6020] =	vst v0  }
0x47: {  	[tilespmem:s5+$0x6030] =	vst v0  }
0x48: {  	[tilespmem:s5+$0x6040] =	vst v0  }
0x49: {  	[tilespmem:s5+$0x6050] =	vst v0  }
0x4a: {  	[tilespmem:s5+$0x6060] =	vst v0;
	s4 =	rddreg [dreg:$0x1d]  }
0x4b: {  	[spmem:s4] =	stream.linear.scatter [tilespmem:s6], [sflag:$0x3], $0x2000, $0x38;
	[tilespmem:$0x1C000] =	vst v63  }
0x4c: {  	_ =	swait.ge [sflag:s7], $0x2000  }
0x4d: {  	s15 =	sld [smem:$0x7F5]  }
0x4e: {  	[sflag:s7] =	ssyncset.done $0x0  }
0x4f: {  	[sflag:s7] =	ssyncadd.s32 $0xFFFFE000  }
0x50: {  	[spmem:s15] =	stream.linear.scatter [tilespmem:s6], [sflag:$0x3], $0x2000, $0x38;
	[tilespmem:$0x1C000] =	vst v63  }
0x51: {  	_ =	swait.ge [sflag:s7], $0x2000  }
0x52: {  	s5 =	sld [smem:$0x7F6]  }
0x53: {  	[sflag:s7] =	ssyncset.done $0x0  }
0x54: {  	[sflag:s7] =	ssyncadd.s32 $0xFFFFE000  }
0x55: {  	[spmem:s5] =	stream.linear.scatter [tilespmem:s6], [sflag:$0x3], $0x2000, $0x38;
	[tilespmem:$0x1C000] =	vst v63  }
0x56: {  	_ =	swait.ge [sflag:s7], $0x2000  }
0x57: {  	s15 =	sld [smem:$0x7F7]  }
0x58: {  	[sflag:s7] =	ssyncset.done $0x0  }
0x59: {  	[sflag:s7] =	ssyncadd.s32 $0xFFFFE000  }
0x5a: {  	[spmem:s15] =	stream.linear.scatter [tilespmem:s6], [sflag:$0x3], $0x2000, $0x38;
	[tilespmem:$0x1C000] =	vst v63  }
0x5b: {  	_ =	swait.ge [sflag:s7], $0x2000  }
0x5c: {  	s5 =	sld [smem:$0x7F8]  }
0x5d: {  	[sflag:s7] =	ssyncset.done $0x0  }
0x5e: {  	[sflag:s7] =	ssyncadd.s32 $0xFFFFE000  }
0x5f: {  	[spmem:s5] =	stream.linear.scatter [tilespmem:s6], [sflag:$0x3], $0x2000, $0x38;
	[tilespmem:$0x1C000] =	vst v63  }
0x60: {  	_ =	swait.ge [sflag:s7], $0x2000  }
0x61: {  	s15 =	sld [smem:$0x7F9]  }
0x62: {  	[sflag:s7] =	ssyncset.done $0x0  }
0x63: {  	[sflag:s7] =	ssyncadd.s32 $0xFFFFE000  }
0x64: {  	[spmem:s15] =	stream.linear.scatter [tilespmem:s6], [sflag:$0x3], $0x2000, $0x38;
	[tilespmem:$0x1C000] =	vst v63  }
0x65: {  	_ =	swait.ge [sflag:s7], $0x2000  }
0x66: {  	s5 =	sld [smem:$0x7FA]  }
0x67: {  	[sflag:s7] =	ssyncset.done $0x0  }
0x68: {  	[sflag:s7] =	ssyncadd.s32 $0xFFFFE000  }
0x69: {  	[spmem:s5] =	stream.linear.scatter [tilespmem:s6], [sflag:$0x3], $0x2000, $0x38;
	[tilespmem:$0x1C000] =	vst v63  }
0x6a: {  	_ =	swait.ge [sflag:s7], $0x2000  }
0x6b: {  	s15 =	sld [smem:$0x7FB]  }
0x6c: {  	[sflag:s7] =	ssyncset.done $0x0  }
0x6d: {  	[sflag:s7] =	ssyncadd.s32 $0xFFFFE000  }
0x6e: {  	[spmem:s15] =	stream.linear.scatter [tilespmem:s6], [sflag:$0x3], $0x2000, $0x38;
	[tilespmem:$0x1C000] =	vst v63  }
0x6f: {  	_ =	swait.ge [sflag:s7], $0x2000  }
0x70: {  	s5 =	sld [smem:$0x7FC]  }
0x71: {  	[sflag:s7] =	ssyncset.done $0x0  }
0x72: {  	[sflag:s7] =	ssyncadd.s32 $0xFFFFE000  }
0x73: {  	[spmem:s5] =	stream.linear.scatter [tilespmem:s6], [sflag:$0x3], $0x2000, $0x38;
	[tilespmem:$0x1C000] =	vst v63  }
0x74: {  	_ =	swait.ge [sflag:s7], $0x2000  }
0x75: {  	s15 =	sld [smem:$0x7FD]  }
0x76: {  	[sflag:s7] =	ssyncset.done $0x0  }
0x77: {  	[sflag:s7] =	ssyncadd.s32 $0xFFFFE000  }
0x78: {  	[spmem:s15] =	stream.linear.scatter [tilespmem:s6], [sflag:$0x3], $0x2000, $0x38;
	[tilespmem:$0x1C000] =	vst v63  }
0x79: {  	_ =	swait.ge [sflag:s7], $0x2000  }
0x7a: {  	[sflag:s7] =	ssyncset.done $0x0  }
0x7b: {  	[sflag:s7] =	ssyncadd.s32 $0xFFFFE000  }
0x7c: {  	[bflag:$0x0] =	sbarrier.arrive $0xFFFF  }
0x7d: {  	s5 =	rddreg [dreg:$0x5]  }
0x7e: {  	s4 =	sadd.s32 $0x0, s5  }
0x7f: {  	[tilespmem:s3], [sflag:$0x3] =	stream.linear.gather [hbm4b:s4+s3], $0x800, $0x38;
	[tilespmem:$0x1C000] =	vst v63  }
0x80: {  	_ =	swait.ge [sflag:s7], $0x800  }
0x81: {  	s6 =	rddreg [dreg:$0x4];
	[sflag:s7] =	ssyncset.done $0x0  }
0x82: {  	[sflag:s7] =	ssyncadd.s32 $0xFFFFF800;
	s4 =	sadd.s32 $0x0, s6  }
0x83: {  	[tilespmem:s8], [sflag:$0x3] =	stream.linear.gather [hbm4b:s4+s3], $0x800, $0x38;
	[tilespmem:$0x1C000] =	vst v63  }
0x84: {  	_ =	swait.ge [sflag:s7], $0x800  }
0x85: {  	[sflag:s7] =	ssyncset.done $0x0  }
0x86: {  	[sflag:s7] =	ssyncadd.s32 $0xFFFFF800  }
0x87: {  	[tilespmem:s10], [sflag:$0x1] =	stream.indirect.gather [hbm4b:s14+s9], $0x80, s3, s9, $0xb8;
	[tilespmem:$0x1C000] =	vst v63  }
0x88: {  	s15 =	rddreg [dreg:$0x6]  }
0x89: {  	[tilespmem:s11], [sflag:$0x2] =	stream.indirect.gather [hbm4b:s14+s9], $0x80, s15, s9, $0xb8;
	[tilespmem:$0x1C000] =	vst v63  }
0x8a: {  	_ =	swait.ge [sflag:s12], $0x2800  }
0x8b: {  	[sflag:s12] =	ssyncset.done $0x0  }
0x8c: {  	[sflag:s12] =	ssyncadd.s32 $0xFFFFD800  }
0x8d: {  	[spmem:s1] =	stream.indirect.scatter.add.f32 [tilespmem:s10], [sflag:$0x3], $0x80, s8, s9, $0xb8;
	[tilespmem:$0x1C000] =	vst v63  }
0x8e: {  	_ =	swait.ge [sflag:s7], $0x2800  }
0x8f: {  	[sflag:s7] =	ssyncset.done $0x0  }
0x90: {  	s5 =	rddreg [dreg:$0x7];
	[sflag:s7] =	ssyncadd.s32 $0xFFFFD800  }
0x91: {  	[tilespmem:s10], [sflag:$0x1] =	stream.indirect.gather [hbm4b:s14+s9], $0x80, s5, s9, $0xb8;
	[tilespmem:$0x1C000] =	vst v63  }
0x92: {  	_ =	swait.ge [sflag:s13], $0x2800  }
0x93: {  	[sflag:s13] =	ssyncset.done $0x0  }
0x94: {  	s6 =	rddreg [dreg:$0x8];
	[sflag:s13] =	ssyncadd.s32 $0xFFFFD800  }
0x95: {  	[spmem:s1] =	stream.indirect.scatter.add.f32 [tilespmem:s11], [sflag:$0x3], $0x80, s6, s9, $0xb8;
	[tilespmem:$0x1C000] =	vst v63  }
0x96: {  	_ =	swait.ge [sflag:s7], $0x2800  }
0x97: {  	[sflag:s7] =	ssyncset.done $0x0  }
0x98: {  	s15 =	rddreg [dreg:$0x9];
	[sflag:s7] =	ssyncadd.s32 $0xFFFFD800  }
0x99: {  	[tilespmem:s11], [sflag:$0x2] =	stream.indirect.gather [hbm4b:s14+s9], $0x80, s15, s9, $0xb8;
	[tilespmem:$0x1C000] =	vst v63  }
0x9a: {  	_ =	swait.ge [sflag:s12], $0x2800  }
0x9b: {  	[sflag:s12] =	ssyncset.done $0x0  }
0x9c: {  	s5 =	rddreg [dreg:$0xa];
	[sflag:s12] =	ssyncadd.s32 $0xFFFFD800  }
0x9d: {  	[spmem:s1] =	stream.indirect.scatter.add.f32 [tilespmem:s10], [sflag:$0x3], $0x80, s5, s9, $0xb8;
	[tilespmem:$0x1C000] =	vst v63  }
0x9e: {  	_ =	swait.ge [sflag:s7], $0x2800  }
0x9f: {  	[sflag:s7] =	ssyncset.done $0x0  }
0xa0: {  	s6 =	rddreg [dreg:$0xb];
	[sflag:s7] =	ssyncadd.s32 $0xFFFFD800  }
0xa1: {  	[tilespmem:s10], [sflag:$0x1] =	stream.indirect.gather [hbm4b:s14+s9], $0x80, s6, s9, $0xb8;
	[tilespmem:$0x1C000] =	vst v63  }
0xa2: {  	_ =	swait.ge [sflag:s13], $0x2800  }
0xa3: {  	[sflag:s13] =	ssyncset.done $0x0  }
0xa4: {  	s15 =	rddreg [dreg:$0xc];
	[sflag:s13] =	ssyncadd.s32 $0xFFFFD800  }
0xa5: {  	[spmem:s1] =	stream.indirect.scatter.add.f32 [tilespmem:s11], [sflag:$0x3], $0x80, s15, s9, $0xb8;
	[tilespmem:$0x1C000] =	vst v63  }
0xa6: {  	_ =	swait.ge [sflag:s7], $0x2800  }
0xa7: {  	[sflag:s7] =	ssyncset.done $0x0  }
0xa8: {  	s5 =	rddreg [dreg:$0xd];
	[sflag:s7] =	ssyncadd.s32 $0xFFFFD800  }
0xa9: {  	[tilespmem:s11], [sflag:$0x2] =	stream.indirect.gather [hbm4b:s14+s9], $0x80, s5, s9, $0xb8;
	[tilespmem:$0x1C000] =	vst v63  }
0xaa: {  	_ =	swait.ge [sflag:s12], $0x2800  }
0xab: {  	[sflag:s12] =	ssyncset.done $0x0  }
0xac: {  	s6 =	rddreg [dreg:$0xe];
	[sflag:s12] =	ssyncadd.s32 $0xFFFFD800  }
0xad: {  	[spmem:s1] =	stream.indirect.scatter.add.f32 [tilespmem:s10], [sflag:$0x3], $0x80, s6, s9, $0xb8;
	[tilespmem:$0x1C000] =	vst v63  }
0xae: {  	_ =	swait.ge [sflag:s7], $0x2800  }
0xaf: {  	[sflag:s7] =	ssyncset.done $0x0  }
0xb0: {  	s15 =	rddreg [dreg:$0xf];
	[sflag:s7] =	ssyncadd.s32 $0xFFFFD800  }
0xb1: {  	[tilespmem:s10], [sflag:$0x1] =	stream.indirect.gather [hbm4b:s14+s9], $0x80, s15, s9, $0xb8;
	[tilespmem:$0x1C000] =	vst v63  }
0xb2: {  	_ =	swait.ge [sflag:s13], $0x2800  }
0xb3: {  	[sflag:s13] =	ssyncset.done $0x0  }
0xb4: {  	s5 =	rddreg [dreg:$0x10];
	[sflag:s13] =	ssyncadd.s32 $0xFFFFD800  }
0xb5: {  	[spmem:s1] =	stream.indirect.scatter.add.f32 [tilespmem:s11], [sflag:$0x3], $0x80, s5, s9, $0xb8;
	[tilespmem:$0x1C000] =	vst v63  }
0xb6: {  	_ =	swait.ge [sflag:s7], $0x2800  }
0xb7: {  	[sflag:s7] =	ssyncset.done $0x0  }
0xb8: {  	s6 =	rddreg [dreg:$0x11];
	[sflag:s7] =	ssyncadd.s32 $0xFFFFD800  }
0xb9: {  	[tilespmem:s11], [sflag:$0x2] =	stream.indirect.gather [hbm4b:s14+s9], $0x80, s6, s9, $0xb8;
	[tilespmem:$0x1C000] =	vst v63  }
0xba: {  	_ =	swait.ge [sflag:s12], $0x2800  }
0xbb: {  	[sflag:s12] =	ssyncset.done $0x0  }
0xbc: {  	s15 =	rddreg [dreg:$0x12];
	[sflag:s12] =	ssyncadd.s32 $0xFFFFD800  }
0xbd: {  	[spmem:s1] =	stream.indirect.scatter.add.f32 [tilespmem:s10], [sflag:$0x3], $0x80, s15, s9, $0xb8;
	[tilespmem:$0x1C000] =	vst v63  }
0xbe: {  	_ =	swait.ge [sflag:s7], $0x2800  }
0xbf: {  	[sflag:s7] =	ssyncset.done $0x0  }
0xc0: {  	[sflag:s7] =	ssyncadd.s32 $0xFFFFD800  }
0xc1: {  	[tilespmem:s10], [sflag:$0x1] =	stream.indirect.gather [hbm4b:s14+s9], $0x80, s16, s9, $0xb8;
	[tilespmem:$0x1C000] =	vst v63  }
0xc2: {  	_ =	swait.ge [sflag:s13], $0x2800  }
0xc3: {  	[sflag:s13] =	ssyncset.done $0x0  }
0xc4: {  	[sflag:s13] =	ssyncadd.s32 $0xFFFFD800  }
0xc5: {  	[spmem:s1] =	stream.indirect.scatter.add.f32 [tilespmem:s11], [sflag:$0x3], $0x80, s17, s9, $0xb8;
	[tilespmem:$0x1C000] =	vst v63  }
0xc6: {  	_ =	swait.ge [sflag:s7], $0x2800  }
0xc7: {  	[sflag:s7] =	ssyncset.done $0x0  }
0xc8: {  	[sflag:s7] =	ssyncadd.s32 $0xFFFFD800  }
0xc9: {  	[tilespmem:s11], [sflag:$0x2] =	stream.indirect.gather [hbm4b:s14+s9], $0x80, s18, s9, $0xb8;
	[tilespmem:$0x1C000] =	vst v63  }
0xca: {  	_ =	swait.ge [sflag:s12], $0x2800  }
0xcb: {  	[sflag:s12] =	ssyncset.done $0x0  }
0xcc: {  	[sflag:s12] =	ssyncadd.s32 $0xFFFFD800  }
0xcd: {  	[spmem:s1] =	stream.indirect.scatter.add.f32 [tilespmem:s10], [sflag:$0x3], $0x80, s19, s9, $0xb8;
	[tilespmem:$0x1C000] =	vst v63  }
0xce: {  	_ =	swait.ge [sflag:s7], $0x2800  }
0xcf: {  	[sflag:s7] =	ssyncset.done $0x0  }
0xd0: {  	[sflag:s7] =	ssyncadd.s32 $0xFFFFD800  }
0xd1: {  	[tilespmem:s10], [sflag:$0x1] =	stream.indirect.gather [hbm4b:s14+s9], $0x80, s20, s9, $0xb8;
	[tilespmem:$0x1C000] =	vst v63  }
0xd2: {  	_ =	swait.ge [sflag:s13], $0x2800  }
0xd3: {  	[sflag:s13] =	ssyncset.done $0x0  }
0xd4: {  	[sflag:s13] =	ssyncadd.s32 $0xFFFFD800  }
0xd5: {  	[spmem:s1] =	stream.indirect.scatter.add.f32 [tilespmem:s11], [sflag:$0x3], $0x80, s21, s9, $0xb8;
	[tilespmem:$0x1C000] =	vst v63  }
0xd6: {  	_ =	swait.ge [sflag:s7], $0x2800  }
0xd7: {  	[sflag:s7] =	ssyncset.done $0x0  }
0xd8: {  	[sflag:s7] =	ssyncadd.s32 $0xFFFFD800  }
0xd9: {  	[tilespmem:s11], [sflag:$0x2] =	stream.indirect.gather [hbm4b:s14+s9], $0x80, s22, s9, $0xb8;
	[tilespmem:$0x1C000] =	vst v63  }
0xda: {  	_ =	swait.ge [sflag:s12], $0x2800  }
0xdb: {  	[sflag:s12] =	ssyncset.done $0x0  }
0xdc: {  	[sflag:s12] =	ssyncadd.s32 $0xFFFFD800  }
0xdd: {  	[spmem:s1] =	stream.indirect.scatter.add.f32 [tilespmem:s10], [sflag:$0x3], $0x80, s23, s9, $0xb8;
	[tilespmem:$0x1C000] =	vst v63  }
0xde: {  	_ =	swait.ge [sflag:s7], $0x2800  }
0xdf: {  	[sflag:s7] =	ssyncset.done $0x0  }
0xe0: {  	[sflag:s7] =	ssyncadd.s32 $0xFFFFD800  }
0xe1: {  	[tilespmem:s10], [sflag:$0x1] =	stream.indirect.gather [hbm4b:s14+s9], $0x80, s24, s9, $0xb8;
	[tilespmem:$0x1C000] =	vst v63  }
0xe2: {  	_ =	swait.ge [sflag:s13], $0x2800  }
0xe3: {  	[sflag:s13] =	ssyncset.done $0x0  }
0xe4: {  	[sflag:s13] =	ssyncadd.s32 $0xFFFFD800  }
0xe5: {  	[spmem:s1] =	stream.indirect.scatter.add.f32 [tilespmem:s11], [sflag:$0x3], $0x80, s25, s9, $0xb8;
	[tilespmem:$0x1C000] =	vst v63  }
0xe6: {  	_ =	swait.ge [sflag:s7], $0x2800  }
0xe7: {  	[sflag:s7] =	ssyncset.done $0x0  }
0xe8: {  	[sflag:s7] =	ssyncadd.s32 $0xFFFFD800  }
0xe9: {  	[tilespmem:s11], [sflag:$0x2] =	stream.indirect.gather [hbm4b:s14+s9], $0x80, s26, s9, $0xb8;
	[tilespmem:$0x1C000] =	vst v63  }
0xea: {  	_ =	swait.ge [sflag:s12], $0x2800  }
0xeb: {  	[sflag:s12] =	ssyncset.done $0x0  }
0xec: {  	[sflag:s12] =	ssyncadd.s32 $0xFFFFD800  }
0xed: {  	[spmem:s1] =	stream.indirect.scatter.add.f32 [tilespmem:s10], [sflag:$0x3], $0x80, s28, s9, $0xb8;
	[tilespmem:$0x1C000] =	vst v63  }
0xee: {  	_ =	swait.ge [sflag:s7], $0x2800  }
0xef: {  	[sflag:s7] =	ssyncset.done $0x0  }
0xf0: {  	[sflag:s7] =	ssyncadd.s32 $0xFFFFD800  }
0xf1: {  	[tilespmem:s10], [sflag:$0x1] =	stream.indirect.gather [hbm4b:s14+s9], $0x80, s29, s9, $0xb8;
	[tilespmem:$0x1C000] =	vst v63  }
0xf2: {  	_ =	swait.ge [sflag:s13], $0x2800  }
0xf3: {  	[sflag:s13] =	ssyncset.done $0x0  }
0xf4: {  	[sflag:s13] =	ssyncadd.s32 $0xFFFFD800  }
0xf5: {  	[spmem:s1] =	stream.indirect.scatter.add.f32 [tilespmem:s11], [sflag:$0x3], $0x80, s30, s9, $0xb8;
	[tilespmem:$0x1C000] =	vst v63  }
0xf6: {  	_ =	swait.ge [sflag:s7], $0x2800  }
0xf7: {  	[sflag:s7] =	ssyncset.done $0x0  }
0xf8: {  	[sflag:s7] =	ssyncadd.s32 $0xFFFFD800  }
0xf9: {  	[tilespmem:s11], [sflag:$0x2] =	stream.indirect.gather [hbm4b:s14+s9], $0x80, s31, s9, $0xb8;
	[tilespmem:$0x1C000] =	vst v63  }
0xfa: {  	_ =	swait.ge [sflag:s12], $0x2800  }
0xfb: {  	[sflag:s12] =	ssyncset.done $0x0  }
0xfc: {  	[sflag:s12] =	ssyncadd.s32 $0xFFFFD800  }
0xfd: {  	[spmem:s1] =	stream.indirect.scatter.add.f32 [tilespmem:s10], [sflag:$0x3], $0x80, s0, s9, $0xb8;
	[tilespmem:$0x1C000] =	vst v63  }
0xfe: {  	_ =	swait.ge [sflag:s7], $0x2800  }
0xff: {  	[sflag:s7] =	ssyncset.done $0x0  }
0x100: {  	[sflag:s7] =	ssyncadd.s32 $0xFFFFD800  }
0x101: {  	_ =	swait.ge [sflag:s13], $0x2800  }
0x102: {  	[sflag:s13] =	ssyncset.done $0x0  }
0x103: {  	[sflag:s13] =	ssyncadd.s32 $0xFFFFD800  }
0x104: {  	[spmem:s1] =	stream.indirect.scatter.add.f32 [tilespmem:s11], [sflag:$0x3], $0x80, s2, s9, $0xb8;
	[tilespmem:$0x1C000] =	vst v63  }
0x105: {  	s5 =	simm.s32 $0x100;
	_ =	swait.ge [sflag:s7], $0x2800  }
0x106: {  	s15 =	simm.s32 $0x200;
	s4 =	rddreg [dreg:$0x5];
	[sflag:s7] =	ssyncset.done $0x0  }
.LBB2_4:
0x107: {  	[sflag:s7] =	ssyncadd.s32 $0xFFFFD800;
	s4 =	sadd.s32 s5, s4  }
0x108: {  	[tilespmem:s3], [sflag:$0x3] =	stream.linear.gather [hbm4b:s4+s3], $0x800, $0x38;
	[tilespmem:$0x1C000] =	vst v63  }
0x109: {  	_ =	swait.ge [sflag:s7], $0x800  }
0x10a: {  	s4 =	rddreg [dreg:$0x4];
	[sflag:s7] =	ssyncset.done $0x0  }
0x10b: {  	[sflag:s7] =	ssyncadd.s32 $0xFFFFF800;
	s4 =	sadd.s32 s5, s4  }
0x10c: {  	[tilespmem:s8], [sflag:$0x3] =	stream.linear.gather [hbm4b:s4+s3], $0x800, $0x38;
	[tilespmem:$0x1C000] =	vst v63  }
0x10d: {  	_ =	swait.ge [sflag:s7], $0x800  }
0x10e: {  	[sflag:s7] =	ssyncset.done $0x0  }
0x10f: {  	s6 =	smov.u32 s15;
	[sflag:s7] =	ssyncadd.s32 $0xFFFFF800  }
0x110: {  	[tilespmem:s10], [sflag:$0x1] =	stream.indirect.gather [hbm4b:s14+s9], $0x80, s3, s9, $0xb8;
	[tilespmem:$0x1C000] =	vst v63  }
0x111: {  	s5 =	smov.u32 s6;
	s6 =	rddreg [dreg:$0x6]  }
0x112: {  	[tilespmem:s11], [sflag:$0x2] =	stream.indirect.gather [hbm4b:s14+s9], $0x80, s6, s9, $0xb8;
	[tilespmem:$0x1C000] =	vst v63  }
0x113: {  	_ =	swait.ge [sflag:s12], $0x2800  }
0x114: {  	[sflag:s12] =	ssyncset.done $0x0  }
0x115: {  	[sflag:s12] =	ssyncadd.s32 $0xFFFFD800  }
0x116: {  	[spmem:s1] =	stream.indirect.scatter.add.f32 [tilespmem:s10], [sflag:$0x3], $0x80, s8, s9, $0xb8;
	[tilespmem:$0x1C000] =	vst v63  }
0x117: {  	_ =	swait.ge [sflag:s7], $0x2800  }
0x118: {  	[sflag:s7] =	ssyncset.done $0x0  }
0x119: {  	s6 =	rddreg [dreg:$0x7];
	[sflag:s7] =	ssyncadd.s32 $0xFFFFD800  }
0x11a: {  	[tilespmem:s10], [sflag:$0x1] =	stream.indirect.gather [hbm4b:s14+s9], $0x80, s6, s9, $0xb8;
	[tilespmem:$0x1C000] =	vst v63  }
0x11b: {  	_ =	swait.ge [sflag:s13], $0x2800  }
0x11c: {  	[sflag:s13] =	ssyncset.done $0x0  }
0x11d: {  	s6 =	rddreg [dreg:$0x8];
	[sflag:s13] =	ssyncadd.s32 $0xFFFFD800  }
0x11e: {  	[spmem:s1] =	stream.indirect.scatter.add.f32 [tilespmem:s11], [sflag:$0x3], $0x80, s6, s9, $0xb8;
	[tilespmem:$0x1C000] =	vst v63  }
0x11f: {  	_ =	swait.ge [sflag:s7], $0x2800  }
0x120: {  	[sflag:s7] =	ssyncset.done $0x0  }
0x121: {  	s6 =	rddreg [dreg:$0x9];
	[sflag:s7] =	ssyncadd.s32 $0xFFFFD800  }
0x122: {  	[tilespmem:s11], [sflag:$0x2] =	stream.indirect.gather [hbm4b:s14+s9], $0x80, s6, s9, $0xb8;
	[tilespmem:$0x1C000] =	vst v63  }
0x123: {  	_ =	swait.ge [sflag:s12], $0x2800  }
0x124: {  	[sflag:s12] =	ssyncset.done $0x0  }
0x125: {  	s6 =	rddreg [dreg:$0xa];
	[sflag:s12] =	ssyncadd.s32 $0xFFFFD800  }
0x126: {  	[spmem:s1] =	stream.indirect.scatter.add.f32 [tilespmem:s10], [sflag:$0x3], $0x80, s6, s9, $0xb8;
	[tilespmem:$0x1C000] =	vst v63  }
0x127: {  	_ =	swait.ge [sflag:s7], $0x2800  }
0x128: {  	[sflag:s7] =	ssyncset.done $0x0  }
0x129: {  	s6 =	rddreg [dreg:$0xb];
	[sflag:s7] =	ssyncadd.s32 $0xFFFFD800  }
0x12a: {  	[tilespmem:s10], [sflag:$0x1] =	stream.indirect.gather [hbm4b:s14+s9], $0x80, s6, s9, $0xb8;
	[tilespmem:$0x1C000] =	vst v63  }
0x12b: {  	_ =	swait.ge [sflag:s13], $0x2800  }
0x12c: {  	[sflag:s13] =	ssyncset.done $0x0  }
0x12d: {  	s6 =	rddreg [dreg:$0xc];
	[sflag:s13] =	ssyncadd.s32 $0xFFFFD800  }
0x12e: {  	[spmem:s1] =	stream.indirect.scatter.add.f32 [tilespmem:s11], [sflag:$0x3], $0x80, s6, s9, $0xb8;
	[tilespmem:$0x1C000] =	vst v63  }
0x12f: {  	_ =	swait.ge [sflag:s7], $0x2800  }
0x130: {  	[sflag:s7] =	ssyncset.done $0x0  }
0x131: {  	s6 =	rddreg [dreg:$0xd];
	[sflag:s7] =	ssyncadd.s32 $0xFFFFD800  }
0x132: {  	[tilespmem:s11], [sflag:$0x2] =	stream.indirect.gather [hbm4b:s14+s9], $0x80, s6, s9, $0xb8;
	[tilespmem:$0x1C000] =	vst v63  }
0x133: {  	_ =	swait.ge [sflag:s12], $0x2800  }
0x134: {  	[sflag:s12] =	ssyncset.done $0x0  }
0x135: {  	s6 =	rddreg [dreg:$0xe];
	[sflag:s12] =	ssyncadd.s32 $0xFFFFD800  }
0x136: {  	[spmem:s1] =	stream.indirect.scatter.add.f32 [tilespmem:s10], [sflag:$0x3], $0x80, s6, s9, $0xb8;
	[tilespmem:$0x1C000] =	vst v63  }
0x137: {  	_ =	swait.ge [sflag:s7], $0x2800  }
0x138: {  	[sflag:s7] =	ssyncset.done $0x0  }
0x139: {  	s6 =	rddreg [dreg:$0xf];
	[sflag:s7] =	ssyncadd.s32 $0xFFFFD800  }
0x13a: {  	[tilespmem:s10], [sflag:$0x1] =	stream.indirect.gather [hbm4b:s14+s9], $0x80, s6, s9, $0xb8;
	[tilespmem:$0x1C000] =	vst v63  }
0x13b: {  	_ =	swait.ge [sflag:s13], $0x2800  }
0x13c: {  	[sflag:s13] =	ssyncset.done $0x0  }
0x13d: {  	s6 =	rddreg [dreg:$0x10];
	[sflag:s13] =	ssyncadd.s32 $0xFFFFD800  }
0x13e: {  	[spmem:s1] =	stream.indirect.scatter.add.f32 [tilespmem:s11], [sflag:$0x3], $0x80, s6, s9, $0xb8;
	[tilespmem:$0x1C000] =	vst v63  }
0x13f: {  	_ =	swait.ge [sflag:s7], $0x2800  }
0x140: {  	[sflag:s7] =	ssyncset.done $0x0  }
0x141: {  	s6 =	rddreg [dreg:$0x11];
	[sflag:s7] =	ssyncadd.s32 $0xFFFFD800  }
0x142: {  	[tilespmem:s11], [sflag:$0x2] =	stream.indirect.gather [hbm4b:s14+s9], $0x80, s6, s9, $0xb8;
	[tilespmem:$0x1C000] =	vst v63  }
0x143: {  	_ =	swait.ge [sflag:s12], $0x2800  }
0x144: {  	[sflag:s12] =	ssyncset.done $0x0  }
0x145: {  	s6 =	rddreg [dreg:$0x12];
	[sflag:s12] =	ssyncadd.s32 $0xFFFFD800  }
0x146: {  	[spmem:s1] =	stream.indirect.scatter.add.f32 [tilespmem:s10], [sflag:$0x3], $0x80, s6, s9, $0xb8;
	[tilespmem:$0x1C000] =	vst v63  }
0x147: {  	_ =	swait.ge [sflag:s7], $0x2800  }
0x148: {  	[sflag:s7] =	ssyncset.done $0x0  }
0x149: {  	[sflag:s7] =	ssyncadd.s32 $0xFFFFD800  }
0x14a: {  	[tilespmem:s10], [sflag:$0x1] =	stream.indirect.gather [hbm4b:s14+s9], $0x80, s16, s9, $0xb8;
	[tilespmem:$0x1C000] =	vst v63  }
0x14b: {  	_ =	swait.ge [sflag:s13], $0x2800  }
0x14c: {  	[sflag:s13] =	ssyncset.done $0x0  }
0x14d: {  	[sflag:s13] =	ssyncadd.s32 $0xFFFFD800  }
0x14e: {  	[spmem:s1] =	stream.indirect.scatter.add.f32 [tilespmem:s11], [sflag:$0x3], $0x80, s17, s9, $0xb8;
	[tilespmem:$0x1C000] =	vst v63  }
0x14f: {  	_ =	swait.ge [sflag:s7], $0x2800  }
0x150: {  	[sflag:s7] =	ssyncset.done $0x0  }
0x151: {  	[sflag:s7] =	ssyncadd.s32 $0xFFFFD800  }
0x152: {  	[tilespmem:s11], [sflag:$0x2] =	stream.indirect.gather [hbm4b:s14+s9], $0x80, s18, s9, $0xb8;
	[tilespmem:$0x1C000] =	vst v63  }
0x153: {  	_ =	swait.ge [sflag:s12], $0x2800  }
0x154: {  	[sflag:s12] =	ssyncset.done $0x0  }
0x155: {  	[sflag:s12] =	ssyncadd.s32 $0xFFFFD800  }
0x156: {  	[spmem:s1] =	stream.indirect.scatter.add.f32 [tilespmem:s10], [sflag:$0x3], $0x80, s19, s9, $0xb8;
	[tilespmem:$0x1C000] =	vst v63  }
0x157: {  	_ =	swait.ge [sflag:s7], $0x2800  }
0x158: {  	[sflag:s7] =	ssyncset.done $0x0  }
0x159: {  	[sflag:s7] =	ssyncadd.s32 $0xFFFFD800  }
0x15a: {  	[tilespmem:s10], [sflag:$0x1] =	stream.indirect.gather [hbm4b:s14+s9], $0x80, s20, s9, $0xb8;
	[tilespmem:$0x1C000] =	vst v63  }
0x15b: {  	_ =	swait.ge [sflag:s13], $0x2800  }
0x15c: {  	[sflag:s13] =	ssyncset.done $0x0  }
0x15d: {  	[sflag:s13] =	ssyncadd.s32 $0xFFFFD800  }
0x15e: {  	[spmem:s1] =	stream.indirect.scatter.add.f32 [tilespmem:s11], [sflag:$0x3], $0x80, s21, s9, $0xb8;
	[tilespmem:$0x1C000] =	vst v63  }
0x15f: {  	_ =	swait.ge [sflag:s7], $0x2800  }
0x160: {  	[sflag:s7] =	ssyncset.done $0x0  }
0x161: {  	[sflag:s7] =	ssyncadd.s32 $0xFFFFD800  }
0x162: {  	[tilespmem:s11], [sflag:$0x2] =	stream.indirect.gather [hbm4b:s14+s9], $0x80, s22, s9, $0xb8;
	[tilespmem:$0x1C000] =	vst v63  }
0x163: {  	_ =	swait.ge [sflag:s12], $0x2800  }
0x164: {  	[sflag:s12] =	ssyncset.done $0x0  }
0x165: {  	[sflag:s12] =	ssyncadd.s32 $0xFFFFD800  }
0x166: {  	[spmem:s1] =	stream.indirect.scatter.add.f32 [tilespmem:s10], [sflag:$0x3], $0x80, s23, s9, $0xb8;
	[tilespmem:$0x1C000] =	vst v63  }
0x167: {  	_ =	swait.ge [sflag:s7], $0x2800  }
0x168: {  	[sflag:s7] =	ssyncset.done $0x0  }
0x169: {  	[sflag:s7] =	ssyncadd.s32 $0xFFFFD800  }
0x16a: {  	[tilespmem:s10], [sflag:$0x1] =	stream.indirect.gather [hbm4b:s14+s9], $0x80, s24, s9, $0xb8;
	[tilespmem:$0x1C000] =	vst v63  }
0x16b: {  	_ =	swait.ge [sflag:s13], $0x2800  }
0x16c: {  	[sflag:s13] =	ssyncset.done $0x0  }
0x16d: {  	[sflag:s13] =	ssyncadd.s32 $0xFFFFD800  }
0x16e: {  	[spmem:s1] =	stream.indirect.scatter.add.f32 [tilespmem:s11], [sflag:$0x3], $0x80, s25, s9, $0xb8;
	[tilespmem:$0x1C000] =	vst v63  }
0x16f: {  	_ =	swait.ge [sflag:s7], $0x2800  }
0x170: {  	[sflag:s7] =	ssyncset.done $0x0  }
0x171: {  	[sflag:s7] =	ssyncadd.s32 $0xFFFFD800  }
0x172: {  	[tilespmem:s11], [sflag:$0x2] =	stream.indirect.gather [hbm4b:s14+s9], $0x80, s26, s9, $0xb8;
	[tilespmem:$0x1C000] =	vst v63  }
0x173: {  	_ =	swait.ge [sflag:s12], $0x2800  }
0x174: {  	[sflag:s12] =	ssyncset.done $0x0  }
0x175: {  	[sflag:s12] =	ssyncadd.s32 $0xFFFFD800  }
0x176: {  	[spmem:s1] =	stream.indirect.scatter.add.f32 [tilespmem:s10], [sflag:$0x3], $0x80, s28, s9, $0xb8;
	[tilespmem:$0x1C000] =	vst v63  }
0x177: {  	_ =	swait.ge [sflag:s7], $0x2800  }
0x178: {  	[sflag:s7] =	ssyncset.done $0x0  }
0x179: {  	[sflag:s7] =	ssyncadd.s32 $0xFFFFD800  }
0x17a: {  	[tilespmem:s10], [sflag:$0x1] =	stream.indirect.gather [hbm4b:s14+s9], $0x80, s29, s9, $0xb8;
	[tilespmem:$0x1C000] =	vst v63  }
0x17b: {  	_ =	swait.ge [sflag:s13], $0x2800  }
0x17c: {  	[sflag:s13] =	ssyncset.done $0x0  }
0x17d: {  	[sflag:s13] =	ssyncadd.s32 $0xFFFFD800  }
0x17e: {  	[spmem:s1] =	stream.indirect.scatter.add.f32 [tilespmem:s11], [sflag:$0x3], $0x80, s30, s9, $0xb8;
	[tilespmem:$0x1C000] =	vst v63  }
0x17f: {  	_ =	swait.ge [sflag:s7], $0x2800  }
0x180: {  	[sflag:s7] =	ssyncset.done $0x0  }
0x181: {  	[sflag:s7] =	ssyncadd.s32 $0xFFFFD800  }
0x182: {  	[tilespmem:s11], [sflag:$0x2] =	stream.indirect.gather [hbm4b:s14+s9], $0x80, s31, s9, $0xb8;
	[tilespmem:$0x1C000] =	vst v63  }
0x183: {  	_ =	swait.ge [sflag:s12], $0x2800  }
0x184: {  	[sflag:s12] =	ssyncset.done $0x0  }
0x185: {  	[sflag:s12] =	ssyncadd.s32 $0xFFFFD800  }
0x186: {  	[spmem:s1] =	stream.indirect.scatter.add.f32 [tilespmem:s10], [sflag:$0x3], $0x80, s0, s9, $0xb8;
	[tilespmem:$0x1C000] =	vst v63  }
0x187: {  	_ =	swait.ge [sflag:s7], $0x2800  }
0x188: {  	[sflag:s7] =	ssyncset.done $0x0  }
0x189: {  	[sflag:s7] =	ssyncadd.s32 $0xFFFFD800  }
0x18a: {  	p0 =	sne.s32 s15, $0x700;
	_ =	swait.ge [sflag:s13], $0x2800  }
.Ltmp1:
0x18b: {  	[sflag:s13] =	ssyncset.done $0x0;
	(pc) =	sbr.rel @p0 .LBB2_4-.Ltmp1, $4  }
0x18c: {  	[sflag:s13] =	ssyncadd.s32 $0xFFFFD800  }
0x18d: {  	[spmem:s1] =	stream.indirect.scatter.add.f32 [tilespmem:s11], [sflag:$0x3], $0x80, s2, s9, $0xb8;
	[tilespmem:$0x1C000] =	vst v63  }
0x18e: {  	_ =	swait.ge [sflag:s7], $0x2800  }
0x18f: {  	s15 =	sadd.s32 $0x100, s15;
	s4 =	rddreg [dreg:$0x5];
	[sflag:s7] =	ssyncset.done $0x0  }
0x190: {  	[sflag:s7] =	ssyncadd.s32 $0xFFFFD800;
	s4 =	sadd.s32 s5, s4  }
0x191: {  	[tilespmem:s3], [sflag:$0x3] =	stream.linear.gather [hbm4b:s4+s3], $0x800, $0x38;
	[tilespmem:$0x1C000] =	vst v63  }
0x192: {  	_ =	swait.ge [sflag:s7], $0x800  }
0x193: {  	s6 =	rddreg [dreg:$0x4];
	[sflag:s7] =	ssyncset.done $0x0  }
0x194: {  	s4 =	sadd.s32 s5, s6;
	[sflag:s7] =	ssyncadd.s32 $0xFFFFF800  }
0x195: {  	[tilespmem:s8], [sflag:$0x3] =	stream.linear.gather [hbm4b:s4+s3], $0x800, $0x38;
	[tilespmem:$0x1C000] =	vst v63  }
0x196: {  	_ =	swait.ge [sflag:s7], $0x800  }
0x197: {  	[sflag:s7] =	ssyncset.done $0x0  }
0x198: {  	[sflag:s7] =	ssyncadd.s32 $0xFFFFF800  }
0x199: {  	[tilespmem:s10], [sflag:$0x1] =	stream.indirect.gather [hbm4b:s14+s9], $0x80, s3, s9, $0xb8;
	[tilespmem:$0x1C000] =	vst v63  }
0x19a: {  	s15 =	rddreg [dreg:$0x6]  }
0x19b: {  	[tilespmem:s11], [sflag:$0x2] =	stream.indirect.gather [hbm4b:s14+s9], $0x80, s15, s9, $0xb8;
	[tilespmem:$0x1C000] =	vst v63  }
0x19c: {  	_ =	swait.ge [sflag:s12], $0x2800  }
0x19d: {  	[sflag:s12] =	ssyncset.done $0x0  }
0x19e: {  	[sflag:s12] =	ssyncadd.s32 $0xFFFFD800  }
0x19f: {  	[spmem:s1] =	stream.indirect.scatter.add.f32 [tilespmem:s10], [sflag:$0x3], $0x80, s8, s9, $0xb8;
	[tilespmem:$0x1C000] =	vst v63  }
0x1a0: {  	_ =	swait.ge [sflag:s7], $0x2800  }
0x1a1: {  	[sflag:s7] =	ssyncset.done $0x0  }
0x1a2: {  	s5 =	rddreg [dreg:$0x7];
	[sflag:s7] =	ssyncadd.s32 $0xFFFFD800  }
0x1a3: {  	[tilespmem:s10], [sflag:$0x1] =	stream.indirect.gather [hbm4b:s14+s9], $0x80, s5, s9, $0xb8;
	[tilespmem:$0x1C000] =	vst v63  }
0x1a4: {  	_ =	swait.ge [sflag:s13], $0x2800  }
0x1a5: {  	[sflag:s13] =	ssyncset.done $0x0  }
0x1a6: {  	s6 =	rddreg [dreg:$0x8];
	[sflag:s13] =	ssyncadd.s32 $0xFFFFD800  }
0x1a7: {  	[spmem:s1] =	stream.indirect.scatter.add.f32 [tilespmem:s11], [sflag:$0x3], $0x80, s6, s9, $0xb8;
	[tilespmem:$0x1C000] =	vst v63  }
0x1a8: {  	_ =	swait.ge [sflag:s7], $0x2800  }
0x1a9: {  	[sflag:s7] =	ssyncset.done $0x0  }
0x1aa: {  	s15 =	rddreg [dreg:$0x9];
	[sflag:s7] =	ssyncadd.s32 $0xFFFFD800  }
0x1ab: {  	[tilespmem:s11], [sflag:$0x2] =	stream.indirect.gather [hbm4b:s14+s9], $0x80, s15, s9, $0xb8;
	[tilespmem:$0x1C000] =	vst v63  }
0x1ac: {  	_ =	swait.ge [sflag:s12], $0x2800  }
0x1ad: {  	[sflag:s12] =	ssyncset.done $0x0  }
0x1ae: {  	s5 =	rddreg [dreg:$0xa];
	[sflag:s12] =	ssyncadd.s32 $0xFFFFD800  }
0x1af: {  	[spmem:s1] =	stream.indirect.scatter.add.f32 [tilespmem:s10], [sflag:$0x3], $0x80, s5, s9, $0xb8;
	[tilespmem:$0x1C000] =	vst v63  }
0x1b0: {  	_ =	swait.ge [sflag:s7], $0x2800  }
0x1b1: {  	[sflag:s7] =	ssyncset.done $0x0  }
0x1b2: {  	s6 =	rddreg [dreg:$0xb];
	[sflag:s7] =	ssyncadd.s32 $0xFFFFD800  }
0x1b3: {  	[tilespmem:s10], [sflag:$0x1] =	stream.indirect.gather [hbm4b:s14+s9], $0x80, s6, s9, $0xb8;
	[tilespmem:$0x1C000] =	vst v63  }
0x1b4: {  	_ =	swait.ge [sflag:s13], $0x2800  }
0x1b5: {  	[sflag:s13] =	ssyncset.done $0x0  }
0x1b6: {  	s15 =	rddreg [dreg:$0xc];
	[sflag:s13] =	ssyncadd.s32 $0xFFFFD800  }
0x1b7: {  	[spmem:s1] =	stream.indirect.scatter.add.f32 [tilespmem:s11], [sflag:$0x3], $0x80, s15, s9, $0xb8;
	[tilespmem:$0x1C000] =	vst v63  }
0x1b8: {  	_ =	swait.ge [sflag:s7], $0x2800  }
0x1b9: {  	[sflag:s7] =	ssyncset.done $0x0  }
0x1ba: {  	s5 =	rddreg [dreg:$0xd];
	[sflag:s7] =	ssyncadd.s32 $0xFFFFD800  }
0x1bb: {  	[tilespmem:s11], [sflag:$0x2] =	stream.indirect.gather [hbm4b:s14+s9], $0x80, s5, s9, $0xb8;
	[tilespmem:$0x1C000] =	vst v63  }
0x1bc: {  	_ =	swait.ge [sflag:s12], $0x2800  }
0x1bd: {  	[sflag:s12] =	ssyncset.done $0x0  }
0x1be: {  	s6 =	rddreg [dreg:$0xe];
	[sflag:s12] =	ssyncadd.s32 $0xFFFFD800  }
0x1bf: {  	[spmem:s1] =	stream.indirect.scatter.add.f32 [tilespmem:s10], [sflag:$0x3], $0x80, s6, s9, $0xb8;
	[tilespmem:$0x1C000] =	vst v63  }
0x1c0: {  	_ =	swait.ge [sflag:s7], $0x2800  }
0x1c1: {  	[sflag:s7] =	ssyncset.done $0x0  }
0x1c2: {  	s15 =	rddreg [dreg:$0xf];
	[sflag:s7] =	ssyncadd.s32 $0xFFFFD800  }
0x1c3: {  	[tilespmem:s10], [sflag:$0x1] =	stream.indirect.gather [hbm4b:s14+s9], $0x80, s15, s9, $0xb8;
	[tilespmem:$0x1C000] =	vst v63  }
0x1c4: {  	_ =	swait.ge [sflag:s13], $0x2800  }
0x1c5: {  	[sflag:s13] =	ssyncset.done $0x0  }
0x1c6: {  	s5 =	rddreg [dreg:$0x10];
	[sflag:s13] =	ssyncadd.s32 $0xFFFFD800  }
0x1c7: {  	[spmem:s1] =	stream.indirect.scatter.add.f32 [tilespmem:s11], [sflag:$0x3], $0x80, s5, s9, $0xb8;
	[tilespmem:$0x1C000] =	vst v63  }
0x1c8: {  	_ =	swait.ge [sflag:s7], $0x2800  }
0x1c9: {  	[sflag:s7] =	ssyncset.done $0x0  }
0x1ca: {  	s6 =	rddreg [dreg:$0x11];
	[sflag:s7] =	ssyncadd.s32 $0xFFFFD800  }
0x1cb: {  	[tilespmem:s11], [sflag:$0x2] =	stream.indirect.gather [hbm4b:s14+s9], $0x80, s6, s9, $0xb8;
	[tilespmem:$0x1C000] =	vst v63  }
0x1cc: {  	_ =	swait.ge [sflag:s12], $0x2800  }
0x1cd: {  	[sflag:s12] =	ssyncset.done $0x0  }
0x1ce: {  	s15 =	rddreg [dreg:$0x12];
	[sflag:s12] =	ssyncadd.s32 $0xFFFFD800  }
0x1cf: {  	[spmem:s1] =	stream.indirect.scatter.add.f32 [tilespmem:s10], [sflag:$0x3], $0x80, s15, s9, $0xb8;
	[tilespmem:$0x1C000] =	vst v63  }
0x1d0: {  	_ =	swait.ge [sflag:s7], $0x2800  }
0x1d1: {  	[sflag:s7] =	ssyncset.done $0x0  }
0x1d2: {  	[sflag:s7] =	ssyncadd.s32 $0xFFFFD800  }
0x1d3: {  	[tilespmem:s10], [sflag:$0x1] =	stream.indirect.gather [hbm4b:s14+s9], $0x80, s16, s9, $0xb8;
	[tilespmem:$0x1C000] =	vst v63  }
0x1d4: {  	_ =	swait.ge [sflag:s13], $0x2800  }
0x1d5: {  	[sflag:s13] =	ssyncset.done $0x0  }
0x1d6: {  	[sflag:s13] =	ssyncadd.s32 $0xFFFFD800  }
0x1d7: {  	[spmem:s1] =	stream.indirect.scatter.add.f32 [tilespmem:s11], [sflag:$0x3], $0x80, s17, s9, $0xb8;
	[tilespmem:$0x1C000] =	vst v63  }
0x1d8: {  	_ =	swait.ge [sflag:s7], $0x2800  }
0x1d9: {  	[sflag:s7] =	ssyncset.done $0x0  }
0x1da: {  	[sflag:s7] =	ssyncadd.s32 $0xFFFFD800  }
0x1db: {  	[tilespmem:s11], [sflag:$0x2] =	stream.indirect.gather [hbm4b:s14+s9], $0x80, s18, s9, $0xb8;
	[tilespmem:$0x1C000] =	vst v63  }
0x1dc: {  	_ =	swait.ge [sflag:s12], $0x2800  }
0x1dd: {  	[sflag:s12] =	ssyncset.done $0x0  }
0x1de: {  	[sflag:s12] =	ssyncadd.s32 $0xFFFFD800  }
0x1df: {  	[spmem:s1] =	stream.indirect.scatter.add.f32 [tilespmem:s10], [sflag:$0x3], $0x80, s19, s9, $0xb8;
	[tilespmem:$0x1C000] =	vst v63  }
0x1e0: {  	_ =	swait.ge [sflag:s7], $0x2800  }
0x1e1: {  	[sflag:s7] =	ssyncset.done $0x0  }
0x1e2: {  	[sflag:s7] =	ssyncadd.s32 $0xFFFFD800  }
0x1e3: {  	[tilespmem:s10], [sflag:$0x1] =	stream.indirect.gather [hbm4b:s14+s9], $0x80, s20, s9, $0xb8;
	[tilespmem:$0x1C000] =	vst v63  }
0x1e4: {  	_ =	swait.ge [sflag:s13], $0x2800  }
0x1e5: {  	[sflag:s13] =	ssyncset.done $0x0  }
0x1e6: {  	[sflag:s13] =	ssyncadd.s32 $0xFFFFD800  }
0x1e7: {  	[spmem:s1] =	stream.indirect.scatter.add.f32 [tilespmem:s11], [sflag:$0x3], $0x80, s21, s9, $0xb8;
	[tilespmem:$0x1C000] =	vst v63  }
0x1e8: {  	_ =	swait.ge [sflag:s7], $0x2800  }
0x1e9: {  	[sflag:s7] =	ssyncset.done $0x0  }
0x1ea: {  	[sflag:s7] =	ssyncadd.s32 $0xFFFFD800  }
0x1eb: {  	[tilespmem:s11], [sflag:$0x2] =	stream.indirect.gather [hbm4b:s14+s9], $0x80, s22, s9, $0xb8;
	[tilespmem:$0x1C000] =	vst v63  }
0x1ec: {  	_ =	swait.ge [sflag:s12], $0x2800  }
0x1ed: {  	[sflag:s12] =	ssyncset.done $0x0  }
0x1ee: {  	[sflag:s12] =	ssyncadd.s32 $0xFFFFD800  }
0x1ef: {  	[spmem:s1] =	stream.indirect.scatter.add.f32 [tilespmem:s10], [sflag:$0x3], $0x80, s23, s9, $0xb8;
	[tilespmem:$0x1C000] =	vst v63  }
0x1f0: {  	_ =	swait.ge [sflag:s7], $0x2800  }
0x1f1: {  	[sflag:s7] =	ssyncset.done $0x0  }
0x1f2: {  	[sflag:s7] =	ssyncadd.s32 $0xFFFFD800  }
0x1f3: {  	[tilespmem:s10], [sflag:$0x1] =	stream.indirect.gather [hbm4b:s14+s9], $0x80, s24, s9, $0xb8;
	[tilespmem:$0x1C000] =	vst v63  }
0x1f4: {  	_ =	swait.ge [sflag:s13], $0x2800  }
0x1f5: {  	[sflag:s13] =	ssyncset.done $0x0  }
0x1f6: {  	[sflag:s13] =	ssyncadd.s32 $0xFFFFD800  }
0x1f7: {  	[spmem:s1] =	stream.indirect.scatter.add.f32 [tilespmem:s11], [sflag:$0x3], $0x80, s25, s9, $0xb8;
	[tilespmem:$0x1C000] =	vst v63  }
0x1f8: {  	_ =	swait.ge [sflag:s7], $0x2800  }
0x1f9: {  	[sflag:s7] =	ssyncset.done $0x0  }
0x1fa: {  	[sflag:s7] =	ssyncadd.s32 $0xFFFFD800  }
0x1fb: {  	[tilespmem:s11], [sflag:$0x2] =	stream.indirect.gather [hbm4b:s14+s9], $0x80, s26, s9, $0xb8;
	[tilespmem:$0x1C000] =	vst v63  }
0x1fc: {  	_ =	swait.ge [sflag:s12], $0x2800  }
0x1fd: {  	[sflag:s12] =	ssyncset.done $0x0  }
0x1fe: {  	[sflag:s12] =	ssyncadd.s32 $0xFFFFD800  }
0x1ff: {  	[spmem:s1] =	stream.indirect.scatter.add.f32 [tilespmem:s10], [sflag:$0x3], $0x80, s28, s9, $0xb8;
	[tilespmem:$0x1C000] =	vst v63  }
0x200: {  	_ =	swait.ge [sflag:s7], $0x2800  }
0x201: {  	[sflag:s7] =	ssyncset.done $0x0  }
0x202: {  	[sflag:s7] =	ssyncadd.s32 $0xFFFFD800  }
0x203: {  	[tilespmem:s10], [sflag:$0x1] =	stream.indirect.gather [hbm4b:s14+s9], $0x80, s29, s9, $0xb8;
	[tilespmem:$0x1C000] =	vst v63  }
0x204: {  	_ =	swait.ge [sflag:s13], $0x2800  }
0x205: {  	[sflag:s13] =	ssyncset.done $0x0  }
0x206: {  	[sflag:s13] =	ssyncadd.s32 $0xFFFFD800  }
0x207: {  	[spmem:s1] =	stream.indirect.scatter.add.f32 [tilespmem:s11], [sflag:$0x3], $0x80, s30, s9, $0xb8;
	[tilespmem:$0x1C000] =	vst v63  }
0x208: {  	_ =	swait.ge [sflag:s7], $0x2800  }
0x209: {  	[sflag:s7] =	ssyncset.done $0x0  }
0x20a: {  	[sflag:s7] =	ssyncadd.s32 $0xFFFFD800  }
0x20b: {  	[tilespmem:s11], [sflag:$0x2] =	stream.indirect.gather [hbm4b:s14+s9], $0x80, s31, s9, $0xb8;
	[tilespmem:$0x1C000] =	vst v63  }
0x20c: {  	_ =	swait.ge [sflag:s12], $0x2800  }
0x20d: {  	[sflag:s12] =	ssyncset.done $0x0  }
0x20e: {  	[sflag:s12] =	ssyncadd.s32 $0xFFFFD800  }
0x20f: {  	[spmem:s1] =	stream.indirect.scatter.add.f32 [tilespmem:s10], [sflag:$0x3], $0x80, s0, s9, $0xb8;
	[tilespmem:$0x1C000] =	vst v63  }
0x210: {  	_ =	swait.ge [sflag:s7], $0x2800  }
0x211: {  	[sflag:s7] =	ssyncset.done $0x0  }
0x212: {  	[sflag:s7] =	ssyncadd.s32 $0xFFFFD800  }
0x213: {  	_ =	swait.ge [sflag:s13], $0x2800  }
0x214: {  	[sflag:s13] =	ssyncset.done $0x0  }
0x215: {  	[sflag:s13] =	ssyncadd.s32 $0xFFFFD800  }
0x216: {  	[spmem:s1] =	stream.indirect.scatter.add.f32 [tilespmem:s11], [sflag:$0x3], $0x80, s2, s9, $0xb8;
	[tilespmem:$0x1C000] =	vst v63  }
0x217: {  	_ =	swait.ge [sflag:s7], $0x2800  }
0x218: {  	[sflag:s7] =	ssyncset.done $0x0  }
0x219: {  	[sflag:s7] =	ssyncadd.s32 $0xFFFFD800  }
0x21a: {  	[bflag:$0x0] =	sbarrier.arrive $0xFFFF  }
0x21b: {  	s6 =	simm.s32 $0x6000;
	s5 =	rddreg [dreg:$0x1d]  }
0x21c: {  	[tilespmem:s6], [sflag:$0x3] =	stream.linear.gather [spmem:s5], $0x2000, $0x38;
	[tilespmem:$0x1C000] =	vst v63  }
0x21d: {  	_ =	swait.ge [sflag:s7], $0x2000  }
0x21e: {  	[sflag:s7] =	ssyncset.done $0x0  }
0x21f: {  	s15 =	rddreg [dreg:$0x13];
	[sflag:s7] =	ssyncadd.s32 $0xFFFFE000  }
0x220: {  	[hbm4b:s15+s3] =	stream.linear.scatter [tilespmem:s6], [sflag:$0x3], $0x2000, $0x38;
	[tilespmem:$0x1C000] =	vst v63  }
0x221: {  	_ =	swait.ge [sflag:s7], $0x2000  }
0x222: {  	[sflag:s7] =	ssyncset.done $0x0  }
0x223: {  	s5 =	rddreg [dreg:$0x1f];
	[sflag:s7] =	ssyncadd.s32 $0xFFFFE000  }
0x224: {  	[tilespmem:s6], [sflag:$0x3] =	stream.linear.gather [spmem:s5], $0x2000, $0x38;
	[tilespmem:$0x1C000] =	vst v63  }
0x225: {  	_ =	swait.ge [sflag:s7], $0x2000  }
0x226: {  	[sflag:s7] =	ssyncset.done $0x0  }
0x227: {  	s15 =	rddreg [dreg:$0x14];
	[sflag:s7] =	ssyncadd.s32 $0xFFFFE000  }
0x228: {  	[hbm4b:s15+s3] =	stream.linear.scatter [tilespmem:s6], [sflag:$0x3], $0x2000, $0x38;
	[tilespmem:$0x1C000] =	vst v63  }
0x229: {  	_ =	swait.ge [sflag:s7], $0x2000  }
0x22a: {  	s5 =	sld [smem:$0x7ED]  }
0x22b: {  	[sflag:s7] =	ssyncset.done $0x0  }
0x22c: {  	[sflag:s7] =	ssyncadd.s32 $0xFFFFE000  }
0x22d: {  	[tilespmem:s6], [sflag:$0x3] =	stream.linear.gather [spmem:s5], $0x2000, $0x38;
	[tilespmem:$0x1C000] =	vst v63  }
0x22e: {  	_ =	swait.ge [sflag:s7], $0x2000  }
0x22f: {  	[sflag:s7] =	ssyncset.done $0x0  }
0x230: {  	s15 =	rddreg [dreg:$0x15];
	[sflag:s7] =	ssyncadd.s32 $0xFFFFE000  }
0x231: {  	[hbm4b:s15+s3] =	stream.linear.scatter [tilespmem:s6], [sflag:$0x3], $0x2000, $0x38;
	[tilespmem:$0x1C000] =	vst v63  }
0x232: {  	_ =	swait.ge [sflag:s7], $0x2000  }
0x233: {  	s5 =	sld [smem:$0x7EE]  }
0x234: {  	[sflag:s7] =	ssyncset.done $0x0  }
0x235: {  	[sflag:s7] =	ssyncadd.s32 $0xFFFFE000  }
0x236: {  	[tilespmem:s6], [sflag:$0x3] =	stream.linear.gather [spmem:s5], $0x2000, $0x38;
	[tilespmem:$0x1C000] =	vst v63  }
0x237: {  	_ =	swait.ge [sflag:s7], $0x2000  }
0x238: {  	[sflag:s7] =	ssyncset.done $0x0  }
0x239: {  	s15 =	rddreg [dreg:$0x16];
	[sflag:s7] =	ssyncadd.s32 $0xFFFFE000  }
0x23a: {  	[hbm4b:s15+s3] =	stream.linear.scatter [tilespmem:s6], [sflag:$0x3], $0x2000, $0x38;
	[tilespmem:$0x1C000] =	vst v63  }
0x23b: {  	_ =	swait.ge [sflag:s7], $0x2000  }
0x23c: {  	s5 =	sld [smem:$0x7EF]  }
0x23d: {  	[sflag:s7] =	ssyncset.done $0x0  }
0x23e: {  	[sflag:s7] =	ssyncadd.s32 $0xFFFFE000  }
0x23f: {  	[tilespmem:s6], [sflag:$0x3] =	stream.linear.gather [spmem:s5], $0x2000, $0x38;
	[tilespmem:$0x1C000] =	vst v63  }
0x240: {  	_ =	swait.ge [sflag:s7], $0x2000  }
0x241: {  	[sflag:s7] =	ssyncset.done $0x0  }
0x242: {  	s15 =	rddreg [dreg:$0x17];
	[sflag:s7] =	ssyncadd.s32 $0xFFFFE000  }
0x243: {  	[hbm4b:s15+s3] =	stream.linear.scatter [tilespmem:s6], [sflag:$0x3], $0x2000, $0x38;
	[tilespmem:$0x1C000] =	vst v63  }
0x244: {  	_ =	swait.ge [sflag:s7], $0x2000  }
0x245: {  	s5 =	sld [smem:$0x7F0]  }
0x246: {  	[sflag:s7] =	ssyncset.done $0x0  }
0x247: {  	[sflag:s7] =	ssyncadd.s32 $0xFFFFE000  }
0x248: {  	[tilespmem:s6], [sflag:$0x3] =	stream.linear.gather [spmem:s5], $0x2000, $0x38;
	[tilespmem:$0x1C000] =	vst v63  }
0x249: {  	_ =	swait.ge [sflag:s7], $0x2000  }
0x24a: {  	[sflag:s7] =	ssyncset.done $0x0  }
0x24b: {  	s15 =	rddreg [dreg:$0x18];
	[sflag:s7] =	ssyncadd.s32 $0xFFFFE000  }
0x24c: {  	[hbm4b:s15+s3] =	stream.linear.scatter [tilespmem:s6], [sflag:$0x3], $0x2000, $0x38;
	[tilespmem:$0x1C000] =	vst v63  }
0x24d: {  	_ =	swait.ge [sflag:s7], $0x2000  }
0x24e: {  	s5 =	sld [smem:$0x7F1]  }
0x24f: {  	[sflag:s7] =	ssyncset.done $0x0  }
0x250: {  	[sflag:s7] =	ssyncadd.s32 $0xFFFFE000  }
0x251: {  	[tilespmem:s6], [sflag:$0x3] =	stream.linear.gather [spmem:s5], $0x2000, $0x38;
	[tilespmem:$0x1C000] =	vst v63  }
0x252: {  	_ =	swait.ge [sflag:s7], $0x2000  }
0x253: {  	[sflag:s7] =	ssyncset.done $0x0  }
0x254: {  	s15 =	rddreg [dreg:$0x19];
	[sflag:s7] =	ssyncadd.s32 $0xFFFFE000  }
0x255: {  	[hbm4b:s15+s3] =	stream.linear.scatter [tilespmem:s6], [sflag:$0x3], $0x2000, $0x38;
	[tilespmem:$0x1C000] =	vst v63  }
0x256: {  	_ =	swait.ge [sflag:s7], $0x2000  }
0x257: {  	s5 =	sld [smem:$0x7F2]  }
0x258: {  	[sflag:s7] =	ssyncset.done $0x0  }
0x259: {  	[sflag:s7] =	ssyncadd.s32 $0xFFFFE000  }
0x25a: {  	[tilespmem:s6], [sflag:$0x3] =	stream.linear.gather [spmem:s5], $0x2000, $0x38;
	[tilespmem:$0x1C000] =	vst v63  }
0x25b: {  	_ =	swait.ge [sflag:s7], $0x2000  }
0x25c: {  	[sflag:s7] =	ssyncset.done $0x0  }
0x25d: {  	s15 =	rddreg [dreg:$0x1a];
	[sflag:s7] =	ssyncadd.s32 $0xFFFFE000  }
0x25e: {  	[hbm4b:s15+s3] =	stream.linear.scatter [tilespmem:s6], [sflag:$0x3], $0x2000, $0x38;
	[tilespmem:$0x1C000] =	vst v63  }
0x25f: {  	_ =	swait.ge [sflag:s7], $0x2000  }
0x260: {  	s5 =	sld [smem:$0x7F3]  }
0x261: {  	[sflag:s7] =	ssyncset.done $0x0  }
0x262: {  	[sflag:s7] =	ssyncadd.s32 $0xFFFFE000  }
0x263: {  	[tilespmem:s6], [sflag:$0x3] =	stream.linear.gather [spmem:s5], $0x2000, $0x38;
	[tilespmem:$0x1C000] =	vst v63  }
0x264: {  	_ =	swait.ge [sflag:s7], $0x2000  }
0x265: {  	[sflag:s7] =	ssyncset.done $0x0  }
0x266: {  	s15 =	rddreg [dreg:$0x1b];
	[sflag:s7] =	ssyncadd.s32 $0xFFFFE000  }
0x267: {  	[hbm4b:s15+s3] =	stream.linear.scatter [tilespmem:s6], [sflag:$0x3], $0x2000, $0x38;
	[tilespmem:$0x1C000] =	vst v63  }
0x268: {  	_ =	swait.ge [sflag:s7], $0x2000  }
0x269: {  	s5 =	sld [smem:$0x7F4]  }
0x26a: {  	[sflag:s7] =	ssyncset.done $0x0  }
0x26b: {  	[sflag:s7] =	ssyncadd.s32 $0xFFFFE000  }
0x26c: {  	[tilespmem:s6], [sflag:$0x3] =	stream.linear.gather [spmem:s5], $0x2000, $0x38;
	[tilespmem:$0x1C000] =	vst v63  }
0x26d: {  	_ =	swait.ge [sflag:s7], $0x2000  }
0x26e: {  	[sflag:s7] =	ssyncset.done $0x0  }
0x26f: {  	s15 =	rddreg [dreg:$0x1c];
	[sflag:s7] =	ssyncadd.s32 $0xFFFFE000  }
0x270: {  	[hbm4b:s15+s3] =	stream.linear.scatter [tilespmem:s6], [sflag:$0x3], $0x2000, $0x38;
	[tilespmem:$0x1C000] =	vst v63  }
0x271: {  	_ =	swait.ge [sflag:s7], $0x2000  }
0x272: {  	s4 =	sld [smem:$0x7EC];
	_ =	sdelay $0x2  }
0x273: {  	s15 =	rddreg [dreg:$0x1e];
	s5 =	sadd.s32 $0x1, s4  }
0x274: {  	p0 =	sne.s32 s5, s15  }
.Ltmp2:
0x275: {  	_ = 	snop;
	(pc) =	sbr.rel @p0 .LBB2_1-.Ltmp2, $3  }
0x276: {  	_ =	sdelay $0x1  }
0x277: {  	[sflag:s7] =	ssyncset.done $0x0  }
0x278: {  	[sflag:s7] =	ssyncadd.s32 $0xFFFFE000  }
0x279: {  	_ =	sfence.sel $0x180000  }
0x27a: {  	[bflag:$0x0] =	sbarrier.arrive $0xFFFF  }
0x27b: {  	_ =	strace $0x9000004D  }
0x27c: {  	s0 =	stileid.u32;
	[bflag:$0x2] =	sbarrier.arrive $0xFFFF  }
0x27d: {  	p0 =	sne.s32 s0, $0x0;
	s0 =	rddreg [dreg:$0x3]  }
0x27e: {  	s0 =	sadd.s32 @!p0 $0x100000, s0  }
0x27f: {  	[sflag:s0] =	ssyncadd.tile.s32 @!p0 $0x1;
	_ =	shalt  }
.Lfunc_end2:
_tile_overlayer_lowered:
.L_overlay_start_2:
0x280: {  	(tag) =	ssettag $0x2  }
0x281: {  	s0 =	rddreg [dreg:$0x0];
	s2 =	stileid.u32  }
0x282: {  	s1 =	rddreg [dreg:$0x1];
	p0 =	sne.s32 s2, $0x0  }
0x283: {  	s3 =	rddreg [dreg:$0x2];
	[bflag:$0x3] =	sbarrier.arrive $0xFFFF;
	s2 =	simm.s32 @!p0 $0x1C03  }
0x284: {  	[timem:s3], [sflag:s2] =	dma.local @!p0 [hbm:s0], s1  }
0x285: {  	s0 =	simm.s32 @!p0 $0x3  }
0x286: {  	_ =	swait.ge @!p0 [sflag:s0], s1  }
0x287: {  	s1 =	ssub.s32 @!p0 $0x0, s1;
	[sflag:s0] =	ssyncset.done @!p0 $0x0  }
0x288: {  	[sflag:s0] =	ssyncadd.s32 @!p0 s1  }
0x289: {  	[bflag:$0x3] =	sbarrier.arrive $0xFFFF  }
0x28a: {  	_ =	shalt  }

// kernel: kernel.18.cloned.1.call-start
scs
__scs_entry_jumppad:
0x0: {  	(pc) =	sbr.rel $0x88, $3  }
0x1: {  	(tag) =	ssettag $0x0;
	lr =	simm.s32 $0x1  }
0x2: {  	[smem:$0x3F96] =	sst lr;
	_ =	strace $0xD0000000  }
0x3: {  	_ = 	snop  }
0x4: {  	_ = 	snop  }
0x5: {  	_ = 	snop  }
0x6: {  	_ = 	snop  }
0x7: {  	_ = 	snop  }
__scs_overlays_trampoline_lowered:
0x8: {  	[smem:$0x3FA5] =	sst s0  }
0x9: {  	[smem:$0x3FA6] =	sst s1  }
0xa: {  	[smem:$0x3FA7] =	sst s2  }
0xb: {  	[smem:$0x3FA8] =	sst s3  }
0xc: {  	[smem:$0x3FA9] =	sst s4  }
0xd: {  	[smem:$0x3FAA] =	sst s5  }
0xe: {  	[smem:$0x3FAB] =	sst s6  }
0xf: {  	[smem:$0x3FAC] =	sst s7  }
0x10: {  	[smem:$0x3FAD] =	sst s8  }
0x11: {  	[smem:$0x3FAE] =	sst s9;
	s0 =	simm.s32 @!p0 $0x0  }
0x12: {  	s1 =	sld [smem:$0x3F94];
	s0 =	simm.s32 @p0 $0x1  }
0x13: {  	[smem:$0x3FAF] =	sst s0;
	s0 =	simm.s32 @!p1 $0x0  }
0x14: {  	s2 =	sld [smem:$0x3F93];
	s0 =	simm.s32 @p1 $0x1  }
0x15: {  	[smem:$0x3FB0] =	sst s0;
	s0 =	simm.s32 @!p2 $0x0  }
0x16: {  	s3 =	sld [smem:$0x3FDB];
	s0 =	simm.s32 @p2 $0x1  }
0x17: {  	s4 =	simm.s32 $0x1BF5;
	[smem:$0x3FB2] =	sst s0  }
0x18: {  	s0 =	sld [smem:$0x3F95];
	_ =	swait.ge [sflag:s4], $0x0  }
0x19: {  	s7 =	sld [smem:$0x3F96]  }
0x1a: {  	s8 =	sadd.s32 $0xFFFFE003, lr  }
0x1b: {  	s9 =	sadd.s32 $0xFFFFFEF7, lr;
	s5 =	simm.s32 $0xFFFFFFFF;
	p2 =	slt.u32 s8, $0xFFFFF086  }
0x1c: {  	p1 =	slt.u32 s9, $0xF7A;
	s5 =	simm.s32 @!p2 $0x0  }
0x1d: {  	s5 =	simm.s32 @p1 $0x1;
	p0 =	seq.s32 s7, s2  }
0x1e: {  	s7 =	smul.u32 @!p0 $0xF7A, s2;
	p2 =	seq.s32 @!p0 s5, $0x0  }
0x1f: {  	s9 =	smul.u32 $0xF7A, s1;
	s8 =	simm.s32 @!p0 $0x1BF5;
	p2 =	por !p2, p0  }
0x20: {  	[sflag:s8] =	ssyncset.s32 @!p0 $0xFFFFF086;
	s6 =	sadd.s32 @!p0 s3, s7;
	s7 =	simm.s32 @!p0 $0x108  }
0x21: {  	s3 =	sadd.s32 s3, s9;
	s6 =	sadd.s32 @!p0 $0x88, s6;
	s7 =	simm.s32 @p2 $0x1082  }
0x22: {  	[simem:s7], [sflag:s8] =	dma.local @!p0 [hbm:s6], $0xF7A  }
0x23: {  	s9 =	sor.u32 $0xD0000000, s2;
	s6 =	simm.s32 $0x108;
	_ =	swait.ge @!p0 [sflag:s8], $0x0  }
0x24: {  	s3 =	sadd.s32 $0x88, s3;
	s6 =	simm.s32 @!p1 $0x1082;
	[sflag:s4] =	ssyncset.s32 $0xFFFFF086  }
0x25: {  	[simem:s6], [sflag:s4] =	dma.local [hbm:s3], $0xF7A  }
0x26: {  	[smem:$0x3F96] =	sst s1;
	(tag) =	ssettag s2;
	_ =	strace s9  }
0x27: {  	s1 =	sld [smem:$0x3FA6]  }
0x28: {  	s2 =	sld [smem:$0x3FA7]  }
0x29: {  	s4 =	sld [smem:$0x3FA9]  }
0x2a: {  	p0 =	seq.s32 s5, $0x0;
	s5 =	sld [smem:$0x3FAA]  }
0x2b: {  	s6 =	sld [smem:$0x3FAB]  }
0x2c: {  	s7 =	sld [smem:$0x3FAC]  }
0x2d: {  	s3 =	simm.s32 $0x108;
	s8 =	sld [smem:$0x3FAD]  }
0x2e: {  	s3 =	simm.s32 @!p0 $0x1082;
	s9 =	sld [smem:$0x3FAE]  }
0x2f: {  	lr =	sadd.s32 s0, s3;
	s0 =	sld [smem:$0x3FA5]  }
0x30: {  	s3 =	sld [smem:$0x3FA8]  }
0x31: {  	[smem:$0x3FB1] =	sst s10  }
0x32: {  	s10 =	sld [smem:$0x3FAF];
	_ =	sdelay $0x3  }
0x33: {  	p0 =	seq.s32 s10, $0x1;
	s10 =	sld [smem:$0x3FB1];
	_ =	sdelay $0x3  }
0x34: {  	[smem:$0x3FB1] =	sst s10  }
0x35: {  	s10 =	sld [smem:$0x3FB0];
	_ =	sdelay $0x3  }
0x36: {  	p1 =	seq.s32 s10, $0x1;
	s10 =	sld [smem:$0x3FB1];
	_ =	sdelay $0x3  }
0x37: {  	[smem:$0x3FB1] =	sst s10  }
0x38: {  	s10 =	sld [smem:$0x3FB2]  }
0x39: {  	_ = 	snop;
	(pc) =	sbr.ind lr, $3  }
0x3a: {  	_ = 	snop  }
0x3b: {  	_ = 	snop  }
0x3c: {  	p2 =	seq.s32 s10, $0x1;
	s10 =	sld [smem:$0x3FB1]  }
0x3d: {  	_ =	shalt  }
0x3e: {  	_ =	shalt  }
0x3f: {  	_ =	shalt  }
0x40: {  	_ =	shalt  }
0x41: {  	_ =	shalt  }
0x42: {  	_ =	shalt  }
0x43: {  	_ =	shalt  }
0x44: {  	_ =	shalt  }
0x45: {  	_ =	shalt  }
0x46: {  	_ =	shalt  }
0x47: {  	_ =	shalt  }
0x48: {  	_ =	shalt  }
0x49: {  	_ =	shalt  }
0x4a: {  	_ =	shalt  }
0x4b: {  	_ =	shalt  }
0x4c: {  	_ =	shalt  }
0x4d: {  	_ =	shalt  }
0x4e: {  	_ =	shalt  }
0x4f: {  	_ =	shalt  }
0x50: {  	_ =	shalt  }
0x51: {  	_ =	shalt  }
0x52: {  	_ =	shalt  }
0x53: {  	_ =	shalt  }
0x54: {  	_ =	shalt  }
0x55: {  	_ =	shalt  }
0x56: {  	_ =	shalt  }
0x57: {  	_ =	shalt  }
0x58: {  	_ =	shalt  }
0x59: {  	_ =	shalt  }
0x5a: {  	_ =	shalt  }
0x5b: {  	_ =	shalt  }
0x5c: {  	_ =	shalt  }
0x5d: {  	_ =	shalt  }
0x5e: {  	_ =	shalt  }
0x5f: {  	_ =	shalt  }
0x60: {  	_ =	shalt  }
0x61: {  	_ =	shalt  }
0x62: {  	_ =	shalt  }
0x63: {  	_ =	shalt  }
0x64: {  	_ =	shalt  }
0x65: {  	_ =	shalt  }
0x66: {  	_ =	shalt  }
0x67: {  	_ =	shalt  }
0x68: {  	_ =	shalt  }
0x69: {  	_ =	shalt  }
0x6a: {  	_ =	shalt  }
0x6b: {  	_ =	shalt  }
0x6c: {  	_ =	shalt  }
0x6d: {  	_ =	shalt  }
0x6e: {  	_ =	shalt  }
0x6f: {  	_ =	shalt  }
0x70: {  	_ =	shalt  }
0x71: {  	_ =	shalt  }
0x72: {  	_ =	shalt  }
0x73: {  	_ =	shalt  }
0x74: {  	_ =	shalt  }
0x75: {  	_ =	shalt  }
0x76: {  	_ =	shalt  }
0x77: {  	_ =	shalt  }
0x78: {  	_ =	shalt  }
0x79: {  	_ =	shalt  }
0x7a: {  	_ =	shalt  }
0x7b: {  	_ =	shalt  }
0x7c: {  	_ =	shalt  }
0x7d: {  	_ =	shalt  }
0x7e: {  	_ =	shalt  }
0x7f: {  	_ =	shalt  }
0x80: {  	_ =	shalt  }
0x81: {  	_ =	shalt  }
0x82: {  	_ =	shalt  }
0x83: {  	_ =	shalt  }
0x84: {  	_ =	shalt  }
0x85: {  	_ =	shalt  }
0x86: {  	_ =	shalt  }
0x87: {  	_ =	shalt  }
.Lfunc_end0:
.L_simem_size_0:
called_computation.3_lowered:
.L_overlay_start_0:
0x88: {  	s2 =	sld [smem:$0x3FD9]  }
0x89: {  	s3 =	sld [smem:$0x3FFE];
	_ =	sdelay $0x1  }
0x8a: {  	s1 =	srdreg.scid  }
0x8b: {  	s0 =	sand.u32 $0x1, s1  }
0x8c: {  	s17 =	sshll.u32 s0, $0xA;
	s2 =	sadd.s32 s3, s2  }
0x8d: {  	s2 =	sadd.s32 s2, s17  }
0x8e: {  	[smem:$0x3FBD] =	sst s2  }
0x8f: {  	_ = 	snop  }
0x90: {  	s2 =	sld [smem:$0x3FD0];
	(tm) =	ssettm $0x1  }
0x91: {  	s18 =	sld [smem:$0x3FFB];
	_ =	sdelay $0x3  }
0x92: {  	_ =	strace s18  }
0x93: {  	s3 =	sld [smem:$0x3FFC];
	_ =	sdelay $0x3  }
0x94: {  	_ =	strace s3  }
0x95: {  	s3 =	sld [smem:$0x3FFD];
	_ =	sdelay $0x3  }
0x96: {  	_ =	strace s3  }
0x97: {  	_ =	strace $0x8FFFFFFF  }
0x98: {  	s19 =	sld [smem:$0x3FDB];
	_ =	sdelay $0x1  }
0x99: {  	s4 =	simm.s32 $_scs_section_size  }
0x9a: {  	s5 =	simm.s32 $_size__tile_overlayer_lowered;
	s6 =	simm.s32 $_tile_overlayer_lowered  }
0x9b: {  	s22 =	simm.s32 $0x1BFF;
	s21 =	sshll.u32 s6, $0x1;
	s3 =	sadd.s32 s4, s19  }
0x9c: {  	s7 =	simm.s32 $0x0;
	s20 =	sshll.u32 s5, $0x1;
	s5 =	sadd.s32 s21, s3  }
0x9d: {  	[timem:s7], [sflag:s22] =	dma.local [hbm:s5], s20  }
0x9e: {  	_ =	swait.ge [sflag:s22], s20  }
0x9f: {  	s4 =	ssub.s32 $0x0, s20;
	[sflag:s22] =	ssyncset.done $0x0  }
0xa0: {  	[sflag:s22] =	ssyncadd.s32 s4;
	_ =	sdelay $0x1  }
0xa1: {  	s23 =	simm.s32 $0x1B8B  }
0xa2: {  	_ =	swait.ge [sflag:s23], $0x1  }
0xa3: {  	[sflag:s23] =	ssyncset.done $0x0  }
0xa4: {  	s25 =	simm.s32 $0x1B8E;
	s24 =	sld [smem:$0x3FFE];
	[sflag:s23] =	ssyncadd.s32 $0xFFFFFFFF  }
0xa5: {  	s26 =	simm.s32 $execute0_lowered;
	[smem:$0x3FD2] =	sst s25  }
0xa6: {  	s5 =	sshll.u32 s26, $0x1;
	_ =	strace $0x8000004F;
	[dreg:$0x1] =	wrdreg $0xFFFFFFFF  }
0xa7: {  	s28 =	simm.s32 $_size_execute0_lowered;
	s3 =	sadd.s32 s3, s5;
	[dreg:$0x0] =	wrdreg $0x0  }
0xa8: {  	s5 =	sshll.u32 s28, $0x1;
	[dreg:$0x2] =	wrdreg s3  }
0xa9: {  	[dreg:$0x3] =	wrdreg s5  }
0xaa: {  	[dreg:$0x4] =	wrdreg $0xC0  }
0xab: {  	_ =	task [dreg:s7], $0x5FFFF  }
0xac: {  	[dreg:$0x1] =	wrdreg $0xFFFFFFFF  }
0xad: {  	[dreg:$0x0] =	wrdreg $0x60  }
0xae: {  	[dreg:$0x2] =	wrdreg s24  }
0xaf: {  	[dreg:$0x3] =	wrdreg s2  }
0xb0: {  	[dreg:$0x4] =	wrdreg $0x80000  }
0xb1: {  	[dreg:$0x5] =	wrdreg $0x9  }
0xb2: {  	_ =	task.clear_ibuf [dreg:s7], $0x6FFFF;
	_ =	strace $0x9000004F  }
0xb3: {  	s29 =	simm.s32 $0x9;
	_ =	strace $0x80000051  }
0xb4: {  	_ =	swait.ge [sflag:s29], $0x1  }
0xb5: {  	[sflag:s29] =	ssyncadd.s32 $0xFFFFFFFF  }
0xb6: {  	_ =	strace $0x90000051  }
0xb7: {  	_ =	sfence  }
0xb8: {  	s30 =	sld [smem:$0x0];
	_ =	sdelay $0x2  }
0xb9: {  	s31 =	sshll.u32 s1, $0xD;
	s1 =	sshrl.u32 s1, $0x2  }
0xba: {  	s3 =	sand.u32 $0x4000, s31;
	s1 =	sadd.s32 s1, s30  }
0xbb: {  	s0 =	sor.u32 s3, s0;
	s1 =	sshll.u32 s1, $0x11  }
0xbc: {  	s0 =	sor.u32 s1, s0  }
0xbd: {  	s0 =	sadd.s32 $0x8F2B, s0  }
0xbe: {  	[sflag:s0] =	ssyncadd.remote.s32 $0x1  }
0xbf: {  	_ =	sfence.sel $0xFFFF  }
0xc0: {  	[dreg:$0x0] =	wrdreg $0xFFFFFFFF;
	(pc) =	sbr.abs _section_cstart, $3  }
0xc1: {  	[dreg:$0x1] =	wrdreg $0xFFFFFFFF  }
0xc2: {  	_ =	task.clear_ibuf [dreg:s7], $0x2FFFF;
	_ =	strace $0x9FFFFFFF  }
0xc3: {  	(tm) =	ssettm $0x7FFFFFFF  }
tec
execute0_lowered:
.L_overlay_start_1:
0x0: {  	(tag) =	ssettag $0x1  }
0x1: {  	s0 =	rddreg [dreg:$0x0]  }
0x2: {  	s2 =	rddreg [dreg:$0x1]  }
0x3: {  	s1 =	rddreg [dreg:$0x2];
	s3 =	simm.s32 $0x0  }
0x4: {  	s4 =	srdreg.scid;
	s17 =	stileid.u32;
	s19 =	simm.s32 $0x80  }
0x5: {  	s21 =	simm.s32 $0x100;
	s22 =	simm.s32 $0x880;
	s23 =	simm.s32 $0x180  }
0x6: {  	s24 =	simm.s32 $0x900;
	s26 =	simm.s32 $0x200;
	[smem:$0x7FF] =	sst s3  }
0x7: {  	s28 =	simm.s32 $0xE00;
	_ =	strace $0x80000050;
	[dreg:$0x6] =	wrdreg s19  }
0x8: {  	s29 =	simm.s32 $0x700;
	s30 =	simm.s32 $0xE80;
	[dreg:$0x7] =	wrdreg s21  }
0x9: {  	s31 =	simm.s32 $0x780;
	s4 =	sand.u32 $0x1, s4;
	[dreg:$0x8] =	wrdreg s22  }
0xa: {  	s10 =	smul.u32 $0x14000, s17;
	s12 =	sshll.u32 s17, $0xB;
	[dreg:$0x9] =	wrdreg s23  }
0xb: {  	s5 =	ssub.s32 $0x2, s4;
	s7 =	smul.u32 $0x140000, s4;
	[dreg:$0xa] =	wrdreg s24  }
0xc: {  	s4 =	sshll.u32 s4, $0xF;
	[dreg:$0xb] =	wrdreg s26;
	s19 =	simm.s32 $0x300  }
0xd: {  	s22 =	smul.u32 $0x50000, s17;
	s23 =	simm.s32 $0xA80;
	[dreg:$0xf] =	wrdreg s19  }
0xe: {  	s24 =	simm.s32 $0x380;
	s26 =	simm.s32 $0xB00;
	[dreg:$0x10] =	wrdreg s23  }
0xf: {  	s6 =	sshrl.u32 s5, $0x1;
	s11 =	sadd.s32 s4, s0;
	[dreg:$0x11] =	wrdreg s24  }
0x10: {  	[dreg:$0x12] =	wrdreg s26;
	s4 =	ssub.s32 s5, s6;
	s11 =	sadd.s32 s12, s11  }
0x11: {  	s9 =	sadd.s32 s7, s10;
	s5 =	sor.u32 $0x2000, s10;
	s18 =	sadd.s32 $0x3000, s11  }
0x12: {  	s6 =	sadd.s32 $0x4000, s10;
	s11 =	sadd.s32 $0x13000, s11;
	[dreg:$0x4] =	wrdreg s18  }
0x13: {  	s8 =	sshrl.u32 s9, $0x3;
	s4 =	smax.u32 s4, $0x1;
	[dreg:$0x5] =	wrdreg s11  }
0x14: {  	s9 =	sadd.s32 s7, s5;
	s5 =	sadd.s32 s5, s1;
	[dreg:$0x1e] =	wrdreg s4  }
0x15: {  	s14 =	sadd.s32 s7, s6;
	s8 =	sadd.s32 s2, s8;
	[dreg:$0x1f] =	wrdreg s5  }
0x16: {  	s13 =	sshrl.u32 s9, $0x3;
	s18 =	simm.s32 $0xA00;
	[dreg:$0x13] =	wrdreg s8  }
0x17: {  	s9 =	sshrl.u32 s14, $0x3;
	s8 =	sadd.s32 s2, s13;
	[dreg:$0xe] =	wrdreg s18  }
0x18: {  	s9 =	sadd.s32 s2, s9;
	[dreg:$0x14] =	wrdreg s8;
	s8 =	sadd.s32 $0x6000, s10  }
0x19: {  	[dreg:$0x15] =	wrdreg s9;
	s9 =	sadd.s32 $0x8000, s10;
	s13 =	sadd.s32 s7, s8  }
0x1a: {  	s14 =	sadd.s32 s7, s9;
	s8 =	sadd.s32 s8, s1;
	s13 =	sshrl.u32 s13, $0x3  }
0x1b: {  	s16 =	sshrl.u32 s14, $0x3;
	[smem:$0x7EE] =	sst s8;
	s15 =	sadd.s32 s2, s13  }
0x1c: {  	s5 =	simm.s32 $0x0;
	s12 =	sadd.s32 s2, s16;
	[dreg:$0x16] =	wrdreg s15  }
0x1d: {  	s16 =	simm.s32 $0x280;
	[dreg:$0x17] =	wrdreg s12;
	s12 =	sadd.s32 $0xA000, s10  }
0x1e: {  	s15 =	simm.s32 $0x980;
	[dreg:$0xd] =	wrdreg s16;
	s16 =	sadd.s32 $0x10000, s10  }
0x1f: {  	s20 =	sadd.s32 s7, s12;
	[dreg:$0xc] =	wrdreg s15;
	s15 =	sadd.s32 $0xE000, s10  }
0x20: {  	s21 =	sadd.s32 s7, s16;
	s12 =	sadd.s32 s12, s1;
	s17 =	sadd.s32 s16, s1  }
0x21: {  	s13 =	sshrl.u32 s20, $0x3;
	s20 =	sadd.s32 s7, s15;
	[smem:$0x7F0] =	sst s12  }
0x22: {  	s11 =	sshrl.u32 s21, $0x3;
	s15 =	sadd.s32 s15, s1;
	[smem:$0x7F3] =	sst s17  }
0x23: {  	s13 =	sadd.s32 s2, s13;
	s11 =	sadd.s32 s2, s11;
	[smem:$0x7F2] =	sst s15  }
0x24: {  	[dreg:$0x18] =	wrdreg s13;
	s13 =	sadd.s32 $0xC000, s10;
	s10 =	sadd.s32 $0x12000, s10  }
0x25: {  	[dreg:$0x1b] =	wrdreg s11;
	s11 =	sadd.s32 s9, s1;
	s25 =	sadd.s32 s7, s13  }
0x26: {  	[smem:$0x7EF] =	sst s11;
	s13 =	sadd.s32 s13, s1;
	s14 =	sshrl.u32 s25, $0x3  }
0x27: {  	s7 =	sadd.s32 s7, s10;
	[smem:$0x7F1] =	sst s13;
	s14 =	sadd.s32 s2, s14  }
0x28: {  	s18 =	sadd.s32 s10, s1;
	[dreg:$0x19] =	wrdreg s14;
	s14 =	sshrl.u32 s20, $0x3  }
0x29: {  	s7 =	sshrl.u32 s7, $0x3;
	[smem:$0x7F4] =	sst s18;
	s14 =	sadd.s32 s2, s14  }
0x2a: {  	s8 =	simm.s32 $0x800;
	s2 =	sadd.s32 s2, s7;
	[dreg:$0x1a] =	wrdreg s14  }
0x2b: {  	s25 =	sshrl.u32 s22, $0x2;
	s7 =	sadd.s32 s6, s1;
	[dreg:$0x1c] =	wrdreg s2  }
0x2c: {  	s14 =	sadd.s32 $0x83200, s0;
	s0 =	sadd.s32 s25, s1;
	[smem:$0x7ED] =	sst s7  }
0x2d: {  	s16 =	simm.s32 $0x400;
	s19 =	sadd.s32 $0x2000, s0;
	[dreg:$0x1d] =	wrdreg s0  }
0x2e: {  	s12 =	simm.s32 $0x1;
	s20 =	sadd.s32 $0x4000, s0;
	[smem:$0x7F5] =	sst s19  }
0x2f: {  	s17 =	simm.s32 $0xB80;
	s21 =	sadd.s32 $0x6000, s0;
	[smem:$0x7F6] =	sst s20  }
0x30: {  	s9 =	simm.s32 $0x50;
	s22 =	sadd.s32 $0x8000, s0;
	[smem:$0x7F7] =	sst s21  }
0x31: {  	s10 =	simm.s32 $0x1000;
	s23 =	sadd.s32 $0xA000, s0;
	[smem:$0x7F8] =	sst s22  }
0x32: {  	s11 =	simm.s32 $0x3800;
	s24 =	sadd.s32 $0xC000, s0;
	[smem:$0x7F9] =	sst s23  }
0x33: {  	s13 =	simm.s32 $0x2;
	s25 =	sadd.s32 $0xE000, s0;
	[smem:$0x7FA] =	sst s24  }
0x34: {  	s18 =	simm.s32 $0x480;
	s26 =	sadd.s32 $0x10000, s0;
	[smem:$0x7FB] =	sst s25  }
0x35: {  	s6 =	simm.s32 $0x6000;
	s0 =	sadd.s32 $0x12000, s0;
	[smem:$0x7FC] =	sst s26  }
0x36: {  	s7 =	simm.s32 $0x3;
	s2 =	simm.s32 $0xF80;
	[smem:$0x7FD] =	sst s0  }
0x37: {  	s19 =	simm.s32 $0xC00;
	s20 =	simm.s32 $0x500;
	s21 =	simm.s32 $0xC80  }
0x38: {  	s22 =	simm.s32 $0x580;
	s23 =	simm.s32 $0xD00;
	s24 =	simm.s32 $0x600  }
0x39: {  	v0 =	vimm.f32 $0.0e+00;
	s25 =	simm.s32 $0xD80;
	s26 =	simm.s32 $0x680;
	s0 =	simm.s32 $0xF00  }
.LBB2_1:
0x3a: {  	[smem:$0x7EC] =	sst s5;
	s5 =	simm.s32 $0x0;
	s15 =	simm.s32 $0x200  }
.LBB2_2:
0x3b: {  	p0 =	sne.s32 s15, $0x7E00;
	[tilespmem:s5+$0x6070] =	vst v0  }
0x3c: {  	[tilespmem:s5+$0x6000] =	vst v0  }
0x3d: {  	[tilespmem:s5+$0x6010] =	vst v0  }
.Ltmp0:
0x3e: {  	[tilespmem:s5+$0x6020] =	vst v0;
	(pc) =	sbr.rel @p0 .LBB2_2-.Ltmp0, $4  }
0x3f: {  	[tilespmem:s5+$0x6030] =	vst v0  }
0x40: {  	[tilespmem:s5+$0x6040] =	vst v0  }
0x41: {  	[tilespmem:s5+$0x6050] =	vst v0  }
0x42: {  	[tilespmem:s5+$0x6060] =	vst v0;
	s5 =	sshra.s32 s15, $0x2;
	s15 =	sadd.s32 $0x200, s15  }
0x43: {  	[tilespmem:s5+$0x6070] =	vst v0  }
0x44: {  	[tilespmem:s5+$0x6000] =	vst v0  }
0x45: {  	[tilespmem:s5+$0x6010] =	vst v0  }
0x46: {  	[tilespmem:s5+$0x6020] =	vst v0  }
0x47: {  	[tilespmem:s5+$0x6030] =	vst v0  }
0x48: {  	[tilespmem:s5+$0x6040] =	vst v0  }
0x49: {  	[tilespmem:s5+$0x6050] =	vst v0  }
0x4a: {  	[tilespmem:s5+$0x6060] =	vst v0;
	s4 =	rddreg [dreg:$0x1d]  }
0x4b: {  	[spmem:s4] =	stream.linear.scatter [tilespmem:s6], [sflag:$0x3], $0x2000, $0x38;
	[tilespmem:$0x1C000] =	vst v63  }
0x4c: {  	_ =	swait.ge [sflag:s7], $0x2000  }
0x4d: {  	s15 =	sld [smem:$0x7F5]  }
0x4e: {  	[sflag:s7] =	ssyncset.done $0x0  }
0x4f: {  	[sflag:s7] =	ssyncadd.s32 $0xFFFFE000  }
0x50: {  	[spmem:s15] =	stream.linear.scatter [tilespmem:s6], [sflag:$0x3], $0x2000, $0x38;
	[tilespmem:$0x1C000] =	vst v63  }
0x51: {  	_ =	swait.ge [sflag:s7], $0x2000  }
0x52: {  	s5 =	sld [smem:$0x7F6]  }
0x53: {  	[sflag:s7] =	ssyncset.done $0x0  }
0x54: {  	[sflag:s7] =	ssyncadd.s32 $0xFFFFE000  }
0x55: {  	[spmem:s5] =	stream.linear.scatter [tilespmem:s6], [sflag:$0x3], $0x2000, $0x38;
	[tilespmem:$0x1C000] =	vst v63  }
0x56: {  	_ =	swait.ge [sflag:s7], $0x2000  }
0x57: {  	s15 =	sld [smem:$0x7F7]  }
0x58: {  	[sflag:s7] =	ssyncset.done $0x0  }
0x59: {  	[sflag:s7] =	ssyncadd.s32 $0xFFFFE000  }
0x5a: {  	[spmem:s15] =	stream.linear.scatter [tilespmem:s6], [sflag:$0x3], $0x2000, $0x38;
	[tilespmem:$0x1C000] =	vst v63  }
0x5b: {  	_ =	swait.ge [sflag:s7], $0x2000  }
0x5c: {  	s5 =	sld [smem:$0x7F8]  }
0x5d: {  	[sflag:s7] =	ssyncset.done $0x0  }
0x5e: {  	[sflag:s7] =	ssyncadd.s32 $0xFFFFE000  }
0x5f: {  	[spmem:s5] =	stream.linear.scatter [tilespmem:s6], [sflag:$0x3], $0x2000, $0x38;
	[tilespmem:$0x1C000] =	vst v63  }
0x60: {  	_ =	swait.ge [sflag:s7], $0x2000  }
0x61: {  	s15 =	sld [smem:$0x7F9]  }
0x62: {  	[sflag:s7] =	ssyncset.done $0x0  }
0x63: {  	[sflag:s7] =	ssyncadd.s32 $0xFFFFE000  }
0x64: {  	[spmem:s15] =	stream.linear.scatter [tilespmem:s6], [sflag:$0x3], $0x2000, $0x38;
	[tilespmem:$0x1C000] =	vst v63  }
0x65: {  	_ =	swait.ge [sflag:s7], $0x2000  }
0x66: {  	s5 =	sld [smem:$0x7FA]  }
0x67: {  	[sflag:s7] =	ssyncset.done $0x0  }
0x68: {  	[sflag:s7] =	ssyncadd.s32 $0xFFFFE000  }
0x69: {  	[spmem:s5] =	stream.linear.scatter [tilespmem:s6], [sflag:$0x3], $0x2000, $0x38;
	[tilespmem:$0x1C000] =	vst v63  }
0x6a: {  	_ =	swait.ge [sflag:s7], $0x2000  }
0x6b: {  	s15 =	sld [smem:$0x7FB]  }
0x6c: {  	[sflag:s7] =	ssyncset.done $0x0  }
0x6d: {  	[sflag:s7] =	ssyncadd.s32 $0xFFFFE000  }
0x6e: {  	[spmem:s15] =	stream.linear.scatter [tilespmem:s6], [sflag:$0x3], $0x2000, $0x38;
	[tilespmem:$0x1C000] =	vst v63  }
0x6f: {  	_ =	swait.ge [sflag:s7], $0x2000  }
0x70: {  	s5 =	sld [smem:$0x7FC]  }
0x71: {  	[sflag:s7] =	ssyncset.done $0x0  }
0x72: {  	[sflag:s7] =	ssyncadd.s32 $0xFFFFE000  }
0x73: {  	[spmem:s5] =	stream.linear.scatter [tilespmem:s6], [sflag:$0x3], $0x2000, $0x38;
	[tilespmem:$0x1C000] =	vst v63  }
0x74: {  	_ =	swait.ge [sflag:s7], $0x2000  }
0x75: {  	s15 =	sld [smem:$0x7FD]  }
0x76: {  	[sflag:s7] =	ssyncset.done $0x0  }
0x77: {  	[sflag:s7] =	ssyncadd.s32 $0xFFFFE000  }
0x78: {  	[spmem:s15] =	stream.linear.scatter [tilespmem:s6], [sflag:$0x3], $0x2000, $0x38;
	[tilespmem:$0x1C000] =	vst v63  }
0x79: {  	_ =	swait.ge [sflag:s7], $0x2000  }
0x7a: {  	[sflag:s7] =	ssyncset.done $0x0  }
0x7b: {  	[sflag:s7] =	ssyncadd.s32 $0xFFFFE000  }
0x7c: {  	[bflag:$0x0] =	sbarrier.arrive $0xFFFF  }
0x7d: {  	s5 =	rddreg [dreg:$0x5]  }
0x7e: {  	s4 =	sadd.s32 $0x0, s5  }
0x7f: {  	[tilespmem:s3], [sflag:$0x3] =	stream.linear.gather [hbm4b:s4+s3], $0x800, $0x38;
	[tilespmem:$0x1C000] =	vst v63  }
0x80: {  	_ =	swait.ge [sflag:s7], $0x800  }
0x81: {  	s6 =	rddreg [dreg:$0x4];
	[sflag:s7] =	ssyncset.done $0x0  }
0x82: {  	[sflag:s7] =	ssyncadd.s32 $0xFFFFF800;
	s4 =	sadd.s32 $0x0, s6  }
0x83: {  	[tilespmem:s8], [sflag:$0x3] =	stream.linear.gather [hbm4b:s4+s3], $0x800, $0x38;
	[tilespmem:$0x1C000] =	vst v63  }
0x84: {  	_ =	swait.ge [sflag:s7], $0x800  }
0x85: {  	[sflag:s7] =	ssyncset.done $0x0  }
0x86: {  	[sflag:s7] =	ssyncadd.s32 $0xFFFFF800  }
0x87: {  	[tilespmem:s10], [sflag:$0x1] =	stream.indirect.gather [hbm4b:s14+s9], $0x80, s3, s9, $0xb8;
	[tilespmem:$0x1C000] =	vst v63  }
0x88: {  	s15 =	rddreg [dreg:$0x6]  }
0x89: {  	[tilespmem:s11], [sflag:$0x2] =	stream.indirect.gather [hbm4b:s14+s9], $0x80, s15, s9, $0xb8;
	[tilespmem:$0x1C000] =	vst v63  }
0x8a: {  	_ =	swait.ge [sflag:s12], $0x2800  }
0x8b: {  	[sflag:s12] =	ssyncset.done $0x0  }
0x8c: {  	[sflag:s12] =	ssyncadd.s32 $0xFFFFD800  }
0x8d: {  	[spmem:s1] =	stream.indirect.scatter.add.f32 [tilespmem:s10], [sflag:$0x3], $0x80, s8, s9, $0xb8;
	[tilespmem:$0x1C000] =	vst v63  }
0x8e: {  	_ =	swait.ge [sflag:s7], $0x2800  }
0x8f: {  	[sflag:s7] =	ssyncset.done $0x0  }
0x90: {  	s5 =	rddreg [dreg:$0x7];
	[sflag:s7] =	ssyncadd.s32 $0xFFFFD800  }
0x91: {  	[tilespmem:s10], [sflag:$0x1] =	stream.indirect.gather [hbm4b:s14+s9], $0x80, s5, s9, $0xb8;
	[tilespmem:$0x1C000] =	vst v63  }
0x92: {  	_ =	swait.ge [sflag:s13], $0x2800  }
0x93: {  	[sflag:s13] =	ssyncset.done $0x0  }
0x94: {  	s6 =	rddreg [dreg:$0x8];
	[sflag:s13] =	ssyncadd.s32 $0xFFFFD800  }
0x95: {  	[spmem:s1] =	stream.indirect.scatter.add.f32 [tilespmem:s11], [sflag:$0x3], $0x80, s6, s9, $0xb8;
	[tilespmem:$0x1C000] =	vst v63  }
0x96: {  	_ =	swait.ge [sflag:s7], $0x2800  }
0x97: {  	[sflag:s7] =	ssyncset.done $0x0  }
0x98: {  	s15 =	rddreg [dreg:$0x9];
	[sflag:s7] =	ssyncadd.s32 $0xFFFFD800  }
0x99: {  	[tilespmem:s11], [sflag:$0x2] =	stream.indirect.gather [hbm4b:s14+s9], $0x80, s15, s9, $0xb8;
	[tilespmem:$0x1C000] =	vst v63  }
0x9a: {  	_ =	swait.ge [sflag:s12], $0x2800  }
0x9b: {  	[sflag:s12] =	ssyncset.done $0x0  }
0x9c: {  	s5 =	rddreg [dreg:$0xa];
	[sflag:s12] =	ssyncadd.s32 $0xFFFFD800  }
0x9d: {  	[spmem:s1] =	stream.indirect.scatter.add.f32 [tilespmem:s10], [sflag:$0x3], $0x80, s5, s9, $0xb8;
	[tilespmem:$0x1C000] =	vst v63  }
0x9e: {  	_ =	swait.ge [sflag:s7], $0x2800  }
0x9f: {  	[sflag:s7] =	ssyncset.done $0x0  }
0xa0: {  	s6 =	rddreg [dreg:$0xb];
	[sflag:s7] =	ssyncadd.s32 $0xFFFFD800  }
0xa1: {  	[tilespmem:s10], [sflag:$0x1] =	stream.indirect.gather [hbm4b:s14+s9], $0x80, s6, s9, $0xb8;
	[tilespmem:$0x1C000] =	vst v63  }
0xa2: {  	_ =	swait.ge [sflag:s13], $0x2800  }
0xa3: {  	[sflag:s13] =	ssyncset.done $0x0  }
0xa4: {  	s15 =	rddreg [dreg:$0xc];
	[sflag:s13] =	ssyncadd.s32 $0xFFFFD800  }
0xa5: {  	[spmem:s1] =	stream.indirect.scatter.add.f32 [tilespmem:s11], [sflag:$0x3], $0x80, s15, s9, $0xb8;
	[tilespmem:$0x1C000] =	vst v63  }
0xa6: {  	_ =	swait.ge [sflag:s7], $0x2800  }
0xa7: {  	[sflag:s7] =	ssyncset.done $0x0  }
0xa8: {  	s5 =	rddreg [dreg:$0xd];
	[sflag:s7] =	ssyncadd.s32 $0xFFFFD800  }
0xa9: {  	[tilespmem:s11], [sflag:$0x2] =	stream.indirect.gather [hbm4b:s14+s9], $0x80, s5, s9, $0xb8;
	[tilespmem:$0x1C000] =	vst v63  }
0xaa: {  	_ =	swait.ge [sflag:s12], $0x2800  }
0xab: {  	[sflag:s12] =	ssyncset.done $0x0  }
0xac: {  	s6 =	rddreg [dreg:$0xe];
	[sflag:s12] =	ssyncadd.s32 $0xFFFFD800  }
0xad: {  	[spmem:s1] =	stream.indirect.scatter.add.f32 [tilespmem:s10], [sflag:$0x3], $0x80, s6, s9, $0xb8;
	[tilespmem:$0x1C000] =	vst v63  }
0xae: {  	_ =	swait.ge [sflag:s7], $0x2800  }
0xaf: {  	[sflag:s7] =	ssyncset.done $0x0  }
0xb0: {  	s15 =	rddreg [dreg:$0xf];
	[sflag:s7] =	ssyncadd.s32 $0xFFFFD800  }
0xb1: {  	[tilespmem:s10], [sflag:$0x1] =	stream.indirect.gather [hbm4b:s14+s9], $0x80, s15, s9, $0xb8;
	[tilespmem:$0x1C000] =	vst v63  }
0xb2: {  	_ =	swait.ge [sflag:s13], $0x2800  }
0xb3: {  	[sflag:s13] =	ssyncset.done $0x0  }
0xb4: {  	s5 =	rddreg [dreg:$0x10];
	[sflag:s13] =	ssyncadd.s32 $0xFFFFD800  }
0xb5: {  	[spmem:s1] =	stream.indirect.scatter.add.f32 [tilespmem:s11], [sflag:$0x3], $0x80, s5, s9, $0xb8;
	[tilespmem:$0x1C000] =	vst v63  }
0xb6: {  	_ =	swait.ge [sflag:s7], $0x2800  }
0xb7: {  	[sflag:s7] =	ssyncset.done $0x0  }
0xb8: {  	s6 =	rddreg [dreg:$0x11];
	[sflag:s7] =	ssyncadd.s32 $0xFFFFD800  }
0xb9: {  	[tilespmem:s11], [sflag:$0x2] =	stream.indirect.gather [hbm4b:s14+s9], $0x80, s6, s9, $0xb8;
	[tilespmem:$0x1C000] =	vst v63  }
0xba: {  	_ =	swait.ge [sflag:s12], $0x2800  }
0xbb: {  	[sflag:s12] =	ssyncset.done $0x0  }
0xbc: {  	s15 =	rddreg [dreg:$0x12];
	[sflag:s12] =	ssyncadd.s32 $0xFFFFD800  }
0xbd: {  	[spmem:s1] =	stream.indirect.scatter.add.f32 [tilespmem:s10], [sflag:$0x3], $0x80, s15, s9, $0xb8;
	[tilespmem:$0x1C000] =	vst v63  }
0xbe: {  	_ =	swait.ge [sflag:s7], $0x2800  }
0xbf: {  	[sflag:s7] =	ssyncset.done $0x0  }
0xc0: {  	[sflag:s7] =	ssyncadd.s32 $0xFFFFD800  }
0xc1: {  	[tilespmem:s10], [sflag:$0x1] =	stream.indirect.gather [hbm4b:s14+s9], $0x80, s16, s9, $0xb8;
	[tilespmem:$0x1C000] =	vst v63  }
0xc2: {  	_ =	swait.ge [sflag:s13], $0x2800  }
0xc3: {  	[sflag:s13] =	ssyncset.done $0x0  }
0xc4: {  	[sflag:s13] =	ssyncadd.s32 $0xFFFFD800  }
0xc5: {  	[spmem:s1] =	stream.indirect.scatter.add.f32 [tilespmem:s11], [sflag:$0x3], $0x80, s17, s9, $0xb8;
	[tilespmem:$0x1C000] =	vst v63  }
0xc6: {  	_ =	swait.ge [sflag:s7], $0x2800  }
0xc7: {  	[sflag:s7] =	ssyncset.done $0x0  }
0xc8: {  	[sflag:s7] =	ssyncadd.s32 $0xFFFFD800  }
0xc9: {  	[tilespmem:s11], [sflag:$0x2] =	stream.indirect.gather [hbm4b:s14+s9], $0x80, s18, s9, $0xb8;
	[tilespmem:$0x1C000] =	vst v63  }
0xca: {  	_ =	swait.ge [sflag:s12], $0x2800  }
0xcb: {  	[sflag:s12] =	ssyncset.done $0x0  }
0xcc: {  	[sflag:s12] =	ssyncadd.s32 $0xFFFFD800  }
0xcd: {  	[spmem:s1] =	stream.indirect.scatter.add.f32 [tilespmem:s10], [sflag:$0x3], $0x80, s19, s9, $0xb8;
	[tilespmem:$0x1C000] =	vst v63  }
0xce: {  	_ =	swait.ge [sflag:s7], $0x2800  }
0xcf: {  	[sflag:s7] =	ssyncset.done $0x0  }
0xd0: {  	[sflag:s7] =	ssyncadd.s32 $0xFFFFD800  }
0xd1: {  	[tilespmem:s10], [sflag:$0x1] =	stream.indirect.gather [hbm4b:s14+s9], $0x80, s20, s9, $0xb8;
	[tilespmem:$0x1C000] =	vst v63  }
0xd2: {  	_ =	swait.ge [sflag:s13], $0x2800  }
0xd3: {  	[sflag:s13] =	ssyncset.done $0x0  }
0xd4: {  	[sflag:s13] =	ssyncadd.s32 $0xFFFFD800  }
0xd5: {  	[spmem:s1] =	stream.indirect.scatter.add.f32 [tilespmem:s11], [sflag:$0x3], $0x80, s21, s9, $0xb8;
	[tilespmem:$0x1C000] =	vst v63  }
0xd6: {  	_ =	swait.ge [sflag:s7], $0x2800  }
0xd7: {  	[sflag:s7] =	ssyncset.done $0x0  }
0xd8: {  	[sflag:s7] =	ssyncadd.s32 $0xFFFFD800  }
0xd9: {  	[tilespmem:s11], [sflag:$0x2] =	stream.indirect.gather [hbm4b:s14+s9], $0x80, s22, s9, $0xb8;
	[tilespmem:$0x1C000] =	vst v63  }
0xda: {  	_ =	swait.ge [sflag:s12], $0x2800  }
0xdb: {  	[sflag:s12] =	ssyncset.done $0x0  }
0xdc: {  	[sflag:s12] =	ssyncadd.s32 $0xFFFFD800  }
0xdd: {  	[spmem:s1] =	stream.indirect.scatter.add.f32 [tilespmem:s10], [sflag:$0x3], $0x80, s23, s9, $0xb8;
	[tilespmem:$0x1C000] =	vst v63  }
0xde: {  	_ =	swait.ge [sflag:s7], $0x2800  }
0xdf: {  	[sflag:s7] =	ssyncset.done $0x0  }
0xe0: {  	[sflag:s7] =	ssyncadd.s32 $0xFFFFD800  }
0xe1: {  	[tilespmem:s10], [sflag:$0x1] =	stream.indirect.gather [hbm4b:s14+s9], $0x80, s24, s9, $0xb8;
	[tilespmem:$0x1C000] =	vst v63  }
0xe2: {  	_ =	swait.ge [sflag:s13], $0x2800  }
0xe3: {  	[sflag:s13] =	ssyncset.done $0x0  }
0xe4: {  	[sflag:s13] =	ssyncadd.s32 $0xFFFFD800  }
0xe5: {  	[spmem:s1] =	stream.indirect.scatter.add.f32 [tilespmem:s11], [sflag:$0x3], $0x80, s25, s9, $0xb8;
	[tilespmem:$0x1C000] =	vst v63  }
0xe6: {  	_ =	swait.ge [sflag:s7], $0x2800  }
0xe7: {  	[sflag:s7] =	ssyncset.done $0x0  }
0xe8: {  	[sflag:s7] =	ssyncadd.s32 $0xFFFFD800  }
0xe9: {  	[tilespmem:s11], [sflag:$0x2] =	stream.indirect.gather [hbm4b:s14+s9], $0x80, s26, s9, $0xb8;
	[tilespmem:$0x1C000] =	vst v63  }
0xea: {  	_ =	swait.ge [sflag:s12], $0x2800  }
0xeb: {  	[sflag:s12] =	ssyncset.done $0x0  }
0xec: {  	[sflag:s12] =	ssyncadd.s32 $0xFFFFD800  }
0xed: {  	[spmem:s1] =	stream.indirect.scatter.add.f32 [tilespmem:s10], [sflag:$0x3], $0x80, s28, s9, $0xb8;
	[tilespmem:$0x1C000] =	vst v63  }
0xee: {  	_ =	swait.ge [sflag:s7], $0x2800  }
0xef: {  	[sflag:s7] =	ssyncset.done $0x0  }
0xf0: {  	[sflag:s7] =	ssyncadd.s32 $0xFFFFD800  }
0xf1: {  	[tilespmem:s10], [sflag:$0x1] =	stream.indirect.gather [hbm4b:s14+s9], $0x80, s29, s9, $0xb8;
	[tilespmem:$0x1C000] =	vst v63  }
0xf2: {  	_ =	swait.ge [sflag:s13], $0x2800  }
0xf3: {  	[sflag:s13] =	ssyncset.done $0x0  }
0xf4: {  	[sflag:s13] =	ssyncadd.s32 $0xFFFFD800  }
0xf5: {  	[spmem:s1] =	stream.indirect.scatter.add.f32 [tilespmem:s11], [sflag:$0x3], $0x80, s30, s9, $0xb8;
	[tilespmem:$0x1C000] =	vst v63  }
0xf6: {  	_ =	swait.ge [sflag:s7], $0x2800  }
0xf7: {  	[sflag:s7] =	ssyncset.done $0x0  }
0xf8: {  	[sflag:s7] =	ssyncadd.s32 $0xFFFFD800  }
0xf9: {  	[tilespmem:s11], [sflag:$0x2] =	stream.indirect.gather [hbm4b:s14+s9], $0x80, s31, s9, $0xb8;
	[tilespmem:$0x1C000] =	vst v63  }
0xfa: {  	_ =	swait.ge [sflag:s12], $0x2800  }
0xfb: {  	[sflag:s12] =	ssyncset.done $0x0  }
0xfc: {  	[sflag:s12] =	ssyncadd.s32 $0xFFFFD800  }
0xfd: {  	[spmem:s1] =	stream.indirect.scatter.add.f32 [tilespmem:s10], [sflag:$0x3], $0x80, s0, s9, $0xb8;
	[tilespmem:$0x1C000] =	vst v63  }
0xfe: {  	_ =	swait.ge [sflag:s7], $0x2800  }
0xff: {  	[sflag:s7] =	ssyncset.done $0x0  }
0x100: {  	[sflag:s7] =	ssyncadd.s32 $0xFFFFD800  }
0x101: {  	_ =	swait.ge [sflag:s13], $0x2800  }
0x102: {  	[sflag:s13] =	ssyncset.done $0x0  }
0x103: {  	[sflag:s13] =	ssyncadd.s32 $0xFFFFD800  }
0x104: {  	[spmem:s1] =	stream.indirect.scatter.add.f32 [tilespmem:s11], [sflag:$0x3], $0x80, s2, s9, $0xb8;
	[tilespmem:$0x1C000] =	vst v63  }
0x105: {  	s5 =	simm.s32 $0x100;
	_ =	swait.ge [sflag:s7], $0x2800  }
0x106: {  	s15 =	simm.s32 $0x200;
	s4 =	rddreg [dreg:$0x5];
	[sflag:s7] =	ssyncset.done $0x0  }
.LBB2_4:
0x107: {  	[sflag:s7] =	ssyncadd.s32 $0xFFFFD800;
	s4 =	sadd.s32 s5, s4  }
0x108: {  	[tilespmem:s3], [sflag:$0x3] =	stream.linear.gather [hbm4b:s4+s3], $0x800, $0x38;
	[tilespmem:$0x1C000] =	vst v63  }
0x109: {  	_ =	swait.ge [sflag:s7], $0x800  }
0x10a: {  	s4 =	rddreg [dreg:$0x4];
	[sflag:s7] =	ssyncset.done $0x0  }
0x10b: {  	[sflag:s7] =	ssyncadd.s32 $0xFFFFF800;
	s4 =	sadd.s32 s5, s4  }
0x10c: {  	[tilespmem:s8], [sflag:$0x3] =	stream.linear.gather [hbm4b:s4+s3], $0x800, $0x38;
	[tilespmem:$0x1C000] =	vst v63  }
0x10d: {  	_ =	swait.ge [sflag:s7], $0x800  }
0x10e: {  	[sflag:s7] =	ssyncset.done $0x0  }
0x10f: {  	s6 =	smov.u32 s15;
	[sflag:s7] =	ssyncadd.s32 $0xFFFFF800  }
0x110: {  	[tilespmem:s10], [sflag:$0x1] =	stream.indirect.gather [hbm4b:s14+s9], $0x80, s3, s9, $0xb8;
	[tilespmem:$0x1C000] =	vst v63  }
0x111: {  	s5 =	smov.u32 s6;
	s6 =	rddreg [dreg:$0x6]  }
0x112: {  	[tilespmem:s11], [sflag:$0x2] =	stream.indirect.gather [hbm4b:s14+s9], $0x80, s6, s9, $0xb8;
	[tilespmem:$0x1C000] =	vst v63  }
0x113: {  	_ =	swait.ge [sflag:s12], $0x2800  }
0x114: {  	[sflag:s12] =	ssyncset.done $0x0  }
0x115: {  	[sflag:s12] =	ssyncadd.s32 $0xFFFFD800  }
0x116: {  	[spmem:s1] =	stream.indirect.scatter.add.f32 [tilespmem:s10], [sflag:$0x3], $0x80, s8, s9, $0xb8;
	[tilespmem:$0x1C000] =	vst v63  }
0x117: {  	_ =	swait.ge [sflag:s7], $0x2800  }
0x118: {  	[sflag:s7] =	ssyncset.done $0x0  }
0x119: {  	s6 =	rddreg [dreg:$0x7];
	[sflag:s7] =	ssyncadd.s32 $0xFFFFD800  }
0x11a: {  	[tilespmem:s10], [sflag:$0x1] =	stream.indirect.gather [hbm4b:s14+s9], $0x80, s6, s9, $0xb8;
	[tilespmem:$0x1C000] =	vst v63  }
0x11b: {  	_ =	swait.ge [sflag:s13], $0x2800  }
0x11c: {  	[sflag:s13] =	ssyncset.done $0x0  }
0x11d: {  	s6 =	rddreg [dreg:$0x8];
	[sflag:s13] =	ssyncadd.s32 $0xFFFFD800  }
0x11e: {  	[spmem:s1] =	stream.indirect.scatter.add.f32 [tilespmem:s11], [sflag:$0x3], $0x80, s6, s9, $0xb8;
	[tilespmem:$0x1C000] =	vst v63  }
0x11f: {  	_ =	swait.ge [sflag:s7], $0x2800  }
0x120: {  	[sflag:s7] =	ssyncset.done $0x0  }
0x121: {  	s6 =	rddreg [dreg:$0x9];
	[sflag:s7] =	ssyncadd.s32 $0xFFFFD800  }
0x122: {  	[tilespmem:s11], [sflag:$0x2] =	stream.indirect.gather [hbm4b:s14+s9], $0x80, s6, s9, $0xb8;
	[tilespmem:$0x1C000] =	vst v63  }
0x123: {  	_ =	swait.ge [sflag:s12], $0x2800  }
0x124: {  	[sflag:s12] =	ssyncset.done $0x0  }
0x125: {  	s6 =	rddreg [dreg:$0xa];
	[sflag:s12] =	ssyncadd.s32 $0xFFFFD800  }
0x126: {  	[spmem:s1] =	stream.indirect.scatter.add.f32 [tilespmem:s10], [sflag:$0x3], $0x80, s6, s9, $0xb8;
	[tilespmem:$0x1C000] =	vst v63  }
0x127: {  	_ =	swait.ge [sflag:s7], $0x2800  }
0x128: {  	[sflag:s7] =	ssyncset.done $0x0  }
0x129: {  	s6 =	rddreg [dreg:$0xb];
	[sflag:s7] =	ssyncadd.s32 $0xFFFFD800  }
0x12a: {  	[tilespmem:s10], [sflag:$0x1] =	stream.indirect.gather [hbm4b:s14+s9], $0x80, s6, s9, $0xb8;
	[tilespmem:$0x1C000] =	vst v63  }
0x12b: {  	_ =	swait.ge [sflag:s13], $0x2800  }
0x12c: {  	[sflag:s13] =	ssyncset.done $0x0  }
0x12d: {  	s6 =	rddreg [dreg:$0xc];
	[sflag:s13] =	ssyncadd.s32 $0xFFFFD800  }
0x12e: {  	[spmem:s1] =	stream.indirect.scatter.add.f32 [tilespmem:s11], [sflag:$0x3], $0x80, s6, s9, $0xb8;
	[tilespmem:$0x1C000] =	vst v63  }
0x12f: {  	_ =	swait.ge [sflag:s7], $0x2800  }
0x130: {  	[sflag:s7] =	ssyncset.done $0x0  }
0x131: {  	s6 =	rddreg [dreg:$0xd];
	[sflag:s7] =	ssyncadd.s32 $0xFFFFD800  }
0x132: {  	[tilespmem:s11], [sflag:$0x2] =	stream.indirect.gather [hbm4b:s14+s9], $0x80, s6, s9, $0xb8;
	[tilespmem:$0x1C000] =	vst v63  }
0x133: {  	_ =	swait.ge [sflag:s12], $0x2800  }
0x134: {  	[sflag:s12] =	ssyncset.done $0x0  }
0x135: {  	s6 =	rddreg [dreg:$0xe];
	[sflag:s12] =	ssyncadd.s32 $0xFFFFD800  }
0x136: {  	[spmem:s1] =	stream.indirect.scatter.add.f32 [tilespmem:s10], [sflag:$0x3], $0x80, s6, s9, $0xb8;
	[tilespmem:$0x1C000] =	vst v63  }
0x137: {  	_ =	swait.ge [sflag:s7], $0x2800  }
0x138: {  	[sflag:s7] =	ssyncset.done $0x0  }
0x139: {  	s6 =	rddreg [dreg:$0xf];
	[sflag:s7] =	ssyncadd.s32 $0xFFFFD800  }
0x13a: {  	[tilespmem:s10], [sflag:$0x1] =	stream.indirect.gather [hbm4b:s14+s9], $0x80, s6, s9, $0xb8;
	[tilespmem:$0x1C000] =	vst v63  }
0x13b: {  	_ =	swait.ge [sflag:s13], $0x2800  }
0x13c: {  	[sflag:s13] =	ssyncset.done $0x0  }
0x13d: {  	s6 =	rddreg [dreg:$0x10];
	[sflag:s13] =	ssyncadd.s32 $0xFFFFD800  }
0x13e: {  	[spmem:s1] =	stream.indirect.scatter.add.f32 [tilespmem:s11], [sflag:$0x3], $0x80, s6, s9, $0xb8;
	[tilespmem:$0x1C000] =	vst v63  }
0x13f: {  	_ =	swait.ge [sflag:s7], $0x2800  }
0x140: {  	[sflag:s7] =	ssyncset.done $0x0  }
0x141: {  	s6 =	rddreg [dreg:$0x11];
	[sflag:s7] =	ssyncadd.s32 $0xFFFFD800  }
0x142: {  	[tilespmem:s11], [sflag:$0x2] =	stream.indirect.gather [hbm4b:s14+s9], $0x80, s6, s9, $0xb8;
	[tilespmem:$0x1C000] =	vst v63  }
0x143: {  	_ =	swait.ge [sflag:s12], $0x2800  }
0x144: {  	[sflag:s12] =	ssyncset.done $0x0  }
0x145: {  	s6 =	rddreg [dreg:$0x12];
	[sflag:s12] =	ssyncadd.s32 $0xFFFFD800  }
0x146: {  	[spmem:s1] =	stream.indirect.scatter.add.f32 [tilespmem:s10], [sflag:$0x3], $0x80, s6, s9, $0xb8;
	[tilespmem:$0x1C000] =	vst v63  }
0x147: {  	_ =	swait.ge [sflag:s7], $0x2800  }
0x148: {  	[sflag:s7] =	ssyncset.done $0x0  }
0x149: {  	[sflag:s7] =	ssyncadd.s32 $0xFFFFD800  }
0x14a: {  	[tilespmem:s10], [sflag:$0x1] =	stream.indirect.gather [hbm4b:s14+s9], $0x80, s16, s9, $0xb8;
	[tilespmem:$0x1C000] =	vst v63  }
0x14b: {  	_ =	swait.ge [sflag:s13], $0x2800  }
0x14c: {  	[sflag:s13] =	ssyncset.done $0x0  }
0x14d: {  	[sflag:s13] =	ssyncadd.s32 $0xFFFFD800  }
0x14e: {  	[spmem:s1] =	stream.indirect.scatter.add.f32 [tilespmem:s11], [sflag:$0x3], $0x80, s17, s9, $0xb8;
	[tilespmem:$0x1C000] =	vst v63  }
0x14f: {  	_ =	swait.ge [sflag:s7], $0x2800  }
0x150: {  	[sflag:s7] =	ssyncset.done $0x0  }
0x151: {  	[sflag:s7] =	ssyncadd.s32 $0xFFFFD800  }
0x152: {  	[tilespmem:s11], [sflag:$0x2] =	stream.indirect.gather [hbm4b:s14+s9], $0x80, s18, s9, $0xb8;
	[tilespmem:$0x1C000] =	vst v63  }
0x153: {  	_ =	swait.ge [sflag:s12], $0x2800  }
0x154: {  	[sflag:s12] =	ssyncset.done $0x0  }
0x155: {  	[sflag:s12] =	ssyncadd.s32 $0xFFFFD800  }
0x156: {  	[spmem:s1] =	stream.indirect.scatter.add.f32 [tilespmem:s10], [sflag:$0x3], $0x80, s19, s9, $0xb8;
	[tilespmem:$0x1C000] =	vst v63  }
0x157: {  	_ =	swait.ge [sflag:s7], $0x2800  }
0x158: {  	[sflag:s7] =	ssyncset.done $0x0  }
0x159: {  	[sflag:s7] =	ssyncadd.s32 $0xFFFFD800  }
0x15a: {  	[tilespmem:s10], [sflag:$0x1] =	stream.indirect.gather [hbm4b:s14+s9], $0x80, s20, s9, $0xb8;
	[tilespmem:$0x1C000] =	vst v63  }
0x15b: {  	_ =	swait.ge [sflag:s13], $0x2800  }
0x15c: {  	[sflag:s13] =	ssyncset.done $0x0  }
0x15d: {  	[sflag:s13] =	ssyncadd.s32 $0xFFFFD800  }
0x15e: {  	[spmem:s1] =	stream.indirect.scatter.add.f32 [tilespmem:s11], [sflag:$0x3], $0x80, s21, s9, $0xb8;
	[tilespmem:$0x1C000] =	vst v63  }
0x15f: {  	_ =	swait.ge [sflag:s7], $0x2800  }
0x160: {  	[sflag:s7] =	ssyncset.done $0x0  }
0x161: {  	[sflag:s7] =	ssyncadd.s32 $0xFFFFD800  }
0x162: {  	[tilespmem:s11], [sflag:$0x2] =	stream.indirect.gather [hbm4b:s14+s9], $0x80, s22, s9, $0xb8;
	[tilespmem:$0x1C000] =	vst v63  }
0x163: {  	_ =	swait.ge [sflag:s12], $0x2800  }
0x164: {  	[sflag:s12] =	ssyncset.done $0x0  }
0x165: {  	[sflag:s12] =	ssyncadd.s32 $0xFFFFD800  }
0x166: {  	[spmem:s1] =	stream.indirect.scatter.add.f32 [tilespmem:s10], [sflag:$0x3], $0x80, s23, s9, $0xb8;
	[tilespmem:$0x1C000] =	vst v63  }
0x167: {  	_ =	swait.ge [sflag:s7], $0x2800  }
0x168: {  	[sflag:s7] =	ssyncset.done $0x0  }
0x169: {  	[sflag:s7] =	ssyncadd.s32 $0xFFFFD800  }
0x16a: {  	[tilespmem:s10], [sflag:$0x1] =	stream.indirect.gather [hbm4b:s14+s9], $0x80, s24, s9, $0xb8;
	[tilespmem:$0x1C000] =	vst v63  }
0x16b: {  	_ =	swait.ge [sflag:s13], $0x2800  }
0x16c: {  	[sflag:s13] =	ssyncset.done $0x0  }
0x16d: {  	[sflag:s13] =	ssyncadd.s32 $0xFFFFD800  }
0x16e: {  	[spmem:s1] =	stream.indirect.scatter.add.f32 [tilespmem:s11], [sflag:$0x3], $0x80, s25, s9, $0xb8;
	[tilespmem:$0x1C000] =	vst v63  }
0x16f: {  	_ =	swait.ge [sflag:s7], $0x2800  }
0x170: {  	[sflag:s7] =	ssyncset.done $0x0  }
0x171: {  	[sflag:s7] =	ssyncadd.s32 $0xFFFFD800  }
0x172: {  	[tilespmem:s11], [sflag:$0x2] =	stream.indirect.gather [hbm4b:s14+s9], $0x80, s26, s9, $0xb8;
	[tilespmem:$0x1C000] =	vst v63  }
0x173: {  	_ =	swait.ge [sflag:s12], $0x2800  }
0x174: {  	[sflag:s12] =	ssyncset.done $0x0  }
0x175: {  	[sflag:s12] =	ssyncadd.s32 $0xFFFFD800  }
0x176: {  	[spmem:s1] =	stream.indirect.scatter.add.f32 [tilespmem:s10], [sflag:$0x3], $0x80, s28, s9, $0xb8;
	[tilespmem:$0x1C000] =	vst v63  }
0x177: {  	_ =	swait.ge [sflag:s7], $0x2800  }
0x178: {  	[sflag:s7] =	ssyncset.done $0x0  }
0x179: {  	[sflag:s7] =	ssyncadd.s32 $0xFFFFD800  }
0x17a: {  	[tilespmem:s10], [sflag:$0x1] =	stream.indirect.gather [hbm4b:s14+s9], $0x80, s29, s9, $0xb8;
	[tilespmem:$0x1C000] =	vst v63  }
0x17b: {  	_ =	swait.ge [sflag:s13], $0x2800  }
0x17c: {  	[sflag:s13] =	ssyncset.done $0x0  }
0x17d: {  	[sflag:s13] =	ssyncadd.s32 $0xFFFFD800  }
0x17e: {  	[spmem:s1] =	stream.indirect.scatter.add.f32 [tilespmem:s11], [sflag:$0x3], $0x80, s30, s9, $0xb8;
	[tilespmem:$0x1C000] =	vst v63  }
0x17f: {  	_ =	swait.ge [sflag:s7], $0x2800  }
0x180: {  	[sflag:s7] =	ssyncset.done $0x0  }
0x181: {  	[sflag:s7] =	ssyncadd.s32 $0xFFFFD800  }
0x182: {  	[tilespmem:s11], [sflag:$0x2] =	stream.indirect.gather [hbm4b:s14+s9], $0x80, s31, s9, $0xb8;
	[tilespmem:$0x1C000] =	vst v63  }
0x183: {  	_ =	swait.ge [sflag:s12], $0x2800  }
0x184: {  	[sflag:s12] =	ssyncset.done $0x0  }
0x185: {  	[sflag:s12] =	ssyncadd.s32 $0xFFFFD800  }
0x186: {  	[spmem:s1] =	stream.indirect.scatter.add.f32 [tilespmem:s10], [sflag:$0x3], $0x80, s0, s9, $0xb8;
	[tilespmem:$0x1C000] =	vst v63  }
0x187: {  	_ =	swait.ge [sflag:s7], $0x2800  }
0x188: {  	[sflag:s7] =	ssyncset.done $0x0  }
0x189: {  	[sflag:s7] =	ssyncadd.s32 $0xFFFFD800  }
0x18a: {  	p0 =	sne.s32 s15, $0x700;
	_ =	swait.ge [sflag:s13], $0x2800  }
.Ltmp1:
0x18b: {  	[sflag:s13] =	ssyncset.done $0x0;
	(pc) =	sbr.rel @p0 .LBB2_4-.Ltmp1, $4  }
0x18c: {  	[sflag:s13] =	ssyncadd.s32 $0xFFFFD800  }
0x18d: {  	[spmem:s1] =	stream.indirect.scatter.add.f32 [tilespmem:s11], [sflag:$0x3], $0x80, s2, s9, $0xb8;
	[tilespmem:$0x1C000] =	vst v63  }
0x18e: {  	_ =	swait.ge [sflag:s7], $0x2800  }
0x18f: {  	s15 =	sadd.s32 $0x100, s15;
	s4 =	rddreg [dreg:$0x5];
	[sflag:s7] =	ssyncset.done $0x0  }
0x190: {  	[sflag:s7] =	ssyncadd.s32 $0xFFFFD800;
	s4 =	sadd.s32 s5, s4  }
0x191: {  	[tilespmem:s3], [sflag:$0x3] =	stream.linear.gather [hbm4b:s4+s3], $0x800, $0x38;
	[tilespmem:$0x1C000] =	vst v63  }
0x192: {  	_ =	swait.ge [sflag:s7], $0x800  }
0x193: {  	s6 =	rddreg [dreg:$0x4];
	[sflag:s7] =	ssyncset.done $0x0  }
0x194: {  	s4 =	sadd.s32 s5, s6;
	[sflag:s7] =	ssyncadd.s32 $0xFFFFF800  }
0x195: {  	[tilespmem:s8], [sflag:$0x3] =	stream.linear.gather [hbm4b:s4+s3], $0x800, $0x38;
	[tilespmem:$0x1C000] =	vst v63  }
0x196: {  	_ =	swait.ge [sflag:s7], $0x800  }
0x197: {  	[sflag:s7] =	ssyncset.done $0x0  }
0x198: {  	[sflag:s7] =	ssyncadd.s32 $0xFFFFF800  }
0x199: {  	[tilespmem:s10], [sflag:$0x1] =	stream.indirect.gather [hbm4b:s14+s9], $0x80, s3, s9, $0xb8;
	[tilespmem:$0x1C000] =	vst v63  }
0x19a: {  	s15 =	rddreg [dreg:$0x6]  }
0x19b: {  	[tilespmem:s11], [sflag:$0x2] =	stream.indirect.gather [hbm4b:s14+s9], $0x80, s15, s9, $0xb8;
	[tilespmem:$0x1C000] =	vst v63  }
0x19c: {  	_ =	swait.ge [sflag:s12], $0x2800  }
0x19d: {  	[sflag:s12] =	ssyncset.done $0x0  }
0x19e: {  	[sflag:s12] =	ssyncadd.s32 $0xFFFFD800  }
0x19f: {  	[spmem:s1] =	stream.indirect.scatter.add.f32 [tilespmem:s10], [sflag:$0x3], $0x80, s8, s9, $0xb8;
	[tilespmem:$0x1C000] =	vst v63  }
0x1a0: {  	_ =	swait.ge [sflag:s7], $0x2800  }
0x1a1: {  	[sflag:s7] =	ssyncset.done $0x0  }
0x1a2: {  	s5 =	rddreg [dreg:$0x7];
	[sflag:s7] =	ssyncadd.s32 $0xFFFFD800  }
0x1a3: {  	[tilespmem:s10], [sflag:$0x1] =	stream.indirect.gather [hbm4b:s14+s9], $0x80, s5, s9, $0xb8;
	[tilespmem:$0x1C000] =	vst v63  }
0x1a4: {  	_ =	swait.ge [sflag:s13], $0x2800  }
0x1a5: {  	[sflag:s13] =	ssyncset.done $0x0  }
0x1a6: {  	s6 =	rddreg [dreg:$0x8];
	[sflag:s13] =	ssyncadd.s32 $0xFFFFD800  }
0x1a7: {  	[spmem:s1] =	stream.indirect.scatter.add.f32 [tilespmem:s11], [sflag:$0x3], $0x80, s6, s9, $0xb8;
	[tilespmem:$0x1C000] =	vst v63  }
0x1a8: {  	_ =	swait.ge [sflag:s7], $0x2800  }
0x1a9: {  	[sflag:s7] =	ssyncset.done $0x0  }
0x1aa: {  	s15 =	rddreg [dreg:$0x9];
	[sflag:s7] =	ssyncadd.s32 $0xFFFFD800  }
0x1ab: {  	[tilespmem:s11], [sflag:$0x2] =	stream.indirect.gather [hbm4b:s14+s9], $0x80, s15, s9, $0xb8;
	[tilespmem:$0x1C000] =	vst v63  }
0x1ac: {  	_ =	swait.ge [sflag:s12], $0x2800  }
0x1ad: {  	[sflag:s12] =	ssyncset.done $0x0  }
0x1ae: {  	s5 =	rddreg [dreg:$0xa];
	[sflag:s12] =	ssyncadd.s32 $0xFFFFD800  }
0x1af: {  	[spmem:s1] =	stream.indirect.scatter.add.f32 [tilespmem:s10], [sflag:$0x3], $0x80, s5, s9, $0xb8;
	[tilespmem:$0x1C000] =	vst v63  }
0x1b0: {  	_ =	swait.ge [sflag:s7], $0x2800  }
0x1b1: {  	[sflag:s7] =	ssyncset.done $0x0  }
0x1b2: {  	s6 =	rddreg [dreg:$0xb];
	[sflag:s7] =	ssyncadd.s32 $0xFFFFD800  }
0x1b3: {  	[tilespmem:s10], [sflag:$0x1] =	stream.indirect.gather [hbm4b:s14+s9], $0x80, s6, s9, $0xb8;
	[tilespmem:$0x1C000] =	vst v63  }
0x1b4: {  	_ =	swait.ge [sflag:s13], $0x2800  }
0x1b5: {  	[sflag:s13] =	ssyncset.done $0x0  }
0x1b6: {  	s15 =	rddreg [dreg:$0xc];
	[sflag:s13] =	ssyncadd.s32 $0xFFFFD800  }
0x1b7: {  	[spmem:s1] =	stream.indirect.scatter.add.f32 [tilespmem:s11], [sflag:$0x3], $0x80, s15, s9, $0xb8;
	[tilespmem:$0x1C000] =	vst v63  }
0x1b8: {  	_ =	swait.ge [sflag:s7], $0x2800  }
0x1b9: {  	[sflag:s7] =	ssyncset.done $0x0  }
0x1ba: {  	s5 =	rddreg [dreg:$0xd];
	[sflag:s7] =	ssyncadd.s32 $0xFFFFD800  }
0x1bb: {  	[tilespmem:s11], [sflag:$0x2] =	stream.indirect.gather [hbm4b:s14+s9], $0x80, s5, s9, $0xb8;
	[tilespmem:$0x1C000] =	vst v63  }
0x1bc: {  	_ =	swait.ge [sflag:s12], $0x2800  }
0x1bd: {  	[sflag:s12] =	ssyncset.done $0x0  }
0x1be: {  	s6 =	rddreg [dreg:$0xe];
	[sflag:s12] =	ssyncadd.s32 $0xFFFFD800  }
0x1bf: {  	[spmem:s1] =	stream.indirect.scatter.add.f32 [tilespmem:s10], [sflag:$0x3], $0x80, s6, s9, $0xb8;
	[tilespmem:$0x1C000] =	vst v63  }
0x1c0: {  	_ =	swait.ge [sflag:s7], $0x2800  }
0x1c1: {  	[sflag:s7] =	ssyncset.done $0x0  }
0x1c2: {  	s15 =	rddreg [dreg:$0xf];
	[sflag:s7] =	ssyncadd.s32 $0xFFFFD800  }
0x1c3: {  	[tilespmem:s10], [sflag:$0x1] =	stream.indirect.gather [hbm4b:s14+s9], $0x80, s15, s9, $0xb8;
	[tilespmem:$0x1C000] =	vst v63  }
0x1c4: {  	_ =	swait.ge [sflag:s13], $0x2800  }
0x1c5: {  	[sflag:s13] =	ssyncset.done $0x0  }
0x1c6: {  	s5 =	rddreg [dreg:$0x10];
	[sflag:s13] =	ssyncadd.s32 $0xFFFFD800  }
0x1c7: {  	[spmem:s1] =	stream.indirect.scatter.add.f32 [tilespmem:s11], [sflag:$0x3], $0x80, s5, s9, $0xb8;
	[tilespmem:$0x1C000] =	vst v63  }
0x1c8: {  	_ =	swait.ge [sflag:s7], $0x2800  }
0x1c9: {  	[sflag:s7] =	ssyncset.done $0x0  }
0x1ca: {  	s6 =	rddreg [dreg:$0x11];
	[sflag:s7] =	ssyncadd.s32 $0xFFFFD800  }
0x1cb: {  	[tilespmem:s11], [sflag:$0x2] =	stream.indirect.gather [hbm4b:s14+s9], $0x80, s6, s9, $0xb8;
	[tilespmem:$0x1C000] =	vst v63  }
0x1cc: {  	_ =	swait.ge [sflag:s12], $0x2800  }
0x1cd: {  	[sflag:s12] =	ssyncset.done $0x0  }
0x1ce: {  	s15 =	rddreg [dreg:$0x12];
	[sflag:s12] =	ssyncadd.s32 $0xFFFFD800  }
0x1cf: {  	[spmem:s1] =	stream.indirect.scatter.add.f32 [tilespmem:s10], [sflag:$0x3], $0x80, s15, s9, $0xb8;
	[tilespmem:$0x1C000] =	vst v63  }
0x1d0: {  	_ =	swait.ge [sflag:s7], $0x2800  }
0x1d1: {  	[sflag:s7] =	ssyncset.done $0x0  }
0x1d2: {  	[sflag:s7] =	ssyncadd.s32 $0xFFFFD800  }
0x1d3: {  	[tilespmem:s10], [sflag:$0x1] =	stream.indirect.gather [hbm4b:s14+s9], $0x80, s16, s9, $0xb8;
	[tilespmem:$0x1C000] =	vst v63  }
0x1d4: {  	_ =	swait.ge [sflag:s13], $0x2800  }
0x1d5: {  	[sflag:s13] =	ssyncset.done $0x0  }
0x1d6: {  	[sflag:s13] =	ssyncadd.s32 $0xFFFFD800  }
0x1d7: {  	[spmem:s1] =	stream.indirect.scatter.add.f32 [tilespmem:s11], [sflag:$0x3], $0x80, s17, s9, $0xb8;
	[tilespmem:$0x1C000] =	vst v63  }
0x1d8: {  	_ =	swait.ge [sflag:s7], $0x2800  }
0x1d9: {  	[sflag:s7] =	ssyncset.done $0x0  }
0x1da: {  	[sflag:s7] =	ssyncadd.s32 $0xFFFFD800  }
0x1db: {  	[tilespmem:s11], [sflag:$0x2] =	stream.indirect.gather [hbm4b:s14+s9], $0x80, s18, s9, $0xb8;
	[tilespmem:$0x1C000] =	vst v63  }
0x1dc: {  	_ =	swait.ge [sflag:s12], $0x2800  }
0x1dd: {  	[sflag:s12] =	ssyncset.done $0x0  }
0x1de: {  	[sflag:s12] =	ssyncadd.s32 $0xFFFFD800  }
0x1df: {  	[spmem:s1] =	stream.indirect.scatter.add.f32 [tilespmem:s10], [sflag:$0x3], $0x80, s19, s9, $0xb8;
	[tilespmem:$0x1C000] =	vst v63  }
0x1e0: {  	_ =	swait.ge [sflag:s7], $0x2800  }
0x1e1: {  	[sflag:s7] =	ssyncset.done $0x0  }
0x1e2: {  	[sflag:s7] =	ssyncadd.s32 $0xFFFFD800  }
0x1e3: {  	[tilespmem:s10], [sflag:$0x1] =	stream.indirect.gather [hbm4b:s14+s9], $0x80, s20, s9, $0xb8;
	[tilespmem:$0x1C000] =	vst v63  }
0x1e4: {  	_ =	swait.ge [sflag:s13], $0x2800  }
0x1e5: {  	[sflag:s13] =	ssyncset.done $0x0  }
0x1e6: {  	[sflag:s13] =	ssyncadd.s32 $0xFFFFD800  }
0x1e7: {  	[spmem:s1] =	stream.indirect.scatter.add.f32 [tilespmem:s11], [sflag:$0x3], $0x80, s21, s9, $0xb8;
	[tilespmem:$0x1C000] =	vst v63  }
0x1e8: {  	_ =	swait.ge [sflag:s7], $0x2800  }
0x1e9: {  	[sflag:s7] =	ssyncset.done $0x0  }
0x1ea: {  	[sflag:s7] =	ssyncadd.s32 $0xFFFFD800  }
0x1eb: {  	[tilespmem:s11], [sflag:$0x2] =	stream.indirect.gather [hbm4b:s14+s9], $0x80, s22, s9, $0xb8;
	[tilespmem:$0x1C000] =	vst v63  }
0x1ec: {  	_ =	swait.ge [sflag:s12], $0x2800  }
0x1ed: {  	[sflag:s12] =	ssyncset.done $0x0  }
0x1ee: {  	[sflag:s12] =	ssyncadd.s32 $0xFFFFD800  }
0x1ef: {  	[spmem:s1] =	stream.indirect.scatter.add.f32 [tilespmem:s10], [sflag:$0x3], $0x80, s23, s9, $0xb8;
	[tilespmem:$0x1C000] =	vst v63  }
0x1f0: {  	_ =	swait.ge [sflag:s7], $0x2800  }
0x1f1: {  	[sflag:s7] =	ssyncset.done $0x0  }
0x1f2: {  	[sflag:s7] =	ssyncadd.s32 $0xFFFFD800  }
0x1f3: {  	[tilespmem:s10], [sflag:$0x1] =	stream.indirect.gather [hbm4b:s14+s9], $0x80, s24, s9, $0xb8;
	[tilespmem:$0x1C000] =	vst v63  }
0x1f4: {  	_ =	swait.ge [sflag:s13], $0x2800  }
0x1f5: {  	[sflag:s13] =	ssyncset.done $0x0  }
0x1f6: {  	[sflag:s13] =	ssyncadd.s32 $0xFFFFD800  }
0x1f7: {  	[spmem:s1] =	stream.indirect.scatter.add.f32 [tilespmem:s11], [sflag:$0x3], $0x80, s25, s9, $0xb8;
	[tilespmem:$0x1C000] =	vst v63  }
0x1f8: {  	_ =	swait.ge [sflag:s7], $0x2800  }
0x1f9: {  	[sflag:s7] =	ssyncset.done $0x0  }
0x1fa: {  	[sflag:s7] =	ssyncadd.s32 $0xFFFFD800  }
0x1fb: {  	[tilespmem:s11], [sflag:$0x2] =	stream.indirect.gather [hbm4b:s14+s9], $0x80, s26, s9, $0xb8;
	[tilespmem:$0x1C000] =	vst v63  }
0x1fc: {  	_ =	swait.ge [sflag:s12], $0x2800  }
0x1fd: {  	[sflag:s12] =	ssyncset.done $0x0  }
0x1fe: {  	[sflag:s12] =	ssyncadd.s32 $0xFFFFD800  }
0x1ff: {  	[spmem:s1] =	stream.indirect.scatter.add.f32 [tilespmem:s10], [sflag:$0x3], $0x80, s28, s9, $0xb8;
	[tilespmem:$0x1C000] =	vst v63  }
0x200: {  	_ =	swait.ge [sflag:s7], $0x2800  }
0x201: {  	[sflag:s7] =	ssyncset.done $0x0  }
0x202: {  	[sflag:s7] =	ssyncadd.s32 $0xFFFFD800  }
0x203: {  	[tilespmem:s10], [sflag:$0x1] =	stream.indirect.gather [hbm4b:s14+s9], $0x80, s29, s9, $0xb8;
	[tilespmem:$0x1C000] =	vst v63  }
0x204: {  	_ =	swait.ge [sflag:s13], $0x2800  }
0x205: {  	[sflag:s13] =	ssyncset.done $0x0  }
0x206: {  	[sflag:s13] =	ssyncadd.s32 $0xFFFFD800  }
0x207: {  	[spmem:s1] =	stream.indirect.scatter.add.f32 [tilespmem:s11], [sflag:$0x3], $0x80, s30, s9, $0xb8;
	[tilespmem:$0x1C000] =	vst v63  }
0x208: {  	_ =	swait.ge [sflag:s7], $0x2800  }
0x209: {  	[sflag:s7] =	ssyncset.done $0x0  }
0x20a: {  	[sflag:s7] =	ssyncadd.s32 $0xFFFFD800  }
0x20b: {  	[tilespmem:s11], [sflag:$0x2] =	stream.indirect.gather [hbm4b:s14+s9], $0x80, s31, s9, $0xb8;
	[tilespmem:$0x1C000] =	vst v63  }
0x20c: {  	_ =	swait.ge [sflag:s12], $0x2800  }
0x20d: {  	[sflag:s12] =	ssyncset.done $0x0  }
0x20e: {  	[sflag:s12] =	ssyncadd.s32 $0xFFFFD800  }
0x20f: {  	[spmem:s1] =	stream.indirect.scatter.add.f32 [tilespmem:s10], [sflag:$0x3], $0x80, s0, s9, $0xb8;
	[tilespmem:$0x1C000] =	vst v63  }
0x210: {  	_ =	swait.ge [sflag:s7], $0x2800  }
0x211: {  	[sflag:s7] =	ssyncset.done $0x0  }
0x212: {  	[sflag:s7] =	ssyncadd.s32 $0xFFFFD800  }
0x213: {  	_ =	swait.ge [sflag:s13], $0x2800  }
0x214: {  	[sflag:s13] =	ssyncset.done $0x0  }
0x215: {  	[sflag:s13] =	ssyncadd.s32 $0xFFFFD800  }
0x216: {  	[spmem:s1] =	stream.indirect.scatter.add.f32 [tilespmem:s11], [sflag:$0x3], $0x80, s2, s9, $0xb8;
	[tilespmem:$0x1C000] =	vst v63  }
0x217: {  	_ =	swait.ge [sflag:s7], $0x2800  }
0x218: {  	[sflag:s7] =	ssyncset.done $0x0  }
0x219: {  	[sflag:s7] =	ssyncadd.s32 $0xFFFFD800  }
0x21a: {  	[bflag:$0x0] =	sbarrier.arrive $0xFFFF  }
0x21b: {  	s6 =	simm.s32 $0x6000;
	s5 =	rddreg [dreg:$0x1d]  }
0x21c: {  	[tilespmem:s6], [sflag:$0x3] =	stream.linear.gather [spmem:s5], $0x2000, $0x38;
	[tilespmem:$0x1C000] =	vst v63  }
0x21d: {  	_ =	swait.ge [sflag:s7], $0x2000  }
0x21e: {  	[sflag:s7] =	ssyncset.done $0x0  }
0x21f: {  	s15 =	rddreg [dreg:$0x13];
	[sflag:s7] =	ssyncadd.s32 $0xFFFFE000  }
0x220: {  	[hbm4b:s15+s3] =	stream.linear.scatter [tilespmem:s6], [sflag:$0x3], $0x2000, $0x38;
	[tilespmem:$0x1C000] =	vst v63  }
0x221: {  	_ =	swait.ge [sflag:s7], $0x2000  }
0x222: {  	[sflag:s7] =	ssyncset.done $0x0  }
0x223: {  	s5 =	rddreg [dreg:$0x1f];
	[sflag:s7] =	ssyncadd.s32 $0xFFFFE000  }
0x224: {  	[tilespmem:s6], [sflag:$0x3] =	stream.linear.gather [spmem:s5], $0x2000, $0x38;
	[tilespmem:$0x1C000] =	vst v63  }
0x225: {  	_ =	swait.ge [sflag:s7], $0x2000  }
0x226: {  	[sflag:s7] =	ssyncset.done $0x0  }
0x227: {  	s15 =	rddreg [dreg:$0x14];
	[sflag:s7] =	ssyncadd.s32 $0xFFFFE000  }
0x228: {  	[hbm4b:s15+s3] =	stream.linear.scatter [tilespmem:s6], [sflag:$0x3], $0x2000, $0x38;
	[tilespmem:$0x1C000] =	vst v63  }
0x229: {  	_ =	swait.ge [sflag:s7], $0x2000  }
0x22a: {  	s5 =	sld [smem:$0x7ED]  }
0x22b: {  	[sflag:s7] =	ssyncset.done $0x0  }
0x22c: {  	[sflag:s7] =	ssyncadd.s32 $0xFFFFE000  }
0x22d: {  	[tilespmem:s6], [sflag:$0x3] =	stream.linear.gather [spmem:s5], $0x2000, $0x38;
	[tilespmem:$0x1C000] =	vst v63  }
0x22e: {  	_ =	swait.ge [sflag:s7], $0x2000  }
0x22f: {  	[sflag:s7] =	ssyncset.done $0x0  }
0x230: {  	s15 =	rddreg [dreg:$0x15];
	[sflag:s7] =	ssyncadd.s32 $0xFFFFE000  }
0x231: {  	[hbm4b:s15+s3] =	stream.linear.scatter [tilespmem:s6], [sflag:$0x3], $0x2000, $0x38;
	[tilespmem:$0x1C000] =	vst v63  }
0x232: {  	_ =	swait.ge [sflag:s7], $0x2000  }
0x233: {  	s5 =	sld [smem:$0x7EE]  }
0x234: {  	[sflag:s7] =	ssyncset.done $0x0  }
0x235: {  	[sflag:s7] =	ssyncadd.s32 $0xFFFFE000  }
0x236: {  	[tilespmem:s6], [sflag:$0x3] =	stream.linear.gather [spmem:s5], $0x2000, $0x38;
	[tilespmem:$0x1C000] =	vst v63  }
0x237: {  	_ =	swait.ge [sflag:s7], $0x2000  }
0x238: {  	[sflag:s7] =	ssyncset.done $0x0  }
0x239: {  	s15 =	rddreg [dreg:$0x16];
	[sflag:s7] =	ssyncadd.s32 $0xFFFFE000  }
0x23a: {  	[hbm4b:s15+s3] =	stream.linear.scatter [tilespmem:s6], [sflag:$0x3], $0x2000, $0x38;
	[tilespmem:$0x1C000] =	vst v63  }
0x23b: {  	_ =	swait.ge [sflag:s7], $0x2000  }
0x23c: {  	s5 =	sld [smem:$0x7EF]  }
0x23d: {  	[sflag:s7] =	ssyncset.done $0x0  }
0x23e: {  	[sflag:s7] =	ssyncadd.s32 $0xFFFFE000  }
0x23f: {  	[tilespmem:s6], [sflag:$0x3] =	stream.linear.gather [spmem:s5], $0x2000, $0x38;
	[tilespmem:$0x1C000] =	vst v63  }
0x240: {  	_ =	swait.ge [sflag:s7], $0x2000  }
0x241: {  	[sflag:s7] =	ssyncset.done $0x0  }
0x242: {  	s15 =	rddreg [dreg:$0x17];
	[sflag:s7] =	ssyncadd.s32 $0xFFFFE000  }
0x243: {  	[hbm4b:s15+s3] =	stream.linear.scatter [tilespmem:s6], [sflag:$0x3], $0x2000, $0x38;
	[tilespmem:$0x1C000] =	vst v63  }
0x244: {  	_ =	swait.ge [sflag:s7], $0x2000  }
0x245: {  	s5 =	sld [smem:$0x7F0]  }
0x246: {  	[sflag:s7] =	ssyncset.done $0x0  }
0x247: {  	[sflag:s7] =	ssyncadd.s32 $0xFFFFE000  }
0x248: {  	[tilespmem:s6], [sflag:$0x3] =	stream.linear.gather [spmem:s5], $0x2000, $0x38;
	[tilespmem:$0x1C000] =	vst v63  }
0x249: {  	_ =	swait.ge [sflag:s7], $0x2000  }
0x24a: {  	[sflag:s7] =	ssyncset.done $0x0  }
0x24b: {  	s15 =	rddreg [dreg:$0x18];
	[sflag:s7] =	ssyncadd.s32 $0xFFFFE000  }
0x24c: {  	[hbm4b:s15+s3] =	stream.linear.scatter [tilespmem:s6], [sflag:$0x3], $0x2000, $0x38;
	[tilespmem:$0x1C000] =	vst v63  }
0x24d: {  	_ =	swait.ge [sflag:s7], $0x2000  }
0x24e: {  	s5 =	sld [smem:$0x7F1]  }
0x24f: {  	[sflag:s7] =	ssyncset.done $0x0  }
0x250: {  	[sflag:s7] =	ssyncadd.s32 $0xFFFFE000  }
0x251: {  	[tilespmem:s6], [sflag:$0x3] =	stream.linear.gather [spmem:s5], $0x2000, $0x38;
	[tilespmem:$0x1C000] =	vst v63  }
0x252: {  	_ =	swait.ge [sflag:s7], $0x2000  }
0x253: {  	[sflag:s7] =	ssyncset.done $0x0  }
0x254: {  	s15 =	rddreg [dreg:$0x19];
	[sflag:s7] =	ssyncadd.s32 $0xFFFFE000  }
0x255: {  	[hbm4b:s15+s3] =	stream.linear.scatter [tilespmem:s6], [sflag:$0x3], $0x2000, $0x38;
	[tilespmem:$0x1C000] =	vst v63  }
0x256: {  	_ =	swait.ge [sflag:s7], $0x2000  }
0x257: {  	s5 =	sld [smem:$0x7F2]  }
0x258: {  	[sflag:s7] =	ssyncset.done $0x0  }
0x259: {  	[sflag:s7] =	ssyncadd.s32 $0xFFFFE000  }
0x25a: {  	[tilespmem:s6], [sflag:$0x3] =	stream.linear.gather [spmem:s5], $0x2000, $0x38;
	[tilespmem:$0x1C000] =	vst v63  }
0x25b: {  	_ =	swait.ge [sflag:s7], $0x2000  }
0x25c: {  	[sflag:s7] =	ssyncset.done $0x0  }
0x25d: {  	s15 =	rddreg [dreg:$0x1a];
	[sflag:s7] =	ssyncadd.s32 $0xFFFFE000  }
0x25e: {  	[hbm4b:s15+s3] =	stream.linear.scatter [tilespmem:s6], [sflag:$0x3], $0x2000, $0x38;
	[tilespmem:$0x1C000] =	vst v63  }
0x25f: {  	_ =	swait.ge [sflag:s7], $0x2000  }
0x260: {  	s5 =	sld [smem:$0x7F3]  }
0x261: {  	[sflag:s7] =	ssyncset.done $0x0  }
0x262: {  	[sflag:s7] =	ssyncadd.s32 $0xFFFFE000  }
0x263: {  	[tilespmem:s6], [sflag:$0x3] =	stream.linear.gather [spmem:s5], $0x2000, $0x38;
	[tilespmem:$0x1C000] =	vst v63  }
0x264: {  	_ =	swait.ge [sflag:s7], $0x2000  }
0x265: {  	[sflag:s7] =	ssyncset.done $0x0  }
0x266: {  	s15 =	rddreg [dreg:$0x1b];
	[sflag:s7] =	ssyncadd.s32 $0xFFFFE000  }
0x267: {  	[hbm4b:s15+s3] =	stream.linear.scatter [tilespmem:s6], [sflag:$0x3], $0x2000, $0x38;
	[tilespmem:$0x1C000] =	vst v63  }
0x268: {  	_ =	swait.ge [sflag:s7], $0x2000  }
0x269: {  	s5 =	sld [smem:$0x7F4]  }
0x26a: {  	[sflag:s7] =	ssyncset.done $0x0  }
0x26b: {  	[sflag:s7] =	ssyncadd.s32 $0xFFFFE000  }
0x26c: {  	[tilespmem:s6], [sflag:$0x3] =	stream.linear.gather [spmem:s5], $0x2000, $0x38;
	[tilespmem:$0x1C000] =	vst v63  }
0x26d: {  	_ =	swait.ge [sflag:s7], $0x2000  }
0x26e: {  	[sflag:s7] =	ssyncset.done $0x0  }
0x26f: {  	s15 =	rddreg [dreg:$0x1c];
	[sflag:s7] =	ssyncadd.s32 $0xFFFFE000  }
0x270: {  	[hbm4b:s15+s3] =	stream.linear.scatter [tilespmem:s6], [sflag:$0x3], $0x2000, $0x38;
	[tilespmem:$0x1C000] =	vst v63  }
0x271: {  	_ =	swait.ge [sflag:s7], $0x2000  }
0x272: {  	s4 =	sld [smem:$0x7EC];
	_ =	sdelay $0x2  }
0x273: {  	s15 =	rddreg [dreg:$0x1e];
	s5 =	sadd.s32 $0x1, s4  }
0x274: {  	p0 =	sne.s32 s5, s15  }
.Ltmp2:
0x275: {  	_ = 	snop;
	(pc) =	sbr.rel @p0 .LBB2_1-.Ltmp2, $3  }
0x276: {  	_ =	sdelay $0x1  }
0x277: {  	[sflag:s7] =	ssyncset.done $0x0  }
0x278: {  	[sflag:s7] =	ssyncadd.s32 $0xFFFFE000  }
0x279: {  	_ =	sfence.sel $0x180000  }
0x27a: {  	[bflag:$0x0] =	sbarrier.arrive $0xFFFF  }
0x27b: {  	_ =	strace $0x90000050  }
0x27c: {  	s0 =	stileid.u32;
	[bflag:$0x2] =	sbarrier.arrive $0xFFFF  }
0x27d: {  	p0 =	sne.s32 s0, $0x0;
	s0 =	rddreg [dreg:$0x3]  }
0x27e: {  	s0 =	sadd.s32 @!p0 $0x100000, s0  }
0x27f: {  	[sflag:s0] =	ssyncadd.tile.s32 @!p0 $0x1;
	_ =	shalt  }
.Lfunc_end2:
_tile_overlayer_lowered:
.L_overlay_start_2:
0x280: {  	(tag) =	ssettag $0x2  }
0x281: {  	s0 =	rddreg [dreg:$0x0];
	s2 =	stileid.u32  }
0x282: {  	s1 =	rddreg [dreg:$0x1];
	p0 =	sne.s32 s2, $0x0  }
0x283: {  	s3 =	rddreg [dreg:$0x2];
	[bflag:$0x3] =	sbarrier.arrive $0xFFFF;
	s2 =	simm.s32 @!p0 $0x1C03  }
0x284: {  	[timem:s3], [sflag:s2] =	dma.local @!p0 [hbm:s0], s1  }
0x285: {  	s0 =	simm.s32 @!p0 $0x3  }
0x286: {  	_ =	swait.ge @!p0 [sflag:s0], s1  }
0x287: {  	s1 =	ssub.s32 @!p0 $0x0, s1;
	[sflag:s0] =	ssyncset.done @!p0 $0x0  }
0x288: {  	[sflag:s0] =	ssyncadd.s32 @!p0 s1  }
0x289: {  	[bflag:$0x3] =	sbarrier.arrive $0xFFFF  }
0x28a: {  	_ =	shalt  }

// kernel: kernel.9.cloned.1.call-start
scs
__scs_entry_jumppad:
0x0: {  	(pc) =	sbr.rel $0x88, $3  }
0x1: {  	(tag) =	ssettag $0x0;
	lr =	simm.s32 $0x1  }
0x2: {  	[smem:$0x3F96] =	sst lr;
	_ =	strace $0xD0000000  }
0x3: {  	_ = 	snop  }
0x4: {  	_ = 	snop  }
0x5: {  	_ = 	snop  }
0x6: {  	_ = 	snop  }
0x7: {  	_ = 	snop  }
__scs_overlays_trampoline_lowered:
0x8: {  	[smem:$0x3FA5] =	sst s0  }
0x9: {  	[smem:$0x3FA6] =	sst s1  }
0xa: {  	[smem:$0x3FA7] =	sst s2  }
0xb: {  	[smem:$0x3FA8] =	sst s3  }
0xc: {  	[smem:$0x3FA9] =	sst s4  }
0xd: {  	[smem:$0x3FAA] =	sst s5  }
0xe: {  	[smem:$0x3FAB] =	sst s6  }
0xf: {  	[smem:$0x3FAC] =	sst s7  }
0x10: {  	[smem:$0x3FAD] =	sst s8  }
0x11: {  	[smem:$0x3FAE] =	sst s9;
	s0 =	simm.s32 @!p0 $0x0  }
0x12: {  	s1 =	sld [smem:$0x3F94];
	s0 =	simm.s32 @p0 $0x1  }
0x13: {  	[smem:$0x3FAF] =	sst s0;
	s0 =	simm.s32 @!p1 $0x0  }
0x14: {  	s2 =	sld [smem:$0x3F93];
	s0 =	simm.s32 @p1 $0x1  }
0x15: {  	[smem:$0x3FB0] =	sst s0;
	s0 =	simm.s32 @!p2 $0x0  }
0x16: {  	s3 =	sld [smem:$0x3FDB];
	s0 =	simm.s32 @p2 $0x1  }
0x17: {  	s4 =	simm.s32 $0x1BF5;
	[smem:$0x3FB2] =	sst s0  }
0x18: {  	s0 =	sld [smem:$0x3F95];
	_ =	swait.ge [sflag:s4], $0x0  }
0x19: {  	s7 =	sld [smem:$0x3F96]  }
0x1a: {  	s8 =	sadd.s32 $0xFFFFE003, lr  }
0x1b: {  	s9 =	sadd.s32 $0xFFFFFEF7, lr;
	s5 =	simm.s32 $0xFFFFFFFF;
	p2 =	slt.u32 s8, $0xFFFFF086  }
0x1c: {  	p1 =	slt.u32 s9, $0xF7A;
	s5 =	simm.s32 @!p2 $0x0  }
0x1d: {  	s5 =	simm.s32 @p1 $0x1;
	p0 =	seq.s32 s7, s2  }
0x1e: {  	s7 =	smul.u32 @!p0 $0xF7A, s2;
	p2 =	seq.s32 @!p0 s5, $0x0  }
0x1f: {  	s9 =	smul.u32 $0xF7A, s1;
	s8 =	simm.s32 @!p0 $0x1BF5;
	p2 =	por !p2, p0  }
0x20: {  	[sflag:s8] =	ssyncset.s32 @!p0 $0xFFFFF086;
	s6 =	sadd.s32 @!p0 s3, s7;
	s7 =	simm.s32 @!p0 $0x108  }
0x21: {  	s3 =	sadd.s32 s3, s9;
	s6 =	sadd.s32 @!p0 $0x88, s6;
	s7 =	simm.s32 @p2 $0x1082  }
0x22: {  	[simem:s7], [sflag:s8] =	dma.local @!p0 [hbm:s6], $0xF7A  }
0x23: {  	s9 =	sor.u32 $0xD0000000, s2;
	s6 =	simm.s32 $0x108;
	_ =	swait.ge @!p0 [sflag:s8], $0x0  }
0x24: {  	s3 =	sadd.s32 $0x88, s3;
	s6 =	simm.s32 @!p1 $0x1082;
	[sflag:s4] =	ssyncset.s32 $0xFFFFF086  }
0x25: {  	[simem:s6], [sflag:s4] =	dma.local [hbm:s3], $0xF7A  }
0x26: {  	[smem:$0x3F96] =	sst s1;
	(tag) =	ssettag s2;
	_ =	strace s9  }
0x27: {  	s1 =	sld [smem:$0x3FA6]  }
0x28: {  	s2 =	sld [smem:$0x3FA7]  }
0x29: {  	s4 =	sld [smem:$0x3FA9]  }
0x2a: {  	p0 =	seq.s32 s5, $0x0;
	s5 =	sld [smem:$0x3FAA]  }
0x2b: {  	s6 =	sld [smem:$0x3FAB]  }
0x2c: {  	s7 =	sld [smem:$0x3FAC]  }
0x2d: {  	s3 =	simm.s32 $0x108;
	s8 =	sld [smem:$0x3FAD]  }
0x2e: {  	s3 =	simm.s32 @!p0 $0x1082;
	s9 =	sld [smem:$0x3FAE]  }
0x2f: {  	lr =	sadd.s32 s0, s3;
	s0 =	sld [smem:$0x3FA5]  }
0x30: {  	s3 =	sld [smem:$0x3FA8]  }
0x31: {  	[smem:$0x3FB1] =	sst s10  }
0x32: {  	s10 =	sld [smem:$0x3FAF];
	_ =	sdelay $0x3  }
0x33: {  	p0 =	seq.s32 s10, $0x1;
	s10 =	sld [smem:$0x3FB1];
	_ =	sdelay $0x3  }
0x34: {  	[smem:$0x3FB1] =	sst s10  }
0x35: {  	s10 =	sld [smem:$0x3FB0];
	_ =	sdelay $0x3  }
0x36: {  	p1 =	seq.s32 s10, $0x1;
	s10 =	sld [smem:$0x3FB1];
	_ =	sdelay $0x3  }
0x37: {  	[smem:$0x3FB1] =	sst s10  }
0x38: {  	s10 =	sld [smem:$0x3FB2]  }
0x39: {  	_ = 	snop;
	(pc) =	sbr.ind lr, $3  }
0x3a: {  	_ = 	snop  }
0x3b: {  	_ = 	snop  }
0x3c: {  	p2 =	seq.s32 s10, $0x1;
	s10 =	sld [smem:$0x3FB1]  }
0x3d: {  	_ =	shalt  }
0x3e: {  	_ =	shalt  }
0x3f: {  	_ =	shalt  }
0x40: {  	_ =	shalt  }
0x41: {  	_ =	shalt  }
0x42: {  	_ =	shalt  }
0x43: {  	_ =	shalt  }
0x44: {  	_ =	shalt  }
0x45: {  	_ =	shalt  }
0x46: {  	_ =	shalt  }
0x47: {  	_ =	shalt  }
0x48: {  	_ =	shalt  }
0x49: {  	_ =	shalt  }
0x4a: {  	_ =	shalt  }
0x4b: {  	_ =	shalt  }
0x4c: {  	_ =	shalt  }
0x4d: {  	_ =	shalt  }
0x4e: {  	_ =	shalt  }
0x4f: {  	_ =	shalt  }
0x50: {  	_ =	shalt  }
0x51: {  	_ =	shalt  }
0x52: {  	_ =	shalt  }
0x53: {  	_ =	shalt  }
0x54: {  	_ =	shalt  }
0x55: {  	_ =	shalt  }
0x56: {  	_ =	shalt  }
0x57: {  	_ =	shalt  }
0x58: {  	_ =	shalt  }
0x59: {  	_ =	shalt  }
0x5a: {  	_ =	shalt  }
0x5b: {  	_ =	shalt  }
0x5c: {  	_ =	shalt  }
0x5d: {  	_ =	shalt  }
0x5e: {  	_ =	shalt  }
0x5f: {  	_ =	shalt  }
0x60: {  	_ =	shalt  }
0x61: {  	_ =	shalt  }
0x62: {  	_ =	shalt  }
0x63: {  	_ =	shalt  }
0x64: {  	_ =	shalt  }
0x65: {  	_ =	shalt  }
0x66: {  	_ =	shalt  }
0x67: {  	_ =	shalt  }
0x68: {  	_ =	shalt  }
0x69: {  	_ =	shalt  }
0x6a: {  	_ =	shalt  }
0x6b: {  	_ =	shalt  }
0x6c: {  	_ =	shalt  }
0x6d: {  	_ =	shalt  }
0x6e: {  	_ =	shalt  }
0x6f: {  	_ =	shalt  }
0x70: {  	_ =	shalt  }
0x71: {  	_ =	shalt  }
0x72: {  	_ =	shalt  }
0x73: {  	_ =	shalt  }
0x74: {  	_ =	shalt  }
0x75: {  	_ =	shalt  }
0x76: {  	_ =	shalt  }
0x77: {  	_ =	shalt  }
0x78: {  	_ =	shalt  }
0x79: {  	_ =	shalt  }
0x7a: {  	_ =	shalt  }
0x7b: {  	_ =	shalt  }
0x7c: {  	_ =	shalt  }
0x7d: {  	_ =	shalt  }
0x7e: {  	_ =	shalt  }
0x7f: {  	_ =	shalt  }
0x80: {  	_ =	shalt  }
0x81: {  	_ =	shalt  }
0x82: {  	_ =	shalt  }
0x83: {  	_ =	shalt  }
0x84: {  	_ =	shalt  }
0x85: {  	_ =	shalt  }
0x86: {  	_ =	shalt  }
0x87: {  	_ =	shalt  }
.Lfunc_end0:
.L_simem_size_0:
called_computation_lowered:
.L_overlay_start_0:
0x88: {  	s2 =	sld [smem:$0x3FD9]  }
0x89: {  	s3 =	sld [smem:$0x3FFE];
	_ =	sdelay $0x1  }
0x8a: {  	s1 =	srdreg.scid  }
0x8b: {  	s0 =	sand.u32 $0x1, s1  }
0x8c: {  	s17 =	sshll.u32 s0, $0xA;
	s2 =	sadd.s32 s3, s2  }
0x8d: {  	s2 =	sadd.s32 s2, s17  }
0x8e: {  	[smem:$0x3FBD] =	sst s2  }
0x8f: {  	_ = 	snop  }
0x90: {  	(tm) =	ssettm $0x1  }
0x91: {  	s18 =	sld [smem:$0x3FFB];
	_ =	sdelay $0x3  }
0x92: {  	_ =	strace s18  }
0x93: {  	s2 =	sld [smem:$0x3FFC];
	_ =	sdelay $0x3  }
0x94: {  	_ =	strace s2  }
0x95: {  	s2 =	sld [smem:$0x3FFD];
	_ =	sdelay $0x3  }
0x96: {  	_ =	strace s2  }
0x97: {  	_ =	strace $0x8FFFFFFF  }
0x98: {  	s19 =	sld [smem:$0x3FDB];
	_ =	sdelay $0x1  }
0x99: {  	s20 =	simm.s32 $_scs_section_size  }
0x9a: {  	s4 =	simm.s32 $_size__tile_overlayer_lowered;
	s5 =	simm.s32 $_tile_overlayer_lowered  }
0x9b: {  	s6 =	simm.s32 $0x1BFF;
	s21 =	sshll.u32 s5, $0x1;
	s3 =	sadd.s32 s20, s19  }
0x9c: {  	s22 =	simm.s32 $0x0;
	s4 =	sshll.u32 s4, $0x1;
	s5 =	sadd.s32 s21, s3  }
0x9d: {  	[timem:s22], [sflag:s6] =	dma.local [hbm:s5], s4  }
0x9e: {  	_ =	swait.ge [sflag:s6], s4  }
0x9f: {  	s4 =	ssub.s32 $0x0, s4;
	[sflag:s6] =	ssyncset.done $0x0  }
0xa0: {  	[sflag:s6] =	ssyncadd.s32 s4;
	_ =	sdelay $0x1  }
0xa1: {  	s23 =	simm.s32 $0x1B8B  }
0xa2: {  	_ =	swait.ge [sflag:s23], $0x1  }
0xa3: {  	[sflag:s23] =	ssyncset.done $0x0  }
0xa4: {  	[sflag:s23] =	ssyncadd.s32 $0xFFFFFFFF  }
0xa5: {  	s4 =	sld [smem:$0x0]  }
0xa6: {  	s5 =	sand.u32 $0xFFFFFFFE, s1  }
0xa7: {  	p0 =	sne.s32 s1, s5  }
0xa8: {  	s5 =	sshll.u32 @p0 s5, $0xE  }
0xa9: {  	s5 =	sadd.s32 @p0 $0x11B8D, s5;
	s6 =	sshll.u32 @p0 s4, $0x11  }
0xaa: {  	s5 =	sor.u32 @p0 s6, s5  }
0xab: {  	[sflag:s5] =	ssyncadd.remote.s32 @p0 $0x1;
	_ =	sdelay $0x1  }
0xac: {  	s5 =	simm.s32 @p0 $0x1B8D  }
0xad: {  	_ =	swait.eq @p0 [sflag:s5], $0x1  }
0xae: {  	[sflag:s5] =	ssyncadd.s32 @p0 $0xFFFFFFFF  }
0xaf: {  	s6 =	sshll.u32 @!p0 s1, $0xE  }
0xb0: {  	s6 =	sor.u32 @!p0 $0x4000, s6;
	s5 =	simm.s32 @!p0 $0x1B8D  }
0xb1: {  	s4 =	sshll.u32 @!p0 s4, $0x11;
	s6 =	sadd.s32 @!p0 $0x11B8D, s6;
	_ =	swait.eq @!p0 [sflag:s5], $0x1  }
0xb2: {  	s4 =	sor.u32 @!p0 s4, s6;
	[sflag:s5] =	ssyncadd.s32 @!p0 $0xFFFFFFFF  }
0xb3: {  	s25 =	simm.s32 $0x1B8E;
	s24 =	sld [smem:$0x3FFE];
	[sflag:s4] =	ssyncadd.remote.s32 @!p0 $0x1  }
0xb4: {  	s26 =	simm.s32 $execute0_lowered;
	[smem:$0x3FD2] =	sst s25  }
0xb5: {  	s5 =	sshll.u32 s26, $0x1;
	_ =	strace $0x80000049;
	[dreg:$0x1] =	wrdreg $0xFFFFFFFF  }
0xb6: {  	s28 =	simm.s32 $_size_execute0_lowered;
	s3 =	sadd.s32 s3, s5;
	[dreg:$0x0] =	wrdreg $0x0  }
0xb7: {  	s5 =	sshll.u32 s28, $0x1;
	[dreg:$0x2] =	wrdreg s3  }
0xb8: {  	[dreg:$0x3] =	wrdreg s5  }
0xb9: {  	[dreg:$0x4] =	wrdreg $0xC0  }
0xba: {  	_ =	task [dreg:s22], $0x5FFFF  }
0xbb: {  	[dreg:$0x1] =	wrdreg $0xFFFFFFFF  }
0xbc: {  	[dreg:$0x0] =	wrdreg $0x60  }
0xbd: {  	[dreg:$0x2] =	wrdreg s24  }
0xbe: {  	[dreg:$0x3] =	wrdreg $0x80000  }
0xbf: {  	[dreg:$0x4] =	wrdreg $0x9  }
0xc0: {  	_ =	task.clear_ibuf [dreg:s22], $0x5FFFF;
	_ =	strace $0x90000049  }
0xc1: {  	s29 =	simm.s32 $0x9;
	_ =	strace $0x8000004B  }
0xc2: {  	_ =	swait.ge [sflag:s29], $0x1  }
0xc3: {  	[sflag:s29] =	ssyncadd.s32 $0xFFFFFFFF  }
0xc4: {  	_ =	strace $0x9000004B  }
0xc5: {  	_ =	sfence  }
0xc6: {  	s30 =	sld [smem:$0x0];
	_ =	sdelay $0x2  }
0xc7: {  	s31 =	sshll.u32 s1, $0xD;
	s1 =	sshrl.u32 s1, $0x2  }
0xc8: {  	s4 =	sand.u32 $0x4000, s31;
	s1 =	sadd.s32 s1, s30  }
0xc9: {  	s0 =	sor.u32 s4, s0;
	s1 =	sshll.u32 s1, $0x11  }
0xca: {  	s0 =	sor.u32 s1, s0  }
0xcb: {  	s0 =	sadd.s32 $0x8F2B, s0  }
0xcc: {  	[sflag:s0] =	ssyncadd.remote.s32 $0x1  }
0xcd: {  	_ =	sfence.sel $0xFFFF  }
0xce: {  	[dreg:$0x0] =	wrdreg $0xFFFFFFFF;
	(pc) =	sbr.abs _section_cstart, $3  }
0xcf: {  	[dreg:$0x1] =	wrdreg $0xFFFFFFFF  }
0xd0: {  	_ =	task.clear_ibuf [dreg:s22], $0x2FFFF;
	_ =	strace $0x9FFFFFFF  }
0xd1: {  	(tm) =	ssettm $0x7FFFFFFF  }
tec
execute0_lowered:
.L_overlay_start_1:
0x0: {  	(tag) =	ssettag $0x1  }
0x1: {  	s0 =	rddreg [dreg:$0x0]  }
0x2: {  	s1 =	rddreg [dreg:$0x1];
	s2 =	simm.s32 $0x0  }
0x3: {  	s3 =	srdreg.scid;
	s17 =	stileid.u32;
	s19 =	simm.s32 $0x80  }
0x4: {  	s21 =	simm.s32 $0x100;
	s22 =	simm.s32 $0x880;
	s23 =	simm.s32 $0x180  }
0x5: {  	s24 =	simm.s32 $0x900;
	s26 =	simm.s32 $0x200;
	[smem:$0x7FF] =	sst s2  }
0x6: {  	s28 =	simm.s32 $0xE00;
	_ =	strace $0x8000004A;
	[dreg:$0x5] =	wrdreg s19  }
0x7: {  	s29 =	simm.s32 $0x700;
	s30 =	simm.s32 $0xE80;
	[dreg:$0x6] =	wrdreg s21  }
0x8: {  	s31 =	simm.s32 $0x780;
	s3 =	sand.u32 $0x1, s3;
	[dreg:$0x7] =	wrdreg s22  }
0x9: {  	s10 =	smul.u32 $0x14000, s17;
	s7 =	sadd.s32 $0x33200, s0;
	[dreg:$0x8] =	wrdreg s23  }
0xa: {  	s12 =	sshll.u32 s17, $0xB;
	s4 =	ssub.s32 $0x2, s3;
	[dreg:$0x9] =	wrdreg s24  }
0xb: {  	s6 =	smul.u32 $0x140000, s3;
	[dreg:$0xa] =	wrdreg s26;
	s19 =	simm.s32 $0x300  }
0xc: {  	s3 =	sshll.u32 s3, $0xF;
	s23 =	simm.s32 $0xA80;
	[dreg:$0xe] =	wrdreg s19  }
0xd: {  	s24 =	simm.s32 $0x380;
	s26 =	simm.s32 $0xB00;
	[dreg:$0xf] =	wrdreg s23  }
0xe: {  	s5 =	sshrl.u32 s4, $0x1;
	s11 =	sadd.s32 s3, s0;
	[dreg:$0x10] =	wrdreg s24  }
0xf: {  	[dreg:$0x11] =	wrdreg s26;
	s3 =	ssub.s32 s4, s5;
	s11 =	sadd.s32 s12, s11  }
0x10: {  	s9 =	sadd.s32 s6, s10;
	s4 =	sor.u32 $0x2000, s10;
	s18 =	sadd.s32 $0x3000, s11  }
0x11: {  	s5 =	sadd.s32 $0x4000, s10;
	s11 =	sadd.s32 $0x23200, s11;
	[dreg:$0x3] =	wrdreg s18  }
0x12: {  	s8 =	sshrl.u32 s9, $0x3;
	s3 =	smax.u32 s3, $0x1;
	[dreg:$0x4] =	wrdreg s11  }
0x13: {  	s9 =	sadd.s32 s6, s4;
	s4 =	sadd.s32 s4, s1;
	[dreg:$0x1d] =	wrdreg s3  }
0x14: {  	s14 =	sadd.s32 s6, s5;
	s8 =	sadd.s32 s7, s8;
	[dreg:$0x1e] =	wrdreg s4  }
0x15: {  	s13 =	sshrl.u32 s9, $0x3;
	s18 =	simm.s32 $0xA00;
	[dreg:$0x12] =	wrdreg s8  }
0x16: {  	s9 =	sshrl.u32 s14, $0x3;
	s8 =	sadd.s32 s7, s13;
	[dreg:$0xd] =	wrdreg s18  }
0x17: {  	s9 =	sadd.s32 s7, s9;
	[dreg:$0x13] =	wrdreg s8;
	s8 =	sadd.s32 $0x6000, s10  }
0x18: {  	[dreg:$0x14] =	wrdreg s9;
	s9 =	sadd.s32 $0x8000, s10;
	s13 =	sadd.s32 s6, s8  }
0x19: {  	s14 =	sadd.s32 s6, s9;
	s8 =	sadd.s32 s8, s1;
	s13 =	sshrl.u32 s13, $0x3  }
0x1a: {  	s16 =	sshrl.u32 s14, $0x3;
	[smem:$0x7EE] =	sst s8;
	s15 =	sadd.s32 s7, s13  }
0x1b: {  	s22 =	smul.u32 $0x50000, s17;
	s12 =	sadd.s32 s7, s16;
	[dreg:$0x15] =	wrdreg s15  }
0x1c: {  	s16 =	simm.s32 $0x280;
	[dreg:$0x16] =	wrdreg s12;
	s12 =	sadd.s32 $0xA000, s10  }
0x1d: {  	s15 =	simm.s32 $0x980;
	[dreg:$0xc] =	wrdreg s16;
	s16 =	sadd.s32 $0x10000, s10  }
0x1e: {  	s20 =	sadd.s32 s6, s12;
	[dreg:$0xb] =	wrdreg s15;
	s15 =	sadd.s32 $0xE000, s10  }
0x1f: {  	s21 =	sadd.s32 s6, s16;
	s12 =	sadd.s32 s12, s1;
	s16 =	sadd.s32 s16, s1  }
0x20: {  	s13 =	sshrl.u32 s20, $0x3;
	s20 =	sadd.s32 s6, s15;
	[smem:$0x7F0] =	sst s12  }
0x21: {  	s11 =	sshrl.u32 s21, $0x3;
	s15 =	sadd.s32 s15, s1;
	[smem:$0x7F3] =	sst s16  }
0x22: {  	s13 =	sadd.s32 s7, s13;
	s11 =	sadd.s32 s7, s11;
	[smem:$0x7F2] =	sst s15  }
0x23: {  	[dreg:$0x17] =	wrdreg s13;
	s13 =	sadd.s32 $0xC000, s10;
	s10 =	sadd.s32 $0x12000, s10  }
0x24: {  	[dreg:$0x1a] =	wrdreg s11;
	s11 =	sadd.s32 s9, s1;
	s25 =	sadd.s32 s6, s13  }
0x25: {  	s6 =	sadd.s32 s6, s10;
	[smem:$0x7EF] =	sst s11;
	s13 =	sadd.s32 s13, s1  }
0x26: {  	s17 =	sadd.s32 s10, s1;
	s14 =	sshrl.u32 s25, $0x3;
	[smem:$0x7F1] =	sst s13  }
0x27: {  	s6 =	sshrl.u32 s6, $0x3;
	[smem:$0x7F4] =	sst s17;
	s14 =	sadd.s32 s7, s14  }
0x28: {  	s25 =	sshrl.u32 s22, $0x2;
	s6 =	sadd.s32 s7, s6;
	[dreg:$0x18] =	wrdreg s14  }
0x29: {  	s14 =	sshrl.u32 s20, $0x3;
	[dreg:$0x1b] =	wrdreg s6;
	s6 =	sadd.s32 s25, s1  }
0x2a: {  	s3 =	simm.s32 $0xF80;
	s14 =	sadd.s32 s7, s14;
	[dreg:$0x1c] =	wrdreg s6  }
0x2b: {  	s8 =	simm.s32 $0x800;
	s7 =	sadd.s32 s5, s1;
	[dreg:$0x19] =	wrdreg s14  }
0x2c: {  	s12 =	simm.s32 $0x1;
	s18 =	sadd.s32 $0x2000, s6;
	[dreg:$0x1f] =	wrdreg s7  }
0x2d: {  	s16 =	simm.s32 $0x400;
	s19 =	sadd.s32 $0x4000, s6;
	[smem:$0x7F5] =	sst s18  }
0x2e: {  	s9 =	simm.s32 $0x50;
	s20 =	sadd.s32 $0x6000, s6;
	[smem:$0x7F6] =	sst s19  }
0x2f: {  	s10 =	simm.s32 $0x1000;
	s21 =	sadd.s32 $0x8000, s6;
	[smem:$0x7F7] =	sst s20  }
0x30: {  	s11 =	simm.s32 $0x3800;
	s22 =	sadd.s32 $0xA000, s6;
	[smem:$0x7F8] =	sst s21  }
0x31: {  	s13 =	simm.s32 $0x2;
	s23 =	sadd.s32 $0xC000, s6;
	[smem:$0x7F9] =	sst s22  }
0x32: {  	s17 =	simm.s32 $0xB80;
	s24 =	sadd.s32 $0xE000, s6;
	[smem:$0x7FA] =	sst s23  }
0x33: {  	s25 =	sadd.s32 $0x10000, s6;
	s26 =	sadd.s32 $0x12000, s6;
	[smem:$0x7FB] =	sst s24  }
0x34: {  	s5 =	simm.s32 $0x0;
	s14 =	sadd.s32 $0x23000, s0;
	[smem:$0x7FC] =	sst s25  }
0x35: {  	[smem:$0x7FD] =	sst s26;
	s7 =	simm.s32 $0x3;
	s18 =	simm.s32 $0x480  }
0x36: {  	s19 =	simm.s32 $0xC00;
	s20 =	simm.s32 $0x500;
	s21 =	simm.s32 $0xC80  }
0x37: {  	s22 =	simm.s32 $0x580;
	s23 =	simm.s32 $0xD00;
	s24 =	simm.s32 $0x600  }
0x38: {  	v0 =	vimm.f32 $0.0e+00;
	s25 =	simm.s32 $0xD80;
	s26 =	simm.s32 $0x680;
	s0 =	simm.s32 $0xF00  }
.LBB2_1:
0x39: {  	[smem:$0x7ED] =	sst s5;
	s5 =	simm.s32 $0x0;
	s15 =	simm.s32 $0x200  }
.LBB2_2:
0x3a: {  	p0 =	sne.s32 s15, $0x7E00;
	[tilespmem:s5+$0x6070] =	vst v0  }
0x3b: {  	[tilespmem:s5+$0x6000] =	vst v0  }
0x3c: {  	[tilespmem:s5+$0x6010] =	vst v0  }
.Ltmp0:
0x3d: {  	[tilespmem:s5+$0x6020] =	vst v0;
	(pc) =	sbr.rel @p0 .LBB2_2-.Ltmp0, $4  }
0x3e: {  	[tilespmem:s5+$0x6030] =	vst v0  }
0x3f: {  	[tilespmem:s5+$0x6040] =	vst v0  }
0x40: {  	[tilespmem:s5+$0x6050] =	vst v0  }
0x41: {  	[tilespmem:s5+$0x6060] =	vst v0;
	s5 =	sshra.s32 s15, $0x2;
	s15 =	sadd.s32 $0x200, s15  }
0x42: {  	[tilespmem:s5+$0x6070] =	vst v0  }
0x43: {  	[tilespmem:s5+$0x6000] =	vst v0  }
0x44: {  	[tilespmem:s5+$0x6010] =	vst v0  }
0x45: {  	[tilespmem:s5+$0x6020] =	vst v0  }
0x46: {  	[tilespmem:s5+$0x6030] =	vst v0  }
0x47: {  	[tilespmem:s5+$0x6040] =	vst v0  }
0x48: {  	[tilespmem:s5+$0x6050] =	vst v0  }
0x49: {  	[tilespmem:s5+$0x6060] =	vst v0;
	s5 =	simm.s32 $0x6000  }
0x4a: {  	[spmem:s6] =	stream.linear.scatter [tilespmem:s5], [sflag:$0x3], $0x2000, $0x38;
	[tilespmem:$0x1C000] =	vst v63  }
0x4b: {  	_ =	swait.ge [sflag:s7], $0x2000  }
0x4c: {  	s4 =	sld [smem:$0x7F5]  }
0x4d: {  	[sflag:s7] =	ssyncset.done $0x0  }
0x4e: {  	[sflag:s7] =	ssyncadd.s32 $0xFFFFE000  }
0x4f: {  	[spmem:s4] =	stream.linear.scatter [tilespmem:s5], [sflag:$0x3], $0x2000, $0x38;
	[tilespmem:$0x1C000] =	vst v63  }
0x50: {  	_ =	swait.ge [sflag:s7], $0x2000  }
0x51: {  	s6 =	sld [smem:$0x7F6]  }
0x52: {  	[sflag:s7] =	ssyncset.done $0x0  }
0x53: {  	[sflag:s7] =	ssyncadd.s32 $0xFFFFE000  }
0x54: {  	[spmem:s6] =	stream.linear.scatter [tilespmem:s5], [sflag:$0x3], $0x2000, $0x38;
	[tilespmem:$0x1C000] =	vst v63  }
0x55: {  	_ =	swait.ge [sflag:s7], $0x2000  }
0x56: {  	s15 =	sld [smem:$0x7F7]  }
0x57: {  	[sflag:s7] =	ssyncset.done $0x0  }
0x58: {  	[sflag:s7] =	ssyncadd.s32 $0xFFFFE000  }
0x59: {  	[spmem:s15] =	stream.linear.scatter [tilespmem:s5], [sflag:$0x3], $0x2000, $0x38;
	[tilespmem:$0x1C000] =	vst v63  }
0x5a: {  	_ =	swait.ge [sflag:s7], $0x2000  }
0x5b: {  	s6 =	sld [smem:$0x7F8]  }
0x5c: {  	[sflag:s7] =	ssyncset.done $0x0  }
0x5d: {  	[sflag:s7] =	ssyncadd.s32 $0xFFFFE000  }
0x5e: {  	[spmem:s6] =	stream.linear.scatter [tilespmem:s5], [sflag:$0x3], $0x2000, $0x38;
	[tilespmem:$0x1C000] =	vst v63  }
0x5f: {  	_ =	swait.ge [sflag:s7], $0x2000  }
0x60: {  	s15 =	sld [smem:$0x7F9]  }
0x61: {  	[sflag:s7] =	ssyncset.done $0x0  }
0x62: {  	[sflag:s7] =	ssyncadd.s32 $0xFFFFE000  }
0x63: {  	[spmem:s15] =	stream.linear.scatter [tilespmem:s5], [sflag:$0x3], $0x2000, $0x38;
	[tilespmem:$0x1C000] =	vst v63  }
0x64: {  	_ =	swait.ge [sflag:s7], $0x2000  }
0x65: {  	s6 =	sld [smem:$0x7FA]  }
0x66: {  	[sflag:s7] =	ssyncset.done $0x0  }
0x67: {  	[sflag:s7] =	ssyncadd.s32 $0xFFFFE000  }
0x68: {  	[spmem:s6] =	stream.linear.scatter [tilespmem:s5], [sflag:$0x3], $0x2000, $0x38;
	[tilespmem:$0x1C000] =	vst v63  }
0x69: {  	_ =	swait.ge [sflag:s7], $0x2000  }
0x6a: {  	s15 =	sld [smem:$0x7FB]  }
0x6b: {  	[sflag:s7] =	ssyncset.done $0x0  }
0x6c: {  	[sflag:s7] =	ssyncadd.s32 $0xFFFFE000  }
0x6d: {  	[spmem:s15] =	stream.linear.scatter [tilespmem:s5], [sflag:$0x3], $0x2000, $0x38;
	[tilespmem:$0x1C000] =	vst v63  }
0x6e: {  	_ =	swait.ge [sflag:s7], $0x2000  }
0x6f: {  	s6 =	sld [smem:$0x7FC]  }
0x70: {  	[sflag:s7] =	ssyncset.done $0x0  }
0x71: {  	[sflag:s7] =	ssyncadd.s32 $0xFFFFE000  }
0x72: {  	[spmem:s6] =	stream.linear.scatter [tilespmem:s5], [sflag:$0x3], $0x2000, $0x38;
	[tilespmem:$0x1C000] =	vst v63  }
0x73: {  	_ =	swait.ge [sflag:s7], $0x2000  }
0x74: {  	s15 =	sld [smem:$0x7FD]  }
0x75: {  	[sflag:s7] =	ssyncset.done $0x0  }
0x76: {  	[sflag:s7] =	ssyncadd.s32 $0xFFFFE000  }
0x77: {  	[spmem:s15] =	stream.linear.scatter [tilespmem:s5], [sflag:$0x3], $0x2000, $0x38;
	[tilespmem:$0x1C000] =	vst v63  }
0x78: {  	_ =	swait.ge [sflag:s7], $0x2000  }
0x79: {  	[sflag:s7] =	ssyncset.done $0x0  }
0x7a: {  	[sflag:s7] =	ssyncadd.s32 $0xFFFFE000  }
0x7b: {  	[bflag:$0x0] =	sbarrier.arrive $0xFFFF  }
0x7c: {  	s5 =	rddreg [dreg:$0x4]  }
0x7d: {  	s4 =	sadd.s32 $0x0, s5  }
0x7e: {  	[tilespmem:s2], [sflag:$0x3] =	stream.linear.gather [hbm4b:s4+s2], $0x800, $0x38;
	[tilespmem:$0x1C000] =	vst v63  }
0x7f: {  	_ =	swait.ge [sflag:s7], $0x800  }
0x80: {  	s6 =	rddreg [dreg:$0x3];
	[sflag:s7] =	ssyncset.done $0x0  }
0x81: {  	[sflag:s7] =	ssyncadd.s32 $0xFFFFF800;
	s4 =	sadd.s32 $0x0, s6  }
0x82: {  	[tilespmem:s8], [sflag:$0x3] =	stream.linear.gather [hbm4b:s4+s2], $0x800, $0x38;
	[tilespmem:$0x1C000] =	vst v63  }
0x83: {  	_ =	swait.ge [sflag:s7], $0x800  }
0x84: {  	[sflag:s7] =	ssyncset.done $0x0  }
0x85: {  	[sflag:s7] =	ssyncadd.s32 $0xFFFFF800  }
0x86: {  	[tilespmem:s10], [sflag:$0x1] =	stream.indirect.gather [hbm4b:s14+s9], $0x80, s2, s9, $0xb8;
	[tilespmem:$0x1C000] =	vst v63  }
0x87: {  	s15 =	rddreg [dreg:$0x5]  }
0x88: {  	[tilespmem:s11], [sflag:$0x2] =	stream.indirect.gather [hbm4b:s14+s9], $0x80, s15, s9, $0xb8;
	[tilespmem:$0x1C000] =	vst v63  }
0x89: {  	_ =	swait.ge [sflag:s12], $0x2800  }
0x8a: {  	[sflag:s12] =	ssyncset.done $0x0  }
0x8b: {  	[sflag:s12] =	ssyncadd.s32 $0xFFFFD800  }
0x8c: {  	[spmem:s1] =	stream.indirect.scatter.add.f32 [tilespmem:s10], [sflag:$0x3], $0x80, s8, s9, $0xb8;
	[tilespmem:$0x1C000] =	vst v63  }
0x8d: {  	_ =	swait.ge [sflag:s7], $0x2800  }
0x8e: {  	[sflag:s7] =	ssyncset.done $0x0  }
0x8f: {  	s5 =	rddreg [dreg:$0x6];
	[sflag:s7] =	ssyncadd.s32 $0xFFFFD800  }
0x90: {  	[tilespmem:s10], [sflag:$0x1] =	stream.indirect.gather [hbm4b:s14+s9], $0x80, s5, s9, $0xb8;
	[tilespmem:$0x1C000] =	vst v63  }
0x91: {  	_ =	swait.ge [sflag:s13], $0x2800  }
0x92: {  	[sflag:s13] =	ssyncset.done $0x0  }
0x93: {  	s6 =	rddreg [dreg:$0x7];
	[sflag:s13] =	ssyncadd.s32 $0xFFFFD800  }
0x94: {  	[spmem:s1] =	stream.indirect.scatter.add.f32 [tilespmem:s11], [sflag:$0x3], $0x80, s6, s9, $0xb8;
	[tilespmem:$0x1C000] =	vst v63  }
0x95: {  	_ =	swait.ge [sflag:s7], $0x2800  }
0x96: {  	[sflag:s7] =	ssyncset.done $0x0  }
0x97: {  	s15 =	rddreg [dreg:$0x8];
	[sflag:s7] =	ssyncadd.s32 $0xFFFFD800  }
0x98: {  	[tilespmem:s11], [sflag:$0x2] =	stream.indirect.gather [hbm4b:s14+s9], $0x80, s15, s9, $0xb8;
	[tilespmem:$0x1C000] =	vst v63  }
0x99: {  	_ =	swait.ge [sflag:s12], $0x2800  }
0x9a: {  	[sflag:s12] =	ssyncset.done $0x0  }
0x9b: {  	s5 =	rddreg [dreg:$0x9];
	[sflag:s12] =	ssyncadd.s32 $0xFFFFD800  }
0x9c: {  	[spmem:s1] =	stream.indirect.scatter.add.f32 [tilespmem:s10], [sflag:$0x3], $0x80, s5, s9, $0xb8;
	[tilespmem:$0x1C000] =	vst v63  }
0x9d: {  	_ =	swait.ge [sflag:s7], $0x2800  }
0x9e: {  	[sflag:s7] =	ssyncset.done $0x0  }
0x9f: {  	s6 =	rddreg [dreg:$0xa];
	[sflag:s7] =	ssyncadd.s32 $0xFFFFD800  }
0xa0: {  	[tilespmem:s10], [sflag:$0x1] =	stream.indirect.gather [hbm4b:s14+s9], $0x80, s6, s9, $0xb8;
	[tilespmem:$0x1C000] =	vst v63  }
0xa1: {  	_ =	swait.ge [sflag:s13], $0x2800  }
0xa2: {  	[sflag:s13] =	ssyncset.done $0x0  }
0xa3: {  	s15 =	rddreg [dreg:$0xb];
	[sflag:s13] =	ssyncadd.s32 $0xFFFFD800  }
0xa4: {  	[spmem:s1] =	stream.indirect.scatter.add.f32 [tilespmem:s11], [sflag:$0x3], $0x80, s15, s9, $0xb8;
	[tilespmem:$0x1C000] =	vst v63  }
0xa5: {  	_ =	swait.ge [sflag:s7], $0x2800  }
0xa6: {  	[sflag:s7] =	ssyncset.done $0x0  }
0xa7: {  	s5 =	rddreg [dreg:$0xc];
	[sflag:s7] =	ssyncadd.s32 $0xFFFFD800  }
0xa8: {  	[tilespmem:s11], [sflag:$0x2] =	stream.indirect.gather [hbm4b:s14+s9], $0x80, s5, s9, $0xb8;
	[tilespmem:$0x1C000] =	vst v63  }
0xa9: {  	_ =	swait.ge [sflag:s12], $0x2800  }
0xaa: {  	[sflag:s12] =	ssyncset.done $0x0  }
0xab: {  	s6 =	rddreg [dreg:$0xd];
	[sflag:s12] =	ssyncadd.s32 $0xFFFFD800  }
0xac: {  	[spmem:s1] =	stream.indirect.scatter.add.f32 [tilespmem:s10], [sflag:$0x3], $0x80, s6, s9, $0xb8;
	[tilespmem:$0x1C000] =	vst v63  }
0xad: {  	_ =	swait.ge [sflag:s7], $0x2800  }
0xae: {  	[sflag:s7] =	ssyncset.done $0x0  }
0xaf: {  	s15 =	rddreg [dreg:$0xe];
	[sflag:s7] =	ssyncadd.s32 $0xFFFFD800  }
0xb0: {  	[tilespmem:s10], [sflag:$0x1] =	stream.indirect.gather [hbm4b:s14+s9], $0x80, s15, s9, $0xb8;
	[tilespmem:$0x1C000] =	vst v63  }
0xb1: {  	_ =	swait.ge [sflag:s13], $0x2800  }
0xb2: {  	[sflag:s13] =	ssyncset.done $0x0  }
0xb3: {  	s5 =	rddreg [dreg:$0xf];
	[sflag:s13] =	ssyncadd.s32 $0xFFFFD800  }
0xb4: {  	[spmem:s1] =	stream.indirect.scatter.add.f32 [tilespmem:s11], [sflag:$0x3], $0x80, s5, s9, $0xb8;
	[tilespmem:$0x1C000] =	vst v63  }
0xb5: {  	_ =	swait.ge [sflag:s7], $0x2800  }
0xb6: {  	[sflag:s7] =	ssyncset.done $0x0  }
0xb7: {  	s6 =	rddreg [dreg:$0x10];
	[sflag:s7] =	ssyncadd.s32 $0xFFFFD800  }
0xb8: {  	[tilespmem:s11], [sflag:$0x2] =	stream.indirect.gather [hbm4b:s14+s9], $0x80, s6, s9, $0xb8;
	[tilespmem:$0x1C000] =	vst v63  }
0xb9: {  	_ =	swait.ge [sflag:s12], $0x2800  }
0xba: {  	[sflag:s12] =	ssyncset.done $0x0  }
0xbb: {  	s15 =	rddreg [dreg:$0x11];
	[sflag:s12] =	ssyncadd.s32 $0xFFFFD800  }
0xbc: {  	[spmem:s1] =	stream.indirect.scatter.add.f32 [tilespmem:s10], [sflag:$0x3], $0x80, s15, s9, $0xb8;
	[tilespmem:$0x1C000] =	vst v63  }
0xbd: {  	_ =	swait.ge [sflag:s7], $0x2800  }
0xbe: {  	[sflag:s7] =	ssyncset.done $0x0  }
0xbf: {  	[sflag:s7] =	ssyncadd.s32 $0xFFFFD800  }
0xc0: {  	[tilespmem:s10], [sflag:$0x1] =	stream.indirect.gather [hbm4b:s14+s9], $0x80, s16, s9, $0xb8;
	[tilespmem:$0x1C000] =	vst v63  }
0xc1: {  	_ =	swait.ge [sflag:s13], $0x2800  }
0xc2: {  	[sflag:s13] =	ssyncset.done $0x0  }
0xc3: {  	[sflag:s13] =	ssyncadd.s32 $0xFFFFD800  }
0xc4: {  	[spmem:s1] =	stream.indirect.scatter.add.f32 [tilespmem:s11], [sflag:$0x3], $0x80, s17, s9, $0xb8;
	[tilespmem:$0x1C000] =	vst v63  }
0xc5: {  	_ =	swait.ge [sflag:s7], $0x2800  }
0xc6: {  	[sflag:s7] =	ssyncset.done $0x0  }
0xc7: {  	[sflag:s7] =	ssyncadd.s32 $0xFFFFD800  }
0xc8: {  	[tilespmem:s11], [sflag:$0x2] =	stream.indirect.gather [hbm4b:s14+s9], $0x80, s18, s9, $0xb8;
	[tilespmem:$0x1C000] =	vst v63  }
0xc9: {  	_ =	swait.ge [sflag:s12], $0x2800  }
0xca: {  	[sflag:s12] =	ssyncset.done $0x0  }
0xcb: {  	[sflag:s12] =	ssyncadd.s32 $0xFFFFD800  }
0xcc: {  	[spmem:s1] =	stream.indirect.scatter.add.f32 [tilespmem:s10], [sflag:$0x3], $0x80, s19, s9, $0xb8;
	[tilespmem:$0x1C000] =	vst v63  }
0xcd: {  	_ =	swait.ge [sflag:s7], $0x2800  }
0xce: {  	[sflag:s7] =	ssyncset.done $0x0  }
0xcf: {  	[sflag:s7] =	ssyncadd.s32 $0xFFFFD800  }
0xd0: {  	[tilespmem:s10], [sflag:$0x1] =	stream.indirect.gather [hbm4b:s14+s9], $0x80, s20, s9, $0xb8;
	[tilespmem:$0x1C000] =	vst v63  }
0xd1: {  	_ =	swait.ge [sflag:s13], $0x2800  }
0xd2: {  	[sflag:s13] =	ssyncset.done $0x0  }
0xd3: {  	[sflag:s13] =	ssyncadd.s32 $0xFFFFD800  }
0xd4: {  	[spmem:s1] =	stream.indirect.scatter.add.f32 [tilespmem:s11], [sflag:$0x3], $0x80, s21, s9, $0xb8;
	[tilespmem:$0x1C000] =	vst v63  }
0xd5: {  	_ =	swait.ge [sflag:s7], $0x2800  }
0xd6: {  	[sflag:s7] =	ssyncset.done $0x0  }
0xd7: {  	[sflag:s7] =	ssyncadd.s32 $0xFFFFD800  }
0xd8: {  	[tilespmem:s11], [sflag:$0x2] =	stream.indirect.gather [hbm4b:s14+s9], $0x80, s22, s9, $0xb8;
	[tilespmem:$0x1C000] =	vst v63  }
0xd9: {  	_ =	swait.ge [sflag:s12], $0x2800  }
0xda: {  	[sflag:s12] =	ssyncset.done $0x0  }
0xdb: {  	[sflag:s12] =	ssyncadd.s32 $0xFFFFD800  }
0xdc: {  	[spmem:s1] =	stream.indirect.scatter.add.f32 [tilespmem:s10], [sflag:$0x3], $0x80, s23, s9, $0xb8;
	[tilespmem:$0x1C000] =	vst v63  }
0xdd: {  	_ =	swait.ge [sflag:s7], $0x2800  }
0xde: {  	[sflag:s7] =	ssyncset.done $0x0  }
0xdf: {  	[sflag:s7] =	ssyncadd.s32 $0xFFFFD800  }
0xe0: {  	[tilespmem:s10], [sflag:$0x1] =	stream.indirect.gather [hbm4b:s14+s9], $0x80, s24, s9, $0xb8;
	[tilespmem:$0x1C000] =	vst v63  }
0xe1: {  	_ =	swait.ge [sflag:s13], $0x2800  }
0xe2: {  	[sflag:s13] =	ssyncset.done $0x0  }
0xe3: {  	[sflag:s13] =	ssyncadd.s32 $0xFFFFD800  }
0xe4: {  	[spmem:s1] =	stream.indirect.scatter.add.f32 [tilespmem:s11], [sflag:$0x3], $0x80, s25, s9, $0xb8;
	[tilespmem:$0x1C000] =	vst v63  }
0xe5: {  	_ =	swait.ge [sflag:s7], $0x2800  }
0xe6: {  	[sflag:s7] =	ssyncset.done $0x0  }
0xe7: {  	[sflag:s7] =	ssyncadd.s32 $0xFFFFD800  }
0xe8: {  	[tilespmem:s11], [sflag:$0x2] =	stream.indirect.gather [hbm4b:s14+s9], $0x80, s26, s9, $0xb8;
	[tilespmem:$0x1C000] =	vst v63  }
0xe9: {  	_ =	swait.ge [sflag:s12], $0x2800  }
0xea: {  	[sflag:s12] =	ssyncset.done $0x0  }
0xeb: {  	[sflag:s12] =	ssyncadd.s32 $0xFFFFD800  }
0xec: {  	[spmem:s1] =	stream.indirect.scatter.add.f32 [tilespmem:s10], [sflag:$0x3], $0x80, s28, s9, $0xb8;
	[tilespmem:$0x1C000] =	vst v63  }
0xed: {  	_ =	swait.ge [sflag:s7], $0x2800  }
0xee: {  	[sflag:s7] =	ssyncset.done $0x0  }
0xef: {  	[sflag:s7] =	ssyncadd.s32 $0xFFFFD800  }
0xf0: {  	[tilespmem:s10], [sflag:$0x1] =	stream.indirect.gather [hbm4b:s14+s9], $0x80, s29, s9, $0xb8;
	[tilespmem:$0x1C000] =	vst v63  }
0xf1: {  	_ =	swait.ge [sflag:s13], $0x2800  }
0xf2: {  	[sflag:s13] =	ssyncset.done $0x0  }
0xf3: {  	[sflag:s13] =	ssyncadd.s32 $0xFFFFD800  }
0xf4: {  	[spmem:s1] =	stream.indirect.scatter.add.f32 [tilespmem:s11], [sflag:$0x3], $0x80, s30, s9, $0xb8;
	[tilespmem:$0x1C000] =	vst v63  }
0xf5: {  	_ =	swait.ge [sflag:s7], $0x2800  }
0xf6: {  	[sflag:s7] =	ssyncset.done $0x0  }
0xf7: {  	[sflag:s7] =	ssyncadd.s32 $0xFFFFD800  }
0xf8: {  	[tilespmem:s11], [sflag:$0x2] =	stream.indirect.gather [hbm4b:s14+s9], $0x80, s31, s9, $0xb8;
	[tilespmem:$0x1C000] =	vst v63  }
0xf9: {  	_ =	swait.ge [sflag:s12], $0x2800  }
0xfa: {  	[sflag:s12] =	ssyncset.done $0x0  }
0xfb: {  	[sflag:s12] =	ssyncadd.s32 $0xFFFFD800  }
0xfc: {  	[spmem:s1] =	stream.indirect.scatter.add.f32 [tilespmem:s10], [sflag:$0x3], $0x80, s0, s9, $0xb8;
	[tilespmem:$0x1C000] =	vst v63  }
0xfd: {  	_ =	swait.ge [sflag:s7], $0x2800  }
0xfe: {  	[sflag:s7] =	ssyncset.done $0x0  }
0xff: {  	[sflag:s7] =	ssyncadd.s32 $0xFFFFD800  }
0x100: {  	_ =	swait.ge [sflag:s13], $0x2800  }
0x101: {  	[sflag:s13] =	ssyncset.done $0x0  }
0x102: {  	[sflag:s13] =	ssyncadd.s32 $0xFFFFD800  }
0x103: {  	[spmem:s1] =	stream.indirect.scatter.add.f32 [tilespmem:s11], [sflag:$0x3], $0x80, s3, s9, $0xb8;
	[tilespmem:$0x1C000] =	vst v63  }
0x104: {  	s5 =	simm.s32 $0x100;
	_ =	swait.ge [sflag:s7], $0x2800  }
0x105: {  	s15 =	simm.s32 $0x200;
	s4 =	rddreg [dreg:$0x4];
	[sflag:s7] =	ssyncset.done $0x0  }
.LBB2_4:
0x106: {  	[sflag:s7] =	ssyncadd.s32 $0xFFFFD800;
	s4 =	sadd.s32 s5, s4  }
0x107: {  	[tilespmem:s2], [sflag:$0x3] =	stream.linear.gather [hbm4b:s4+s2], $0x800, $0x38;
	[tilespmem:$0x1C000] =	vst v63  }
0x108: {  	_ =	swait.ge [sflag:s7], $0x800  }
0x109: {  	s4 =	rddreg [dreg:$0x3];
	[sflag:s7] =	ssyncset.done $0x0  }
0x10a: {  	[sflag:s7] =	ssyncadd.s32 $0xFFFFF800;
	s4 =	sadd.s32 s5, s4  }
0x10b: {  	[tilespmem:s8], [sflag:$0x3] =	stream.linear.gather [hbm4b:s4+s2], $0x800, $0x38;
	[tilespmem:$0x1C000] =	vst v63  }
0x10c: {  	_ =	swait.ge [sflag:s7], $0x800  }
0x10d: {  	[sflag:s7] =	ssyncset.done $0x0  }
0x10e: {  	s6 =	smov.u32 s15;
	[sflag:s7] =	ssyncadd.s32 $0xFFFFF800  }
0x10f: {  	[tilespmem:s10], [sflag:$0x1] =	stream.indirect.gather [hbm4b:s14+s9], $0x80, s2, s9, $0xb8;
	[tilespmem:$0x1C000] =	vst v63  }
0x110: {  	s5 =	smov.u32 s6;
	s6 =	rddreg [dreg:$0x5]  }
0x111: {  	[tilespmem:s11], [sflag:$0x2] =	stream.indirect.gather [hbm4b:s14+s9], $0x80, s6, s9, $0xb8;
	[tilespmem:$0x1C000] =	vst v63  }
0x112: {  	_ =	swait.ge [sflag:s12], $0x2800  }
0x113: {  	[sflag:s12] =	ssyncset.done $0x0  }
0x114: {  	[sflag:s12] =	ssyncadd.s32 $0xFFFFD800  }
0x115: {  	[spmem:s1] =	stream.indirect.scatter.add.f32 [tilespmem:s10], [sflag:$0x3], $0x80, s8, s9, $0xb8;
	[tilespmem:$0x1C000] =	vst v63  }
0x116: {  	_ =	swait.ge [sflag:s7], $0x2800  }
0x117: {  	[sflag:s7] =	ssyncset.done $0x0  }
0x118: {  	s6 =	rddreg [dreg:$0x6];
	[sflag:s7] =	ssyncadd.s32 $0xFFFFD800  }
0x119: {  	[tilespmem:s10], [sflag:$0x1] =	stream.indirect.gather [hbm4b:s14+s9], $0x80, s6, s9, $0xb8;
	[tilespmem:$0x1C000] =	vst v63  }
0x11a: {  	_ =	swait.ge [sflag:s13], $0x2800  }
0x11b: {  	[sflag:s13] =	ssyncset.done $0x0  }
0x11c: {  	s6 =	rddreg [dreg:$0x7];
	[sflag:s13] =	ssyncadd.s32 $0xFFFFD800  }
0x11d: {  	[spmem:s1] =	stream.indirect.scatter.add.f32 [tilespmem:s11], [sflag:$0x3], $0x80, s6, s9, $0xb8;
	[tilespmem:$0x1C000] =	vst v63  }
0x11e: {  	_ =	swait.ge [sflag:s7], $0x2800  }
0x11f: {  	[sflag:s7] =	ssyncset.done $0x0  }
0x120: {  	s6 =	rddreg [dreg:$0x8];
	[sflag:s7] =	ssyncadd.s32 $0xFFFFD800  }
0x121: {  	[tilespmem:s11], [sflag:$0x2] =	stream.indirect.gather [hbm4b:s14+s9], $0x80, s6, s9, $0xb8;
	[tilespmem:$0x1C000] =	vst v63  }
0x122: {  	_ =	swait.ge [sflag:s12], $0x2800  }
0x123: {  	[sflag:s12] =	ssyncset.done $0x0  }
0x124: {  	s6 =	rddreg [dreg:$0x9];
	[sflag:s12] =	ssyncadd.s32 $0xFFFFD800  }
0x125: {  	[spmem:s1] =	stream.indirect.scatter.add.f32 [tilespmem:s10], [sflag:$0x3], $0x80, s6, s9, $0xb8;
	[tilespmem:$0x1C000] =	vst v63  }
0x126: {  	_ =	swait.ge [sflag:s7], $0x2800  }
0x127: {  	[sflag:s7] =	ssyncset.done $0x0  }
0x128: {  	s6 =	rddreg [dreg:$0xa];
	[sflag:s7] =	ssyncadd.s32 $0xFFFFD800  }
0x129: {  	[tilespmem:s10], [sflag:$0x1] =	stream.indirect.gather [hbm4b:s14+s9], $0x80, s6, s9, $0xb8;
	[tilespmem:$0x1C000] =	vst v63  }
0x12a: {  	_ =	swait.ge [sflag:s13], $0x2800  }
0x12b: {  	[sflag:s13] =	ssyncset.done $0x0  }
0x12c: {  	s6 =	rddreg [dreg:$0xb];
	[sflag:s13] =	ssyncadd.s32 $0xFFFFD800  }
0x12d: {  	[spmem:s1] =	stream.indirect.scatter.add.f32 [tilespmem:s11], [sflag:$0x3], $0x80, s6, s9, $0xb8;
	[tilespmem:$0x1C000] =	vst v63  }
0x12e: {  	_ =	swait.ge [sflag:s7], $0x2800  }
0x12f: {  	[sflag:s7] =	ssyncset.done $0x0  }
0x130: {  	s6 =	rddreg [dreg:$0xc];
	[sflag:s7] =	ssyncadd.s32 $0xFFFFD800  }
0x131: {  	[tilespmem:s11], [sflag:$0x2] =	stream.indirect.gather [hbm4b:s14+s9], $0x80, s6, s9, $0xb8;
	[tilespmem:$0x1C000] =	vst v63  }
0x132: {  	_ =	swait.ge [sflag:s12], $0x2800  }
0x133: {  	[sflag:s12] =	ssyncset.done $0x0  }
0x134: {  	s6 =	rddreg [dreg:$0xd];
	[sflag:s12] =	ssyncadd.s32 $0xFFFFD800  }
0x135: {  	[spmem:s1] =	stream.indirect.scatter.add.f32 [tilespmem:s10], [sflag:$0x3], $0x80, s6, s9, $0xb8;
	[tilespmem:$0x1C000] =	vst v63  }
0x136: {  	_ =	swait.ge [sflag:s7], $0x2800  }
0x137: {  	[sflag:s7] =	ssyncset.done $0x0  }
0x138: {  	s6 =	rddreg [dreg:$0xe];
	[sflag:s7] =	ssyncadd.s32 $0xFFFFD800  }
0x139: {  	[tilespmem:s10], [sflag:$0x1] =	stream.indirect.gather [hbm4b:s14+s9], $0x80, s6, s9, $0xb8;
	[tilespmem:$0x1C000] =	vst v63  }
0x13a: {  	_ =	swait.ge [sflag:s13], $0x2800  }
0x13b: {  	[sflag:s13] =	ssyncset.done $0x0  }
0x13c: {  	s6 =	rddreg [dreg:$0xf];
	[sflag:s13] =	ssyncadd.s32 $0xFFFFD800  }
0x13d: {  	[spmem:s1] =	stream.indirect.scatter.add.f32 [tilespmem:s11], [sflag:$0x3], $0x80, s6, s9, $0xb8;
	[tilespmem:$0x1C000] =	vst v63  }
0x13e: {  	_ =	swait.ge [sflag:s7], $0x2800  }
0x13f: {  	[sflag:s7] =	ssyncset.done $0x0  }
0x140: {  	s6 =	rddreg [dreg:$0x10];
	[sflag:s7] =	ssyncadd.s32 $0xFFFFD800  }
0x141: {  	[tilespmem:s11], [sflag:$0x2] =	stream.indirect.gather [hbm4b:s14+s9], $0x80, s6, s9, $0xb8;
	[tilespmem:$0x1C000] =	vst v63  }
0x142: {  	_ =	swait.ge [sflag:s12], $0x2800  }
0x143: {  	[sflag:s12] =	ssyncset.done $0x0  }
0x144: {  	s6 =	rddreg [dreg:$0x11];
	[sflag:s12] =	ssyncadd.s32 $0xFFFFD800  }
0x145: {  	[spmem:s1] =	stream.indirect.scatter.add.f32 [tilespmem:s10], [sflag:$0x3], $0x80, s6, s9, $0xb8;
	[tilespmem:$0x1C000] =	vst v63  }
0x146: {  	_ =	swait.ge [sflag:s7], $0x2800  }
0x147: {  	[sflag:s7] =	ssyncset.done $0x0  }
0x148: {  	[sflag:s7] =	ssyncadd.s32 $0xFFFFD800  }
0x149: {  	[tilespmem:s10], [sflag:$0x1] =	stream.indirect.gather [hbm4b:s14+s9], $0x80, s16, s9, $0xb8;
	[tilespmem:$0x1C000] =	vst v63  }
0x14a: {  	_ =	swait.ge [sflag:s13], $0x2800  }
0x14b: {  	[sflag:s13] =	ssyncset.done $0x0  }
0x14c: {  	[sflag:s13] =	ssyncadd.s32 $0xFFFFD800  }
0x14d: {  	[spmem:s1] =	stream.indirect.scatter.add.f32 [tilespmem:s11], [sflag:$0x3], $0x80, s17, s9, $0xb8;
	[tilespmem:$0x1C000] =	vst v63  }
0x14e: {  	_ =	swait.ge [sflag:s7], $0x2800  }
0x14f: {  	[sflag:s7] =	ssyncset.done $0x0  }
0x150: {  	[sflag:s7] =	ssyncadd.s32 $0xFFFFD800  }
0x151: {  	[tilespmem:s11], [sflag:$0x2] =	stream.indirect.gather [hbm4b:s14+s9], $0x80, s18, s9, $0xb8;
	[tilespmem:$0x1C000] =	vst v63  }
0x152: {  	_ =	swait.ge [sflag:s12], $0x2800  }
0x153: {  	[sflag:s12] =	ssyncset.done $0x0  }
0x154: {  	[sflag:s12] =	ssyncadd.s32 $0xFFFFD800  }
0x155: {  	[spmem:s1] =	stream.indirect.scatter.add.f32 [tilespmem:s10], [sflag:$0x3], $0x80, s19, s9, $0xb8;
	[tilespmem:$0x1C000] =	vst v63  }
0x156: {  	_ =	swait.ge [sflag:s7], $0x2800  }
0x157: {  	[sflag:s7] =	ssyncset.done $0x0  }
0x158: {  	[sflag:s7] =	ssyncadd.s32 $0xFFFFD800  }
0x159: {  	[tilespmem:s10], [sflag:$0x1] =	stream.indirect.gather [hbm4b:s14+s9], $0x80, s20, s9, $0xb8;
	[tilespmem:$0x1C000] =	vst v63  }
0x15a: {  	_ =	swait.ge [sflag:s13], $0x2800  }
0x15b: {  	[sflag:s13] =	ssyncset.done $0x0  }
0x15c: {  	[sflag:s13] =	ssyncadd.s32 $0xFFFFD800  }
0x15d: {  	[spmem:s1] =	stream.indirect.scatter.add.f32 [tilespmem:s11], [sflag:$0x3], $0x80, s21, s9, $0xb8;
	[tilespmem:$0x1C000] =	vst v63  }
0x15e: {  	_ =	swait.ge [sflag:s7], $0x2800  }
0x15f: {  	[sflag:s7] =	ssyncset.done $0x0  }
0x160: {  	[sflag:s7] =	ssyncadd.s32 $0xFFFFD800  }
0x161: {  	[tilespmem:s11], [sflag:$0x2] =	stream.indirect.gather [hbm4b:s14+s9], $0x80, s22, s9, $0xb8;
	[tilespmem:$0x1C000] =	vst v63  }
0x162: {  	_ =	swait.ge [sflag:s12], $0x2800  }
0x163: {  	[sflag:s12] =	ssyncset.done $0x0  }
0x164: {  	[sflag:s12] =	ssyncadd.s32 $0xFFFFD800  }
0x165: {  	[spmem:s1] =	stream.indirect.scatter.add.f32 [tilespmem:s10], [sflag:$0x3], $0x80, s23, s9, $0xb8;
	[tilespmem:$0x1C000] =	vst v63  }
0x166: {  	_ =	swait.ge [sflag:s7], $0x2800  }
0x167: {  	[sflag:s7] =	ssyncset.done $0x0  }
0x168: {  	[sflag:s7] =	ssyncadd.s32 $0xFFFFD800  }
0x169: {  	[tilespmem:s10], [sflag:$0x1] =	stream.indirect.gather [hbm4b:s14+s9], $0x80, s24, s9, $0xb8;
	[tilespmem:$0x1C000] =	vst v63  }
0x16a: {  	_ =	swait.ge [sflag:s13], $0x2800  }
0x16b: {  	[sflag:s13] =	ssyncset.done $0x0  }
0x16c: {  	[sflag:s13] =	ssyncadd.s32 $0xFFFFD800  }
0x16d: {  	[spmem:s1] =	stream.indirect.scatter.add.f32 [tilespmem:s11], [sflag:$0x3], $0x80, s25, s9, $0xb8;
	[tilespmem:$0x1C000] =	vst v63  }
0x16e: {  	_ =	swait.ge [sflag:s7], $0x2800  }
0x16f: {  	[sflag:s7] =	ssyncset.done $0x0  }
0x170: {  	[sflag:s7] =	ssyncadd.s32 $0xFFFFD800  }
0x171: {  	[tilespmem:s11], [sflag:$0x2] =	stream.indirect.gather [hbm4b:s14+s9], $0x80, s26, s9, $0xb8;
	[tilespmem:$0x1C000] =	vst v63  }
0x172: {  	_ =	swait.ge [sflag:s12], $0x2800  }
0x173: {  	[sflag:s12] =	ssyncset.done $0x0  }
0x174: {  	[sflag:s12] =	ssyncadd.s32 $0xFFFFD800  }
0x175: {  	[spmem:s1] =	stream.indirect.scatter.add.f32 [tilespmem:s10], [sflag:$0x3], $0x80, s28, s9, $0xb8;
	[tilespmem:$0x1C000] =	vst v63  }
0x176: {  	_ =	swait.ge [sflag:s7], $0x2800  }
0x177: {  	[sflag:s7] =	ssyncset.done $0x0  }
0x178: {  	[sflag:s7] =	ssyncadd.s32 $0xFFFFD800  }
0x179: {  	[tilespmem:s10], [sflag:$0x1] =	stream.indirect.gather [hbm4b:s14+s9], $0x80, s29, s9, $0xb8;
	[tilespmem:$0x1C000] =	vst v63  }
0x17a: {  	_ =	swait.ge [sflag:s13], $0x2800  }
0x17b: {  	[sflag:s13] =	ssyncset.done $0x0  }
0x17c: {  	[sflag:s13] =	ssyncadd.s32 $0xFFFFD800  }
0x17d: {  	[spmem:s1] =	stream.indirect.scatter.add.f32 [tilespmem:s11], [sflag:$0x3], $0x80, s30, s9, $0xb8;
	[tilespmem:$0x1C000] =	vst v63  }
0x17e: {  	_ =	swait.ge [sflag:s7], $0x2800  }
0x17f: {  	[sflag:s7] =	ssyncset.done $0x0  }
0x180: {  	[sflag:s7] =	ssyncadd.s32 $0xFFFFD800  }
0x181: {  	[tilespmem:s11], [sflag:$0x2] =	stream.indirect.gather [hbm4b:s14+s9], $0x80, s31, s9, $0xb8;
	[tilespmem:$0x1C000] =	vst v63  }
0x182: {  	_ =	swait.ge [sflag:s12], $0x2800  }
0x183: {  	[sflag:s12] =	ssyncset.done $0x0  }
0x184: {  	[sflag:s12] =	ssyncadd.s32 $0xFFFFD800  }
0x185: {  	[spmem:s1] =	stream.indirect.scatter.add.f32 [tilespmem:s10], [sflag:$0x3], $0x80, s0, s9, $0xb8;
	[tilespmem:$0x1C000] =	vst v63  }
0x186: {  	_ =	swait.ge [sflag:s7], $0x2800  }
0x187: {  	[sflag:s7] =	ssyncset.done $0x0  }
0x188: {  	[sflag:s7] =	ssyncadd.s32 $0xFFFFD800  }
0x189: {  	p0 =	sne.s32 s15, $0x700;
	_ =	swait.ge [sflag:s13], $0x2800  }
.Ltmp1:
0x18a: {  	[sflag:s13] =	ssyncset.done $0x0;
	(pc) =	sbr.rel @p0 .LBB2_4-.Ltmp1, $4  }
0x18b: {  	[sflag:s13] =	ssyncadd.s32 $0xFFFFD800  }
0x18c: {  	[spmem:s1] =	stream.indirect.scatter.add.f32 [tilespmem:s11], [sflag:$0x3], $0x80, s3, s9, $0xb8;
	[tilespmem:$0x1C000] =	vst v63  }
0x18d: {  	_ =	swait.ge [sflag:s7], $0x2800  }
0x18e: {  	s15 =	sadd.s32 $0x100, s15;
	s4 =	rddreg [dreg:$0x4];
	[sflag:s7] =	ssyncset.done $0x0  }
0x18f: {  	[sflag:s7] =	ssyncadd.s32 $0xFFFFD800;
	s4 =	sadd.s32 s5, s4  }
0x190: {  	[tilespmem:s2], [sflag:$0x3] =	stream.linear.gather [hbm4b:s4+s2], $0x800, $0x38;
	[tilespmem:$0x1C000] =	vst v63  }
0x191: {  	_ =	swait.ge [sflag:s7], $0x800  }
0x192: {  	s15 =	rddreg [dreg:$0x3];
	[sflag:s7] =	ssyncset.done $0x0  }
0x193: {  	s4 =	sadd.s32 s5, s15;
	[sflag:s7] =	ssyncadd.s32 $0xFFFFF800  }
0x194: {  	[tilespmem:s8], [sflag:$0x3] =	stream.linear.gather [hbm4b:s4+s2], $0x800, $0x38;
	[tilespmem:$0x1C000] =	vst v63  }
0x195: {  	_ =	swait.ge [sflag:s7], $0x800  }
0x196: {  	[sflag:s7] =	ssyncset.done $0x0  }
0x197: {  	[sflag:s7] =	ssyncadd.s32 $0xFFFFF800  }
0x198: {  	[tilespmem:s10], [sflag:$0x1] =	stream.indirect.gather [hbm4b:s14+s9], $0x80, s2, s9, $0xb8;
	[tilespmem:$0x1C000] =	vst v63  }
0x199: {  	s6 =	rddreg [dreg:$0x5]  }
0x19a: {  	[tilespmem:s11], [sflag:$0x2] =	stream.indirect.gather [hbm4b:s14+s9], $0x80, s6, s9, $0xb8;
	[tilespmem:$0x1C000] =	vst v63  }
0x19b: {  	_ =	swait.ge [sflag:s12], $0x2800  }
0x19c: {  	[sflag:s12] =	ssyncset.done $0x0  }
0x19d: {  	[sflag:s12] =	ssyncadd.s32 $0xFFFFD800  }
0x19e: {  	[spmem:s1] =	stream.indirect.scatter.add.f32 [tilespmem:s10], [sflag:$0x3], $0x80, s8, s9, $0xb8;
	[tilespmem:$0x1C000] =	vst v63  }
0x19f: {  	_ =	swait.ge [sflag:s7], $0x2800  }
0x1a0: {  	[sflag:s7] =	ssyncset.done $0x0  }
0x1a1: {  	s15 =	rddreg [dreg:$0x6];
	[sflag:s7] =	ssyncadd.s32 $0xFFFFD800  }
0x1a2: {  	[tilespmem:s10], [sflag:$0x1] =	stream.indirect.gather [hbm4b:s14+s9], $0x80, s15, s9, $0xb8;
	[tilespmem:$0x1C000] =	vst v63  }
0x1a3: {  	_ =	swait.ge [sflag:s13], $0x2800  }
0x1a4: {  	[sflag:s13] =	ssyncset.done $0x0  }
0x1a5: {  	s5 =	rddreg [dreg:$0x7];
	[sflag:s13] =	ssyncadd.s32 $0xFFFFD800  }
0x1a6: {  	[spmem:s1] =	stream.indirect.scatter.add.f32 [tilespmem:s11], [sflag:$0x3], $0x80, s5, s9, $0xb8;
	[tilespmem:$0x1C000] =	vst v63  }
0x1a7: {  	_ =	swait.ge [sflag:s7], $0x2800  }
0x1a8: {  	[sflag:s7] =	ssyncset.done $0x0  }
0x1a9: {  	s6 =	rddreg [dreg:$0x8];
	[sflag:s7] =	ssyncadd.s32 $0xFFFFD800  }
0x1aa: {  	[tilespmem:s11], [sflag:$0x2] =	stream.indirect.gather [hbm4b:s14+s9], $0x80, s6, s9, $0xb8;
	[tilespmem:$0x1C000] =	vst v63  }
0x1ab: {  	_ =	swait.ge [sflag:s12], $0x2800  }
0x1ac: {  	[sflag:s12] =	ssyncset.done $0x0  }
0x1ad: {  	s15 =	rddreg [dreg:$0x9];
	[sflag:s12] =	ssyncadd.s32 $0xFFFFD800  }
0x1ae: {  	[spmem:s1] =	stream.indirect.scatter.add.f32 [tilespmem:s10], [sflag:$0x3], $0x80, s15, s9, $0xb8;
	[tilespmem:$0x1C000] =	vst v63  }
0x1af: {  	_ =	swait.ge [sflag:s7], $0x2800  }
0x1b0: {  	[sflag:s7] =	ssyncset.done $0x0  }
0x1b1: {  	s5 =	rddreg [dreg:$0xa];
	[sflag:s7] =	ssyncadd.s32 $0xFFFFD800  }
0x1b2: {  	[tilespmem:s10], [sflag:$0x1] =	stream.indirect.gather [hbm4b:s14+s9], $0x80, s5, s9, $0xb8;
	[tilespmem:$0x1C000] =	vst v63  }
0x1b3: {  	_ =	swait.ge [sflag:s13], $0x2800  }
0x1b4: {  	[sflag:s13] =	ssyncset.done $0x0  }
0x1b5: {  	s6 =	rddreg [dreg:$0xb];
	[sflag:s13] =	ssyncadd.s32 $0xFFFFD800  }
0x1b6: {  	[spmem:s1] =	stream.indirect.scatter.add.f32 [tilespmem:s11], [sflag:$0x3], $0x80, s6, s9, $0xb8;
	[tilespmem:$0x1C000] =	vst v63  }
0x1b7: {  	_ =	swait.ge [sflag:s7], $0x2800  }
0x1b8: {  	[sflag:s7] =	ssyncset.done $0x0  }
0x1b9: {  	s15 =	rddreg [dreg:$0xc];
	[sflag:s7] =	ssyncadd.s32 $0xFFFFD800  }
0x1ba: {  	[tilespmem:s11], [sflag:$0x2] =	stream.indirect.gather [hbm4b:s14+s9], $0x80, s15, s9, $0xb8;
	[tilespmem:$0x1C000] =	vst v63  }
0x1bb: {  	_ =	swait.ge [sflag:s12], $0x2800  }
0x1bc: {  	[sflag:s12] =	ssyncset.done $0x0  }
0x1bd: {  	s5 =	rddreg [dreg:$0xd];
	[sflag:s12] =	ssyncadd.s32 $0xFFFFD800  }
0x1be: {  	[spmem:s1] =	stream.indirect.scatter.add.f32 [tilespmem:s10], [sflag:$0x3], $0x80, s5, s9, $0xb8;
	[tilespmem:$0x1C000] =	vst v63  }
0x1bf: {  	_ =	swait.ge [sflag:s7], $0x2800  }
0x1c0: {  	[sflag:s7] =	ssyncset.done $0x0  }
0x1c1: {  	s6 =	rddreg [dreg:$0xe];
	[sflag:s7] =	ssyncadd.s32 $0xFFFFD800  }
0x1c2: {  	[tilespmem:s10], [sflag:$0x1] =	stream.indirect.gather [hbm4b:s14+s9], $0x80, s6, s9, $0xb8;
	[tilespmem:$0x1C000] =	vst v63  }
0x1c3: {  	_ =	swait.ge [sflag:s13], $0x2800  }
0x1c4: {  	[sflag:s13] =	ssyncset.done $0x0  }
0x1c5: {  	s15 =	rddreg [dreg:$0xf];
	[sflag:s13] =	ssyncadd.s32 $0xFFFFD800  }
0x1c6: {  	[spmem:s1] =	stream.indirect.scatter.add.f32 [tilespmem:s11], [sflag:$0x3], $0x80, s15, s9, $0xb8;
	[tilespmem:$0x1C000] =	vst v63  }
0x1c7: {  	_ =	swait.ge [sflag:s7], $0x2800  }
0x1c8: {  	[sflag:s7] =	ssyncset.done $0x0  }
0x1c9: {  	s5 =	rddreg [dreg:$0x10];
	[sflag:s7] =	ssyncadd.s32 $0xFFFFD800  }
0x1ca: {  	[tilespmem:s11], [sflag:$0x2] =	stream.indirect.gather [hbm4b:s14+s9], $0x80, s5, s9, $0xb8;
	[tilespmem:$0x1C000] =	vst v63  }
0x1cb: {  	_ =	swait.ge [sflag:s12], $0x2800  }
0x1cc: {  	[sflag:s12] =	ssyncset.done $0x0  }
0x1cd: {  	s6 =	rddreg [dreg:$0x11];
	[sflag:s12] =	ssyncadd.s32 $0xFFFFD800  }
0x1ce: {  	[spmem:s1] =	stream.indirect.scatter.add.f32 [tilespmem:s10], [sflag:$0x3], $0x80, s6, s9, $0xb8;
	[tilespmem:$0x1C000] =	vst v63  }
0x1cf: {  	_ =	swait.ge [sflag:s7], $0x2800  }
0x1d0: {  	[sflag:s7] =	ssyncset.done $0x0  }
0x1d1: {  	[sflag:s7] =	ssyncadd.s32 $0xFFFFD800  }
0x1d2: {  	[tilespmem:s10], [sflag:$0x1] =	stream.indirect.gather [hbm4b:s14+s9], $0x80, s16, s9, $0xb8;
	[tilespmem:$0x1C000] =	vst v63  }
0x1d3: {  	_ =	swait.ge [sflag:s13], $0x2800  }
0x1d4: {  	[sflag:s13] =	ssyncset.done $0x0  }
0x1d5: {  	[sflag:s13] =	ssyncadd.s32 $0xFFFFD800  }
0x1d6: {  	[spmem:s1] =	stream.indirect.scatter.add.f32 [tilespmem:s11], [sflag:$0x3], $0x80, s17, s9, $0xb8;
	[tilespmem:$0x1C000] =	vst v63  }
0x1d7: {  	_ =	swait.ge [sflag:s7], $0x2800  }
0x1d8: {  	[sflag:s7] =	ssyncset.done $0x0  }
0x1d9: {  	[sflag:s7] =	ssyncadd.s32 $0xFFFFD800  }
0x1da: {  	[tilespmem:s11], [sflag:$0x2] =	stream.indirect.gather [hbm4b:s14+s9], $0x80, s18, s9, $0xb8;
	[tilespmem:$0x1C000] =	vst v63  }
0x1db: {  	_ =	swait.ge [sflag:s12], $0x2800  }
0x1dc: {  	[sflag:s12] =	ssyncset.done $0x0  }
0x1dd: {  	[sflag:s12] =	ssyncadd.s32 $0xFFFFD800  }
0x1de: {  	[spmem:s1] =	stream.indirect.scatter.add.f32 [tilespmem:s10], [sflag:$0x3], $0x80, s19, s9, $0xb8;
	[tilespmem:$0x1C000] =	vst v63  }
0x1df: {  	_ =	swait.ge [sflag:s7], $0x2800  }
0x1e0: {  	[sflag:s7] =	ssyncset.done $0x0  }
0x1e1: {  	[sflag:s7] =	ssyncadd.s32 $0xFFFFD800  }
0x1e2: {  	[tilespmem:s10], [sflag:$0x1] =	stream.indirect.gather [hbm4b:s14+s9], $0x80, s20, s9, $0xb8;
	[tilespmem:$0x1C000] =	vst v63  }
0x1e3: {  	_ =	swait.ge [sflag:s13], $0x2800  }
0x1e4: {  	[sflag:s13] =	ssyncset.done $0x0  }
0x1e5: {  	[sflag:s13] =	ssyncadd.s32 $0xFFFFD800  }
0x1e6: {  	[spmem:s1] =	stream.indirect.scatter.add.f32 [tilespmem:s11], [sflag:$0x3], $0x80, s21, s9, $0xb8;
	[tilespmem:$0x1C000] =	vst v63  }
0x1e7: {  	_ =	swait.ge [sflag:s7], $0x2800  }
0x1e8: {  	[sflag:s7] =	ssyncset.done $0x0  }
0x1e9: {  	[sflag:s7] =	ssyncadd.s32 $0xFFFFD800  }
0x1ea: {  	[tilespmem:s11], [sflag:$0x2] =	stream.indirect.gather [hbm4b:s14+s9], $0x80, s22, s9, $0xb8;
	[tilespmem:$0x1C000] =	vst v63  }
0x1eb: {  	_ =	swait.ge [sflag:s12], $0x2800  }
0x1ec: {  	[sflag:s12] =	ssyncset.done $0x0  }
0x1ed: {  	[sflag:s12] =	ssyncadd.s32 $0xFFFFD800  }
0x1ee: {  	[spmem:s1] =	stream.indirect.scatter.add.f32 [tilespmem:s10], [sflag:$0x3], $0x80, s23, s9, $0xb8;
	[tilespmem:$0x1C000] =	vst v63  }
0x1ef: {  	_ =	swait.ge [sflag:s7], $0x2800  }
0x1f0: {  	[sflag:s7] =	ssyncset.done $0x0  }
0x1f1: {  	[sflag:s7] =	ssyncadd.s32 $0xFFFFD800  }
0x1f2: {  	[tilespmem:s10], [sflag:$0x1] =	stream.indirect.gather [hbm4b:s14+s9], $0x80, s24, s9, $0xb8;
	[tilespmem:$0x1C000] =	vst v63  }
0x1f3: {  	_ =	swait.ge [sflag:s13], $0x2800  }
0x1f4: {  	[sflag:s13] =	ssyncset.done $0x0  }
0x1f5: {  	[sflag:s13] =	ssyncadd.s32 $0xFFFFD800  }
0x1f6: {  	[spmem:s1] =	stream.indirect.scatter.add.f32 [tilespmem:s11], [sflag:$0x3], $0x80, s25, s9, $0xb8;
	[tilespmem:$0x1C000] =	vst v63  }
0x1f7: {  	_ =	swait.ge [sflag:s7], $0x2800  }
0x1f8: {  	[sflag:s7] =	ssyncset.done $0x0  }
0x1f9: {  	[sflag:s7] =	ssyncadd.s32 $0xFFFFD800  }
0x1fa: {  	[tilespmem:s11], [sflag:$0x2] =	stream.indirect.gather [hbm4b:s14+s9], $0x80, s26, s9, $0xb8;
	[tilespmem:$0x1C000] =	vst v63  }
0x1fb: {  	_ =	swait.ge [sflag:s12], $0x2800  }
0x1fc: {  	[sflag:s12] =	ssyncset.done $0x0  }
0x1fd: {  	[sflag:s12] =	ssyncadd.s32 $0xFFFFD800  }
0x1fe: {  	[spmem:s1] =	stream.indirect.scatter.add.f32 [tilespmem:s10], [sflag:$0x3], $0x80, s28, s9, $0xb8;
	[tilespmem:$0x1C000] =	vst v63  }
0x1ff: {  	_ =	swait.ge [sflag:s7], $0x2800  }
0x200: {  	[sflag:s7] =	ssyncset.done $0x0  }
0x201: {  	[sflag:s7] =	ssyncadd.s32 $0xFFFFD800  }
0x202: {  	[tilespmem:s10], [sflag:$0x1] =	stream.indirect.gather [hbm4b:s14+s9], $0x80, s29, s9, $0xb8;
	[tilespmem:$0x1C000] =	vst v63  }
0x203: {  	_ =	swait.ge [sflag:s13], $0x2800  }
0x204: {  	[sflag:s13] =	ssyncset.done $0x0  }
0x205: {  	[sflag:s13] =	ssyncadd.s32 $0xFFFFD800  }
0x206: {  	[spmem:s1] =	stream.indirect.scatter.add.f32 [tilespmem:s11], [sflag:$0x3], $0x80, s30, s9, $0xb8;
	[tilespmem:$0x1C000] =	vst v63  }
0x207: {  	_ =	swait.ge [sflag:s7], $0x2800  }
0x208: {  	[sflag:s7] =	ssyncset.done $0x0  }
0x209: {  	[sflag:s7] =	ssyncadd.s32 $0xFFFFD800  }
0x20a: {  	[tilespmem:s11], [sflag:$0x2] =	stream.indirect.gather [hbm4b:s14+s9], $0x80, s31, s9, $0xb8;
	[tilespmem:$0x1C000] =	vst v63  }
0x20b: {  	_ =	swait.ge [sflag:s12], $0x2800  }
0x20c: {  	[sflag:s12] =	ssyncset.done $0x0  }
0x20d: {  	[sflag:s12] =	ssyncadd.s32 $0xFFFFD800  }
0x20e: {  	[spmem:s1] =	stream.indirect.scatter.add.f32 [tilespmem:s10], [sflag:$0x3], $0x80, s0, s9, $0xb8;
	[tilespmem:$0x1C000] =	vst v63  }
0x20f: {  	_ =	swait.ge [sflag:s7], $0x2800  }
0x210: {  	[sflag:s7] =	ssyncset.done $0x0  }
0x211: {  	[sflag:s7] =	ssyncadd.s32 $0xFFFFD800  }
0x212: {  	_ =	swait.ge [sflag:s13], $0x2800  }
0x213: {  	[sflag:s13] =	ssyncset.done $0x0  }
0x214: {  	[sflag:s13] =	ssyncadd.s32 $0xFFFFD800  }
0x215: {  	[spmem:s1] =	stream.indirect.scatter.add.f32 [tilespmem:s11], [sflag:$0x3], $0x80, s3, s9, $0xb8;
	[tilespmem:$0x1C000] =	vst v63  }
0x216: {  	_ =	swait.ge [sflag:s7], $0x2800  }
0x217: {  	[sflag:s7] =	ssyncset.done $0x0  }
0x218: {  	[sflag:s7] =	ssyncadd.s32 $0xFFFFD800  }
0x219: {  	[bflag:$0x0] =	sbarrier.arrive $0xFFFF  }
0x21a: {  	s5 =	simm.s32 $0x6000;
	s6 =	rddreg [dreg:$0x1c]  }
0x21b: {  	[tilespmem:s5], [sflag:$0x3] =	stream.linear.gather [spmem:s6], $0x2000, $0x38;
	[tilespmem:$0x1C000] =	vst v63  }
0x21c: {  	_ =	swait.ge [sflag:s7], $0x2000  }
0x21d: {  	[sflag:s7] =	ssyncset.done $0x0  }
0x21e: {  	s15 =	rddreg [dreg:$0x12];
	[sflag:s7] =	ssyncadd.s32 $0xFFFFE000  }
0x21f: {  	[hbm4b:s15+s2] =	stream.linear.scatter [tilespmem:s5], [sflag:$0x3], $0x2000, $0x38;
	[tilespmem:$0x1C000] =	vst v63  }
0x220: {  	_ =	swait.ge [sflag:s7], $0x2000  }
0x221: {  	[sflag:s7] =	ssyncset.done $0x0  }
0x222: {  	s15 =	rddreg [dreg:$0x1e];
	[sflag:s7] =	ssyncadd.s32 $0xFFFFE000  }
0x223: {  	[tilespmem:s5], [sflag:$0x3] =	stream.linear.gather [spmem:s15], $0x2000, $0x38;
	[tilespmem:$0x1C000] =	vst v63  }
0x224: {  	_ =	swait.ge [sflag:s7], $0x2000  }
0x225: {  	[sflag:s7] =	ssyncset.done $0x0  }
0x226: {  	s15 =	rddreg [dreg:$0x13];
	[sflag:s7] =	ssyncadd.s32 $0xFFFFE000  }
0x227: {  	[hbm4b:s15+s2] =	stream.linear.scatter [tilespmem:s5], [sflag:$0x3], $0x2000, $0x38;
	[tilespmem:$0x1C000] =	vst v63  }
0x228: {  	_ =	swait.ge [sflag:s7], $0x2000  }
0x229: {  	[sflag:s7] =	ssyncset.done $0x0  }
0x22a: {  	s15 =	rddreg [dreg:$0x1f];
	[sflag:s7] =	ssyncadd.s32 $0xFFFFE000  }
0x22b: {  	[tilespmem:s5], [sflag:$0x3] =	stream.linear.gather [spmem:s15], $0x2000, $0x38;
	[tilespmem:$0x1C000] =	vst v63  }
0x22c: {  	_ =	swait.ge [sflag:s7], $0x2000  }
0x22d: {  	[sflag:s7] =	ssyncset.done $0x0  }
0x22e: {  	s15 =	rddreg [dreg:$0x14];
	[sflag:s7] =	ssyncadd.s32 $0xFFFFE000  }
0x22f: {  	[hbm4b:s15+s2] =	stream.linear.scatter [tilespmem:s5], [sflag:$0x3], $0x2000, $0x38;
	[tilespmem:$0x1C000] =	vst v63  }
0x230: {  	_ =	swait.ge [sflag:s7], $0x2000  }
0x231: {  	s15 =	sld [smem:$0x7EE]  }
0x232: {  	[sflag:s7] =	ssyncset.done $0x0  }
0x233: {  	[sflag:s7] =	ssyncadd.s32 $0xFFFFE000  }
0x234: {  	[tilespmem:s5], [sflag:$0x3] =	stream.linear.gather [spmem:s15], $0x2000, $0x38;
	[tilespmem:$0x1C000] =	vst v63  }
0x235: {  	_ =	swait.ge [sflag:s7], $0x2000  }
0x236: {  	[sflag:s7] =	ssyncset.done $0x0  }
0x237: {  	s15 =	rddreg [dreg:$0x15];
	[sflag:s7] =	ssyncadd.s32 $0xFFFFE000  }
0x238: {  	[hbm4b:s15+s2] =	stream.linear.scatter [tilespmem:s5], [sflag:$0x3], $0x2000, $0x38;
	[tilespmem:$0x1C000] =	vst v63  }
0x239: {  	_ =	swait.ge [sflag:s7], $0x2000  }
0x23a: {  	s15 =	sld [smem:$0x7EF]  }
0x23b: {  	[sflag:s7] =	ssyncset.done $0x0  }
0x23c: {  	[sflag:s7] =	ssyncadd.s32 $0xFFFFE000  }
0x23d: {  	[tilespmem:s5], [sflag:$0x3] =	stream.linear.gather [spmem:s15], $0x2000, $0x38;
	[tilespmem:$0x1C000] =	vst v63  }
0x23e: {  	_ =	swait.ge [sflag:s7], $0x2000  }
0x23f: {  	[sflag:s7] =	ssyncset.done $0x0  }
0x240: {  	s15 =	rddreg [dreg:$0x16];
	[sflag:s7] =	ssyncadd.s32 $0xFFFFE000  }
0x241: {  	[hbm4b:s15+s2] =	stream.linear.scatter [tilespmem:s5], [sflag:$0x3], $0x2000, $0x38;
	[tilespmem:$0x1C000] =	vst v63  }
0x242: {  	_ =	swait.ge [sflag:s7], $0x2000  }
0x243: {  	s15 =	sld [smem:$0x7F0]  }
0x244: {  	[sflag:s7] =	ssyncset.done $0x0  }
0x245: {  	[sflag:s7] =	ssyncadd.s32 $0xFFFFE000  }
0x246: {  	[tilespmem:s5], [sflag:$0x3] =	stream.linear.gather [spmem:s15], $0x2000, $0x38;
	[tilespmem:$0x1C000] =	vst v63  }
0x247: {  	_ =	swait.ge [sflag:s7], $0x2000  }
0x248: {  	[sflag:s7] =	ssyncset.done $0x0  }
0x249: {  	s15 =	rddreg [dreg:$0x17];
	[sflag:s7] =	ssyncadd.s32 $0xFFFFE000  }
0x24a: {  	[hbm4b:s15+s2] =	stream.linear.scatter [tilespmem:s5], [sflag:$0x3], $0x2000, $0x38;
	[tilespmem:$0x1C000] =	vst v63  }
0x24b: {  	_ =	swait.ge [sflag:s7], $0x2000  }
0x24c: {  	s15 =	sld [smem:$0x7F1]  }
0x24d: {  	[sflag:s7] =	ssyncset.done $0x0  }
0x24e: {  	[sflag:s7] =	ssyncadd.s32 $0xFFFFE000  }
0x24f: {  	[tilespmem:s5], [sflag:$0x3] =	stream.linear.gather [spmem:s15], $0x2000, $0x38;
	[tilespmem:$0x1C000] =	vst v63  }
0x250: {  	_ =	swait.ge [sflag:s7], $0x2000  }
0x251: {  	[sflag:s7] =	ssyncset.done $0x0  }
0x252: {  	s15 =	rddreg [dreg:$0x18];
	[sflag:s7] =	ssyncadd.s32 $0xFFFFE000  }
0x253: {  	[hbm4b:s15+s2] =	stream.linear.scatter [tilespmem:s5], [sflag:$0x3], $0x2000, $0x38;
	[tilespmem:$0x1C000] =	vst v63  }
0x254: {  	_ =	swait.ge [sflag:s7], $0x2000  }
0x255: {  	s15 =	sld [smem:$0x7F2]  }
0x256: {  	[sflag:s7] =	ssyncset.done $0x0  }
0x257: {  	[sflag:s7] =	ssyncadd.s32 $0xFFFFE000  }
0x258: {  	[tilespmem:s5], [sflag:$0x3] =	stream.linear.gather [spmem:s15], $0x2000, $0x38;
	[tilespmem:$0x1C000] =	vst v63  }
0x259: {  	_ =	swait.ge [sflag:s7], $0x2000  }
0x25a: {  	[sflag:s7] =	ssyncset.done $0x0  }
0x25b: {  	s15 =	rddreg [dreg:$0x19];
	[sflag:s7] =	ssyncadd.s32 $0xFFFFE000  }
0x25c: {  	[hbm4b:s15+s2] =	stream.linear.scatter [tilespmem:s5], [sflag:$0x3], $0x2000, $0x38;
	[tilespmem:$0x1C000] =	vst v63  }
0x25d: {  	_ =	swait.ge [sflag:s7], $0x2000  }
0x25e: {  	s15 =	sld [smem:$0x7F3]  }
0x25f: {  	[sflag:s7] =	ssyncset.done $0x0  }
0x260: {  	[sflag:s7] =	ssyncadd.s32 $0xFFFFE000  }
0x261: {  	[tilespmem:s5], [sflag:$0x3] =	stream.linear.gather [spmem:s15], $0x2000, $0x38;
	[tilespmem:$0x1C000] =	vst v63  }
0x262: {  	_ =	swait.ge [sflag:s7], $0x2000  }
0x263: {  	[sflag:s7] =	ssyncset.done $0x0  }
0x264: {  	s15 =	rddreg [dreg:$0x1a];
	[sflag:s7] =	ssyncadd.s32 $0xFFFFE000  }
0x265: {  	[hbm4b:s15+s2] =	stream.linear.scatter [tilespmem:s5], [sflag:$0x3], $0x2000, $0x38;
	[tilespmem:$0x1C000] =	vst v63  }
0x266: {  	_ =	swait.ge [sflag:s7], $0x2000  }
0x267: {  	s15 =	sld [smem:$0x7F4]  }
0x268: {  	[sflag:s7] =	ssyncset.done $0x0  }
0x269: {  	[sflag:s7] =	ssyncadd.s32 $0xFFFFE000  }
0x26a: {  	[tilespmem:s5], [sflag:$0x3] =	stream.linear.gather [spmem:s15], $0x2000, $0x38;
	[tilespmem:$0x1C000] =	vst v63  }
0x26b: {  	_ =	swait.ge [sflag:s7], $0x2000  }
0x26c: {  	[sflag:s7] =	ssyncset.done $0x0  }
0x26d: {  	s15 =	rddreg [dreg:$0x1b];
	[sflag:s7] =	ssyncadd.s32 $0xFFFFE000  }
0x26e: {  	[hbm4b:s15+s2] =	stream.linear.scatter [tilespmem:s5], [sflag:$0x3], $0x2000, $0x38;
	[tilespmem:$0x1C000] =	vst v63  }
0x26f: {  	_ =	swait.ge [sflag:s7], $0x2000  }
0x270: {  	s4 =	sld [smem:$0x7ED];
	_ =	sdelay $0x2  }
0x271: {  	s15 =	rddreg [dreg:$0x1d];
	s5 =	sadd.s32 $0x1, s4  }
0x272: {  	p0 =	sne.s32 s5, s15  }
.Ltmp2:
0x273: {  	_ = 	snop;
	(pc) =	sbr.rel @p0 .LBB2_1-.Ltmp2, $3  }
0x274: {  	_ =	sdelay $0x1  }
0x275: {  	[sflag:s7] =	ssyncset.done $0x0  }
0x276: {  	[sflag:s7] =	ssyncadd.s32 $0xFFFFE000  }
0x277: {  	_ =	sfence.sel $0x180000  }
0x278: {  	[bflag:$0x0] =	sbarrier.arrive $0xFFFF  }
0x279: {  	_ =	strace $0x9000004A  }
0x27a: {  	s0 =	stileid.u32;
	[bflag:$0x2] =	sbarrier.arrive $0xFFFF  }
0x27b: {  	p0 =	sne.s32 s0, $0x0;
	s0 =	rddreg [dreg:$0x2]  }
0x27c: {  	s0 =	sadd.s32 @!p0 $0x100000, s0  }
0x27d: {  	[sflag:s0] =	ssyncadd.tile.s32 @!p0 $0x1;
	_ =	shalt  }
.Lfunc_end2:
_tile_overlayer_lowered:
.L_overlay_start_2:
0x27e: {  	(tag) =	ssettag $0x2  }
0x27f: {  	s0 =	rddreg [dreg:$0x0];
	s2 =	stileid.u32  }
0x280: {  	s1 =	rddreg [dreg:$0x1];
	p0 =	sne.s32 s2, $0x0  }
0x281: {  	s3 =	rddreg [dreg:$0x2];
	[bflag:$0x3] =	sbarrier.arrive $0xFFFF;
	s2 =	simm.s32 @!p0 $0x1C03  }
0x282: {  	[timem:s3], [sflag:s2] =	dma.local @!p0 [hbm:s0], s1  }
0x283: {  	s0 =	simm.s32 @!p0 $0x3  }
0x284: {  	_ =	swait.ge @!p0 [sflag:s0], s1  }
0x285: {  	s1 =	ssub.s32 @!p0 $0x0, s1;
	[sflag:s0] =	ssyncset.done @!p0 $0x0  }
0x286: {  	[sflag:s0] =	ssyncadd.s32 @!p0 s1  }
0x287: {  	[bflag:$0x3] =	sbarrier.arrive $0xFFFF  }
0x288: {  	_ =	shalt  }

</sc_bundles>
